<compile_context>
chip_gen: v7x
topology: tpu7x:2x2x1
jax: 0.10.2.dev20260603
libtpu: 0.0.44.dev20260713+nightly
codegen_flags: <defaults>
</compile_context>

<pallas_src>
import functools

import jax
import jax.numpy as jnp
from jax import lax
from jax.experimental import pallas as pl
from jax.experimental.pallas import tpu as pltpu
from jax.experimental.pallas import tpu_sc as plsc

QUERY_MAX = 128
DOC_MAX = 128
EMBED_DIM = 128

try:
    _INFO = plsc.get_sparse_core_info()
    _NC = _INFO.num_cores
    _NS = _INFO.num_subcores
    _L = _INFO.num_lanes
except Exception:
    _NC, _NS, _L = 2, 16, 16
_NW = _NC * _NS

_NBUF = 6
_DEPTH = 3


@functools.lru_cache(maxsize=None)
def _make_embedder(batch: int, dim: int, lens):
    rows_per_w = batch // _NW
    assert batch % _NW == 0 and rows_per_w >= _NBUF
    max_pad = max(p for _, p in lens)
    min_real = min(r for r, _ in lens)
    mesh = plsc.VectorSubcoreMesh(core_axis_name="c", subcore_axis_name="s")

    out_type = []
    for _, pad_len in lens:
        out_type.append(
            jax.ShapeDtypeStruct((batch * pad_len, dim), jnp.float32))
    for _, pad_len in lens:
        out_type.append(jax.ShapeDtypeStruct((batch, pad_len), jnp.float32))

    @functools.partial(
        pl.kernel,
        mesh=mesh,
        out_type=out_type,
        scratch_types=[
            pltpu.VMEM((rows_per_w, max_pad), jnp.int32),
            pltpu.VMEM((rows_per_w, max_pad), jnp.float32),
            pltpu.VMEM((_NBUF, max_pad, dim), jnp.float32),
        ] + [pltpu.SemaphoreType.DMA] * (2 * _NBUF + 1),
    )
    def embed_kernel(table_hbm, *args):
        ntens = len(lens)
        tok_hbms = args[:ntens]
        out_hbms = args[ntens:2 * ntens]
        mask_hbms = args[2 * ntens:3 * ntens]
        idx_v, mask_v, rows_v = args[3 * ntens:3 * ntens + 3]
        allsems = args[3 * ntens + 3:]
        gsems = allsems[:_NBUF]
        wsems = allsems[_NBUF:2 * _NBUF]
        msem = allsems[2 * _NBUF]

        wid = lax.axis_index("s") * _NC + lax.axis_index("c")
        rbase = wid * rows_per_w

        pltpu.sync_copy(table_hbm.at[pl.ds(0, 1)],
                        rows_v.at[0, pl.ds(max_pad - 1, 1)])

        for t, (real_len, pad_len) in enumerate(lens):
            tok_hbm, out_hbm, mask_hbm = tok_hbms[t], out_hbms[t], mask_hbms[t]

            pltpu.sync_copy(tok_hbm.at[pl.ds(rbase, rows_per_w)],
                            idx_v.at[:, pl.ds(0, pad_len)])

            for b in range(_DEPTH):
                pltpu.async_copy(
                    table_hbm.at[idx_v.at[b, pl.ds(0, real_len)]],
                    rows_v.at[b, pl.ds(0, real_len)], gsems[b])

            if t == 0:
                def prefill(r, carry):
                    for b in range(_NBUF):
                        for i in range(dim // _L):
                            rows_v[b, r, pl.ds(i * _L, _L)] = (
                                rows_v[0, max_pad - 1, pl.ds(i * _L, _L)])
                    return carry

                lax.fori_loop(min_real, max_pad - 1, prefill, 0)
                for b in range(1, _NBUF):
                    for i in range(dim // _L):
                        rows_v[b, max_pad - 1, pl.ds(i * _L, _L)] = (
                            rows_v[0, max_pad - 1, pl.ds(i * _L, _L)])

            def mstep(r, carry):
                for i in range(pad_len // _L):
                    v = idx_v[r, pl.ds(i * _L, _L)]
                    mask_v[r, pl.ds(i * _L, _L)] = jnp.where(
                        v > 1, jnp.float32(1.0), jnp.float32(0.0))
                return carry

            lax.fori_loop(0, rows_per_w, mstep, 0)
            pltpu.async_copy(mask_v.at[:, pl.ds(0, pad_len)],
                             mask_hbm.at[pl.ds(rbase, rows_per_w)],
                             msem).wait()

            n_blocks = -(-rows_per_w // _NBUF)

            def ostep(o, carry):
                for j in range(_NBUF):
                    r = o * _NBUF + j

                    @pl.when(r < rows_per_w)
                    def _():
                        pltpu.make_async_copy(
                            table_hbm.at[idx_v.at[0, pl.ds(0, real_len)]],
                            rows_v.at[j, pl.ds(0, real_len)], gsems[j]).wait()
                        pltpu.async_copy(
                            rows_v.at[j],
                            out_hbm.at[pl.ds((rbase + r) * pad_len, pad_len)],
                            wsems[j])
                        nr = r + _DEPTH
                        bb = (j + _DEPTH) % _NBUF

                        @pl.when(nr < rows_per_w)
                        def _():
                            @pl.when(nr >= _NBUF)
                            def _():
                                pltpu.make_async_copy(
                                    rows_v.at[bb],
                                    out_hbm.at[pl.ds(0, pad_len)],
                                    wsems[bb]).wait()

                            pltpu.async_copy(
                                table_hbm.at[idx_v.at[nr, pl.ds(0, real_len)]],
                                rows_v.at[bb, pl.ds(0, real_len)], gsems[bb])
                return carry

            lax.fori_loop(0, n_blocks, ostep, 0)

            for b in range(_NBUF):
                pltpu.make_async_copy(
                    rows_v.at[b], out_hbm.at[pl.ds(0, pad_len)],
                    wsems[b]).wait()

    return embed_kernel


def kernel(query_tokens, doc_pos_tokens, doc_neg_tokens, embedding_table):
    batch = query_tokens.shape[0]
    dim = embedding_table.shape[1]

    def _pad(tokens, max_len):
        return jnp.pad(tokens, ((0, 0), (0, max_len - tokens.shape[1])),
                       constant_values=0)

    q = _pad(query_tokens, QUERY_MAX)
    dp = _pad(doc_pos_tokens, DOC_MAX)
    dn = _pad(doc_neg_tokens, DOC_MAX)

    lens = ((query_tokens.shape[1], QUERY_MAX),
            (doc_pos_tokens.shape[1], DOC_MAX),
            (doc_neg_tokens.shape[1], DOC_MAX))

    outs = _make_embedder(batch, dim, lens)(embedding_table, q, dp, dn)
    q_rows, dp_rows, dn_rows, q_mask, dp_mask, dn_mask = outs

    return (q_rows.reshape(batch, QUERY_MAX, dim),
            dp_rows.reshape(batch, DOC_MAX, dim),
            dn_rows.reshape(batch, DOC_MAX, dim),
            q_mask, dp_mask, dn_mask)

# --- scband reference (transcript-rebuilt; emitter-appended) ---
"""Pipeline reference for scband-batch-word-embedder-58471684767950 (READ-ONLY COPY).

The authoritative reference and input builder live on the scoring server;
editing this copy changes nothing except your own understanding.
"""

import jax, jax.numpy as jnp
import numpy as np

QUERY_MAX = 128
DOC_MAX = 128
VOCAB = 100000
EMBED_DIM = 128
BATCH = 1024


def setup_inputs(seed: int = 0) -> dict:
    key = jax.random.key(seed)
    k1, k2, k3, k4 = jax.random.split(key, 4)
    query_tokens = jax.random.randint(k1, (BATCH, 64), 0, VOCAB, dtype=jnp.int32)
    doc_pos_tokens = jax.random.randint(k2, (BATCH, 100), 0, VOCAB, dtype=jnp.int32)
    doc_neg_tokens = jax.random.randint(k3, (BATCH, 100), 0, VOCAB, dtype=jnp.int32)
    embedding_table = jax.random.normal(k4, (VOCAB, EMBED_DIM), dtype=jnp.float32) * 0.02
    return {
        "query_tokens": query_tokens,
        "doc_pos_tokens": doc_pos_tokens,
        "doc_neg_tokens": doc_neg_tokens,
        "embedding_table": embedding_table,
    }


def _pad_to(tokens, max_len):
    pad = max_len - tokens.shape[1]
    return jnp.pad(tokens, ((0, 0), (0, pad)), constant_values=0)


def reference(query_tokens, doc_pos_tokens, doc_neg_tokens, embedding_table):
    # pad token ids with pad id 0 up to fixed max lengths (train branch of module)
    q = _pad_to(query_tokens, QUERY_MAX)
    dp = _pad_to(doc_pos_tokens, DOC_MAX)
    dn = _pad_to(doc_neg_tokens, DOC_MAX)
    # pad masks: tokens > 1 (ids 0=pad, 1=unk treated as padding)
    query_pad_mask = (q > 1).astype(jnp.float32)
    document_pad_mask_pos = (dp > 1).astype(jnp.float32)
    document_pad_mask_neg = (dn > 1).astype(jnp.float32)
    # embedding lookups (the wrapped word_embedder)
    query_emb = jnp.take(embedding_table, q, axis=0)
    doc_pos_emb = jnp.take(embedding_table, dp, axis=0)
    doc_neg_emb = jnp.take(embedding_table, dn, axis=0)
    return (query_emb, doc_pos_emb, doc_neg_emb,
            query_pad_mask, document_pad_mask_pos, document_pad_mask_neg)

if __name__ == "__main__":
    import jax
    _d = setup_inputs()
    print(jax.jit(kernel)(*tuple(_d.values())))

</pallas_src>

<mosaic_0001>
#map = affine_map<(d0, d1) -> (0, 0)>
module attributes {stable_mosaic.version = 14 : i64} {
  func.func @embed_kernel(%arg0: i32, %arg1: i32, %arg2: memref<100000x128xf32, #tpu.memory_space<hbm>>, %arg3: memref<1024x128xi32, #tpu.memory_space<hbm>>, %arg4: memref<1024x128xi32, #tpu.memory_space<hbm>>, %arg5: memref<1024x128xi32, #tpu.memory_space<hbm>>, %arg6: memref<131072x128xf32, #tpu.memory_space<hbm>>, %arg7: memref<131072x128xf32, #tpu.memory_space<hbm>>, %arg8: memref<131072x128xf32, #tpu.memory_space<hbm>>, %arg9: memref<1024x128xf32, #tpu.memory_space<hbm>>, %arg10: memref<1024x128xf32, #tpu.memory_space<hbm>>, %arg11: memref<1024x128xf32, #tpu.memory_space<hbm>>, %arg12: memref<32x128xi32, #tpu.memory_space<vmem>>, %arg13: memref<32x128xf32, #tpu.memory_space<vmem>>, %arg14: memref<6x128x128xf32, #tpu.memory_space<vmem>>, %arg15: memref<!tpu.dma_semaphore, #tpu.memory_space<semaphore_mem>>, %arg16: memref<!tpu.dma_semaphore, #tpu.memory_space<semaphore_mem>>, %arg17: memref<!tpu.dma_semaphore, #tpu.memory_space<semaphore_mem>>, %arg18: memref<!tpu.dma_semaphore, #tpu.memory_space<semaphore_mem>>, %arg19: memref<!tpu.dma_semaphore, #tpu.memory_space<semaphore_mem>>, %arg20: memref<!tpu.dma_semaphore, #tpu.memory_space<semaphore_mem>>, %arg21: memref<!tpu.dma_semaphore, #tpu.memory_space<semaphore_mem>>, %arg22: memref<!tpu.dma_semaphore, #tpu.memory_space<semaphore_mem>>, %arg23: memref<!tpu.dma_semaphore, #tpu.memory_space<semaphore_mem>>, %arg24: memref<!tpu.dma_semaphore, #tpu.memory_space<semaphore_mem>>, %arg25: memref<!tpu.dma_semaphore, #tpu.memory_space<semaphore_mem>>, %arg26: memref<!tpu.dma_semaphore, #tpu.memory_space<semaphore_mem>>, %arg27: memref<!tpu.dma_semaphore, #tpu.memory_space<semaphore_mem>>) attributes {dimension_semantics = [#tpu.dimension_semantics<core_parallel>, #tpu.dimension_semantics<subcore_parallel>], iteration_bounds = array<i64: 2, 16>, scalar_prefetch = 0 : i64, scratch_operands = 16 : i64, tpu.core_type = #tpu.core_type<sc_vector_subcore>, window_params = [{transform_indices = #map}, {transform_indices = #map}, {transform_indices = #map}, {transform_indices = #map}, {transform_indices = #map}, {transform_indices = #map}, {transform_indices = #map}, {transform_indices = #map}, {transform_indices = #map}, {transform_indices = #map}]} {
    %mul3A = arith.constant 2 : i32
    %mul3A_0 = arith.muli %arg1, %mul3A : i32
    %add3A = arith.addi %mul3A_0, %arg0 : i32
    %mul3A_1 = arith.constant 32 : i32
    %mul3A_2 = arith.muli %add3A, %mul3A_1 : i32
    %run_scoped3A = arith.constant 0 : i32
    "tpu.region"() ({
      %run_scoped3A_1078 = tpu.sem_alloc : memref<!tpu.dma_semaphore, #tpu.memory_space<semaphore_mem>>
      %dma_start3A_1079 = arith.constant 127 : i32
      %dma_start3A_1080 = arith.constant 0 : i32
      %dma_start3A_1081 = tpu.memref_slice %arg14[%run_scoped3A, %dma_start3A_1079, %dma_start3A_1080] : memref<6x128x128xf32, #tpu.memory_space<vmem>> -> memref<1x1x128xf32, #tpu.memory_space<vmem>>
      %dma_start3A_1082 = tpu.memref_squeeze %dma_start3A_1081 : memref<1x1x128xf32, #tpu.memory_space<vmem>> -> memref<1x128xf32, #tpu.memory_space<vmem>>
      %dma_start3A_1083 = arith.constant 0 : i32
      %dma_start3A_1084 = arith.constant 0 : i32
      %dma_start3A_1085 = tpu.memref_slice %arg2[%dma_start3A_1083, %dma_start3A_1084] : memref<100000x128xf32, #tpu.memory_space<hbm>> -> memref<1x128xf32, #tpu.memory_space<hbm>>
      %dma_start3A_1086 = arith.constant 127 : i32
      %dma_start3A_1087 = arith.constant 0 : i32
      %dma_start3A_1088 = tpu.memref_slice %arg14[%run_scoped3A, %dma_start3A_1086, %dma_start3A_1087] : memref<6x128x128xf32, #tpu.memory_space<vmem>> -> memref<1x1x128xf32, #tpu.memory_space<vmem>>
      %dma_start3A_1089 = tpu.memref_squeeze %dma_start3A_1088 : memref<1x1x128xf32, #tpu.memory_space<vmem>> -> memref<1x128xf32, #tpu.memory_space<vmem>>
      %dma_start3A_1090 = arith.constant 0 : i32
      %dma_start3A_1091 = arith.constant 0 : i32
      %dma_start3A_1092 = tpu.memref_slice %arg2[%dma_start3A_1090, %dma_start3A_1091] : memref<100000x128xf32, #tpu.memory_space<hbm>> -> memref<1x128xf32, #tpu.memory_space<hbm>>
      tpu.enqueue_dma source(%dma_start3A_1092 : memref<1x128xf32, #tpu.memory_space<hbm>>) target(%dma_start3A_1089 : memref<1x128xf32, #tpu.memory_space<vmem>>) target_semaphore(%run_scoped3A_1078 : memref<!tpu.dma_semaphore, #tpu.memory_space<semaphore_mem>>)
      %dma_wait3A_1093 = arith.constant 127 : i32
      %dma_wait3A_1094 = arith.constant 0 : i32
      %dma_wait3A_1095 = tpu.memref_slice %arg14[%run_scoped3A, %dma_wait3A_1093, %dma_wait3A_1094] : memref<6x128x128xf32, #tpu.memory_space<vmem>> -> memref<1x1x128xf32, #tpu.memory_space<vmem>>
      %dma_wait3A_1096 = tpu.memref_squeeze %dma_wait3A_1095 : memref<1x1x128xf32, #tpu.memory_space<vmem>> -> memref<1x128xf32, #tpu.memory_space<vmem>>
      %dma_wait3A_1097 = arith.constant 0 : i32
      %dma_wait3A_1098 = arith.constant 0 : i32
      %dma_wait3A_1099 = tpu.memref_slice %arg2[%dma_wait3A_1097, %dma_wait3A_1098] : memref<100000x128xf32, #tpu.memory_space<hbm>> -> memref<1x128xf32, #tpu.memory_space<hbm>>
      %dma_wait3A_1100 = arith.constant 127 : i32
      %dma_wait3A_1101 = arith.constant 0 : i32
      %dma_wait3A_1102 = tpu.memref_slice %arg14[%run_scoped3A, %dma_wait3A_1100, %dma_wait3A_1101] : memref<6x128x128xf32, #tpu.memory_space<vmem>> -> memref<1x1x128xf32, #tpu.memory_space<vmem>>
      %dma_wait3A_1103 = tpu.memref_squeeze %dma_wait3A_1102 : memref<1x1x128xf32, #tpu.memory_space<vmem>> -> memref<1x128xf32, #tpu.memory_space<vmem>>
      %dma_wait3A_1104 = arith.constant 0 : i32
      %dma_wait3A_1105 = arith.constant 0 : i32
      %dma_wait3A_1106 = tpu.memref_slice %arg2[%dma_wait3A_1104, %dma_wait3A_1105] : memref<100000x128xf32, #tpu.memory_space<hbm>> -> memref<1x128xf32, #tpu.memory_space<hbm>>
      tpu.wait_dma2 semaphore(%run_scoped3A_1078 : memref<!tpu.dma_semaphore, #tpu.memory_space<semaphore_mem>>) src(%dma_wait3A_1106 : memref<1x128xf32, #tpu.memory_space<hbm>>) dst(%dma_wait3A_1103 : memref<1x128xf32, #tpu.memory_space<vmem>>)
      tpu.yield
    }) : () -> ()
    "tpu.region"() ({
      %run_scoped3A_1078 = tpu.sem_alloc : memref<!tpu.dma_semaphore, #tpu.memory_space<semaphore_mem>>
      %dma_start3A_1079 = arith.constant 0 : i32
      %dma_start3A_1080 = arith.constant 0 : i32
      %dma_start3A_1081 = tpu.memref_slice %arg12[%dma_start3A_1079, %dma_start3A_1080] : memref<32x128xi32, #tpu.memory_space<vmem>> -> memref<32x128xi32, #tpu.memory_space<vmem>>
      %dma_start3A_1082 = arith.constant 0 : i32
      %dma_start3A_1083 = tpu.memref_slice %arg3[%mul3A_2, %dma_start3A_1082] : memref<1024x128xi32, #tpu.memory_space<hbm>> -> memref<32x128xi32, #tpu.memory_space<hbm>>
      %dma_start3A_1084 = arith.constant 0 : i32
      %dma_start3A_1085 = arith.constant 0 : i32
      %dma_start3A_1086 = tpu.memref_slice %arg12[%dma_start3A_1084, %dma_start3A_1085] : memref<32x128xi32, #tpu.memory_space<vmem>> -> memref<32x128xi32, #tpu.memory_space<vmem>>
      %dma_start3A_1087 = arith.constant 0 : i32
      %dma_start3A_1088 = tpu.memref_slice %arg3[%mul3A_2, %dma_start3A_1087] : memref<1024x128xi32, #tpu.memory_space<hbm>> -> memref<32x128xi32, #tpu.memory_space<hbm>>
      tpu.enqueue_dma source(%dma_start3A_1088 : memref<32x128xi32, #tpu.memory_space<hbm>>) target(%dma_start3A_1086 : memref<32x128xi32, #tpu.memory_space<vmem>>) target_semaphore(%run_scoped3A_1078 : memref<!tpu.dma_semaphore, #tpu.memory_space<semaphore_mem>>)
      %dma_wait3A_1089 = arith.constant 0 : i32
      %dma_wait3A_1090 = arith.constant 0 : i32
      %dma_wait3A_1091 = tpu.memref_slice %arg12[%dma_wait3A_1089, %dma_wait3A_1090] : memref<32x128xi32, #tpu.memory_space<vmem>> -> memref<32x128xi32, #tpu.memory_space<vmem>>
      %dma_wait3A_1092 = arith.constant 0 : i32
      %dma_wait3A_1093 = tpu.memref_slice %arg3[%mul3A_2, %dma_wait3A_1092] : memref<1024x128xi32, #tpu.memory_space<hbm>> -> memref<32x128xi32, #tpu.memory_space<hbm>>
      %dma_wait3A_1094 = arith.constant 0 : i32
      %dma_wait3A_1095 = arith.constant 0 : i32
      %dma_wait3A_1096 = tpu.memref_slice %arg12[%dma_wait3A_1094, %dma_wait3A_1095] : memref<32x128xi32, #tpu.memory_space<vmem>> -> memref<32x128xi32, #tpu.memory_space<vmem>>
      %dma_wait3A_1097 = arith.constant 0 : i32
      %dma_wait3A_1098 = tpu.memref_slice %arg3[%mul3A_2, %dma_wait3A_1097] : memref<1024x128xi32, #tpu.memory_space<hbm>> -> memref<32x128xi32, #tpu.memory_space<hbm>>
      tpu.wait_dma2 semaphore(%run_scoped3A_1078 : memref<!tpu.dma_semaphore, #tpu.memory_space<semaphore_mem>>) src(%dma_wait3A_1098 : memref<32x128xi32, #tpu.memory_space<hbm>>) dst(%dma_wait3A_1096 : memref<32x128xi32, #tpu.memory_space<vmem>>)
      tpu.yield
    }) : () -> ()
    %dma_start3A = arith.constant 0 : i32
    %dma_start3A_3 = arith.constant 0 : i32
    %dma_start3A_4 = arith.constant 0 : i32
    %dma_start3A_5 = arith.constant 0 : i32
    %dma_start3A_6 = tpu.memref_slice %arg14[%dma_start3A_3, %dma_start3A_4, %dma_start3A_5] : memref<6x128x128xf32, #tpu.memory_space<vmem>> -> memref<1x64x128xf32, #tpu.memory_space<vmem>>
    %dma_start3A_7 = tpu.memref_squeeze %dma_start3A_6 : memref<1x64x128xf32, #tpu.memory_space<vmem>> -> memref<64x128xf32, #tpu.memory_space<vmem>>
    %dma_start3A_8 = arith.constant 0 : i32
    %dma_start3A_9 = tpu.memref_slice %arg12[%dma_start3A, %dma_start3A_8] : memref<32x128xi32, #tpu.memory_space<vmem>> -> memref<1x64xi32, #tpu.memory_space<vmem>>
    %dma_start3A_10 = tpu.memref_squeeze %dma_start3A_9 : memref<1x64xi32, #tpu.memory_space<vmem>> -> memref<64xi32, #tpu.memory_space<vmem>>
    %dma_start3A_11 = arith.constant 0 : i32
    %dma_start3A_12 = arith.constant 0 : i32
    %dma_start3A_13 = tpu.memref_slice %arg2[%dma_start3A_11, %dma_start3A_12] : memref<100000x128xf32, #tpu.memory_space<hbm>> -> memref<100000x128xf32, #tpu.memory_space<hbm>>
    tpu.enqueue_indirect_dma source(%dma_start3A_13 : memref<100000x128xf32, #tpu.memory_space<hbm>>) target(%dma_start3A_7 : memref<64x128xf32, #tpu.memory_space<vmem>>) offsets(%dma_start3A_10 : memref<64xi32, #tpu.memory_space<vmem>>) semaphore(%arg15 : memref<!tpu.dma_semaphore, #tpu.memory_space<semaphore_mem>>)
    %dma_start3A_14 = arith.constant 1 : i32
    %dma_start3A_15 = arith.constant 1 : i32
    %dma_start3A_16 = arith.constant 0 : i32
    %dma_start3A_17 = arith.constant 0 : i32
    %dma_start3A_18 = tpu.memref_slice %arg14[%dma_start3A_15, %dma_start3A_16, %dma_start3A_17] : memref<6x128x128xf32, #tpu.memory_space<vmem>> -> memref<1x64x128xf32, #tpu.memory_space<vmem>>
    %dma_start3A_19 = tpu.memref_squeeze %dma_start3A_18 : memref<1x64x128xf32, #tpu.memory_space<vmem>> -> memref<64x128xf32, #tpu.memory_space<vmem>>
    %dma_start3A_20 = arith.constant 0 : i32
    %dma_start3A_21 = tpu.memref_slice %arg12[%dma_start3A_14, %dma_start3A_20] : memref<32x128xi32, #tpu.memory_space<vmem>> -> memref<1x64xi32, #tpu.memory_space<vmem>>
    %dma_start3A_22 = tpu.memref_squeeze %dma_start3A_21 : memref<1x64xi32, #tpu.memory_space<vmem>> -> memref<64xi32, #tpu.memory_space<vmem>>
    %dma_start3A_23 = arith.constant 0 : i32
    %dma_start3A_24 = arith.constant 0 : i32
    %dma_start3A_25 = tpu.memref_slice %arg2[%dma_start3A_23, %dma_start3A_24] : memref<100000x128xf32, #tpu.memory_space<hbm>> -> memref<100000x128xf32, #tpu.memory_space<hbm>>
    tpu.enqueue_indirect_dma source(%dma_start3A_25 : memref<100000x128xf32, #tpu.memory_space<hbm>>) target(%dma_start3A_19 : memref<64x128xf32, #tpu.memory_space<vmem>>) offsets(%dma_start3A_22 : memref<64xi32, #tpu.memory_space<vmem>>) semaphore(%arg16 : memref<!tpu.dma_semaphore, #tpu.memory_space<semaphore_mem>>)
    %dma_start3A_26 = arith.constant 2 : i32
    %dma_start3A_27 = arith.constant 2 : i32
    %dma_start3A_28 = arith.constant 0 : i32
    %dma_start3A_29 = arith.constant 0 : i32
    %dma_start3A_30 = tpu.memref_slice %arg14[%dma_start3A_27, %dma_start3A_28, %dma_start3A_29] : memref<6x128x128xf32, #tpu.memory_space<vmem>> -> memref<1x64x128xf32, #tpu.memory_space<vmem>>
    %dma_start3A_31 = tpu.memref_squeeze %dma_start3A_30 : memref<1x64x128xf32, #tpu.memory_space<vmem>> -> memref<64x128xf32, #tpu.memory_space<vmem>>
    %dma_start3A_32 = arith.constant 0 : i32
    %dma_start3A_33 = tpu.memref_slice %arg12[%dma_start3A_26, %dma_start3A_32] : memref<32x128xi32, #tpu.memory_space<vmem>> -> memref<1x64xi32, #tpu.memory_space<vmem>>
    %dma_start3A_34 = tpu.memref_squeeze %dma_start3A_33 : memref<1x64xi32, #tpu.memory_space<vmem>> -> memref<64xi32, #tpu.memory_space<vmem>>
    %dma_start3A_35 = arith.constant 0 : i32
    %dma_start3A_36 = arith.constant 0 : i32
    %dma_start3A_37 = tpu.memref_slice %arg2[%dma_start3A_35, %dma_start3A_36] : memref<100000x128xf32, #tpu.memory_space<hbm>> -> memref<100000x128xf32, #tpu.memory_space<hbm>>
    tpu.enqueue_indirect_dma source(%dma_start3A_37 : memref<100000x128xf32, #tpu.memory_space<hbm>>) target(%dma_start3A_31 : memref<64x128xf32, #tpu.memory_space<vmem>>) offsets(%dma_start3A_34 : memref<64xi32, #tpu.memory_space<vmem>>) semaphore(%arg17 : memref<!tpu.dma_semaphore, #tpu.memory_space<semaphore_mem>>)
    %scan3A = arith.constant 0 : i32
    %scan3A_38 = arith.constant 64 : i32
    %scan3A_39 = arith.constant 63 : i32
    %scan3A_40 = arith.addi %scan3A_38, %scan3A_39 : i32
    %scan3A_41 = arith.constant 1 : i32
    scf.for %scan3A_1078 = %scan3A_38 to %scan3A_40 step %scan3A_41  : i32 {
      %get3A_1079 = arith.constant 0 : i32
      %get3A_1080 = arith.constant 127 : i32
      %get3A_1081 = arith.index_cast %get3A_1079 : i32 to index
      %get3A_1082 = arith.index_cast %get3A_1080 : i32 to index
      %get3A_1083 = arith.constant 0 : index
      %get3A_1084 = tpu.vector_load %arg14[%get3A_1081, %get3A_1082, %get3A_1083] {strides = array<i32>} : memref<6x128x128xf32, #tpu.memory_space<vmem>>, vector<1x1x16xf32>,
      %get3A_1085 = vector.shape_cast %get3A_1084 : vector<1x1x16xf32> to vector<16xf32>
      %swap3A_1086 = arith.constant 0 : i32
      %swap3A_1087 = arith.index_cast %swap3A_1086 : i32 to index
      %swap3A_1088 = arith.index_cast %scan3A_1078 : i32 to index
      %swap3A_1089 = arith.constant 0 : index
      %swap3A_1090 = tpu.vector_load %arg14[%swap3A_1087, %swap3A_1088, %swap3A_1089] {strides = array<i32>} : memref<6x128x128xf32, #tpu.memory_space<vmem>>, vector<1x1x16xf32>,
      %swap3A_1091 = vector.shape_cast %swap3A_1090 : vector<1x1x16xf32> to vector<16xf32>
      %swap3A_1092 = vector.shape_cast %get3A_1085 : vector<16xf32> to vector<1x1x16xf32>
      tpu.vector_store %arg14[%swap3A_1087, %swap3A_1088, %swap3A_1089], %swap3A_1092 {strides = array<i32>} : memref<6x128x128xf32, #tpu.memory_space<vmem>>, vector<1x1x16xf32>,
      %get3A_1093 = arith.constant 0 : i32
      %get3A_1094 = arith.constant 127 : i32
      %get3A_1095 = arith.index_cast %get3A_1093 : i32 to index
      %get3A_1096 = arith.index_cast %get3A_1094 : i32 to index
      %get3A_1097 = arith.constant 16 : index
      %get3A_1098 = tpu.vector_load %arg14[%get3A_1095, %get3A_1096, %get3A_1097] {strides = array<i32>} : memref<6x128x128xf32, #tpu.memory_space<vmem>>, vector<1x1x16xf32>,
      %get3A_1099 = vector.shape_cast %get3A_1098 : vector<1x1x16xf32> to vector<16xf32>
      %swap3A_1100 = arith.constant 0 : i32
      %swap3A_1101 = arith.index_cast %swap3A_1100 : i32 to index
      %swap3A_1102 = arith.index_cast %scan3A_1078 : i32 to index
      %swap3A_1103 = arith.constant 16 : index
      %swap3A_1104 = tpu.vector_load %arg14[%swap3A_1101, %swap3A_1102, %swap3A_1103] {strides = array<i32>} : memref<6x128x128xf32, #tpu.memory_space<vmem>>, vector<1x1x16xf32>,
      %swap3A_1105 = vector.shape_cast %swap3A_1104 : vector<1x1x16xf32> to vector<16xf32>
      %swap3A_1106 = vector.shape_cast %get3A_1099 : vector<16xf32> to vector<1x1x16xf32>
      tpu.vector_store %arg14[%swap3A_1101, %swap3A_1102, %swap3A_1103], %swap3A_1106 {strides = array<i32>} : memref<6x128x128xf32, #tpu.memory_space<vmem>>, vector<1x1x16xf32>,
      %get3A_1107 = arith.constant 0 : i32
      %get3A_1108 = arith.constant 127 : i32
      %get3A_1109 = arith.index_cast %get3A_1107 : i32 to index
      %get3A_1110 = arith.index_cast %get3A_1108 : i32 to index
      %get3A_1111 = arith.constant 32 : index
      %get3A_1112 = tpu.vector_load %arg14[%get3A_1109, %get3A_1110, %get3A_1111] {strides = array<i32>} : memref<6x128x128xf32, #tpu.memory_space<vmem>>, vector<1x1x16xf32>,
      %get3A_1113 = vector.shape_cast %get3A_1112 : vector<1x1x16xf32> to vector<16xf32>
      %swap3A_1114 = arith.constant 0 : i32
      %swap3A_1115 = arith.index_cast %swap3A_1114 : i32 to index
      %swap3A_1116 = arith.index_cast %scan3A_1078 : i32 to index
      %swap3A_1117 = arith.constant 32 : index
      %swap3A_1118 = tpu.vector_load %arg14[%swap3A_1115, %swap3A_1116, %swap3A_1117] {strides = array<i32>} : memref<6x128x128xf32, #tpu.memory_space<vmem>>, vector<1x1x16xf32>,
      %swap3A_1119 = vector.shape_cast %swap3A_1118 : vector<1x1x16xf32> to vector<16xf32>
      %swap3A_1120 = vector.shape_cast %get3A_1113 : vector<16xf32> to vector<1x1x16xf32>
      tpu.vector_store %arg14[%swap3A_1115, %swap3A_1116, %swap3A_1117], %swap3A_1120 {strides = array<i32>} : memref<6x128x128xf32, #tpu.memory_space<vmem>>, vector<1x1x16xf32>,
      %get3A_1121 = arith.constant 0 : i32
      %get3A_1122 = arith.constant 127 : i32
      %get3A_1123 = arith.index_cast %get3A_1121 : i32 to index
      %get3A_1124 = arith.index_cast %get3A_1122 : i32 to index
      %get3A_1125 = arith.constant 48 : index
      %get3A_1126 = tpu.vector_load %arg14[%get3A_1123, %get3A_1124, %get3A_1125] {strides = array<i32>} : memref<6x128x128xf32, #tpu.memory_space<vmem>>, vector<1x1x16xf32>,
      %get3A_1127 = vector.shape_cast %get3A_1126 : vector<1x1x16xf32> to vector<16xf32>
      %swap3A_1128 = arith.constant 0 : i32
      %swap3A_1129 = arith.index_cast %swap3A_1128 : i32 to index
      %swap3A_1130 = arith.index_cast %scan3A_1078 : i32 to index
      %swap3A_1131 = arith.constant 48 : index
      %swap3A_1132 = tpu.vector_load %arg14[%swap3A_1129, %swap3A_1130, %swap3A_1131] {strides = array<i32>} : memref<6x128x128xf32, #tpu.memory_space<vmem>>, vector<1x1x16xf32>,
      %swap3A_1133 = vector.shape_cast %swap3A_1132 : vector<1x1x16xf32> to vector<16xf32>
      %swap3A_1134 = vector.shape_cast %get3A_1127 : vector<16xf32> to vector<1x1x16xf32>
      tpu.vector_store %arg14[%swap3A_1129, %swap3A_1130, %swap3A_1131], %swap3A_1134 {strides = array<i32>} : memref<6x128x128xf32, #tpu.memory_space<vmem>>, vector<1x1x16xf32>,
      %get3A_1135 = arith.constant 0 : i32
      %get3A_1136 = arith.constant 127 : i32
      %get3A_1137 = arith.index_cast %get3A_1135 : i32 to index
      %get3A_1138 = arith.index_cast %get3A_1136 : i32 to index
      %get3A_1139 = arith.constant 64 : index
      %get3A_1140 = tpu.vector_load %arg14[%get3A_1137, %get3A_1138, %get3A_1139] {strides = array<i32>} : memref<6x128x128xf32, #tpu.memory_space<vmem>>, vector<1x1x16xf32>,
      %get3A_1141 = vector.shape_cast %get3A_1140 : vector<1x1x16xf32> to vector<16xf32>
      %swap3A_1142 = arith.constant 0 : i32
      %swap3A_1143 = arith.index_cast %swap3A_1142 : i32 to index
      %swap3A_1144 = arith.index_cast %scan3A_1078 : i32 to index
      %swap3A_1145 = arith.constant 64 : index
      %swap3A_1146 = tpu.vector_load %arg14[%swap3A_1143, %swap3A_1144, %swap3A_1145] {strides = array<i32>} : memref<6x128x128xf32, #tpu.memory_space<vmem>>, vector<1x1x16xf32>,
      %swap3A_1147 = vector.shape_cast %swap3A_1146 : vector<1x1x16xf32> to vector<16xf32>
      %swap3A_1148 = vector.shape_cast %get3A_1141 : vector<16xf32> to vector<1x1x16xf32>
      tpu.vector_store %arg14[%swap3A_1143, %swap3A_1144, %swap3A_1145], %swap3A_1148 {strides = array<i32>} : memref<6x128x128xf32, #tpu.memory_space<vmem>>, vector<1x1x16xf32>,
      %get3A_1149 = arith.constant 0 : i32
      %get3A_1150 = arith.constant 127 : i32
      %get3A_1151 = arith.index_cast %get3A_1149 : i32 to index
      %get3A_1152 = arith.index_cast %get3A_1150 : i32 to index
      %get3A_1153 = arith.constant 80 : index
      %get3A_1154 = tpu.vector_load %arg14[%get3A_1151, %get3A_1152, %get3A_1153] {strides = array<i32>} : memref<6x128x128xf32, #tpu.memory_space<vmem>>, vector<1x1x16xf32>,
      %get3A_1155 = vector.shape_cast %get3A_1154 : vector<1x1x16xf32> to vector<16xf32>
      %swap3A_1156 = arith.constant 0 : i32
      %swap3A_1157 = arith.index_cast %swap3A_1156 : i32 to index
      %swap3A_1158 = arith.index_cast %scan3A_1078 : i32 to index
      %swap3A_1159 = arith.constant 80 : index
      %swap3A_1160 = tpu.vector_load %arg14[%swap3A_1157, %swap3A_1158, %swap3A_1159] {strides = array<i32>} : memref<6x128x128xf32, #tpu.memory_space<vmem>>, vector<1x1x16xf32>,
      %swap3A_1161 = vector.shape_cast %swap3A_1160 : vector<1x1x16xf32> to vector<16xf32>
      %swap3A_1162 = vector.shape_cast %get3A_1155 : vector<16xf32> to vector<1x1x16xf32>
      tpu.vector_store %arg14[%swap3A_1157, %swap3A_1158, %swap3A_1159], %swap3A_1162 {strides = array<i32>} : memref<6x128x128xf32, #tpu.memory_space<vmem>>, vector<1x1x16xf32>,
      %get3A_1163 = arith.constant 0 : i32
      %get3A_1164 = arith.constant 127 : i32
      %get3A_1165 = arith.index_cast %get3A_1163 : i32 to index
      %get3A_1166 = arith.index_cast %get3A_1164 : i32 to index
      %get3A_1167 = arith.constant 96 : index
      %get3A_1168 = tpu.vector_load %arg14[%get3A_1165, %get3A_1166, %get3A_1167] {strides = array<i32>} : memref<6x128x128xf32, #tpu.memory_space<vmem>>, vector<1x1x16xf32>,
      %get3A_1169 = vector.shape_cast %get3A_1168 : vector<1x1x16xf32> to vector<16xf32>
      %swap3A_1170 = arith.constant 0 : i32
      %swap3A_1171 = arith.index_cast %swap3A_1170 : i32 to index
      %swap3A_1172 = arith.index_cast %scan3A_1078 : i32 to index
      %swap3A_1173 = arith.constant 96 : index
      %swap3A_1174 = tpu.vector_load %arg14[%swap3A_1171, %swap3A_1172, %swap3A_1173] {strides = array<i32>} : memref<6x128x128xf32, #tpu.memory_space<vmem>>, vector<1x1x16xf32>,
      %swap3A_1175 = vector.shape_cast %swap3A_1174 : vector<1x1x16xf32> to vector<16xf32>
      %swap3A_1176 = vector.shape_cast %get3A_1169 : vector<16xf32> to vector<1x1x16xf32>
      tpu.vector_store %arg14[%swap3A_1171, %swap3A_1172, %swap3A_1173], %swap3A_1176 {strides = array<i32>} : memref<6x128x128xf32, #tpu.memory_space<vmem>>, vector<1x1x16xf32>,
      %get3A_1177 = arith.constant 0 : i32
      %get3A_1178 = arith.constant 127 : i32
      %get3A_1179 = arith.index_cast %get3A_1177 : i32 to index
      %get3A_1180 = arith.index_cast %get3A_1178 : i32 to index
      %get3A_1181 = arith.constant 112 : index
      %get3A_1182 = tpu.vector_load %arg14[%get3A_1179, %get3A_1180, %get3A_1181] {strides = array<i32>} : memref<6x128x128xf32, #tpu.memory_space<vmem>>, vector<1x1x16xf32>,
      %get3A_1183 = vector.shape_cast %get3A_1182 : vector<1x1x16xf32> to vector<16xf32>
      %swap3A_1184 = arith.constant 0 : i32
      %swap3A_1185 = arith.index_cast %swap3A_1184 : i32 to index
      %swap3A_1186 = arith.index_cast %scan3A_1078 : i32 to index
      %swap3A_1187 = arith.constant 112 : index
      %swap3A_1188 = tpu.vector_load %arg14[%swap3A_1185, %swap3A_1186, %swap3A_1187] {strides = array<i32>} : memref<6x128x128xf32, #tpu.memory_space<vmem>>, vector<1x1x16xf32>,
      %swap3A_1189 = vector.shape_cast %swap3A_1188 : vector<1x1x16xf32> to vector<16xf32>
      %swap3A_1190 = vector.shape_cast %get3A_1183 : vector<16xf32> to vector<1x1x16xf32>
      tpu.vector_store %arg14[%swap3A_1185, %swap3A_1186, %swap3A_1187], %swap3A_1190 {strides = array<i32>} : memref<6x128x128xf32, #tpu.memory_space<vmem>>, vector<1x1x16xf32>,
      %get3A_1191 = arith.constant 0 : i32
      %get3A_1192 = arith.constant 127 : i32
      %get3A_1193 = arith.index_cast %get3A_1191 : i32 to index
      %get3A_1194 = arith.index_cast %get3A_1192 : i32 to index
      %get3A_1195 = arith.constant 0 : index
      %get3A_1196 = tpu.vector_load %arg14[%get3A_1193, %get3A_1194, %get3A_1195] {strides = array<i32>} : memref<6x128x128xf32, #tpu.memory_space<vmem>>, vector<1x1x16xf32>,
      %get3A_1197 = vector.shape_cast %get3A_1196 : vector<1x1x16xf32> to vector<16xf32>
      %swap3A_1198 = arith.constant 1 : i32
      %swap3A_1199 = arith.index_cast %swap3A_1198 : i32 to index
      %swap3A_1200 = arith.index_cast %scan3A_1078 : i32 to index
      %swap3A_1201 = arith.constant 0 : index
      %swap3A_1202 = tpu.vector_load %arg14[%swap3A_1199, %swap3A_1200, %swap3A_1201] {strides = array<i32>} : memref<6x128x128xf32, #tpu.memory_space<vmem>>, vector<1x1x16xf32>,
      %swap3A_1203 = vector.shape_cast %swap3A_1202 : vector<1x1x16xf32> to vector<16xf32>
      %swap3A_1204 = vector.shape_cast %get3A_1197 : vector<16xf32> to vector<1x1x16xf32>
      tpu.vector_store %arg14[%swap3A_1199, %swap3A_1200, %swap3A_1201], %swap3A_1204 {strides = array<i32>} : memref<6x128x128xf32, #tpu.memory_space<vmem>>, vector<1x1x16xf32>,
      %get3A_1205 = arith.constant 0 : i32
      %get3A_1206 = arith.constant 127 : i32
      %get3A_1207 = arith.index_cast %get3A_1205 : i32 to index
      %get3A_1208 = arith.index_cast %get3A_1206 : i32 to index
      %get3A_1209 = arith.constant 16 : index
      %get3A_1210 = tpu.vector_load %arg14[%get3A_1207, %get3A_1208, %get3A_1209] {strides = array<i32>} : memref<6x128x128xf32, #tpu.memory_space<vmem>>, vector<1x1x16xf32>,
      %get3A_1211 = vector.shape_cast %get3A_1210 : vector<1x1x16xf32> to vector<16xf32>
      %swap3A_1212 = arith.constant 1 : i32
      %swap3A_1213 = arith.index_cast %swap3A_1212 : i32 to index
      %swap3A_1214 = arith.index_cast %scan3A_1078 : i32 to index
      %swap3A_1215 = arith.constant 16 : index
      %swap3A_1216 = tpu.vector_load %arg14[%swap3A_1213, %swap3A_1214, %swap3A_1215] {strides = array<i32>} : memref<6x128x128xf32, #tpu.memory_space<vmem>>, vector<1x1x16xf32>,
      %swap3A_1217 = vector.shape_cast %swap3A_1216 : vector<1x1x16xf32> to vector<16xf32>
      %swap3A_1218 = vector.shape_cast %get3A_1211 : vector<16xf32> to vector<1x1x16xf32>
      tpu.vector_store %arg14[%swap3A_1213, %swap3A_1214, %swap3A_1215], %swap3A_1218 {strides = array<i32>} : memref<6x128x128xf32, #tpu.memory_space<vmem>>, vector<1x1x16xf32>,
      %get3A_1219 = arith.constant 0 : i32
      %get3A_1220 = arith.constant 127 : i32
      %get3A_1221 = arith.index_cast %get3A_1219 : i32 to index
      %get3A_1222 = arith.index_cast %get3A_1220 : i32 to index
      %get3A_1223 = arith.constant 32 : index
      %get3A_1224 = tpu.vector_load %arg14[%get3A_1221, %get3A_1222, %get3A_1223] {strides = array<i32>} : memref<6x128x128xf32, #tpu.memory_space<vmem>>, vector<1x1x16xf32>,
      %get3A_1225 = vector.shape_cast %get3A_1224 : vector<1x1x16xf32> to vector<16xf32>
      %swap3A_1226 = arith.constant 1 : i32
      %swap3A_1227 = arith.index_cast %swap3A_1226 : i32 to index
      %swap3A_1228 = arith.index_cast %scan3A_1078 : i32 to index
      %swap3A_1229 = arith.constant 32 : index
      %swap3A_1230 = tpu.vector_load %arg14[%swap3A_1227, %swap3A_1228, %swap3A_1229] {strides = array<i32>} : memref<6x128x128xf32, #tpu.memory_space<vmem>>, vector<1x1x16xf32>,
      %swap3A_1231 = vector.shape_cast %swap3A_1230 : vector<1x1x16xf32> to vector<16xf32>
      %swap3A_1232 = vector.shape_cast %get3A_1225 : vector<16xf32> to vector<1x1x16xf32>
      tpu.vector_store %arg14[%swap3A_1227, %swap3A_1228, %swap3A_1229], %swap3A_1232 {strides = array<i32>} : memref<6x128x128xf32, #tpu.memory_space<vmem>>, vector<1x1x16xf32>,
      %get3A_1233 = arith.constant 0 : i32
      %get3A_1234 = arith.constant 127 : i32
      %get3A_1235 = arith.index_cast %get3A_1233 : i32 to index
      %get3A_1236 = arith.index_cast %get3A_1234 : i32 to index
      %get3A_1237 = arith.constant 48 : index
      %get3A_1238 = tpu.vector_load %arg14[%get3A_1235, %get3A_1236, %get3A_1237] {strides = array<i32>} : memref<6x128x128xf32, #tpu.memory_space<vmem>>, vector<1x1x16xf32>,
      %get3A_1239 = vector.shape_cast %get3A_1238 : vector<1x1x16xf32> to vector<16xf32>
      %swap3A_1240 = arith.constant 1 : i32
      %swap3A_1241 = arith.index_cast %swap3A_1240 : i32 to index
      %swap3A_1242 = arith.index_cast %scan3A_1078 : i32 to index
      %swap3A_1243 = arith.constant 48 : index
      %swap3A_1244 = tpu.vector_load %arg14[%swap3A_1241, %swap3A_1242, %swap3A_1243] {strides = array<i32>} : memref<6x128x128xf32, #tpu.memory_space<vmem>>, vector<1x1x16xf32>,
      %swap3A_1245 = vector.shape_cast %swap3A_1244 : vector<1x1x16xf32> to vector<16xf32>
      %swap3A_1246 = vector.shape_cast %get3A_1239 : vector<16xf32> to vector<1x1x16xf32>
      tpu.vector_store %arg14[%swap3A_1241, %swap3A_1242, %swap3A_1243], %swap3A_1246 {strides = array<i32>} : memref<6x128x128xf32, #tpu.memory_space<vmem>>, vector<1x1x16xf32>,
      %get3A_1247 = arith.constant 0 : i32
      %get3A_1248 = arith.constant 127 : i32
      %get3A_1249 = arith.index_cast %get3A_1247 : i32 to index
      %get3A_1250 = arith.index_cast %get3A_1248 : i32 to index
      %get3A_1251 = arith.constant 64 : index
      %get3A_1252 = tpu.vector_load %arg14[%get3A_1249, %get3A_1250, %get3A_1251] {strides = array<i32>} : memref<6x128x128xf32, #tpu.memory_space<vmem>>, vector<1x1x16xf32>,
      %get3A_1253 = vector.shape_cast %get3A_1252 : vector<1x1x16xf32> to vector<16xf32>
      %swap3A_1254 = arith.constant 1 : i32
      %swap3A_1255 = arith.index_cast %swap3A_1254 : i32 to index
      %swap3A_1256 = arith.index_cast %scan3A_1078 : i32 to index
      %swap3A_1257 = arith.constant 64 : index
      %swap3A_1258 = tpu.vector_load %arg14[%swap3A_1255, %swap3A_1256, %swap3A_1257] {strides = array<i32>} : memref<6x128x128xf32, #tpu.memory_space<vmem>>, vector<1x1x16xf32>,
      %swap3A_1259 = vector.shape_cast %swap3A_1258 : vector<1x1x16xf32> to vector<16xf32>
      %swap3A_1260 = vector.shape_cast %get3A_1253 : vector<16xf32> to vector<1x1x16xf32>
      tpu.vector_store %arg14[%swap3A_1255, %swap3A_1256, %swap3A_1257], %swap3A_1260 {strides = array<i32>} : memref<6x128x128xf32, #tpu.memory_space<vmem>>, vector<1x1x16xf32>,
      %get3A_1261 = arith.constant 0 : i32
      %get3A_1262 = arith.constant 127 : i32
      %get3A_1263 = arith.index_cast %get3A_1261 : i32 to index
      %get3A_1264 = arith.index_cast %get3A_1262 : i32 to index
      %get3A_1265 = arith.constant 80 : index
      %get3A_1266 = tpu.vector_load %arg14[%get3A_1263, %get3A_1264, %get3A_1265] {strides = array<i32>} : memref<6x128x128xf32, #tpu.memory_space<vmem>>, vector<1x1x16xf32>,
      %get3A_1267 = vector.shape_cast %get3A_1266 : vector<1x1x16xf32> to vector<16xf32>
      %swap3A_1268 = arith.constant 1 : i32
      %swap3A_1269 = arith.index_cast %swap3A_1268 : i32 to index
      %swap3A_1270 = arith.index_cast %scan3A_1078 : i32 to index
      %swap3A_1271 = arith.constant 80 : index
      %swap3A_1272 = tpu.vector_load %arg14[%swap3A_1269, %swap3A_1270, %swap3A_1271] {strides = array<i32>} : memref<6x128x128xf32, #tpu.memory_space<vmem>>, vector<1x1x16xf32>,
      %swap3A_1273 = vector.shape_cast %swap3A_1272 : vector<1x1x16xf32> to vector<16xf32>
      %swap3A_1274 = vector.shape_cast %get3A_1267 : vector<16xf32> to vector<1x1x16xf32>
      tpu.vector_store %arg14[%swap3A_1269, %swap3A_1270, %swap3A_1271], %swap3A_1274 {strides = array<i32>} : memref<6x128x128xf32, #tpu.memory_space<vmem>>, vector<1x1x16xf32>,
      %get3A_1275 = arith.constant 0 : i32
      %get3A_1276 = arith.constant 127 : i32
      %get3A_1277 = arith.index_cast %get3A_1275 : i32 to index
      %get3A_1278 = arith.index_cast %get3A_1276 : i32 to index
      %get3A_1279 = arith.constant 96 : index
      %get3A_1280 = tpu.vector_load %arg14[%get3A_1277, %get3A_1278, %get3A_1279] {strides = array<i32>} : memref<6x128x128xf32, #tpu.memory_space<vmem>>, vector<1x1x16xf32>,
      %get3A_1281 = vector.shape_cast %get3A_1280 : vector<1x1x16xf32> to vector<16xf32>
      %swap3A_1282 = arith.constant 1 : i32
      %swap3A_1283 = arith.index_cast %swap3A_1282 : i32 to index
      %swap3A_1284 = arith.index_cast %scan3A_1078 : i32 to index
      %swap3A_1285 = arith.constant 96 : index
      %swap3A_1286 = tpu.vector_load %arg14[%swap3A_1283, %swap3A_1284, %swap3A_1285] {strides = array<i32>} : memref<6x128x128xf32, #tpu.memory_space<vmem>>, vector<1x1x16xf32>,
      %swap3A_1287 = vector.shape_cast %swap3A_1286 : vector<1x1x16xf32> to vector<16xf32>
      %swap3A_1288 = vector.shape_cast %get3A_1281 : vector<16xf32> to vector<1x1x16xf32>
      tpu.vector_store %arg14[%swap3A_1283, %swap3A_1284, %swap3A_1285], %swap3A_1288 {strides = array<i32>} : memref<6x128x128xf32, #tpu.memory_space<vmem>>, vector<1x1x16xf32>,
      %get3A_1289 = arith.constant 0 : i32
      %get3A_1290 = arith.constant 127 : i32
      %get3A_1291 = arith.index_cast %get3A_1289 : i32 to index
      %get3A_1292 = arith.index_cast %get3A_1290 : i32 to index
      %get3A_1293 = arith.constant 112 : index
      %get3A_1294 = tpu.vector_load %arg14[%get3A_1291, %get3A_1292, %get3A_1293] {strides = array<i32>} : memref<6x128x128xf32, #tpu.memory_space<vmem>>, vector<1x1x16xf32>,
      %get3A_1295 = vector.shape_cast %get3A_1294 : vector<1x1x16xf32> to vector<16xf32>
      %swap3A_1296 = arith.constant 1 : i32
      %swap3A_1297 = arith.index_cast %swap3A_1296 : i32 to index
      %swap3A_1298 = arith.index_cast %scan3A_1078 : i32 to index
      %swap3A_1299 = arith.constant 112 : index
      %swap3A_1300 = tpu.vector_load %arg14[%swap3A_1297, %swap3A_1298, %swap3A_1299] {strides = array<i32>} : memref<6x128x128xf32, #tpu.memory_space<vmem>>, vector<1x1x16xf32>,
      %swap3A_1301 = vector.shape_cast %swap3A_1300 : vector<1x1x16xf32> to vector<16xf32>
      %swap3A_1302 = vector.shape_cast %get3A_1295 : vector<16xf32> to vector<1x1x16xf32>
      tpu.vector_store %arg14[%swap3A_1297, %swap3A_1298, %swap3A_1299], %swap3A_1302 {strides = array<i32>} : memref<6x128x128xf32, #tpu.memory_space<vmem>>, vector<1x1x16xf32>,
      %get3A_1303 = arith.constant 0 : i32
      %get3A_1304 = arith.constant 127 : i32
      %get3A_1305 = arith.index_cast %get3A_1303 : i32 to index
      %get3A_1306 = arith.index_cast %get3A_1304 : i32 to index
      %get3A_1307 = arith.constant 0 : index
      %get3A_1308 = tpu.vector_load %arg14[%get3A_1305, %get3A_1306, %get3A_1307] {strides = array<i32>} : memref<6x128x128xf32, #tpu.memory_space<vmem>>, vector<1x1x16xf32>,
      %get3A_1309 = vector.shape_cast %get3A_1308 : vector<1x1x16xf32> to vector<16xf32>
      %swap3A_1310 = arith.constant 2 : i32
      %swap3A_1311 = arith.index_cast %swap3A_1310 : i32 to index
      %swap3A_1312 = arith.index_cast %scan3A_1078 : i32 to index
      %swap3A_1313 = arith.constant 0 : index
      %swap3A_1314 = tpu.vector_load %arg14[%swap3A_1311, %swap3A_1312, %swap3A_1313] {strides = array<i32>} : memref<6x128x128xf32, #tpu.memory_space<vmem>>, vector<1x1x16xf32>,
      %swap3A_1315 = vector.shape_cast %swap3A_1314 : vector<1x1x16xf32> to vector<16xf32>
      %swap3A_1316 = vector.shape_cast %get3A_1309 : vector<16xf32> to vector<1x1x16xf32>
      tpu.vector_store %arg14[%swap3A_1311, %swap3A_1312, %swap3A_1313], %swap3A_1316 {strides = array<i32>} : memref<6x128x128xf32, #tpu.memory_space<vmem>>, vector<1x1x16xf32>,
      %get3A_1317 = arith.constant 0 : i32
      %get3A_1318 = arith.constant 127 : i32
      %get3A_1319 = arith.index_cast %get3A_1317 : i32 to index
      %get3A_1320 = arith.index_cast %get3A_1318 : i32 to index
      %get3A_1321 = arith.constant 16 : index
      %get3A_1322 = tpu.vector_load %arg14[%get3A_1319, %get3A_1320, %get3A_1321] {strides = array<i32>} : memref<6x128x128xf32, #tpu.memory_space<vmem>>, vector<1x1x16xf32>,
      %get3A_1323 = vector.shape_cast %get3A_1322 : vector<1x1x16xf32> to vector<16xf32>
      %swap3A_1324 = arith.constant 2 : i32
      %swap3A_1325 = arith.index_cast %swap3A_1324 : i32 to index
      %swap3A_1326 = arith.index_cast %scan3A_1078 : i32 to index
      %swap3A_1327 = arith.constant 16 : index
      %swap3A_1328 = tpu.vector_load %arg14[%swap3A_1325, %swap3A_1326, %swap3A_1327] {strides = array<i32>} : memref<6x128x128xf32, #tpu.memory_space<vmem>>, vector<1x1x16xf32>,
      %swap3A_1329 = vector.shape_cast %swap3A_1328 : vector<1x1x16xf32> to vector<16xf32>
      %swap3A_1330 = vector.shape_cast %get3A_1323 : vector<16xf32> to vector<1x1x16xf32>
      tpu.vector_store %arg14[%swap3A_1325, %swap3A_1326, %swap3A_1327], %swap3A_1330 {strides = array<i32>} : memref<6x128x128xf32, #tpu.memory_space<vmem>>, vector<1x1x16xf32>,
      %get3A_1331 = arith.constant 0 : i32
      %get3A_1332 = arith.constant 127 : i32
      %get3A_1333 = arith.index_cast %get3A_1331 : i32 to index
      %get3A_1334 = arith.index_cast %get3A_1332 : i32 to index
      %get3A_1335 = arith.constant 32 : index
      %get3A_1336 = tpu.vector_load %arg14[%get3A_1333, %get3A_1334, %get3A_1335] {strides = array<i32>} : memref<6x128x128xf32, #tpu.memory_space<vmem>>, vector<1x1x16xf32>,
      %get3A_1337 = vector.shape_cast %get3A_1336 : vector<1x1x16xf32> to vector<16xf32>
      %swap3A_1338 = arith.constant 2 : i32
      %swap3A_1339 = arith.index_cast %swap3A_1338 : i32 to index
      %swap3A_1340 = arith.index_cast %scan3A_1078 : i32 to index
      %swap3A_1341 = arith.constant 32 : index
      %swap3A_1342 = tpu.vector_load %arg14[%swap3A_1339, %swap3A_1340, %swap3A_1341] {strides = array<i32>} : memref<6x128x128xf32, #tpu.memory_space<vmem>>, vector<1x1x16xf32>,
      %swap3A_1343 = vector.shape_cast %swap3A_1342 : vector<1x1x16xf32> to vector<16xf32>
      %swap3A_1344 = vector.shape_cast %get3A_1337 : vector<16xf32> to vector<1x1x16xf32>
      tpu.vector_store %arg14[%swap3A_1339, %swap3A_1340, %swap3A_1341], %swap3A_1344 {strides = array<i32>} : memref<6x128x128xf32, #tpu.memory_space<vmem>>, vector<1x1x16xf32>,
      %get3A_1345 = arith.constant 0 : i32
      %get3A_1346 = arith.constant 127 : i32
      %get3A_1347 = arith.index_cast %get3A_1345 : i32 to index
      %get3A_1348 = arith.index_cast %get3A_1346 : i32 to index
      %get3A_1349 = arith.constant 48 : index
      %get3A_1350 = tpu.vector_load %arg14[%get3A_1347, %get3A_1348, %get3A_1349] {strides = array<i32>} : memref<6x128x128xf32, #tpu.memory_space<vmem>>, vector<1x1x16xf32>,
      %get3A_1351 = vector.shape_cast %get3A_1350 : vector<1x1x16xf32> to vector<16xf32>
      %swap3A_1352 = arith.constant 2 : i32
      %swap3A_1353 = arith.index_cast %swap3A_1352 : i32 to index
      %swap3A_1354 = arith.index_cast %scan3A_1078 : i32 to index
      %swap3A_1355 = arith.constant 48 : index
      %swap3A_1356 = tpu.vector_load %arg14[%swap3A_1353, %swap3A_1354, %swap3A_1355] {strides = array<i32>} : memref<6x128x128xf32, #tpu.memory_space<vmem>>, vector<1x1x16xf32>,
      %swap3A_1357 = vector.shape_cast %swap3A_1356 : vector<1x1x16xf32> to vector<16xf32>
      %swap3A_1358 = vector.shape_cast %get3A_1351 : vector<16xf32> to vector<1x1x16xf32>
      tpu.vector_store %arg14[%swap3A_1353, %swap3A_1354, %swap3A_1355], %swap3A_1358 {strides = array<i32>} : memref<6x128x128xf32, #tpu.memory_space<vmem>>, vector<1x1x16xf32>,
      %get3A_1359 = arith.constant 0 : i32
      %get3A_1360 = arith.constant 127 : i32
      %get3A_1361 = arith.index_cast %get3A_1359 : i32 to index
      %get3A_1362 = arith.index_cast %get3A_1360 : i32 to index
      %get3A_1363 = arith.constant 64 : index
      %get3A_1364 = tpu.vector_load %arg14[%get3A_1361, %get3A_1362, %get3A_1363] {strides = array<i32>} : memref<6x128x128xf32, #tpu.memory_space<vmem>>, vector<1x1x16xf32>,
      %get3A_1365 = vector.shape_cast %get3A_1364 : vector<1x1x16xf32> to vector<16xf32>
      %swap3A_1366 = arith.constant 2 : i32
      %swap3A_1367 = arith.index_cast %swap3A_1366 : i32 to index
      %swap3A_1368 = arith.index_cast %scan3A_1078 : i32 to index
      %swap3A_1369 = arith.constant 64 : index
      %swap3A_1370 = tpu.vector_load %arg14[%swap3A_1367, %swap3A_1368, %swap3A_1369] {strides = array<i32>} : memref<6x128x128xf32, #tpu.memory_space<vmem>>, vector<1x1x16xf32>,
      %swap3A_1371 = vector.shape_cast %swap3A_1370 : vector<1x1x16xf32> to vector<16xf32>
      %swap3A_1372 = vector.shape_cast %get3A_1365 : vector<16xf32> to vector<1x1x16xf32>
      tpu.vector_store %arg14[%swap3A_1367, %swap3A_1368, %swap3A_1369], %swap3A_1372 {strides = array<i32>} : memref<6x128x128xf32, #tpu.memory_space<vmem>>, vector<1x1x16xf32>,
      %get3A_1373 = arith.constant 0 : i32
      %get3A_1374 = arith.constant 127 : i32
      %get3A_1375 = arith.index_cast %get3A_1373 : i32 to index
      %get3A_1376 = arith.index_cast %get3A_1374 : i32 to index
      %get3A_1377 = arith.constant 80 : index
      %get3A_1378 = tpu.vector_load %arg14[%get3A_1375, %get3A_1376, %get3A_1377] {strides = array<i32>} : memref<6x128x128xf32, #tpu.memory_space<vmem>>, vector<1x1x16xf32>,
      %get3A_1379 = vector.shape_cast %get3A_1378 : vector<1x1x16xf32> to vector<16xf32>
      %swap3A_1380 = arith.constant 2 : i32
      %swap3A_1381 = arith.index_cast %swap3A_1380 : i32 to index
      %swap3A_1382 = arith.index_cast %scan3A_1078 : i32 to index
      %swap3A_1383 = arith.constant 80 : index
      %swap3A_1384 = tpu.vector_load %arg14[%swap3A_1381, %swap3A_1382, %swap3A_1383] {strides = array<i32>} : memref<6x128x128xf32, #tpu.memory_space<vmem>>, vector<1x1x16xf32>,
      %swap3A_1385 = vector.shape_cast %swap3A_1384 : vector<1x1x16xf32> to vector<16xf32>
      %swap3A_1386 = vector.shape_cast %get3A_1379 : vector<16xf32> to vector<1x1x16xf32>
      tpu.vector_store %arg14[%swap3A_1381, %swap3A_1382, %swap3A_1383], %swap3A_1386 {strides = array<i32>} : memref<6x128x128xf32, #tpu.memory_space<vmem>>, vector<1x1x16xf32>,
      %get3A_1387 = arith.constant 0 : i32
      %get3A_1388 = arith.constant 127 : i32
      %get3A_1389 = arith.index_cast %get3A_1387 : i32 to index
      %get3A_1390 = arith.index_cast %get3A_1388 : i32 to index
      %get3A_1391 = arith.constant 96 : index
      %get3A_1392 = tpu.vector_load %arg14[%get3A_1389, %get3A_1390, %get3A_1391] {strides = array<i32>} : memref<6x128x128xf32, #tpu.memory_space<vmem>>, vector<1x1x16xf32>,
      %get3A_1393 = vector.shape_cast %get3A_1392 : vector<1x1x16xf32> to vector<16xf32>
      %swap3A_1394 = arith.constant 2 : i32
      %swap3A_1395 = arith.index_cast %swap3A_1394 : i32 to index
      %swap3A_1396 = arith.index_cast %scan3A_1078 : i32 to index
      %swap3A_1397 = arith.constant 96 : index
      %swap3A_1398 = tpu.vector_load %arg14[%swap3A_1395, %swap3A_1396, %swap3A_1397] {strides = array<i32>} : memref<6x128x128xf32, #tpu.memory_space<vmem>>, vector<1x1x16xf32>,
      %swap3A_1399 = vector.shape_cast %swap3A_1398 : vector<1x1x16xf32> to vector<16xf32>
      %swap3A_1400 = vector.shape_cast %get3A_1393 : vector<16xf32> to vector<1x1x16xf32>
      tpu.vector_store %arg14[%swap3A_1395, %swap3A_1396, %swap3A_1397], %swap3A_1400 {strides = array<i32>} : memref<6x128x128xf32, #tpu.memory_space<vmem>>, vector<1x1x16xf32>,
      %get3A_1401 = arith.constant 0 : i32
      %get3A_1402 = arith.constant 127 : i32
      %get3A_1403 = arith.index_cast %get3A_1401 : i32 to index
      %get3A_1404 = arith.index_cast %get3A_1402 : i32 to index
      %get3A_1405 = arith.constant 112 : index
      %get3A_1406 = tpu.vector_load %arg14[%get3A_1403, %get3A_1404, %get3A_1405] {strides = array<i32>} : memref<6x128x128xf32, #tpu.memory_space<vmem>>, vector<1x1x16xf32>,
      %get3A_1407 = vector.shape_cast %get3A_1406 : vector<1x1x16xf32> to vector<16xf32>
      %swap3A_1408 = arith.constant 2 : i32
      %swap3A_1409 = arith.index_cast %swap3A_1408 : i32 to index
      %swap3A_1410 = arith.index_cast %scan3A_1078 : i32 to index
      %swap3A_1411 = arith.constant 112 : index
      %swap3A_1412 = tpu.vector_load %arg14[%swap3A_1409, %swap3A_1410, %swap3A_1411] {strides = array<i32>} : memref<6x128x128xf32, #tpu.memory_space<vmem>>, vector<1x1x16xf32>,
      %swap3A_1413 = vector.shape_cast %swap3A_1412 : vector<1x1x16xf32> to vector<16xf32>
      %swap3A_1414 = vector.shape_cast %get3A_1407 : vector<16xf32> to vector<1x1x16xf32>
      tpu.vector_store %arg14[%swap3A_1409, %swap3A_1410, %swap3A_1411], %swap3A_1414 {strides = array<i32>} : memref<6x128x128xf32, #tpu.memory_space<vmem>>, vector<1x1x16xf32>,
      %get3A_1415 = arith.constant 0 : i32
      %get3A_1416 = arith.constant 127 : i32
      %get3A_1417 = arith.index_cast %get3A_1415 : i32 to index
      %get3A_1418 = arith.index_cast %get3A_1416 : i32 to index
      %get3A_1419 = arith.constant 0 : index
      %get3A_1420 = tpu.vector_load %arg14[%get3A_1417, %get3A_1418, %get3A_1419] {strides = array<i32>} : memref<6x128x128xf32, #tpu.memory_space<vmem>>, vector<1x1x16xf32>,
      %get3A_1421 = vector.shape_cast %get3A_1420 : vector<1x1x16xf32> to vector<16xf32>
      %swap3A_1422 = arith.constant 3 : i32
      %swap3A_1423 = arith.index_cast %swap3A_1422 : i32 to index
      %swap3A_1424 = arith.index_cast %scan3A_1078 : i32 to index
      %swap3A_1425 = arith.constant 0 : index
      %swap3A_1426 = tpu.vector_load %arg14[%swap3A_1423, %swap3A_1424, %swap3A_1425] {strides = array<i32>} : memref<6x128x128xf32, #tpu.memory_space<vmem>>, vector<1x1x16xf32>,
      %swap3A_1427 = vector.shape_cast %swap3A_1426 : vector<1x1x16xf32> to vector<16xf32>
      %swap3A_1428 = vector.shape_cast %get3A_1421 : vector<16xf32> to vector<1x1x16xf32>
      tpu.vector_store %arg14[%swap3A_1423, %swap3A_1424, %swap3A_1425], %swap3A_1428 {strides = array<i32>} : memref<6x128x128xf32, #tpu.memory_space<vmem>>, vector<1x1x16xf32>,
      %get3A_1429 = arith.constant 0 : i32
      %get3A_1430 = arith.constant 127 : i32
      %get3A_1431 = arith.index_cast %get3A_1429 : i32 to index
      %get3A_1432 = arith.index_cast %get3A_1430 : i32 to index
      %get3A_1433 = arith.constant 16 : index
      %get3A_1434 = tpu.vector_load %arg14[%get3A_1431, %get3A_1432, %get3A_1433] {strides = array<i32>} : memref<6x128x128xf32, #tpu.memory_space<vmem>>, vector<1x1x16xf32>,
      %get3A_1435 = vector.shape_cast %get3A_1434 : vector<1x1x16xf32> to vector<16xf32>
      %swap3A_1436 = arith.constant 3 : i32
      %swap3A_1437 = arith.index_cast %swap3A_1436 : i32 to index
      %swap3A_1438 = arith.index_cast %scan3A_1078 : i32 to index
      %swap3A_1439 = arith.constant 16 : index
      %swap3A_1440 = tpu.vector_load %arg14[%swap3A_1437, %swap3A_1438, %swap3A_1439] {strides = array<i32>} : memref<6x128x128xf32, #tpu.memory_space<vmem>>, vector<1x1x16xf32>,
      %swap3A_1441 = vector.shape_cast %swap3A_1440 : vector<1x1x16xf32> to vector<16xf32>
      %swap3A_1442 = vector.shape_cast %get3A_1435 : vector<16xf32> to vector<1x1x16xf32>
      tpu.vector_store %arg14[%swap3A_1437, %swap3A_1438, %swap3A_1439], %swap3A_1442 {strides = array<i32>} : memref<6x128x128xf32, #tpu.memory_space<vmem>>, vector<1x1x16xf32>,
      %get3A_1443 = arith.constant 0 : i32
      %get3A_1444 = arith.constant 127 : i32
      %get3A_1445 = arith.index_cast %get3A_1443 : i32 to index
      %get3A_1446 = arith.index_cast %get3A_1444 : i32 to index
      %get3A_1447 = arith.constant 32 : index
      %get3A_1448 = tpu.vector_load %arg14[%get3A_1445, %get3A_1446, %get3A_1447] {strides = array<i32>} : memref<6x128x128xf32, #tpu.memory_space<vmem>>, vector<1x1x16xf32>,
      %get3A_1449 = vector.shape_cast %get3A_1448 : vector<1x1x16xf32> to vector<16xf32>
      %swap3A_1450 = arith.constant 3 : i32
      %swap3A_1451 = arith.index_cast %swap3A_1450 : i32 to index
      %swap3A_1452 = arith.index_cast %scan3A_1078 : i32 to index
      %swap3A_1453 = arith.constant 32 : index
      %swap3A_1454 = tpu.vector_load %arg14[%swap3A_1451, %swap3A_1452, %swap3A_1453] {strides = array<i32>} : memref<6x128x128xf32, #tpu.memory_space<vmem>>, vector<1x1x16xf32>,
      %swap3A_1455 = vector.shape_cast %swap3A_1454 : vector<1x1x16xf32> to vector<16xf32>
      %swap3A_1456 = vector.shape_cast %get3A_1449 : vector<16xf32> to vector<1x1x16xf32>
      tpu.vector_store %arg14[%swap3A_1451, %swap3A_1452, %swap3A_1453], %swap3A_1456 {strides = array<i32>} : memref<6x128x128xf32, #tpu.memory_space<vmem>>, vector<1x1x16xf32>,
      %get3A_1457 = arith.constant 0 : i32
      %get3A_1458 = arith.constant 127 : i32
      %get3A_1459 = arith.index_cast %get3A_1457 : i32 to index
      %get3A_1460 = arith.index_cast %get3A_1458 : i32 to index
      %get3A_1461 = arith.constant 48 : index
      %get3A_1462 = tpu.vector_load %arg14[%get3A_1459, %get3A_1460, %get3A_1461] {strides = array<i32>} : memref<6x128x128xf32, #tpu.memory_space<vmem>>, vector<1x1x16xf32>,
      %get3A_1463 = vector.shape_cast %get3A_1462 : vector<1x1x16xf32> to vector<16xf32>
      %swap3A_1464 = arith.constant 3 : i32
      %swap3A_1465 = arith.index_cast %swap3A_1464 : i32 to index
      %swap3A_1466 = arith.index_cast %scan3A_1078 : i32 to index
      %swap3A_1467 = arith.constant 48 : index
      %swap3A_1468 = tpu.vector_load %arg14[%swap3A_1465, %swap3A_1466, %swap3A_1467] {strides = array<i32>} : memref<6x128x128xf32, #tpu.memory_space<vmem>>, vector<1x1x16xf32>,
      %swap3A_1469 = vector.shape_cast %swap3A_1468 : vector<1x1x16xf32> to vector<16xf32>
      %swap3A_1470 = vector.shape_cast %get3A_1463 : vector<16xf32> to vector<1x1x16xf32>
      tpu.vector_store %arg14[%swap3A_1465, %swap3A_1466, %swap3A_1467], %swap3A_1470 {strides = array<i32>} : memref<6x128x128xf32, #tpu.memory_space<vmem>>, vector<1x1x16xf32>,
      %get3A_1471 = arith.constant 0 : i32
      %get3A_1472 = arith.constant 127 : i32
      %get3A_1473 = arith.index_cast %get3A_1471 : i32 to index
      %get3A_1474 = arith.index_cast %get3A_1472 : i32 to index
      %get3A_1475 = arith.constant 64 : index
      %get3A_1476 = tpu.vector_load %arg14[%get3A_1473, %get3A_1474, %get3A_1475] {strides = array<i32>} : memref<6x128x128xf32, #tpu.memory_space<vmem>>, vector<1x1x16xf32>,
      %get3A_1477 = vector.shape_cast %get3A_1476 : vector<1x1x16xf32> to vector<16xf32>
      %swap3A_1478 = arith.constant 3 : i32
      %swap3A_1479 = arith.index_cast %swap3A_1478 : i32 to index
      %swap3A_1480 = arith.index_cast %scan3A_1078 : i32 to index
      %swap3A_1481 = arith.constant 64 : index
      %swap3A_1482 = tpu.vector_load %arg14[%swap3A_1479, %swap3A_1480, %swap3A_1481] {strides = array<i32>} : memref<6x128x128xf32, #tpu.memory_space<vmem>>, vector<1x1x16xf32>,
      %swap3A_1483 = vector.shape_cast %swap3A_1482 : vector<1x1x16xf32> to vector<16xf32>
      %swap3A_1484 = vector.shape_cast %get3A_1477 : vector<16xf32> to vector<1x1x16xf32>
      tpu.vector_store %arg14[%swap3A_1479, %swap3A_1480, %swap3A_1481], %swap3A_1484 {strides = array<i32>} : memref<6x128x128xf32, #tpu.memory_space<vmem>>, vector<1x1x16xf32>,
      %get3A_1485 = arith.constant 0 : i32
      %get3A_1486 = arith.constant 127 : i32
      %get3A_1487 = arith.index_cast %get3A_1485 : i32 to index
      %get3A_1488 = arith.index_cast %get3A_1486 : i32 to index
      %get3A_1489 = arith.constant 80 : index
      %get3A_1490 = tpu.vector_load %arg14[%get3A_1487, %get3A_1488, %get3A_1489] {strides = array<i32>} : memref<6x128x128xf32, #tpu.memory_space<vmem>>, vector<1x1x16xf32>,
      %get3A_1491 = vector.shape_cast %get3A_1490 : vector<1x1x16xf32> to vector<16xf32>
      %swap3A_1492 = arith.constant 3 : i32
      %swap3A_1493 = arith.index_cast %swap3A_1492 : i32 to index
      %swap3A_1494 = arith.index_cast %scan3A_1078 : i32 to index
      %swap3A_1495 = arith.constant 80 : index
      %swap3A_1496 = tpu.vector_load %arg14[%swap3A_1493, %swap3A_1494, %swap3A_1495] {strides = array<i32>} : memref<6x128x128xf32, #tpu.memory_space<vmem>>, vector<1x1x16xf32>,
      %swap3A_1497 = vector.shape_cast %swap3A_1496 : vector<1x1x16xf32> to vector<16xf32>
      %swap3A_1498 = vector.shape_cast %get3A_1491 : vector<16xf32> to vector<1x1x16xf32>
      tpu.vector_store %arg14[%swap3A_1493, %swap3A_1494, %swap3A_1495], %swap3A_1498 {strides = array<i32>} : memref<6x128x128xf32, #tpu.memory_space<vmem>>, vector<1x1x16xf32>,
      %get3A_1499 = arith.constant 0 : i32
      %get3A_1500 = arith.constant 127 : i32
      %get3A_1501 = arith.index_cast %get3A_1499 : i32 to index
      %get3A_1502 = arith.index_cast %get3A_1500 : i32 to index
      %get3A_1503 = arith.constant 96 : index
      %get3A_1504 = tpu.vector_load %arg14[%get3A_1501, %get3A_1502, %get3A_1503] {strides = array<i32>} : memref<6x128x128xf32, #tpu.memory_space<vmem>>, vector<1x1x16xf32>,
      %get3A_1505 = vector.shape_cast %get3A_1504 : vector<1x1x16xf32> to vector<16xf32>
      %swap3A_1506 = arith.constant 3 : i32
      %swap3A_1507 = arith.index_cast %swap3A_1506 : i32 to index
      %swap3A_1508 = arith.index_cast %scan3A_1078 : i32 to index
      %swap3A_1509 = arith.constant 96 : index
      %swap3A_1510 = tpu.vector_load %arg14[%swap3A_1507, %swap3A_1508, %swap3A_1509] {strides = array<i32>} : memref<6x128x128xf32, #tpu.memory_space<vmem>>, vector<1x1x16xf32>,
      %swap3A_1511 = vector.shape_cast %swap3A_1510 : vector<1x1x16xf32> to vector<16xf32>
      %swap3A_1512 = vector.shape_cast %get3A_1505 : vector<16xf32> to vector<1x1x16xf32>
      tpu.vector_store %arg14[%swap3A_1507, %swap3A_1508, %swap3A_1509], %swap3A_1512 {strides = array<i32>} : memref<6x128x128xf32, #tpu.memory_space<vmem>>, vector<1x1x16xf32>,
      %get3A_1513 = arith.constant 0 : i32
      %get3A_1514 = arith.constant 127 : i32
      %get3A_1515 = arith.index_cast %get3A_1513 : i32 to index
      %get3A_1516 = arith.index_cast %get3A_1514 : i32 to index
      %get3A_1517 = arith.constant 112 : index
      %get3A_1518 = tpu.vector_load %arg14[%get3A_1515, %get3A_1516, %get3A_1517] {strides = array<i32>} : memref<6x128x128xf32, #tpu.memory_space<vmem>>, vector<1x1x16xf32>,
      %get3A_1519 = vector.shape_cast %get3A_1518 : vector<1x1x16xf32> to vector<16xf32>
      %swap3A_1520 = arith.constant 3 : i32
      %swap3A_1521 = arith.index_cast %swap3A_1520 : i32 to index
      %swap3A_1522 = arith.index_cast %scan3A_1078 : i32 to index
      %swap3A_1523 = arith.constant 112 : index
      %swap3A_1524 = tpu.vector_load %arg14[%swap3A_1521, %swap3A_1522, %swap3A_1523] {strides = array<i32>} : memref<6x128x128xf32, #tpu.memory_space<vmem>>, vector<1x1x16xf32>,
      %swap3A_1525 = vector.shape_cast %swap3A_1524 : vector<1x1x16xf32> to vector<16xf32>
      %swap3A_1526 = vector.shape_cast %get3A_1519 : vector<16xf32> to vector<1x1x16xf32>
      tpu.vector_store %arg14[%swap3A_1521, %swap3A_1522, %swap3A_1523], %swap3A_1526 {strides = array<i32>} : memref<6x128x128xf32, #tpu.memory_space<vmem>>, vector<1x1x16xf32>,
      %get3A_1527 = arith.constant 0 : i32
      %get3A_1528 = arith.constant 127 : i32
      %get3A_1529 = arith.index_cast %get3A_1527 : i32 to index
      %get3A_1530 = arith.index_cast %get3A_1528 : i32 to index
      %get3A_1531 = arith.constant 0 : index
      %get3A_1532 = tpu.vector_load %arg14[%get3A_1529, %get3A_1530, %get3A_1531] {strides = array<i32>} : memref<6x128x128xf32, #tpu.memory_space<vmem>>, vector<1x1x16xf32>,
      %get3A_1533 = vector.shape_cast %get3A_1532 : vector<1x1x16xf32> to vector<16xf32>
      %swap3A_1534 = arith.constant 4 : i32
      %swap3A_1535 = arith.index_cast %swap3A_1534 : i32 to index
      %swap3A_1536 = arith.index_cast %scan3A_1078 : i32 to index
      %swap3A_1537 = arith.constant 0 : index
      %swap3A_1538 = tpu.vector_load %arg14[%swap3A_1535, %swap3A_1536, %swap3A_1537] {strides = array<i32>} : memref<6x128x128xf32, #tpu.memory_space<vmem>>, vector<1x1x16xf32>,
      %swap3A_1539 = vector.shape_cast %swap3A_1538 : vector<1x1x16xf32> to vector<16xf32>
      %swap3A_1540 = vector.shape_cast %get3A_1533 : vector<16xf32> to vector<1x1x16xf32>
      tpu.vector_store %arg14[%swap3A_1535, %swap3A_1536, %swap3A_1537], %swap3A_1540 {strides = array<i32>} : memref<6x128x128xf32, #tpu.memory_space<vmem>>, vector<1x1x16xf32>,
      %get3A_1541 = arith.constant 0 : i32
      %get3A_1542 = arith.constant 127 : i32
      %get3A_1543 = arith.index_cast %get3A_1541 : i32 to index
      %get3A_1544 = arith.index_cast %get3A_1542 : i32 to index
      %get3A_1545 = arith.constant 16 : index
      %get3A_1546 = tpu.vector_load %arg14[%get3A_1543, %get3A_1544, %get3A_1545] {strides = array<i32>} : memref<6x128x128xf32, #tpu.memory_space<vmem>>, vector<1x1x16xf32>,
      %get3A_1547 = vector.shape_cast %get3A_1546 : vector<1x1x16xf32> to vector<16xf32>
      %swap3A_1548 = arith.constant 4 : i32
      %swap3A_1549 = arith.index_cast %swap3A_1548 : i32 to index
      %swap3A_1550 = arith.index_cast %scan3A_1078 : i32 to index
      %swap3A_1551 = arith.constant 16 : index
      %swap3A_1552 = tpu.vector_load %arg14[%swap3A_1549, %swap3A_1550, %swap3A_1551] {strides = array<i32>} : memref<6x128x128xf32, #tpu.memory_space<vmem>>, vector<1x1x16xf32>,
      %swap3A_1553 = vector.shape_cast %swap3A_1552 : vector<1x1x16xf32> to vector<16xf32>
      %swap3A_1554 = vector.shape_cast %get3A_1547 : vector<16xf32> to vector<1x1x16xf32>
      tpu.vector_store %arg14[%swap3A_1549, %swap3A_1550, %swap3A_1551], %swap3A_1554 {strides = array<i32>} : memref<6x128x128xf32, #tpu.memory_space<vmem>>, vector<1x1x16xf32>,
      %get3A_1555 = arith.constant 0 : i32
      %get3A_1556 = arith.constant 127 : i32
      %get3A_1557 = arith.index_cast %get3A_1555 : i32 to index
      %get3A_1558 = arith.index_cast %get3A_1556 : i32 to index
      %get3A_1559 = arith.constant 32 : index
      %get3A_1560 = tpu.vector_load %arg14[%get3A_1557, %get3A_1558, %get3A_1559] {strides = array<i32>} : memref<6x128x128xf32, #tpu.memory_space<vmem>>, vector<1x1x16xf32>,
      %get3A_1561 = vector.shape_cast %get3A_1560 : vector<1x1x16xf32> to vector<16xf32>
      %swap3A_1562 = arith.constant 4 : i32
      %swap3A_1563 = arith.index_cast %swap3A_1562 : i32 to index
      %swap3A_1564 = arith.index_cast %scan3A_1078 : i32 to index
      %swap3A_1565 = arith.constant 32 : index
      %swap3A_1566 = tpu.vector_load %arg14[%swap3A_1563, %swap3A_1564, %swap3A_1565] {strides = array<i32>} : memref<6x128x128xf32, #tpu.memory_space<vmem>>, vector<1x1x16xf32>,
      %swap3A_1567 = vector.shape_cast %swap3A_1566 : vector<1x1x16xf32> to vector<16xf32>
      %swap3A_1568 = vector.shape_cast %get3A_1561 : vector<16xf32> to vector<1x1x16xf32>
      tpu.vector_store %arg14[%swap3A_1563, %swap3A_1564, %swap3A_1565], %swap3A_1568 {strides = array<i32>} : memref<6x128x128xf32, #tpu.memory_space<vmem>>, vector<1x1x16xf32>,
      %get3A_1569 = arith.constant 0 : i32
      %get3A_1570 = arith.constant 127 : i32
      %get3A_1571 = arith.index_cast %get3A_1569 : i32 to index
      %get3A_1572 = arith.index_cast %get3A_1570 : i32 to index
      %get3A_1573 = arith.constant 48 : index
      %get3A_1574 = tpu.vector_load %arg14[%get3A_1571, %get3A_1572, %get3A_1573] {strides = array<i32>} : memref<6x128x128xf32, #tpu.memory_space<vmem>>, vector<1x1x16xf32>,
      %get3A_1575 = vector.shape_cast %get3A_1574 : vector<1x1x16xf32> to vector<16xf32>
      %swap3A_1576 = arith.constant 4 : i32
      %swap3A_1577 = arith.index_cast %swap3A_1576 : i32 to index
      %swap3A_1578 = arith.index_cast %scan3A_1078 : i32 to index
      %swap3A_1579 = arith.constant 48 : index
      %swap3A_1580 = tpu.vector_load %arg14[%swap3A_1577, %swap3A_1578, %swap3A_1579] {strides = array<i32>} : memref<6x128x128xf32, #tpu.memory_space<vmem>>, vector<1x1x16xf32>,
      %swap3A_1581 = vector.shape_cast %swap3A_1580 : vector<1x1x16xf32> to vector<16xf32>
      %swap3A_1582 = vector.shape_cast %get3A_1575 : vector<16xf32> to vector<1x1x16xf32>
      tpu.vector_store %arg14[%swap3A_1577, %swap3A_1578, %swap3A_1579], %swap3A_1582 {strides = array<i32>} : memref<6x128x128xf32, #tpu.memory_space<vmem>>, vector<1x1x16xf32>,
      %get3A_1583 = arith.constant 0 : i32
      %get3A_1584 = arith.constant 127 : i32
      %get3A_1585 = arith.index_cast %get3A_1583 : i32 to index
      %get3A_1586 = arith.index_cast %get3A_1584 : i32 to index
      %get3A_1587 = arith.constant 64 : index
      %get3A_1588 = tpu.vector_load %arg14[%get3A_1585, %get3A_1586, %get3A_1587] {strides = array<i32>} : memref<6x128x128xf32, #tpu.memory_space<vmem>>, vector<1x1x16xf32>,
      %get3A_1589 = vector.shape_cast %get3A_1588 : vector<1x1x16xf32> to vector<16xf32>
      %swap3A_1590 = arith.constant 4 : i32
      %swap3A_1591 = arith.index_cast %swap3A_1590 : i32 to index
      %swap3A_1592 = arith.index_cast %scan3A_1078 : i32 to index
      %swap3A_1593 = arith.constant 64 : index
      %swap3A_1594 = tpu.vector_load %arg14[%swap3A_1591, %swap3A_1592, %swap3A_1593] {strides = array<i32>} : memref<6x128x128xf32, #tpu.memory_space<vmem>>, vector<1x1x16xf32>,
      %swap3A_1595 = vector.shape_cast %swap3A_1594 : vector<1x1x16xf32> to vector<16xf32>
      %swap3A_1596 = vector.shape_cast %get3A_1589 : vector<16xf32> to vector<1x1x16xf32>
      tpu.vector_store %arg14[%swap3A_1591, %swap3A_1592, %swap3A_1593], %swap3A_1596 {strides = array<i32>} : memref<6x128x128xf32, #tpu.memory_space<vmem>>, vector<1x1x16xf32>,
      %get3A_1597 = arith.constant 0 : i32
      %get3A_1598 = arith.constant 127 : i32
      %get3A_1599 = arith.index_cast %get3A_1597 : i32 to index
      %get3A_1600 = arith.index_cast %get3A_1598 : i32 to index
      %get3A_1601 = arith.constant 80 : index
      %get3A_1602 = tpu.vector_load %arg14[%get3A_1599, %get3A_1600, %get3A_1601] {strides = array<i32>} : memref<6x128x128xf32, #tpu.memory_space<vmem>>, vector<1x1x16xf32>,
      %get3A_1603 = vector.shape_cast %get3A_1602 : vector<1x1x16xf32> to vector<16xf32>
      %swap3A_1604 = arith.constant 4 : i32
      %swap3A_1605 = arith.index_cast %swap3A_1604 : i32 to index
      %swap3A_1606 = arith.index_cast %scan3A_1078 : i32 to index
      %swap3A_1607 = arith.constant 80 : index
      %swap3A_1608 = tpu.vector_load %arg14[%swap3A_1605, %swap3A_1606, %swap3A_1607] {strides = array<i32>} : memref<6x128x128xf32, #tpu.memory_space<vmem>>, vector<1x1x16xf32>,
      %swap3A_1609 = vector.shape_cast %swap3A_1608 : vector<1x1x16xf32> to vector<16xf32>
      %swap3A_1610 = vector.shape_cast %get3A_1603 : vector<16xf32> to vector<1x1x16xf32>
      tpu.vector_store %arg14[%swap3A_1605, %swap3A_1606, %swap3A_1607], %swap3A_1610 {strides = array<i32>} : memref<6x128x128xf32, #tpu.memory_space<vmem>>, vector<1x1x16xf32>,
      %get3A_1611 = arith.constant 0 : i32
      %get3A_1612 = arith.constant 127 : i32
      %get3A_1613 = arith.index_cast %get3A_1611 : i32 to index
      %get3A_1614 = arith.index_cast %get3A_1612 : i32 to index
      %get3A_1615 = arith.constant 96 : index
      %get3A_1616 = tpu.vector_load %arg14[%get3A_1613, %get3A_1614, %get3A_1615] {strides = array<i32>} : memref<6x128x128xf32, #tpu.memory_space<vmem>>, vector<1x1x16xf32>,
      %get3A_1617 = vector.shape_cast %get3A_1616 : vector<1x1x16xf32> to vector<16xf32>
      %swap3A_1618 = arith.constant 4 : i32
      %swap3A_1619 = arith.index_cast %swap3A_1618 : i32 to index
      %swap3A_1620 = arith.index_cast %scan3A_1078 : i32 to index
      %swap3A_1621 = arith.constant 96 : index
      %swap3A_1622 = tpu.vector_load %arg14[%swap3A_1619, %swap3A_1620, %swap3A_1621] {strides = array<i32>} : memref<6x128x128xf32, #tpu.memory_space<vmem>>, vector<1x1x16xf32>,
      %swap3A_1623 = vector.shape_cast %swap3A_1622 : vector<1x1x16xf32> to vector<16xf32>
      %swap3A_1624 = vector.shape_cast %get3A_1617 : vector<16xf32> to vector<1x1x16xf32>
      tpu.vector_store %arg14[%swap3A_1619, %swap3A_1620, %swap3A_1621], %swap3A_1624 {strides = array<i32>} : memref<6x128x128xf32, #tpu.memory_space<vmem>>, vector<1x1x16xf32>,
      %get3A_1625 = arith.constant 0 : i32
      %get3A_1626 = arith.constant 127 : i32
      %get3A_1627 = arith.index_cast %get3A_1625 : i32 to index
      %get3A_1628 = arith.index_cast %get3A_1626 : i32 to index
      %get3A_1629 = arith.constant 112 : index
      %get3A_1630 = tpu.vector_load %arg14[%get3A_1627, %get3A_1628, %get3A_1629] {strides = array<i32>} : memref<6x128x128xf32, #tpu.memory_space<vmem>>, vector<1x1x16xf32>,
      %get3A_1631 = vector.shape_cast %get3A_1630 : vector<1x1x16xf32> to vector<16xf32>
      %swap3A_1632 = arith.constant 4 : i32
      %swap3A_1633 = arith.index_cast %swap3A_1632 : i32 to index
      %swap3A_1634 = arith.index_cast %scan3A_1078 : i32 to index
      %swap3A_1635 = arith.constant 112 : index
      %swap3A_1636 = tpu.vector_load %arg14[%swap3A_1633, %swap3A_1634, %swap3A_1635] {strides = array<i32>} : memref<6x128x128xf32, #tpu.memory_space<vmem>>, vector<1x1x16xf32>,
      %swap3A_1637 = vector.shape_cast %swap3A_1636 : vector<1x1x16xf32> to vector<16xf32>
      %swap3A_1638 = vector.shape_cast %get3A_1631 : vector<16xf32> to vector<1x1x16xf32>
      tpu.vector_store %arg14[%swap3A_1633, %swap3A_1634, %swap3A_1635], %swap3A_1638 {strides = array<i32>} : memref<6x128x128xf32, #tpu.memory_space<vmem>>, vector<1x1x16xf32>,
      %get3A_1639 = arith.constant 0 : i32
      %get3A_1640 = arith.constant 127 : i32
      %get3A_1641 = arith.index_cast %get3A_1639 : i32 to index
      %get3A_1642 = arith.index_cast %get3A_1640 : i32 to index
      %get3A_1643 = arith.constant 0 : index
      %get3A_1644 = tpu.vector_load %arg14[%get3A_1641, %get3A_1642, %get3A_1643] {strides = array<i32>} : memref<6x128x128xf32, #tpu.memory_space<vmem>>, vector<1x1x16xf32>,
      %get3A_1645 = vector.shape_cast %get3A_1644 : vector<1x1x16xf32> to vector<16xf32>
      %swap3A_1646 = arith.constant 5 : i32
      %swap3A_1647 = arith.index_cast %swap3A_1646 : i32 to index
      %swap3A_1648 = arith.index_cast %scan3A_1078 : i32 to index
      %swap3A_1649 = arith.constant 0 : index
      %swap3A_1650 = tpu.vector_load %arg14[%swap3A_1647, %swap3A_1648, %swap3A_1649] {strides = array<i32>} : memref<6x128x128xf32, #tpu.memory_space<vmem>>, vector<1x1x16xf32>,
      %swap3A_1651 = vector.shape_cast %swap3A_1650 : vector<1x1x16xf32> to vector<16xf32>
      %swap3A_1652 = vector.shape_cast %get3A_1645 : vector<16xf32> to vector<1x1x16xf32>
      tpu.vector_store %arg14[%swap3A_1647, %swap3A_1648, %swap3A_1649], %swap3A_1652 {strides = array<i32>} : memref<6x128x128xf32, #tpu.memory_space<vmem>>, vector<1x1x16xf32>,
      %get3A_1653 = arith.constant 0 : i32
      %get3A_1654 = arith.constant 127 : i32
      %get3A_1655 = arith.index_cast %get3A_1653 : i32 to index
      %get3A_1656 = arith.index_cast %get3A_1654 : i32 to index
      %get3A_1657 = arith.constant 16 : index
      %get3A_1658 = tpu.vector_load %arg14[%get3A_1655, %get3A_1656, %get3A_1657] {strides = array<i32>} : memref<6x128x128xf32, #tpu.memory_space<vmem>>, vector<1x1x16xf32>,
      %get3A_1659 = vector.shape_cast %get3A_1658 : vector<1x1x16xf32> to vector<16xf32>
      %swap3A_1660 = arith.constant 5 : i32
      %swap3A_1661 = arith.index_cast %swap3A_1660 : i32 to index
      %swap3A_1662 = arith.index_cast %scan3A_1078 : i32 to index
      %swap3A_1663 = arith.constant 16 : index
      %swap3A_1664 = tpu.vector_load %arg14[%swap3A_1661, %swap3A_1662, %swap3A_1663] {strides = array<i32>} : memref<6x128x128xf32, #tpu.memory_space<vmem>>, vector<1x1x16xf32>,
      %swap3A_1665 = vector.shape_cast %swap3A_1664 : vector<1x1x16xf32> to vector<16xf32>
      %swap3A_1666 = vector.shape_cast %get3A_1659 : vector<16xf32> to vector<1x1x16xf32>
      tpu.vector_store %arg14[%swap3A_1661, %swap3A_1662, %swap3A_1663], %swap3A_1666 {strides = array<i32>} : memref<6x128x128xf32, #tpu.memory_space<vmem>>, vector<1x1x16xf32>,
      %get3A_1667 = arith.constant 0 : i32
      %get3A_1668 = arith.constant 127 : i32
      %get3A_1669 = arith.index_cast %get3A_1667 : i32 to index
      %get3A_1670 = arith.index_cast %get3A_1668 : i32 to index
      %get3A_1671 = arith.constant 32 : index
      %get3A_1672 = tpu.vector_load %arg14[%get3A_1669, %get3A_1670, %get3A_1671] {strides = array<i32>} : memref<6x128x128xf32, #tpu.memory_space<vmem>>, vector<1x1x16xf32>,
      %get3A_1673 = vector.shape_cast %get3A_1672 : vector<1x1x16xf32> to vector<16xf32>
      %swap3A_1674 = arith.constant 5 : i32
      %swap3A_1675 = arith.index_cast %swap3A_1674 : i32 to index
      %swap3A_1676 = arith.index_cast %scan3A_1078 : i32 to index
      %swap3A_1677 = arith.constant 32 : index
      %swap3A_1678 = tpu.vector_load %arg14[%swap3A_1675, %swap3A_1676, %swap3A_1677] {strides = array<i32>} : memref<6x128x128xf32, #tpu.memory_space<vmem>>, vector<1x1x16xf32>,
      %swap3A_1679 = vector.shape_cast %swap3A_1678 : vector<1x1x16xf32> to vector<16xf32>
      %swap3A_1680 = vector.shape_cast %get3A_1673 : vector<16xf32> to vector<1x1x16xf32>
      tpu.vector_store %arg14[%swap3A_1675, %swap3A_1676, %swap3A_1677], %swap3A_1680 {strides = array<i32>} : memref<6x128x128xf32, #tpu.memory_space<vmem>>, vector<1x1x16xf32>,
      %get3A_1681 = arith.constant 0 : i32
      %get3A_1682 = arith.constant 127 : i32
      %get3A_1683 = arith.index_cast %get3A_1681 : i32 to index
      %get3A_1684 = arith.index_cast %get3A_1682 : i32 to index
      %get3A_1685 = arith.constant 48 : index
      %get3A_1686 = tpu.vector_load %arg14[%get3A_1683, %get3A_1684, %get3A_1685] {strides = array<i32>} : memref<6x128x128xf32, #tpu.memory_space<vmem>>, vector<1x1x16xf32>,
      %get3A_1687 = vector.shape_cast %get3A_1686 : vector<1x1x16xf32> to vector<16xf32>
      %swap3A_1688 = arith.constant 5 : i32
      %swap3A_1689 = arith.index_cast %swap3A_1688 : i32 to index
      %swap3A_1690 = arith.index_cast %scan3A_1078 : i32 to index
      %swap3A_1691 = arith.constant 48 : index
      %swap3A_1692 = tpu.vector_load %arg14[%swap3A_1689, %swap3A_1690, %swap3A_1691] {strides = array<i32>} : memref<6x128x128xf32, #tpu.memory_space<vmem>>, vector<1x1x16xf32>,
      %swap3A_1693 = vector.shape_cast %swap3A_1692 : vector<1x1x16xf32> to vector<16xf32>
      %swap3A_1694 = vector.shape_cast %get3A_1687 : vector<16xf32> to vector<1x1x16xf32>
      tpu.vector_store %arg14[%swap3A_1689, %swap3A_1690, %swap3A_1691], %swap3A_1694 {strides = array<i32>} : memref<6x128x128xf32, #tpu.memory_space<vmem>>, vector<1x1x16xf32>,
      %get3A_1695 = arith.constant 0 : i32
      %get3A_1696 = arith.constant 127 : i32
      %get3A_1697 = arith.index_cast %get3A_1695 : i32 to index
      %get3A_1698 = arith.index_cast %get3A_1696 : i32 to index
      %get3A_1699 = arith.constant 64 : index
      %get3A_1700 = tpu.vector_load %arg14[%get3A_1697, %get3A_1698, %get3A_1699] {strides = array<i32>} : memref<6x128x128xf32, #tpu.memory_space<vmem>>, vector<1x1x16xf32>,
      %get3A_1701 = vector.shape_cast %get3A_1700 : vector<1x1x16xf32> to vector<16xf32>
      %swap3A_1702 = arith.constant 5 : i32
      %swap3A_1703 = arith.index_cast %swap3A_1702 : i32 to index
      %swap3A_1704 = arith.index_cast %scan3A_1078 : i32 to index
      %swap3A_1705 = arith.constant 64 : index
      %swap3A_1706 = tpu.vector_load %arg14[%swap3A_1703, %swap3A_1704, %swap3A_1705] {strides = array<i32>} : memref<6x128x128xf32, #tpu.memory_space<vmem>>, vector<1x1x16xf32>,
      %swap3A_1707 = vector.shape_cast %swap3A_1706 : vector<1x1x16xf32> to vector<16xf32>
      %swap3A_1708 = vector.shape_cast %get3A_1701 : vector<16xf32> to vector<1x1x16xf32>
      tpu.vector_store %arg14[%swap3A_1703, %swap3A_1704, %swap3A_1705], %swap3A_1708 {strides = array<i32>} : memref<6x128x128xf32, #tpu.memory_space<vmem>>, vector<1x1x16xf32>,
      %get3A_1709 = arith.constant 0 : i32
      %get3A_1710 = arith.constant 127 : i32
      %get3A_1711 = arith.index_cast %get3A_1709 : i32 to index
      %get3A_1712 = arith.index_cast %get3A_1710 : i32 to index
      %get3A_1713 = arith.constant 80 : index
      %get3A_1714 = tpu.vector_load %arg14[%get3A_1711, %get3A_1712, %get3A_1713] {strides = array<i32>} : memref<6x128x128xf32, #tpu.memory_space<vmem>>, vector<1x1x16xf32>,
      %get3A_1715 = vector.shape_cast %get3A_1714 : vector<1x1x16xf32> to vector<16xf32>
      %swap3A_1716 = arith.constant 5 : i32
      %swap3A_1717 = arith.index_cast %swap3A_1716 : i32 to index
      %swap3A_1718 = arith.index_cast %scan3A_1078 : i32 to index
      %swap3A_1719 = arith.constant 80 : index
      %swap3A_1720 = tpu.vector_load %arg14[%swap3A_1717, %swap3A_1718, %swap3A_1719] {strides = array<i32>} : memref<6x128x128xf32, #tpu.memory_space<vmem>>, vector<1x1x16xf32>,
      %swap3A_1721 = vector.shape_cast %swap3A_1720 : vector<1x1x16xf32> to vector<16xf32>
      %swap3A_1722 = vector.shape_cast %get3A_1715 : vector<16xf32> to vector<1x1x16xf32>
      tpu.vector_store %arg14[%swap3A_1717, %swap3A_1718, %swap3A_1719], %swap3A_1722 {strides = array<i32>} : memref<6x128x128xf32, #tpu.memory_space<vmem>>, vector<1x1x16xf32>,
      %get3A_1723 = arith.constant 0 : i32
      %get3A_1724 = arith.constant 127 : i32
      %get3A_1725 = arith.index_cast %get3A_1723 : i32 to index
      %get3A_1726 = arith.index_cast %get3A_1724 : i32 to index
      %get3A_1727 = arith.constant 96 : index
      %get3A_1728 = tpu.vector_load %arg14[%get3A_1725, %get3A_1726, %get3A_1727] {strides = array<i32>} : memref<6x128x128xf32, #tpu.memory_space<vmem>>, vector<1x1x16xf32>,
      %get3A_1729 = vector.shape_cast %get3A_1728 : vector<1x1x16xf32> to vector<16xf32>
      %swap3A_1730 = arith.constant 5 : i32
      %swap3A_1731 = arith.index_cast %swap3A_1730 : i32 to index
      %swap3A_1732 = arith.index_cast %scan3A_1078 : i32 to index
      %swap3A_1733 = arith.constant 96 : index
      %swap3A_1734 = tpu.vector_load %arg14[%swap3A_1731, %swap3A_1732, %swap3A_1733] {strides = array<i32>} : memref<6x128x128xf32, #tpu.memory_space<vmem>>, vector<1x1x16xf32>,
      %swap3A_1735 = vector.shape_cast %swap3A_1734 : vector<1x1x16xf32> to vector<16xf32>
      %swap3A_1736 = vector.shape_cast %get3A_1729 : vector<16xf32> to vector<1x1x16xf32>
      tpu.vector_store %arg14[%swap3A_1731, %swap3A_1732, %swap3A_1733], %swap3A_1736 {strides = array<i32>} : memref<6x128x128xf32, #tpu.memory_space<vmem>>, vector<1x1x16xf32>,
      %get3A_1737 = arith.constant 0 : i32
      %get3A_1738 = arith.constant 127 : i32
      %get3A_1739 = arith.index_cast %get3A_1737 : i32 to index
      %get3A_1740 = arith.index_cast %get3A_1738 : i32 to index
      %get3A_1741 = arith.constant 112 : index
      %get3A_1742 = tpu.vector_load %arg14[%get3A_1739, %get3A_1740, %get3A_1741] {strides = array<i32>} : memref<6x128x128xf32, #tpu.memory_space<vmem>>, vector<1x1x16xf32>,
      %get3A_1743 = vector.shape_cast %get3A_1742 : vector<1x1x16xf32> to vector<16xf32>
      %swap3A_1744 = arith.constant 5 : i32
      %swap3A_1745 = arith.index_cast %swap3A_1744 : i32 to index
      %swap3A_1746 = arith.index_cast %scan3A_1078 : i32 to index
      %swap3A_1747 = arith.constant 112 : index
      %swap3A_1748 = tpu.vector_load %arg14[%swap3A_1745, %swap3A_1746, %swap3A_1747] {strides = array<i32>} : memref<6x128x128xf32, #tpu.memory_space<vmem>>, vector<1x1x16xf32>,
      %swap3A_1749 = vector.shape_cast %swap3A_1748 : vector<1x1x16xf32> to vector<16xf32>
      %swap3A_1750 = vector.shape_cast %get3A_1743 : vector<16xf32> to vector<1x1x16xf32>
      tpu.vector_store %arg14[%swap3A_1745, %swap3A_1746, %swap3A_1747], %swap3A_1750 {strides = array<i32>} : memref<6x128x128xf32, #tpu.memory_space<vmem>>, vector<1x1x16xf32>,
    }
    %scan3A_42 = arith.constant 63 : i32
    %get3A = arith.constant 0 : i32
    %get3A_43 = arith.constant 127 : i32
    %get3A_44 = arith.index_cast %get3A : i32 to index
    %get3A_45 = arith.index_cast %get3A_43 : i32 to index
    %get3A_46 = arith.constant 0 : index
    %get3A_47 = tpu.vector_load %arg14[%get3A_44, %get3A_45, %get3A_46] {strides = array<i32>} : memref<6x128x128xf32, #tpu.memory_space<vmem>>, vector<1x1x16xf32>,
    %get3A_48 = vector.shape_cast %get3A_47 : vector<1x1x16xf32> to vector<16xf32>
    %swap3A = arith.constant 1 : i32
    %swap3A_49 = arith.constant 127 : i32
    %swap3A_50 = arith.index_cast %swap3A : i32 to index
    %swap3A_51 = arith.index_cast %swap3A_49 : i32 to index
    %swap3A_52 = arith.constant 0 : index
    %swap3A_53 = tpu.vector_load %arg14[%swap3A_50, %swap3A_51, %swap3A_52] {strides = array<i32>} : memref<6x128x128xf32, #tpu.memory_space<vmem>>, vector<1x1x16xf32>,
    %swap3A_54 = vector.shape_cast %swap3A_53 : vector<1x1x16xf32> to vector<16xf32>
    %swap3A_55 = vector.shape_cast %get3A_48 : vector<16xf32> to vector<1x1x16xf32>
    tpu.vector_store %arg14[%swap3A_50, %swap3A_51, %swap3A_52], %swap3A_55 {strides = array<i32>} : memref<6x128x128xf32, #tpu.memory_space<vmem>>, vector<1x1x16xf32>,
    %get3A_56 = arith.constant 0 : i32
    %get3A_57 = arith.constant 127 : i32
    %get3A_58 = arith.index_cast %get3A_56 : i32 to index
    %get3A_59 = arith.index_cast %get3A_57 : i32 to index
    %get3A_60 = arith.constant 16 : index
    %get3A_61 = tpu.vector_load %arg14[%get3A_58, %get3A_59, %get3A_60] {strides = array<i32>} : memref<6x128x128xf32, #tpu.memory_space<vmem>>, vector<1x1x16xf32>,
    %get3A_62 = vector.shape_cast %get3A_61 : vector<1x1x16xf32> to vector<16xf32>
    %swap3A_63 = arith.constant 1 : i32
    %swap3A_64 = arith.constant 127 : i32
    %swap3A_65 = arith.index_cast %swap3A_63 : i32 to index
    %swap3A_66 = arith.index_cast %swap3A_64 : i32 to index
    %swap3A_67 = arith.constant 16 : index
    %swap3A_68 = tpu.vector_load %arg14[%swap3A_65, %swap3A_66, %swap3A_67] {strides = array<i32>} : memref<6x128x128xf32, #tpu.memory_space<vmem>>, vector<1x1x16xf32>,
    %swap3A_69 = vector.shape_cast %swap3A_68 : vector<1x1x16xf32> to vector<16xf32>
    %swap3A_70 = vector.shape_cast %get3A_62 : vector<16xf32> to vector<1x1x16xf32>
    tpu.vector_store %arg14[%swap3A_65, %swap3A_66, %swap3A_67], %swap3A_70 {strides = array<i32>} : memref<6x128x128xf32, #tpu.memory_space<vmem>>, vector<1x1x16xf32>,
    %get3A_71 = arith.constant 0 : i32
    %get3A_72 = arith.constant 127 : i32
    %get3A_73 = arith.index_cast %get3A_71 : i32 to index
    %get3A_74 = arith.index_cast %get3A_72 : i32 to index
    %get3A_75 = arith.constant 32 : index
    %get3A_76 = tpu.vector_load %arg14[%get3A_73, %get3A_74, %get3A_75] {strides = array<i32>} : memref<6x128x128xf32, #tpu.memory_space<vmem>>, vector<1x1x16xf32>,
    %get3A_77 = vector.shape_cast %get3A_76 : vector<1x1x16xf32> to vector<16xf32>
    %swap3A_78 = arith.constant 1 : i32
    %swap3A_79 = arith.constant 127 : i32
    %swap3A_80 = arith.index_cast %swap3A_78 : i32 to index
    %swap3A_81 = arith.index_cast %swap3A_79 : i32 to index
    %swap3A_82 = arith.constant 32 : index
    %swap3A_83 = tpu.vector_load %arg14[%swap3A_80, %swap3A_81, %swap3A_82] {strides = array<i32>} : memref<6x128x128xf32, #tpu.memory_space<vmem>>, vector<1x1x16xf32>,
    %swap3A_84 = vector.shape_cast %swap3A_83 : vector<1x1x16xf32> to vector<16xf32>
    %swap3A_85 = vector.shape_cast %get3A_77 : vector<16xf32> to vector<1x1x16xf32>
    tpu.vector_store %arg14[%swap3A_80, %swap3A_81, %swap3A_82], %swap3A_85 {strides = array<i32>} : memref<6x128x128xf32, #tpu.memory_space<vmem>>, vector<1x1x16xf32>,
    %get3A_86 = arith.constant 0 : i32
    %get3A_87 = arith.constant 127 : i32
    %get3A_88 = arith.index_cast %get3A_86 : i32 to index
    %get3A_89 = arith.index_cast %get3A_87 : i32 to index
    %get3A_90 = arith.constant 48 : index
    %get3A_91 = tpu.vector_load %arg14[%get3A_88, %get3A_89, %get3A_90] {strides = array<i32>} : memref<6x128x128xf32, #tpu.memory_space<vmem>>, vector<1x1x16xf32>,
    %get3A_92 = vector.shape_cast %get3A_91 : vector<1x1x16xf32> to vector<16xf32>
    %swap3A_93 = arith.constant 1 : i32
    %swap3A_94 = arith.constant 127 : i32
    %swap3A_95 = arith.index_cast %swap3A_93 : i32 to index
    %swap3A_96 = arith.index_cast %swap3A_94 : i32 to index
    %swap3A_97 = arith.constant 48 : index
    %swap3A_98 = tpu.vector_load %arg14[%swap3A_95, %swap3A_96, %swap3A_97] {strides = array<i32>} : memref<6x128x128xf32, #tpu.memory_space<vmem>>, vector<1x1x16xf32>,
    %swap3A_99 = vector.shape_cast %swap3A_98 : vector<1x1x16xf32> to vector<16xf32>
    %swap3A_100 = vector.shape_cast %get3A_92 : vector<16xf32> to vector<1x1x16xf32>
    tpu.vector_store %arg14[%swap3A_95, %swap3A_96, %swap3A_97], %swap3A_100 {strides = array<i32>} : memref<6x128x128xf32, #tpu.memory_space<vmem>>, vector<1x1x16xf32>,
    %get3A_101 = arith.constant 0 : i32
    %get3A_102 = arith.constant 127 : i32
    %get3A_103 = arith.index_cast %get3A_101 : i32 to index
    %get3A_104 = arith.index_cast %get3A_102 : i32 to index
    %get3A_105 = arith.constant 64 : index
    %get3A_106 = tpu.vector_load %arg14[%get3A_103, %get3A_104, %get3A_105] {strides = array<i32>} : memref<6x128x128xf32, #tpu.memory_space<vmem>>, vector<1x1x16xf32>,
    %get3A_107 = vector.shape_cast %get3A_106 : vector<1x1x16xf32> to vector<16xf32>
    %swap3A_108 = arith.constant 1 : i32
    %swap3A_109 = arith.constant 127 : i32
    %swap3A_110 = arith.index_cast %swap3A_108 : i32 to index
    %swap3A_111 = arith.index_cast %swap3A_109 : i32 to index
    %swap3A_112 = arith.constant 64 : index
    %swap3A_113 = tpu.vector_load %arg14[%swap3A_110, %swap3A_111, %swap3A_112] {strides = array<i32>} : memref<6x128x128xf32, #tpu.memory_space<vmem>>, vector<1x1x16xf32>,
    %swap3A_114 = vector.shape_cast %swap3A_113 : vector<1x1x16xf32> to vector<16xf32>
    %swap3A_115 = vector.shape_cast %get3A_107 : vector<16xf32> to vector<1x1x16xf32>
    tpu.vector_store %arg14[%swap3A_110, %swap3A_111, %swap3A_112], %swap3A_115 {strides = array<i32>} : memref<6x128x128xf32, #tpu.memory_space<vmem>>, vector<1x1x16xf32>,
    %get3A_116 = arith.constant 0 : i32
    %get3A_117 = arith.constant 127 : i32
    %get3A_118 = arith.index_cast %get3A_116 : i32 to index
    %get3A_119 = arith.index_cast %get3A_117 : i32 to index
    %get3A_120 = arith.constant 80 : index
    %get3A_121 = tpu.vector_load %arg14[%get3A_118, %get3A_119, %get3A_120] {strides = array<i32>} : memref<6x128x128xf32, #tpu.memory_space<vmem>>, vector<1x1x16xf32>,
    %get3A_122 = vector.shape_cast %get3A_121 : vector<1x1x16xf32> to vector<16xf32>
    %swap3A_123 = arith.constant 1 : i32
    %swap3A_124 = arith.constant 127 : i32
    %swap3A_125 = arith.index_cast %swap3A_123 : i32 to index
    %swap3A_126 = arith.index_cast %swap3A_124 : i32 to index
    %swap3A_127 = arith.constant 80 : index
    %swap3A_128 = tpu.vector_load %arg14[%swap3A_125, %swap3A_126, %swap3A_127] {strides = array<i32>} : memref<6x128x128xf32, #tpu.memory_space<vmem>>, vector<1x1x16xf32>,
    %swap3A_129 = vector.shape_cast %swap3A_128 : vector<1x1x16xf32> to vector<16xf32>
    %swap3A_130 = vector.shape_cast %get3A_122 : vector<16xf32> to vector<1x1x16xf32>
    tpu.vector_store %arg14[%swap3A_125, %swap3A_126, %swap3A_127], %swap3A_130 {strides = array<i32>} : memref<6x128x128xf32, #tpu.memory_space<vmem>>, vector<1x1x16xf32>,
    %get3A_131 = arith.constant 0 : i32
    %get3A_132 = arith.constant 127 : i32
    %get3A_133 = arith.index_cast %get3A_131 : i32 to index
    %get3A_134 = arith.index_cast %get3A_132 : i32 to index
    %get3A_135 = arith.constant 96 : index
    %get3A_136 = tpu.vector_load %arg14[%get3A_133, %get3A_134, %get3A_135] {strides = array<i32>} : memref<6x128x128xf32, #tpu.memory_space<vmem>>, vector<1x1x16xf32>,
    %get3A_137 = vector.shape_cast %get3A_136 : vector<1x1x16xf32> to vector<16xf32>
    %swap3A_138 = arith.constant 1 : i32
    %swap3A_139 = arith.constant 127 : i32
    %swap3A_140 = arith.index_cast %swap3A_138 : i32 to index
    %swap3A_141 = arith.index_cast %swap3A_139 : i32 to index
    %swap3A_142 = arith.constant 96 : index
    %swap3A_143 = tpu.vector_load %arg14[%swap3A_140, %swap3A_141, %swap3A_142] {strides = array<i32>} : memref<6x128x128xf32, #tpu.memory_space<vmem>>, vector<1x1x16xf32>,
    %swap3A_144 = vector.shape_cast %swap3A_143 : vector<1x1x16xf32> to vector<16xf32>
    %swap3A_145 = vector.shape_cast %get3A_137 : vector<16xf32> to vector<1x1x16xf32>
    tpu.vector_store %arg14[%swap3A_140, %swap3A_141, %swap3A_142], %swap3A_145 {strides = array<i32>} : memref<6x128x128xf32, #tpu.memory_space<vmem>>, vector<1x1x16xf32>,
    %get3A_146 = arith.constant 0 : i32
    %get3A_147 = arith.constant 127 : i32
    %get3A_148 = arith.index_cast %get3A_146 : i32 to index
    %get3A_149 = arith.index_cast %get3A_147 : i32 to index
    %get3A_150 = arith.constant 112 : index
    %get3A_151 = tpu.vector_load %arg14[%get3A_148, %get3A_149, %get3A_150] {strides = array<i32>} : memref<6x128x128xf32, #tpu.memory_space<vmem>>, vector<1x1x16xf32>,
    %get3A_152 = vector.shape_cast %get3A_151 : vector<1x1x16xf32> to vector<16xf32>
    %swap3A_153 = arith.constant 1 : i32
    %swap3A_154 = arith.constant 127 : i32
    %swap3A_155 = arith.index_cast %swap3A_153 : i32 to index
    %swap3A_156 = arith.index_cast %swap3A_154 : i32 to index
    %swap3A_157 = arith.constant 112 : index
    %swap3A_158 = tpu.vector_load %arg14[%swap3A_155, %swap3A_156, %swap3A_157] {strides = array<i32>} : memref<6x128x128xf32, #tpu.memory_space<vmem>>, vector<1x1x16xf32>,
    %swap3A_159 = vector.shape_cast %swap3A_158 : vector<1x1x16xf32> to vector<16xf32>
    %swap3A_160 = vector.shape_cast %get3A_152 : vector<16xf32> to vector<1x1x16xf32>
    tpu.vector_store %arg14[%swap3A_155, %swap3A_156, %swap3A_157], %swap3A_160 {strides = array<i32>} : memref<6x128x128xf32, #tpu.memory_space<vmem>>, vector<1x1x16xf32>,
    %get3A_161 = arith.constant 0 : i32
    %get3A_162 = arith.constant 127 : i32
    %get3A_163 = arith.index_cast %get3A_161 : i32 to index
    %get3A_164 = arith.index_cast %get3A_162 : i32 to index
    %get3A_165 = arith.constant 0 : index
    %get3A_166 = tpu.vector_load %arg14[%get3A_163, %get3A_164, %get3A_165] {strides = array<i32>} : memref<6x128x128xf32, #tpu.memory_space<vmem>>, vector<1x1x16xf32>,
    %get3A_167 = vector.shape_cast %get3A_166 : vector<1x1x16xf32> to vector<16xf32>
    %swap3A_168 = arith.constant 2 : i32
    %swap3A_169 = arith.constant 127 : i32
    %swap3A_170 = arith.index_cast %swap3A_168 : i32 to index
    %swap3A_171 = arith.index_cast %swap3A_169 : i32 to index
    %swap3A_172 = arith.constant 0 : index
    %swap3A_173 = tpu.vector_load %arg14[%swap3A_170, %swap3A_171, %swap3A_172] {strides = array<i32>} : memref<6x128x128xf32, #tpu.memory_space<vmem>>, vector<1x1x16xf32>,
    %swap3A_174 = vector.shape_cast %swap3A_173 : vector<1x1x16xf32> to vector<16xf32>
    %swap3A_175 = vector.shape_cast %get3A_167 : vector<16xf32> to vector<1x1x16xf32>
    tpu.vector_store %arg14[%swap3A_170, %swap3A_171, %swap3A_172], %swap3A_175 {strides = array<i32>} : memref<6x128x128xf32, #tpu.memory_space<vmem>>, vector<1x1x16xf32>,
    %get3A_176 = arith.constant 0 : i32
    %get3A_177 = arith.constant 127 : i32
    %get3A_178 = arith.index_cast %get3A_176 : i32 to index
    %get3A_179 = arith.index_cast %get3A_177 : i32 to index
    %get3A_180 = arith.constant 16 : index
    %get3A_181 = tpu.vector_load %arg14[%get3A_178, %get3A_179, %get3A_180] {strides = array<i32>} : memref<6x128x128xf32, #tpu.memory_space<vmem>>, vector<1x1x16xf32>,
    %get3A_182 = vector.shape_cast %get3A_181 : vector<1x1x16xf32> to vector<16xf32>
    %swap3A_183 = arith.constant 2 : i32
    %swap3A_184 = arith.constant 127 : i32
    %swap3A_185 = arith.index_cast %swap3A_183 : i32 to index
    %swap3A_186 = arith.index_cast %swap3A_184 : i32 to index
    %swap3A_187 = arith.constant 16 : index
    %swap3A_188 = tpu.vector_load %arg14[%swap3A_185, %swap3A_186, %swap3A_187] {strides = array<i32>} : memref<6x128x128xf32, #tpu.memory_space<vmem>>, vector<1x1x16xf32>,
    %swap3A_189 = vector.shape_cast %swap3A_188 : vector<1x1x16xf32> to vector<16xf32>
    %swap3A_190 = vector.shape_cast %get3A_182 : vector<16xf32> to vector<1x1x16xf32>
    tpu.vector_store %arg14[%swap3A_185, %swap3A_186, %swap3A_187], %swap3A_190 {strides = array<i32>} : memref<6x128x128xf32, #tpu.memory_space<vmem>>, vector<1x1x16xf32>,
    %get3A_191 = arith.constant 0 : i32
    %get3A_192 = arith.constant 127 : i32
    %get3A_193 = arith.index_cast %get3A_191 : i32 to index
    %get3A_194 = arith.index_cast %get3A_192 : i32 to index
    %get3A_195 = arith.constant 32 : index
    %get3A_196 = tpu.vector_load %arg14[%get3A_193, %get3A_194, %get3A_195] {strides = array<i32>} : memref<6x128x128xf32, #tpu.memory_space<vmem>>, vector<1x1x16xf32>,
    %get3A_197 = vector.shape_cast %get3A_196 : vector<1x1x16xf32> to vector<16xf32>
    %swap3A_198 = arith.constant 2 : i32
    %swap3A_199 = arith.constant 127 : i32
    %swap3A_200 = arith.index_cast %swap3A_198 : i32 to index
    %swap3A_201 = arith.index_cast %swap3A_199 : i32 to index
    %swap3A_202 = arith.constant 32 : index
    %swap3A_203 = tpu.vector_load %arg14[%swap3A_200, %swap3A_201, %swap3A_202] {strides = array<i32>} : memref<6x128x128xf32, #tpu.memory_space<vmem>>, vector<1x1x16xf32>,
    %swap3A_204 = vector.shape_cast %swap3A_203 : vector<1x1x16xf32> to vector<16xf32>
    %swap3A_205 = vector.shape_cast %get3A_197 : vector<16xf32> to vector<1x1x16xf32>
    tpu.vector_store %arg14[%swap3A_200, %swap3A_201, %swap3A_202], %swap3A_205 {strides = array<i32>} : memref<6x128x128xf32, #tpu.memory_space<vmem>>, vector<1x1x16xf32>,
    %get3A_206 = arith.constant 0 : i32
    %get3A_207 = arith.constant 127 : i32
    %get3A_208 = arith.index_cast %get3A_206 : i32 to index
    %get3A_209 = arith.index_cast %get3A_207 : i32 to index
    %get3A_210 = arith.constant 48 : index
    %get3A_211 = tpu.vector_load %arg14[%get3A_208, %get3A_209, %get3A_210] {strides = array<i32>} : memref<6x128x128xf32, #tpu.memory_space<vmem>>, vector<1x1x16xf32>,
    %get3A_212 = vector.shape_cast %get3A_211 : vector<1x1x16xf32> to vector<16xf32>
    %swap3A_213 = arith.constant 2 : i32
    %swap3A_214 = arith.constant 127 : i32
    %swap3A_215 = arith.index_cast %swap3A_213 : i32 to index
    %swap3A_216 = arith.index_cast %swap3A_214 : i32 to index
    %swap3A_217 = arith.constant 48 : index
    %swap3A_218 = tpu.vector_load %arg14[%swap3A_215, %swap3A_216, %swap3A_217] {strides = array<i32>} : memref<6x128x128xf32, #tpu.memory_space<vmem>>, vector<1x1x16xf32>,
    %swap3A_219 = vector.shape_cast %swap3A_218 : vector<1x1x16xf32> to vector<16xf32>
    %swap3A_220 = vector.shape_cast %get3A_212 : vector<16xf32> to vector<1x1x16xf32>
    tpu.vector_store %arg14[%swap3A_215, %swap3A_216, %swap3A_217], %swap3A_220 {strides = array<i32>} : memref<6x128x128xf32, #tpu.memory_space<vmem>>, vector<1x1x16xf32>,
    %get3A_221 = arith.constant 0 : i32
    %get3A_222 = arith.constant 127 : i32
    %get3A_223 = arith.index_cast %get3A_221 : i32 to index
    %get3A_224 = arith.index_cast %get3A_222 : i32 to index
    %get3A_225 = arith.constant 64 : index
    %get3A_226 = tpu.vector_load %arg14[%get3A_223, %get3A_224, %get3A_225] {strides = array<i32>} : memref<6x128x128xf32, #tpu.memory_space<vmem>>, vector<1x1x16xf32>,
    %get3A_227 = vector.shape_cast %get3A_226 : vector<1x1x16xf32> to vector<16xf32>
    %swap3A_228 = arith.constant 2 : i32
    %swap3A_229 = arith.constant 127 : i32
    %swap3A_230 = arith.index_cast %swap3A_228 : i32 to index
    %swap3A_231 = arith.index_cast %swap3A_229 : i32 to index
    %swap3A_232 = arith.constant 64 : index
    %swap3A_233 = tpu.vector_load %arg14[%swap3A_230, %swap3A_231, %swap3A_232] {strides = array<i32>} : memref<6x128x128xf32, #tpu.memory_space<vmem>>, vector<1x1x16xf32>,
    %swap3A_234 = vector.shape_cast %swap3A_233 : vector<1x1x16xf32> to vector<16xf32>
    %swap3A_235 = vector.shape_cast %get3A_227 : vector<16xf32> to vector<1x1x16xf32>
    tpu.vector_store %arg14[%swap3A_230, %swap3A_231, %swap3A_232], %swap3A_235 {strides = array<i32>} : memref<6x128x128xf32, #tpu.memory_space<vmem>>, vector<1x1x16xf32>,
    %get3A_236 = arith.constant 0 : i32
    %get3A_237 = arith.constant 127 : i32
    %get3A_238 = arith.index_cast %get3A_236 : i32 to index
    %get3A_239 = arith.index_cast %get3A_237 : i32 to index
    %get3A_240 = arith.constant 80 : index
    %get3A_241 = tpu.vector_load %arg14[%get3A_238, %get3A_239, %get3A_240] {strides = array<i32>} : memref<6x128x128xf32, #tpu.memory_space<vmem>>, vector<1x1x16xf32>,
    %get3A_242 = vector.shape_cast %get3A_241 : vector<1x1x16xf32> to vector<16xf32>
    %swap3A_243 = arith.constant 2 : i32
    %swap3A_244 = arith.constant 127 : i32
    %swap3A_245 = arith.index_cast %swap3A_243 : i32 to index
    %swap3A_246 = arith.index_cast %swap3A_244 : i32 to index
    %swap3A_247 = arith.constant 80 : index
    %swap3A_248 = tpu.vector_load %arg14[%swap3A_245, %swap3A_246, %swap3A_247] {strides = array<i32>} : memref<6x128x128xf32, #tpu.memory_space<vmem>>, vector<1x1x16xf32>,
    %swap3A_249 = vector.shape_cast %swap3A_248 : vector<1x1x16xf32> to vector<16xf32>
    %swap3A_250 = vector.shape_cast %get3A_242 : vector<16xf32> to vector<1x1x16xf32>
    tpu.vector_store %arg14[%swap3A_245, %swap3A_246, %swap3A_247], %swap3A_250 {strides = array<i32>} : memref<6x128x128xf32, #tpu.memory_space<vmem>>, vector<1x1x16xf32>,
    %get3A_251 = arith.constant 0 : i32
    %get3A_252 = arith.constant 127 : i32
    %get3A_253 = arith.index_cast %get3A_251 : i32 to index
    %get3A_254 = arith.index_cast %get3A_252 : i32 to index
    %get3A_255 = arith.constant 96 : index
    %get3A_256 = tpu.vector_load %arg14[%get3A_253, %get3A_254, %get3A_255] {strides = array<i32>} : memref<6x128x128xf32, #tpu.memory_space<vmem>>, vector<1x1x16xf32>,
    %get3A_257 = vector.shape_cast %get3A_256 : vector<1x1x16xf32> to vector<16xf32>
    %swap3A_258 = arith.constant 2 : i32
    %swap3A_259 = arith.constant 127 : i32
    %swap3A_260 = arith.index_cast %swap3A_258 : i32 to index
    %swap3A_261 = arith.index_cast %swap3A_259 : i32 to index
    %swap3A_262 = arith.constant 96 : index
    %swap3A_263 = tpu.vector_load %arg14[%swap3A_260, %swap3A_261, %swap3A_262] {strides = array<i32>} : memref<6x128x128xf32, #tpu.memory_space<vmem>>, vector<1x1x16xf32>,
    %swap3A_264 = vector.shape_cast %swap3A_263 : vector<1x1x16xf32> to vector<16xf32>
    %swap3A_265 = vector.shape_cast %get3A_257 : vector<16xf32> to vector<1x1x16xf32>
    tpu.vector_store %arg14[%swap3A_260, %swap3A_261, %swap3A_262], %swap3A_265 {strides = array<i32>} : memref<6x128x128xf32, #tpu.memory_space<vmem>>, vector<1x1x16xf32>,
    %get3A_266 = arith.constant 0 : i32
    %get3A_267 = arith.constant 127 : i32
    %get3A_268 = arith.index_cast %get3A_266 : i32 to index
    %get3A_269 = arith.index_cast %get3A_267 : i32 to index
    %get3A_270 = arith.constant 112 : index
    %get3A_271 = tpu.vector_load %arg14[%get3A_268, %get3A_269, %get3A_270] {strides = array<i32>} : memref<6x128x128xf32, #tpu.memory_space<vmem>>, vector<1x1x16xf32>,
    %get3A_272 = vector.shape_cast %get3A_271 : vector<1x1x16xf32> to vector<16xf32>
    %swap3A_273 = arith.constant 2 : i32
    %swap3A_274 = arith.constant 127 : i32
    %swap3A_275 = arith.index_cast %swap3A_273 : i32 to index
    %swap3A_276 = arith.index_cast %swap3A_274 : i32 to index
    %swap3A_277 = arith.constant 112 : index
    %swap3A_278 = tpu.vector_load %arg14[%swap3A_275, %swap3A_276, %swap3A_277] {strides = array<i32>} : memref<6x128x128xf32, #tpu.memory_space<vmem>>, vector<1x1x16xf32>,
    %swap3A_279 = vector.shape_cast %swap3A_278 : vector<1x1x16xf32> to vector<16xf32>
    %swap3A_280 = vector.shape_cast %get3A_272 : vector<16xf32> to vector<1x1x16xf32>
    tpu.vector_store %arg14[%swap3A_275, %swap3A_276, %swap3A_277], %swap3A_280 {strides = array<i32>} : memref<6x128x128xf32, #tpu.memory_space<vmem>>, vector<1x1x16xf32>,
    %get3A_281 = arith.constant 0 : i32
    %get3A_282 = arith.constant 127 : i32
    %get3A_283 = arith.index_cast %get3A_281 : i32 to index
    %get3A_284 = arith.index_cast %get3A_282 : i32 to index
    %get3A_285 = arith.constant 0 : index
    %get3A_286 = tpu.vector_load %arg14[%get3A_283, %get3A_284, %get3A_285] {strides = array<i32>} : memref<6x128x128xf32, #tpu.memory_space<vmem>>, vector<1x1x16xf32>,
    %get3A_287 = vector.shape_cast %get3A_286 : vector<1x1x16xf32> to vector<16xf32>
    %swap3A_288 = arith.constant 3 : i32
    %swap3A_289 = arith.constant 127 : i32
    %swap3A_290 = arith.index_cast %swap3A_288 : i32 to index
    %swap3A_291 = arith.index_cast %swap3A_289 : i32 to index
    %swap3A_292 = arith.constant 0 : index
    %swap3A_293 = tpu.vector_load %arg14[%swap3A_290, %swap3A_291, %swap3A_292] {strides = array<i32>} : memref<6x128x128xf32, #tpu.memory_space<vmem>>, vector<1x1x16xf32>,
    %swap3A_294 = vector.shape_cast %swap3A_293 : vector<1x1x16xf32> to vector<16xf32>
    %swap3A_295 = vector.shape_cast %get3A_287 : vector<16xf32> to vector<1x1x16xf32>
    tpu.vector_store %arg14[%swap3A_290, %swap3A_291, %swap3A_292], %swap3A_295 {strides = array<i32>} : memref<6x128x128xf32, #tpu.memory_space<vmem>>, vector<1x1x16xf32>,
    %get3A_296 = arith.constant 0 : i32
    %get3A_297 = arith.constant 127 : i32
    %get3A_298 = arith.index_cast %get3A_296 : i32 to index
    %get3A_299 = arith.index_cast %get3A_297 : i32 to index
    %get3A_300 = arith.constant 16 : index
    %get3A_301 = tpu.vector_load %arg14[%get3A_298, %get3A_299, %get3A_300] {strides = array<i32>} : memref<6x128x128xf32, #tpu.memory_space<vmem>>, vector<1x1x16xf32>,
    %get3A_302 = vector.shape_cast %get3A_301 : vector<1x1x16xf32> to vector<16xf32>
    %swap3A_303 = arith.constant 3 : i32
    %swap3A_304 = arith.constant 127 : i32
    %swap3A_305 = arith.index_cast %swap3A_303 : i32 to index
    %swap3A_306 = arith.index_cast %swap3A_304 : i32 to index
    %swap3A_307 = arith.constant 16 : index
    %swap3A_308 = tpu.vector_load %arg14[%swap3A_305, %swap3A_306, %swap3A_307] {strides = array<i32>} : memref<6x128x128xf32, #tpu.memory_space<vmem>>, vector<1x1x16xf32>,
    %swap3A_309 = vector.shape_cast %swap3A_308 : vector<1x1x16xf32> to vector<16xf32>
    %swap3A_310 = vector.shape_cast %get3A_302 : vector<16xf32> to vector<1x1x16xf32>
    tpu.vector_store %arg14[%swap3A_305, %swap3A_306, %swap3A_307], %swap3A_310 {strides = array<i32>} : memref<6x128x128xf32, #tpu.memory_space<vmem>>, vector<1x1x16xf32>,
    %get3A_311 = arith.constant 0 : i32
    %get3A_312 = arith.constant 127 : i32
    %get3A_313 = arith.index_cast %get3A_311 : i32 to index
    %get3A_314 = arith.index_cast %get3A_312 : i32 to index
    %get3A_315 = arith.constant 32 : index
    %get3A_316 = tpu.vector_load %arg14[%get3A_313, %get3A_314, %get3A_315] {strides = array<i32>} : memref<6x128x128xf32, #tpu.memory_space<vmem>>, vector<1x1x16xf32>,
    %get3A_317 = vector.shape_cast %get3A_316 : vector<1x1x16xf32> to vector<16xf32>
    %swap3A_318 = arith.constant 3 : i32
    %swap3A_319 = arith.constant 127 : i32
    %swap3A_320 = arith.index_cast %swap3A_318 : i32 to index
    %swap3A_321 = arith.index_cast %swap3A_319 : i32 to index
    %swap3A_322 = arith.constant 32 : index
    %swap3A_323 = tpu.vector_load %arg14[%swap3A_320, %swap3A_321, %swap3A_322] {strides = array<i32>} : memref<6x128x128xf32, #tpu.memory_space<vmem>>, vector<1x1x16xf32>,
    %swap3A_324 = vector.shape_cast %swap3A_323 : vector<1x1x16xf32> to vector<16xf32>
    %swap3A_325 = vector.shape_cast %get3A_317 : vector<16xf32> to vector<1x1x16xf32>
    tpu.vector_store %arg14[%swap3A_320, %swap3A_321, %swap3A_322], %swap3A_325 {strides = array<i32>} : memref<6x128x128xf32, #tpu.memory_space<vmem>>, vector<1x1x16xf32>,
    %get3A_326 = arith.constant 0 : i32
    %get3A_327 = arith.constant 127 : i32
    %get3A_328 = arith.index_cast %get3A_326 : i32 to index
    %get3A_329 = arith.index_cast %get3A_327 : i32 to index
    %get3A_330 = arith.constant 48 : index
    %get3A_331 = tpu.vector_load %arg14[%get3A_328, %get3A_329, %get3A_330] {strides = array<i32>} : memref<6x128x128xf32, #tpu.memory_space<vmem>>, vector<1x1x16xf32>,
    %get3A_332 = vector.shape_cast %get3A_331 : vector<1x1x16xf32> to vector<16xf32>
    %swap3A_333 = arith.constant 3 : i32
    %swap3A_334 = arith.constant 127 : i32
    %swap3A_335 = arith.index_cast %swap3A_333 : i32 to index
    %swap3A_336 = arith.index_cast %swap3A_334 : i32 to index
    %swap3A_337 = arith.constant 48 : index
    %swap3A_338 = tpu.vector_load %arg14[%swap3A_335, %swap3A_336, %swap3A_337] {strides = array<i32>} : memref<6x128x128xf32, #tpu.memory_space<vmem>>, vector<1x1x16xf32>,
    %swap3A_339 = vector.shape_cast %swap3A_338 : vector<1x1x16xf32> to vector<16xf32>
    %swap3A_340 = vector.shape_cast %get3A_332 : vector<16xf32> to vector<1x1x16xf32>
    tpu.vector_store %arg14[%swap3A_335, %swap3A_336, %swap3A_337], %swap3A_340 {strides = array<i32>} : memref<6x128x128xf32, #tpu.memory_space<vmem>>, vector<1x1x16xf32>,
    %get3A_341 = arith.constant 0 : i32
    %get3A_342 = arith.constant 127 : i32
    %get3A_343 = arith.index_cast %get3A_341 : i32 to index
    %get3A_344 = arith.index_cast %get3A_342 : i32 to index
    %get3A_345 = arith.constant 64 : index
    %get3A_346 = tpu.vector_load %arg14[%get3A_343, %get3A_344, %get3A_345] {strides = array<i32>} : memref<6x128x128xf32, #tpu.memory_space<vmem>>, vector<1x1x16xf32>,
    %get3A_347 = vector.shape_cast %get3A_346 : vector<1x1x16xf32> to vector<16xf32>
    %swap3A_348 = arith.constant 3 : i32
    %swap3A_349 = arith.constant 127 : i32
    %swap3A_350 = arith.index_cast %swap3A_348 : i32 to index
    %swap3A_351 = arith.index_cast %swap3A_349 : i32 to index
    %swap3A_352 = arith.constant 64 : index
    %swap3A_353 = tpu.vector_load %arg14[%swap3A_350, %swap3A_351, %swap3A_352] {strides = array<i32>} : memref<6x128x128xf32, #tpu.memory_space<vmem>>, vector<1x1x16xf32>,
    %swap3A_354 = vector.shape_cast %swap3A_353 : vector<1x1x16xf32> to vector<16xf32>
    %swap3A_355 = vector.shape_cast %get3A_347 : vector<16xf32> to vector<1x1x16xf32>
    tpu.vector_store %arg14[%swap3A_350, %swap3A_351, %swap3A_352], %swap3A_355 {strides = array<i32>} : memref<6x128x128xf32, #tpu.memory_space<vmem>>, vector<1x1x16xf32>,
    %get3A_356 = arith.constant 0 : i32
    %get3A_357 = arith.constant 127 : i32
    %get3A_358 = arith.index_cast %get3A_356 : i32 to index
    %get3A_359 = arith.index_cast %get3A_357 : i32 to index
    %get3A_360 = arith.constant 80 : index
    %get3A_361 = tpu.vector_load %arg14[%get3A_358, %get3A_359, %get3A_360] {strides = array<i32>} : memref<6x128x128xf32, #tpu.memory_space<vmem>>, vector<1x1x16xf32>,
    %get3A_362 = vector.shape_cast %get3A_361 : vector<1x1x16xf32> to vector<16xf32>
    %swap3A_363 = arith.constant 3 : i32
    %swap3A_364 = arith.constant 127 : i32
    %swap3A_365 = arith.index_cast %swap3A_363 : i32 to index
    %swap3A_366 = arith.index_cast %swap3A_364 : i32 to index
    %swap3A_367 = arith.constant 80 : index
    %swap3A_368 = tpu.vector_load %arg14[%swap3A_365, %swap3A_366, %swap3A_367] {strides = array<i32>} : memref<6x128x128xf32, #tpu.memory_space<vmem>>, vector<1x1x16xf32>,
    %swap3A_369 = vector.shape_cast %swap3A_368 : vector<1x1x16xf32> to vector<16xf32>
    %swap3A_370 = vector.shape_cast %get3A_362 : vector<16xf32> to vector<1x1x16xf32>
    tpu.vector_store %arg14[%swap3A_365, %swap3A_366, %swap3A_367], %swap3A_370 {strides = array<i32>} : memref<6x128x128xf32, #tpu.memory_space<vmem>>, vector<1x1x16xf32>,
    %get3A_371 = arith.constant 0 : i32
    %get3A_372 = arith.constant 127 : i32
    %get3A_373 = arith.index_cast %get3A_371 : i32 to index
    %get3A_374 = arith.index_cast %get3A_372 : i32 to index
    %get3A_375 = arith.constant 96 : index
    %get3A_376 = tpu.vector_load %arg14[%get3A_373, %get3A_374, %get3A_375] {strides = array<i32>} : memref<6x128x128xf32, #tpu.memory_space<vmem>>, vector<1x1x16xf32>,
    %get3A_377 = vector.shape_cast %get3A_376 : vector<1x1x16xf32> to vector<16xf32>
    %swap3A_378 = arith.constant 3 : i32
    %swap3A_379 = arith.constant 127 : i32
    %swap3A_380 = arith.index_cast %swap3A_378 : i32 to index
    %swap3A_381 = arith.index_cast %swap3A_379 : i32 to index
    %swap3A_382 = arith.constant 96 : index
    %swap3A_383 = tpu.vector_load %arg14[%swap3A_380, %swap3A_381, %swap3A_382] {strides = array<i32>} : memref<6x128x128xf32, #tpu.memory_space<vmem>>, vector<1x1x16xf32>,
    %swap3A_384 = vector.shape_cast %swap3A_383 : vector<1x1x16xf32> to vector<16xf32>
    %swap3A_385 = vector.shape_cast %get3A_377 : vector<16xf32> to vector<1x1x16xf32>
    tpu.vector_store %arg14[%swap3A_380, %swap3A_381, %swap3A_382], %swap3A_385 {strides = array<i32>} : memref<6x128x128xf32, #tpu.memory_space<vmem>>, vector<1x1x16xf32>,
    %get3A_386 = arith.constant 0 : i32
    %get3A_387 = arith.constant 127 : i32
    %get3A_388 = arith.index_cast %get3A_386 : i32 to index
    %get3A_389 = arith.index_cast %get3A_387 : i32 to index
    %get3A_390 = arith.constant 112 : index
    %get3A_391 = tpu.vector_load %arg14[%get3A_388, %get3A_389, %get3A_390] {strides = array<i32>} : memref<6x128x128xf32, #tpu.memory_space<vmem>>, vector<1x1x16xf32>,
    %get3A_392 = vector.shape_cast %get3A_391 : vector<1x1x16xf32> to vector<16xf32>
    %swap3A_393 = arith.constant 3 : i32
    %swap3A_394 = arith.constant 127 : i32
    %swap3A_395 = arith.index_cast %swap3A_393 : i32 to index
    %swap3A_396 = arith.index_cast %swap3A_394 : i32 to index
    %swap3A_397 = arith.constant 112 : index
    %swap3A_398 = tpu.vector_load %arg14[%swap3A_395, %swap3A_396, %swap3A_397] {strides = array<i32>} : memref<6x128x128xf32, #tpu.memory_space<vmem>>, vector<1x1x16xf32>,
    %swap3A_399 = vector.shape_cast %swap3A_398 : vector<1x1x16xf32> to vector<16xf32>
    %swap3A_400 = vector.shape_cast %get3A_392 : vector<16xf32> to vector<1x1x16xf32>
    tpu.vector_store %arg14[%swap3A_395, %swap3A_396, %swap3A_397], %swap3A_400 {strides = array<i32>} : memref<6x128x128xf32, #tpu.memory_space<vmem>>, vector<1x1x16xf32>,
    %get3A_401 = arith.constant 0 : i32
    %get3A_402 = arith.constant 127 : i32
    %get3A_403 = arith.index_cast %get3A_401 : i32 to index
    %get3A_404 = arith.index_cast %get3A_402 : i32 to index
    %get3A_405 = arith.constant 0 : index
    %get3A_406 = tpu.vector_load %arg14[%get3A_403, %get3A_404, %get3A_405] {strides = array<i32>} : memref<6x128x128xf32, #tpu.memory_space<vmem>>, vector<1x1x16xf32>,
    %get3A_407 = vector.shape_cast %get3A_406 : vector<1x1x16xf32> to vector<16xf32>
    %swap3A_408 = arith.constant 4 : i32
    %swap3A_409 = arith.constant 127 : i32
    %swap3A_410 = arith.index_cast %swap3A_408 : i32 to index
    %swap3A_411 = arith.index_cast %swap3A_409 : i32 to index
    %swap3A_412 = arith.constant 0 : index
    %swap3A_413 = tpu.vector_load %arg14[%swap3A_410, %swap3A_411, %swap3A_412] {strides = array<i32>} : memref<6x128x128xf32, #tpu.memory_space<vmem>>, vector<1x1x16xf32>,
    %swap3A_414 = vector.shape_cast %swap3A_413 : vector<1x1x16xf32> to vector<16xf32>
    %swap3A_415 = vector.shape_cast %get3A_407 : vector<16xf32> to vector<1x1x16xf32>
    tpu.vector_store %arg14[%swap3A_410, %swap3A_411, %swap3A_412], %swap3A_415 {strides = array<i32>} : memref<6x128x128xf32, #tpu.memory_space<vmem>>, vector<1x1x16xf32>,
    %get3A_416 = arith.constant 0 : i32
    %get3A_417 = arith.constant 127 : i32
    %get3A_418 = arith.index_cast %get3A_416 : i32 to index
    %get3A_419 = arith.index_cast %get3A_417 : i32 to index
    %get3A_420 = arith.constant 16 : index
    %get3A_421 = tpu.vector_load %arg14[%get3A_418, %get3A_419, %get3A_420] {strides = array<i32>} : memref<6x128x128xf32, #tpu.memory_space<vmem>>, vector<1x1x16xf32>,
    %get3A_422 = vector.shape_cast %get3A_421 : vector<1x1x16xf32> to vector<16xf32>
    %swap3A_423 = arith.constant 4 : i32
    %swap3A_424 = arith.constant 127 : i32
    %swap3A_425 = arith.index_cast %swap3A_423 : i32 to index
    %swap3A_426 = arith.index_cast %swap3A_424 : i32 to index
    %swap3A_427 = arith.constant 16 : index
    %swap3A_428 = tpu.vector_load %arg14[%swap3A_425, %swap3A_426, %swap3A_427] {strides = array<i32>} : memref<6x128x128xf32, #tpu.memory_space<vmem>>, vector<1x1x16xf32>,
    %swap3A_429 = vector.shape_cast %swap3A_428 : vector<1x1x16xf32> to vector<16xf32>
    %swap3A_430 = vector.shape_cast %get3A_422 : vector<16xf32> to vector<1x1x16xf32>
    tpu.vector_store %arg14[%swap3A_425, %swap3A_426, %swap3A_427], %swap3A_430 {strides = array<i32>} : memref<6x128x128xf32, #tpu.memory_space<vmem>>, vector<1x1x16xf32>,
    %get3A_431 = arith.constant 0 : i32
    %get3A_432 = arith.constant 127 : i32
    %get3A_433 = arith.index_cast %get3A_431 : i32 to index
    %get3A_434 = arith.index_cast %get3A_432 : i32 to index
    %get3A_435 = arith.constant 32 : index
    %get3A_436 = tpu.vector_load %arg14[%get3A_433, %get3A_434, %get3A_435] {strides = array<i32>} : memref<6x128x128xf32, #tpu.memory_space<vmem>>, vector<1x1x16xf32>,
    %get3A_437 = vector.shape_cast %get3A_436 : vector<1x1x16xf32> to vector<16xf32>
    %swap3A_438 = arith.constant 4 : i32
    %swap3A_439 = arith.constant 127 : i32
    %swap3A_440 = arith.index_cast %swap3A_438 : i32 to index
    %swap3A_441 = arith.index_cast %swap3A_439 : i32 to index
    %swap3A_442 = arith.constant 32 : index
    %swap3A_443 = tpu.vector_load %arg14[%swap3A_440, %swap3A_441, %swap3A_442] {strides = array<i32>} : memref<6x128x128xf32, #tpu.memory_space<vmem>>, vector<1x1x16xf32>,
    %swap3A_444 = vector.shape_cast %swap3A_443 : vector<1x1x16xf32> to vector<16xf32>
    %swap3A_445 = vector.shape_cast %get3A_437 : vector<16xf32> to vector<1x1x16xf32>
    tpu.vector_store %arg14[%swap3A_440, %swap3A_441, %swap3A_442], %swap3A_445 {strides = array<i32>} : memref<6x128x128xf32, #tpu.memory_space<vmem>>, vector<1x1x16xf32>,
    %get3A_446 = arith.constant 0 : i32
    %get3A_447 = arith.constant 127 : i32
    %get3A_448 = arith.index_cast %get3A_446 : i32 to index
    %get3A_449 = arith.index_cast %get3A_447 : i32 to index
    %get3A_450 = arith.constant 48 : index
    %get3A_451 = tpu.vector_load %arg14[%get3A_448, %get3A_449, %get3A_450] {strides = array<i32>} : memref<6x128x128xf32, #tpu.memory_space<vmem>>, vector<1x1x16xf32>,
    %get3A_452 = vector.shape_cast %get3A_451 : vector<1x1x16xf32> to vector<16xf32>
    %swap3A_453 = arith.constant 4 : i32
    %swap3A_454 = arith.constant 127 : i32
    %swap3A_455 = arith.index_cast %swap3A_453 : i32 to index
    %swap3A_456 = arith.index_cast %swap3A_454 : i32 to index
    %swap3A_457 = arith.constant 48 : index
    %swap3A_458 = tpu.vector_load %arg14[%swap3A_455, %swap3A_456, %swap3A_457] {strides = array<i32>} : memref<6x128x128xf32, #tpu.memory_space<vmem>>, vector<1x1x16xf32>,
    %swap3A_459 = vector.shape_cast %swap3A_458 : vector<1x1x16xf32> to vector<16xf32>
    %swap3A_460 = vector.shape_cast %get3A_452 : vector<16xf32> to vector<1x1x16xf32>
    tpu.vector_store %arg14[%swap3A_455, %swap3A_456, %swap3A_457], %swap3A_460 {strides = array<i32>} : memref<6x128x128xf32, #tpu.memory_space<vmem>>, vector<1x1x16xf32>,
    %get3A_461 = arith.constant 0 : i32
    %get3A_462 = arith.constant 127 : i32
    %get3A_463 = arith.index_cast %get3A_461 : i32 to index
    %get3A_464 = arith.index_cast %get3A_462 : i32 to index
    %get3A_465 = arith.constant 64 : index
    %get3A_466 = tpu.vector_load %arg14[%get3A_463, %get3A_464, %get3A_465] {strides = array<i32>} : memref<6x128x128xf32, #tpu.memory_space<vmem>>, vector<1x1x16xf32>,
    %get3A_467 = vector.shape_cast %get3A_466 : vector<1x1x16xf32> to vector<16xf32>
    %swap3A_468 = arith.constant 4 : i32
    %swap3A_469 = arith.constant 127 : i32
    %swap3A_470 = arith.index_cast %swap3A_468 : i32 to index
    %swap3A_471 = arith.index_cast %swap3A_469 : i32 to index
    %swap3A_472 = arith.constant 64 : index
    %swap3A_473 = tpu.vector_load %arg14[%swap3A_470, %swap3A_471, %swap3A_472] {strides = array<i32>} : memref<6x128x128xf32, #tpu.memory_space<vmem>>, vector<1x1x16xf32>,
    %swap3A_474 = vector.shape_cast %swap3A_473 : vector<1x1x16xf32> to vector<16xf32>
    %swap3A_475 = vector.shape_cast %get3A_467 : vector<16xf32> to vector<1x1x16xf32>
    tpu.vector_store %arg14[%swap3A_470, %swap3A_471, %swap3A_472], %swap3A_475 {strides = array<i32>} : memref<6x128x128xf32, #tpu.memory_space<vmem>>, vector<1x1x16xf32>,
    %get3A_476 = arith.constant 0 : i32
    %get3A_477 = arith.constant 127 : i32
    %get3A_478 = arith.index_cast %get3A_476 : i32 to index
    %get3A_479 = arith.index_cast %get3A_477 : i32 to index
    %get3A_480 = arith.constant 80 : index
    %get3A_481 = tpu.vector_load %arg14[%get3A_478, %get3A_479, %get3A_480] {strides = array<i32>} : memref<6x128x128xf32, #tpu.memory_space<vmem>>, vector<1x1x16xf32>,
    %get3A_482 = vector.shape_cast %get3A_481 : vector<1x1x16xf32> to vector<16xf32>
    %swap3A_483 = arith.constant 4 : i32
    %swap3A_484 = arith.constant 127 : i32
    %swap3A_485 = arith.index_cast %swap3A_483 : i32 to index
    %swap3A_486 = arith.index_cast %swap3A_484 : i32 to index
    %swap3A_487 = arith.constant 80 : index
    %swap3A_488 = tpu.vector_load %arg14[%swap3A_485, %swap3A_486, %swap3A_487] {strides = array<i32>} : memref<6x128x128xf32, #tpu.memory_space<vmem>>, vector<1x1x16xf32>,
    %swap3A_489 = vector.shape_cast %swap3A_488 : vector<1x1x16xf32> to vector<16xf32>
    %swap3A_490 = vector.shape_cast %get3A_482 : vector<16xf32> to vector<1x1x16xf32>
    tpu.vector_store %arg14[%swap3A_485, %swap3A_486, %swap3A_487], %swap3A_490 {strides = array<i32>} : memref<6x128x128xf32, #tpu.memory_space<vmem>>, vector<1x1x16xf32>,
    %get3A_491 = arith.constant 0 : i32
    %get3A_492 = arith.constant 127 : i32
    %get3A_493 = arith.index_cast %get3A_491 : i32 to index
    %get3A_494 = arith.index_cast %get3A_492 : i32 to index
    %get3A_495 = arith.constant 96 : index
    %get3A_496 = tpu.vector_load %arg14[%get3A_493, %get3A_494, %get3A_495] {strides = array<i32>} : memref<6x128x128xf32, #tpu.memory_space<vmem>>, vector<1x1x16xf32>,
    %get3A_497 = vector.shape_cast %get3A_496 : vector<1x1x16xf32> to vector<16xf32>
    %swap3A_498 = arith.constant 4 : i32
    %swap3A_499 = arith.constant 127 : i32
    %swap3A_500 = arith.index_cast %swap3A_498 : i32 to index
    %swap3A_501 = arith.index_cast %swap3A_499 : i32 to index
    %swap3A_502 = arith.constant 96 : index
    %swap3A_503 = tpu.vector_load %arg14[%swap3A_500, %swap3A_501, %swap3A_502] {strides = array<i32>} : memref<6x128x128xf32, #tpu.memory_space<vmem>>, vector<1x1x16xf32>,
    %swap3A_504 = vector.shape_cast %swap3A_503 : vector<1x1x16xf32> to vector<16xf32>
    %swap3A_505 = vector.shape_cast %get3A_497 : vector<16xf32> to vector<1x1x16xf32>
    tpu.vector_store %arg14[%swap3A_500, %swap3A_501, %swap3A_502], %swap3A_505 {strides = array<i32>} : memref<6x128x128xf32, #tpu.memory_space<vmem>>, vector<1x1x16xf32>,
    %get3A_506 = arith.constant 0 : i32
    %get3A_507 = arith.constant 127 : i32
    %get3A_508 = arith.index_cast %get3A_506 : i32 to index
    %get3A_509 = arith.index_cast %get3A_507 : i32 to index
    %get3A_510 = arith.constant 112 : index
    %get3A_511 = tpu.vector_load %arg14[%get3A_508, %get3A_509, %get3A_510] {strides = array<i32>} : memref<6x128x128xf32, #tpu.memory_space<vmem>>, vector<1x1x16xf32>,
    %get3A_512 = vector.shape_cast %get3A_511 : vector<1x1x16xf32> to vector<16xf32>
    %swap3A_513 = arith.constant 4 : i32
    %swap3A_514 = arith.constant 127 : i32
    %swap3A_515 = arith.index_cast %swap3A_513 : i32 to index
    %swap3A_516 = arith.index_cast %swap3A_514 : i32 to index
    %swap3A_517 = arith.constant 112 : index
    %swap3A_518 = tpu.vector_load %arg14[%swap3A_515, %swap3A_516, %swap3A_517] {strides = array<i32>} : memref<6x128x128xf32, #tpu.memory_space<vmem>>, vector<1x1x16xf32>,
    %swap3A_519 = vector.shape_cast %swap3A_518 : vector<1x1x16xf32> to vector<16xf32>
    %swap3A_520 = vector.shape_cast %get3A_512 : vector<16xf32> to vector<1x1x16xf32>
    tpu.vector_store %arg14[%swap3A_515, %swap3A_516, %swap3A_517], %swap3A_520 {strides = array<i32>} : memref<6x128x128xf32, #tpu.memory_space<vmem>>, vector<1x1x16xf32>,
    %get3A_521 = arith.constant 0 : i32
    %get3A_522 = arith.constant 127 : i32
    %get3A_523 = arith.index_cast %get3A_521 : i32 to index
    %get3A_524 = arith.index_cast %get3A_522 : i32 to index
    %get3A_525 = arith.constant 0 : index
    %get3A_526 = tpu.vector_load %arg14[%get3A_523, %get3A_524, %get3A_525] {strides = array<i32>} : memref<6x128x128xf32, #tpu.memory_space<vmem>>, vector<1x1x16xf32>,
    %get3A_527 = vector.shape_cast %get3A_526 : vector<1x1x16xf32> to vector<16xf32>
    %swap3A_528 = arith.constant 5 : i32
    %swap3A_529 = arith.constant 127 : i32
    %swap3A_530 = arith.index_cast %swap3A_528 : i32 to index
    %swap3A_531 = arith.index_cast %swap3A_529 : i32 to index
    %swap3A_532 = arith.constant 0 : index
    %swap3A_533 = tpu.vector_load %arg14[%swap3A_530, %swap3A_531, %swap3A_532] {strides = array<i32>} : memref<6x128x128xf32, #tpu.memory_space<vmem>>, vector<1x1x16xf32>,
    %swap3A_534 = vector.shape_cast %swap3A_533 : vector<1x1x16xf32> to vector<16xf32>
    %swap3A_535 = vector.shape_cast %get3A_527 : vector<16xf32> to vector<1x1x16xf32>
    tpu.vector_store %arg14[%swap3A_530, %swap3A_531, %swap3A_532], %swap3A_535 {strides = array<i32>} : memref<6x128x128xf32, #tpu.memory_space<vmem>>, vector<1x1x16xf32>,
    %get3A_536 = arith.constant 0 : i32
    %get3A_537 = arith.constant 127 : i32
    %get3A_538 = arith.index_cast %get3A_536 : i32 to index
    %get3A_539 = arith.index_cast %get3A_537 : i32 to index
    %get3A_540 = arith.constant 16 : index
    %get3A_541 = tpu.vector_load %arg14[%get3A_538, %get3A_539, %get3A_540] {strides = array<i32>} : memref<6x128x128xf32, #tpu.memory_space<vmem>>, vector<1x1x16xf32>,
    %get3A_542 = vector.shape_cast %get3A_541 : vector<1x1x16xf32> to vector<16xf32>
    %swap3A_543 = arith.constant 5 : i32
    %swap3A_544 = arith.constant 127 : i32
    %swap3A_545 = arith.index_cast %swap3A_543 : i32 to index
    %swap3A_546 = arith.index_cast %swap3A_544 : i32 to index
    %swap3A_547 = arith.constant 16 : index
    %swap3A_548 = tpu.vector_load %arg14[%swap3A_545, %swap3A_546, %swap3A_547] {strides = array<i32>} : memref<6x128x128xf32, #tpu.memory_space<vmem>>, vector<1x1x16xf32>,
    %swap3A_549 = vector.shape_cast %swap3A_548 : vector<1x1x16xf32> to vector<16xf32>
    %swap3A_550 = vector.shape_cast %get3A_542 : vector<16xf32> to vector<1x1x16xf32>
    tpu.vector_store %arg14[%swap3A_545, %swap3A_546, %swap3A_547], %swap3A_550 {strides = array<i32>} : memref<6x128x128xf32, #tpu.memory_space<vmem>>, vector<1x1x16xf32>,
    %get3A_551 = arith.constant 0 : i32
    %get3A_552 = arith.constant 127 : i32
    %get3A_553 = arith.index_cast %get3A_551 : i32 to index
    %get3A_554 = arith.index_cast %get3A_552 : i32 to index
    %get3A_555 = arith.constant 32 : index
    %get3A_556 = tpu.vector_load %arg14[%get3A_553, %get3A_554, %get3A_555] {strides = array<i32>} : memref<6x128x128xf32, #tpu.memory_space<vmem>>, vector<1x1x16xf32>,
    %get3A_557 = vector.shape_cast %get3A_556 : vector<1x1x16xf32> to vector<16xf32>
    %swap3A_558 = arith.constant 5 : i32
    %swap3A_559 = arith.constant 127 : i32
    %swap3A_560 = arith.index_cast %swap3A_558 : i32 to index
    %swap3A_561 = arith.index_cast %swap3A_559 : i32 to index
    %swap3A_562 = arith.constant 32 : index
    %swap3A_563 = tpu.vector_load %arg14[%swap3A_560, %swap3A_561, %swap3A_562] {strides = array<i32>} : memref<6x128x128xf32, #tpu.memory_space<vmem>>, vector<1x1x16xf32>,
    %swap3A_564 = vector.shape_cast %swap3A_563 : vector<1x1x16xf32> to vector<16xf32>
    %swap3A_565 = vector.shape_cast %get3A_557 : vector<16xf32> to vector<1x1x16xf32>
    tpu.vector_store %arg14[%swap3A_560, %swap3A_561, %swap3A_562], %swap3A_565 {strides = array<i32>} : memref<6x128x128xf32, #tpu.memory_space<vmem>>, vector<1x1x16xf32>,
    %get3A_566 = arith.constant 0 : i32
    %get3A_567 = arith.constant 127 : i32
    %get3A_568 = arith.index_cast %get3A_566 : i32 to index
    %get3A_569 = arith.index_cast %get3A_567 : i32 to index
    %get3A_570 = arith.constant 48 : index
    %get3A_571 = tpu.vector_load %arg14[%get3A_568, %get3A_569, %get3A_570] {strides = array<i32>} : memref<6x128x128xf32, #tpu.memory_space<vmem>>, vector<1x1x16xf32>,
    %get3A_572 = vector.shape_cast %get3A_571 : vector<1x1x16xf32> to vector<16xf32>
    %swap3A_573 = arith.constant 5 : i32
    %swap3A_574 = arith.constant 127 : i32
    %swap3A_575 = arith.index_cast %swap3A_573 : i32 to index
    %swap3A_576 = arith.index_cast %swap3A_574 : i32 to index
    %swap3A_577 = arith.constant 48 : index
    %swap3A_578 = tpu.vector_load %arg14[%swap3A_575, %swap3A_576, %swap3A_577] {strides = array<i32>} : memref<6x128x128xf32, #tpu.memory_space<vmem>>, vector<1x1x16xf32>,
    %swap3A_579 = vector.shape_cast %swap3A_578 : vector<1x1x16xf32> to vector<16xf32>
    %swap3A_580 = vector.shape_cast %get3A_572 : vector<16xf32> to vector<1x1x16xf32>
    tpu.vector_store %arg14[%swap3A_575, %swap3A_576, %swap3A_577], %swap3A_580 {strides = array<i32>} : memref<6x128x128xf32, #tpu.memory_space<vmem>>, vector<1x1x16xf32>,
    %get3A_581 = arith.constant 0 : i32
    %get3A_582 = arith.constant 127 : i32
    %get3A_583 = arith.index_cast %get3A_581 : i32 to index
    %get3A_584 = arith.index_cast %get3A_582 : i32 to index
    %get3A_585 = arith.constant 64 : index
    %get3A_586 = tpu.vector_load %arg14[%get3A_583, %get3A_584, %get3A_585] {strides = array<i32>} : memref<6x128x128xf32, #tpu.memory_space<vmem>>, vector<1x1x16xf32>,
    %get3A_587 = vector.shape_cast %get3A_586 : vector<1x1x16xf32> to vector<16xf32>
    %swap3A_588 = arith.constant 5 : i32
    %swap3A_589 = arith.constant 127 : i32
    %swap3A_590 = arith.index_cast %swap3A_588 : i32 to index
    %swap3A_591 = arith.index_cast %swap3A_589 : i32 to index
    %swap3A_592 = arith.constant 64 : index
    %swap3A_593 = tpu.vector_load %arg14[%swap3A_590, %swap3A_591, %swap3A_592] {strides = array<i32>} : memref<6x128x128xf32, #tpu.memory_space<vmem>>, vector<1x1x16xf32>,
    %swap3A_594 = vector.shape_cast %swap3A_593 : vector<1x1x16xf32> to vector<16xf32>
    %swap3A_595 = vector.shape_cast %get3A_587 : vector<16xf32> to vector<1x1x16xf32>
    tpu.vector_store %arg14[%swap3A_590, %swap3A_591, %swap3A_592], %swap3A_595 {strides = array<i32>} : memref<6x128x128xf32, #tpu.memory_space<vmem>>, vector<1x1x16xf32>,
    %get3A_596 = arith.constant 0 : i32
    %get3A_597 = arith.constant 127 : i32
    %get3A_598 = arith.index_cast %get3A_596 : i32 to index
    %get3A_599 = arith.index_cast %get3A_597 : i32 to index
    %get3A_600 = arith.constant 80 : index
    %get3A_601 = tpu.vector_load %arg14[%get3A_598, %get3A_599, %get3A_600] {strides = array<i32>} : memref<6x128x128xf32, #tpu.memory_space<vmem>>, vector<1x1x16xf32>,
    %get3A_602 = vector.shape_cast %get3A_601 : vector<1x1x16xf32> to vector<16xf32>
    %swap3A_603 = arith.constant 5 : i32
    %swap3A_604 = arith.constant 127 : i32
    %swap3A_605 = arith.index_cast %swap3A_603 : i32 to index
    %swap3A_606 = arith.index_cast %swap3A_604 : i32 to index
    %swap3A_607 = arith.constant 80 : index
    %swap3A_608 = tpu.vector_load %arg14[%swap3A_605, %swap3A_606, %swap3A_607] {strides = array<i32>} : memref<6x128x128xf32, #tpu.memory_space<vmem>>, vector<1x1x16xf32>,
    %swap3A_609 = vector.shape_cast %swap3A_608 : vector<1x1x16xf32> to vector<16xf32>
    %swap3A_610 = vector.shape_cast %get3A_602 : vector<16xf32> to vector<1x1x16xf32>
    tpu.vector_store %arg14[%swap3A_605, %swap3A_606, %swap3A_607], %swap3A_610 {strides = array<i32>} : memref<6x128x128xf32, #tpu.memory_space<vmem>>, vector<1x1x16xf32>,
    %get3A_611 = arith.constant 0 : i32
    %get3A_612 = arith.constant 127 : i32
    %get3A_613 = arith.index_cast %get3A_611 : i32 to index
    %get3A_614 = arith.index_cast %get3A_612 : i32 to index
    %get3A_615 = arith.constant 96 : index
    %get3A_616 = tpu.vector_load %arg14[%get3A_613, %get3A_614, %get3A_615] {strides = array<i32>} : memref<6x128x128xf32, #tpu.memory_space<vmem>>, vector<1x1x16xf32>,
    %get3A_617 = vector.shape_cast %get3A_616 : vector<1x1x16xf32> to vector<16xf32>
    %swap3A_618 = arith.constant 5 : i32
    %swap3A_619 = arith.constant 127 : i32
    %swap3A_620 = arith.index_cast %swap3A_618 : i32 to index
    %swap3A_621 = arith.index_cast %swap3A_619 : i32 to index
    %swap3A_622 = arith.constant 96 : index
    %swap3A_623 = tpu.vector_load %arg14[%swap3A_620, %swap3A_621, %swap3A_622] {strides = array<i32>} : memref<6x128x128xf32, #tpu.memory_space<vmem>>, vector<1x1x16xf32>,
    %swap3A_624 = vector.shape_cast %swap3A_623 : vector<1x1x16xf32> to vector<16xf32>
    %swap3A_625 = vector.shape_cast %get3A_617 : vector<16xf32> to vector<1x1x16xf32>
    tpu.vector_store %arg14[%swap3A_620, %swap3A_621, %swap3A_622], %swap3A_625 {strides = array<i32>} : memref<6x128x128xf32, #tpu.memory_space<vmem>>, vector<1x1x16xf32>,
    %get3A_626 = arith.constant 0 : i32
    %get3A_627 = arith.constant 127 : i32
    %get3A_628 = arith.index_cast %get3A_626 : i32 to index
    %get3A_629 = arith.index_cast %get3A_627 : i32 to index
    %get3A_630 = arith.constant 112 : index
    %get3A_631 = tpu.vector_load %arg14[%get3A_628, %get3A_629, %get3A_630] {strides = array<i32>} : memref<6x128x128xf32, #tpu.memory_space<vmem>>, vector<1x1x16xf32>,
    %get3A_632 = vector.shape_cast %get3A_631 : vector<1x1x16xf32> to vector<16xf32>
    %swap3A_633 = arith.constant 5 : i32
    %swap3A_634 = arith.constant 127 : i32
    %swap3A_635 = arith.index_cast %swap3A_633 : i32 to index
    %swap3A_636 = arith.index_cast %swap3A_634 : i32 to index
    %swap3A_637 = arith.constant 112 : index
    %swap3A_638 = tpu.vector_load %arg14[%swap3A_635, %swap3A_636, %swap3A_637] {strides = array<i32>} : memref<6x128x128xf32, #tpu.memory_space<vmem>>, vector<1x1x16xf32>,
    %swap3A_639 = vector.shape_cast %swap3A_638 : vector<1x1x16xf32> to vector<16xf32>
    %swap3A_640 = vector.shape_cast %get3A_632 : vector<16xf32> to vector<1x1x16xf32>
    tpu.vector_store %arg14[%swap3A_635, %swap3A_636, %swap3A_637], %swap3A_640 {strides = array<i32>} : memref<6x128x128xf32, #tpu.memory_space<vmem>>, vector<1x1x16xf32>,
    %scan3A_641 = arith.constant 0 : i32
    %scan3A_642 = arith.constant 0 : i32
    %scan3A_643 = arith.constant 32 : i32
    %scan3A_644 = arith.addi %scan3A_642, %scan3A_643 : i32
    %scan3A_645 = arith.constant 1 : i32
    scf.for %scan3A_1078 = %scan3A_642 to %scan3A_644 step %scan3A_645  : i32 {
      %get3A_1079 = arith.index_cast %scan3A_1078 : i32 to index
      %get3A_1080 = arith.constant 0 : index
      %get3A_1081 = tpu.vector_load %arg12[%get3A_1079, %get3A_1080] {strides = array<i32>} : memref<32x128xi32, #tpu.memory_space<vmem>>, vector<1x16xi32>,
      %get3A_1082 = vector.shape_cast %get3A_1081 : vector<1x16xi32> to vector<16xi32>
      %gt3A = arith.constant 1 : i32
      %gt3A_1083 = vector.broadcast %gt3A : i32 to vector<16xi32>
      %gt3A_1084 = arith.cmpi sgt, %get3A_1082, %gt3A_1083 : vector<16xi32>
      %jit3A = arith.constant 1.000000e+00 : f32
      %jit3A_1085 = arith.constant 0.000000e+00 : f32
      %broadcast_in_dim3A = vector.broadcast %jit3A : f32 to vector<16xf32>
      %broadcast_in_dim3A_1086 = vector.broadcast %jit3A_1085 : f32 to vector<16xf32>
      %select_n3A = arith.select %gt3A_1084, %broadcast_in_dim3A, %broadcast_in_dim3A_1086 : vector<16xi1>, vector<16xf32>
      %swap3A_1087 = arith.index_cast %scan3A_1078 : i32 to index
      %swap3A_1088 = arith.constant 0 : index
      %swap3A_1089 = tpu.vector_load %arg13[%swap3A_1087, %swap3A_1088] {strides = array<i32>} : memref<32x128xf32, #tpu.memory_space<vmem>>, vector<1x16xf32>,
      %swap3A_1090 = vector.shape_cast %swap3A_1089 : vector<1x16xf32> to vector<16xf32>
      %swap3A_1091 = vector.shape_cast %select_n3A : vector<16xf32> to vector<1x16xf32>
      tpu.vector_store %arg13[%swap3A_1087, %swap3A_1088], %swap3A_1091 {strides = array<i32>} : memref<32x128xf32, #tpu.memory_space<vmem>>, vector<1x16xf32>,
      %get3A_1092 = arith.index_cast %scan3A_1078 : i32 to index
      %get3A_1093 = arith.constant 16 : index
      %get3A_1094 = tpu.vector_load %arg12[%get3A_1092, %get3A_1093] {strides = array<i32>} : memref<32x128xi32, #tpu.memory_space<vmem>>, vector<1x16xi32>,
      %get3A_1095 = vector.shape_cast %get3A_1094 : vector<1x16xi32> to vector<16xi32>
      %gt3A_1096 = arith.constant 1 : i32
      %gt3A_1097 = vector.broadcast %gt3A_1096 : i32 to vector<16xi32>
      %gt3A_1098 = arith.cmpi sgt, %get3A_1095, %gt3A_1097 : vector<16xi32>
      %jit3A_1099 = arith.constant 1.000000e+00 : f32
      %jit3A_1100 = arith.constant 0.000000e+00 : f32
      %broadcast_in_dim3A_1101 = vector.broadcast %jit3A_1099 : f32 to vector<16xf32>
      %broadcast_in_dim3A_1102 = vector.broadcast %jit3A_1100 : f32 to vector<16xf32>
      %select_n3A_1103 = arith.select %gt3A_1098, %broadcast_in_dim3A_1101, %broadcast_in_dim3A_1102 : vector<16xi1>, vector<16xf32>
      %swap3A_1104 = arith.index_cast %scan3A_1078 : i32 to index
      %swap3A_1105 = arith.constant 16 : index
      %swap3A_1106 = tpu.vector_load %arg13[%swap3A_1104, %swap3A_1105] {strides = array<i32>} : memref<32x128xf32, #tpu.memory_space<vmem>>, vector<1x16xf32>,
      %swap3A_1107 = vector.shape_cast %swap3A_1106 : vector<1x16xf32> to vector<16xf32>
      %swap3A_1108 = vector.shape_cast %select_n3A_1103 : vector<16xf32> to vector<1x16xf32>
      tpu.vector_store %arg13[%swap3A_1104, %swap3A_1105], %swap3A_1108 {strides = array<i32>} : memref<32x128xf32, #tpu.memory_space<vmem>>, vector<1x16xf32>,
      %get3A_1109 = arith.index_cast %scan3A_1078 : i32 to index
      %get3A_1110 = arith.constant 32 : index
      %get3A_1111 = tpu.vector_load %arg12[%get3A_1109, %get3A_1110] {strides = array<i32>} : memref<32x128xi32, #tpu.memory_space<vmem>>, vector<1x16xi32>,
      %get3A_1112 = vector.shape_cast %get3A_1111 : vector<1x16xi32> to vector<16xi32>
      %gt3A_1113 = arith.constant 1 : i32
      %gt3A_1114 = vector.broadcast %gt3A_1113 : i32 to vector<16xi32>
      %gt3A_1115 = arith.cmpi sgt, %get3A_1112, %gt3A_1114 : vector<16xi32>
      %jit3A_1116 = arith.constant 1.000000e+00 : f32
      %jit3A_1117 = arith.constant 0.000000e+00 : f32
      %broadcast_in_dim3A_1118 = vector.broadcast %jit3A_1116 : f32 to vector<16xf32>
      %broadcast_in_dim3A_1119 = vector.broadcast %jit3A_1117 : f32 to vector<16xf32>
      %select_n3A_1120 = arith.select %gt3A_1115, %broadcast_in_dim3A_1118, %broadcast_in_dim3A_1119 : vector<16xi1>, vector<16xf32>
      %swap3A_1121 = arith.index_cast %scan3A_1078 : i32 to index
      %swap3A_1122 = arith.constant 32 : index
      %swap3A_1123 = tpu.vector_load %arg13[%swap3A_1121, %swap3A_1122] {strides = array<i32>} : memref<32x128xf32, #tpu.memory_space<vmem>>, vector<1x16xf32>,
      %swap3A_1124 = vector.shape_cast %swap3A_1123 : vector<1x16xf32> to vector<16xf32>
      %swap3A_1125 = vector.shape_cast %select_n3A_1120 : vector<16xf32> to vector<1x16xf32>
      tpu.vector_store %arg13[%swap3A_1121, %swap3A_1122], %swap3A_1125 {strides = array<i32>} : memref<32x128xf32, #tpu.memory_space<vmem>>, vector<1x16xf32>,
      %get3A_1126 = arith.index_cast %scan3A_1078 : i32 to index
      %get3A_1127 = arith.constant 48 : index
      %get3A_1128 = tpu.vector_load %arg12[%get3A_1126, %get3A_1127] {strides = array<i32>} : memref<32x128xi32, #tpu.memory_space<vmem>>, vector<1x16xi32>,
      %get3A_1129 = vector.shape_cast %get3A_1128 : vector<1x16xi32> to vector<16xi32>
      %gt3A_1130 = arith.constant 1 : i32
      %gt3A_1131 = vector.broadcast %gt3A_1130 : i32 to vector<16xi32>
      %gt3A_1132 = arith.cmpi sgt, %get3A_1129, %gt3A_1131 : vector<16xi32>
      %jit3A_1133 = arith.constant 1.000000e+00 : f32
      %jit3A_1134 = arith.constant 0.000000e+00 : f32
      %broadcast_in_dim3A_1135 = vector.broadcast %jit3A_1133 : f32 to vector<16xf32>
      %broadcast_in_dim3A_1136 = vector.broadcast %jit3A_1134 : f32 to vector<16xf32>
      %select_n3A_1137 = arith.select %gt3A_1132, %broadcast_in_dim3A_1135, %broadcast_in_dim3A_1136 : vector<16xi1>, vector<16xf32>
      %swap3A_1138 = arith.index_cast %scan3A_1078 : i32 to index
      %swap3A_1139 = arith.constant 48 : index
      %swap3A_1140 = tpu.vector_load %arg13[%swap3A_1138, %swap3A_1139] {strides = array<i32>} : memref<32x128xf32, #tpu.memory_space<vmem>>, vector<1x16xf32>,
      %swap3A_1141 = vector.shape_cast %swap3A_1140 : vector<1x16xf32> to vector<16xf32>
      %swap3A_1142 = vector.shape_cast %select_n3A_1137 : vector<16xf32> to vector<1x16xf32>
      tpu.vector_store %arg13[%swap3A_1138, %swap3A_1139], %swap3A_1142 {strides = array<i32>} : memref<32x128xf32, #tpu.memory_space<vmem>>, vector<1x16xf32>,
      %get3A_1143 = arith.index_cast %scan3A_1078 : i32 to index
      %get3A_1144 = arith.constant 64 : index
      %get3A_1145 = tpu.vector_load %arg12[%get3A_1143, %get3A_1144] {strides = array<i32>} : memref<32x128xi32, #tpu.memory_space<vmem>>, vector<1x16xi32>,
      %get3A_1146 = vector.shape_cast %get3A_1145 : vector<1x16xi32> to vector<16xi32>
      %gt3A_1147 = arith.constant 1 : i32
      %gt3A_1148 = vector.broadcast %gt3A_1147 : i32 to vector<16xi32>
      %gt3A_1149 = arith.cmpi sgt, %get3A_1146, %gt3A_1148 : vector<16xi32>
      %jit3A_1150 = arith.constant 1.000000e+00 : f32
      %jit3A_1151 = arith.constant 0.000000e+00 : f32
      %broadcast_in_dim3A_1152 = vector.broadcast %jit3A_1150 : f32 to vector<16xf32>
      %broadcast_in_dim3A_1153 = vector.broadcast %jit3A_1151 : f32 to vector<16xf32>
      %select_n3A_1154 = arith.select %gt3A_1149, %broadcast_in_dim3A_1152, %broadcast_in_dim3A_1153 : vector<16xi1>, vector<16xf32>
      %swap3A_1155 = arith.index_cast %scan3A_1078 : i32 to index
      %swap3A_1156 = arith.constant 64 : index
      %swap3A_1157 = tpu.vector_load %arg13[%swap3A_1155, %swap3A_1156] {strides = array<i32>} : memref<32x128xf32, #tpu.memory_space<vmem>>, vector<1x16xf32>,
      %swap3A_1158 = vector.shape_cast %swap3A_1157 : vector<1x16xf32> to vector<16xf32>
      %swap3A_1159 = vector.shape_cast %select_n3A_1154 : vector<16xf32> to vector<1x16xf32>
      tpu.vector_store %arg13[%swap3A_1155, %swap3A_1156], %swap3A_1159 {strides = array<i32>} : memref<32x128xf32, #tpu.memory_space<vmem>>, vector<1x16xf32>,
      %get3A_1160 = arith.index_cast %scan3A_1078 : i32 to index
      %get3A_1161 = arith.constant 80 : index
      %get3A_1162 = tpu.vector_load %arg12[%get3A_1160, %get3A_1161] {strides = array<i32>} : memref<32x128xi32, #tpu.memory_space<vmem>>, vector<1x16xi32>,
      %get3A_1163 = vector.shape_cast %get3A_1162 : vector<1x16xi32> to vector<16xi32>
      %gt3A_1164 = arith.constant 1 : i32
      %gt3A_1165 = vector.broadcast %gt3A_1164 : i32 to vector<16xi32>
      %gt3A_1166 = arith.cmpi sgt, %get3A_1163, %gt3A_1165 : vector<16xi32>
      %jit3A_1167 = arith.constant 1.000000e+00 : f32
      %jit3A_1168 = arith.constant 0.000000e+00 : f32
      %broadcast_in_dim3A_1169 = vector.broadcast %jit3A_1167 : f32 to vector<16xf32>
      %broadcast_in_dim3A_1170 = vector.broadcast %jit3A_1168 : f32 to vector<16xf32>
      %select_n3A_1171 = arith.select %gt3A_1166, %broadcast_in_dim3A_1169, %broadcast_in_dim3A_1170 : vector<16xi1>, vector<16xf32>
      %swap3A_1172 = arith.index_cast %scan3A_1078 : i32 to index
      %swap3A_1173 = arith.constant 80 : index
      %swap3A_1174 = tpu.vector_load %arg13[%swap3A_1172, %swap3A_1173] {strides = array<i32>} : memref<32x128xf32, #tpu.memory_space<vmem>>, vector<1x16xf32>,
      %swap3A_1175 = vector.shape_cast %swap3A_1174 : vector<1x16xf32> to vector<16xf32>
      %swap3A_1176 = vector.shape_cast %select_n3A_1171 : vector<16xf32> to vector<1x16xf32>
      tpu.vector_store %arg13[%swap3A_1172, %swap3A_1173], %swap3A_1176 {strides = array<i32>} : memref<32x128xf32, #tpu.memory_space<vmem>>, vector<1x16xf32>,
      %get3A_1177 = arith.index_cast %scan3A_1078 : i32 to index
      %get3A_1178 = arith.constant 96 : index
      %get3A_1179 = tpu.vector_load %arg12[%get3A_1177, %get3A_1178] {strides = array<i32>} : memref<32x128xi32, #tpu.memory_space<vmem>>, vector<1x16xi32>,
      %get3A_1180 = vector.shape_cast %get3A_1179 : vector<1x16xi32> to vector<16xi32>
      %gt3A_1181 = arith.constant 1 : i32
      %gt3A_1182 = vector.broadcast %gt3A_1181 : i32 to vector<16xi32>
      %gt3A_1183 = arith.cmpi sgt, %get3A_1180, %gt3A_1182 : vector<16xi32>
      %jit3A_1184 = arith.constant 1.000000e+00 : f32
      %jit3A_1185 = arith.constant 0.000000e+00 : f32
      %broadcast_in_dim3A_1186 = vector.broadcast %jit3A_1184 : f32 to vector<16xf32>
      %broadcast_in_dim3A_1187 = vector.broadcast %jit3A_1185 : f32 to vector<16xf32>
      %select_n3A_1188 = arith.select %gt3A_1183, %broadcast_in_dim3A_1186, %broadcast_in_dim3A_1187 : vector<16xi1>, vector<16xf32>
      %swap3A_1189 = arith.index_cast %scan3A_1078 : i32 to index
      %swap3A_1190 = arith.constant 96 : index
      %swap3A_1191 = tpu.vector_load %arg13[%swap3A_1189, %swap3A_1190] {strides = array<i32>} : memref<32x128xf32, #tpu.memory_space<vmem>>, vector<1x16xf32>,
      %swap3A_1192 = vector.shape_cast %swap3A_1191 : vector<1x16xf32> to vector<16xf32>
      %swap3A_1193 = vector.shape_cast %select_n3A_1188 : vector<16xf32> to vector<1x16xf32>
      tpu.vector_store %arg13[%swap3A_1189, %swap3A_1190], %swap3A_1193 {strides = array<i32>} : memref<32x128xf32, #tpu.memory_space<vmem>>, vector<1x16xf32>,
      %get3A_1194 = arith.index_cast %scan3A_1078 : i32 to index
      %get3A_1195 = arith.constant 112 : index
      %get3A_1196 = tpu.vector_load %arg12[%get3A_1194, %get3A_1195] {strides = array<i32>} : memref<32x128xi32, #tpu.memory_space<vmem>>, vector<1x16xi32>,
      %get3A_1197 = vector.shape_cast %get3A_1196 : vector<1x16xi32> to vector<16xi32>
      %gt3A_1198 = arith.constant 1 : i32
      %gt3A_1199 = vector.broadcast %gt3A_1198 : i32 to vector<16xi32>
      %gt3A_1200 = arith.cmpi sgt, %get3A_1197, %gt3A_1199 : vector<16xi32>
      %jit3A_1201 = arith.constant 1.000000e+00 : f32
      %jit3A_1202 = arith.constant 0.000000e+00 : f32
      %broadcast_in_dim3A_1203 = vector.broadcast %jit3A_1201 : f32 to vector<16xf32>
      %broadcast_in_dim3A_1204 = vector.broadcast %jit3A_1202 : f32 to vector<16xf32>
      %select_n3A_1205 = arith.select %gt3A_1200, %broadcast_in_dim3A_1203, %broadcast_in_dim3A_1204 : vector<16xi1>, vector<16xf32>
      %swap3A_1206 = arith.index_cast %scan3A_1078 : i32 to index
      %swap3A_1207 = arith.constant 112 : index
      %swap3A_1208 = tpu.vector_load %arg13[%swap3A_1206, %swap3A_1207] {strides = array<i32>} : memref<32x128xf32, #tpu.memory_space<vmem>>, vector<1x16xf32>,
      %swap3A_1209 = vector.shape_cast %swap3A_1208 : vector<1x16xf32> to vector<16xf32>
      %swap3A_1210 = vector.shape_cast %select_n3A_1205 : vector<16xf32> to vector<1x16xf32>
      tpu.vector_store %arg13[%swap3A_1206, %swap3A_1207], %swap3A_1210 {strides = array<i32>} : memref<32x128xf32, #tpu.memory_space<vmem>>, vector<1x16xf32>,
    }
    %scan3A_646 = arith.constant 32 : i32
    %dma_start3A_647 = arith.constant 0 : i32
    %dma_start3A_648 = arith.constant 0 : i32
    %dma_start3A_649 = tpu.memref_slice %arg13[%dma_start3A_647, %dma_start3A_648] : memref<32x128xf32, #tpu.memory_space<vmem>> -> memref<32x128xf32, #tpu.memory_space<vmem>>
    %dma_start3A_650 = arith.constant 0 : i32
    %dma_start3A_651 = tpu.memref_slice %arg9[%mul3A_2, %dma_start3A_650] : memref<1024x128xf32, #tpu.memory_space<hbm>> -> memref<32x128xf32, #tpu.memory_space<hbm>>
    %dma_start3A_652 = arith.constant 0 : i32
    %dma_start3A_653 = tpu.memref_slice %arg9[%mul3A_2, %dma_start3A_652] : memref<1024x128xf32, #tpu.memory_space<hbm>> -> memref<32x128xf32, #tpu.memory_space<hbm>>
    %dma_start3A_654 = arith.constant 0 : i32
    %dma_start3A_655 = arith.constant 0 : i32
    %dma_start3A_656 = tpu.memref_slice %arg13[%dma_start3A_654, %dma_start3A_655] : memref<32x128xf32, #tpu.memory_space<vmem>> -> memref<32x128xf32, #tpu.memory_space<vmem>>
    tpu.enqueue_dma source(%dma_start3A_656 : memref<32x128xf32, #tpu.memory_space<vmem>>) target(%dma_start3A_653 : memref<32x128xf32, #tpu.memory_space<hbm>>) target_semaphore(%arg27 : memref<!tpu.dma_semaphore, #tpu.memory_space<semaphore_mem>>)
    %dma_wait3A = arith.constant 0 : i32
    %dma_wait3A_657 = arith.constant 0 : i32
    %dma_wait3A_658 = tpu.memref_slice %arg13[%dma_wait3A, %dma_wait3A_657] : memref<32x128xf32, #tpu.memory_space<vmem>> -> memref<32x128xf32, #tpu.memory_space<vmem>>
    %dma_wait3A_659 = arith.constant 0 : i32
    %dma_wait3A_660 = tpu.memref_slice %arg9[%mul3A_2, %dma_wait3A_659] : memref<1024x128xf32, #tpu.memory_space<hbm>> -> memref<32x128xf32, #tpu.memory_space<hbm>>
    %dma_wait3A_661 = arith.constant 0 : i32
    %dma_wait3A_662 = tpu.memref_slice %arg9[%mul3A_2, %dma_wait3A_661] : memref<1024x128xf32, #tpu.memory_space<hbm>> -> memref<32x128xf32, #tpu.memory_space<hbm>>
    %dma_wait3A_663 = arith.constant 0 : i32
    %dma_wait3A_664 = arith.constant 0 : i32
    %dma_wait3A_665 = tpu.memref_slice %arg13[%dma_wait3A_663, %dma_wait3A_664] : memref<32x128xf32, #tpu.memory_space<vmem>> -> memref<32x128xf32, #tpu.memory_space<vmem>>
    tpu.wait_dma2 semaphore(%arg27 : memref<!tpu.dma_semaphore, #tpu.memory_space<semaphore_mem>>) src(%dma_wait3A_665 : memref<32x128xf32, #tpu.memory_space<vmem>>) dst(%dma_wait3A_662 : memref<32x128xf32, #tpu.memory_space<hbm>>)
    %scan3A_666 = arith.constant 0 : i32
    %scan3A_667 = arith.constant 0 : i32
    %scan3A_668 = arith.constant 6 : i32
    %scan3A_669 = arith.addi %scan3A_667, %scan3A_668 : i32
    %scan3A_670 = arith.constant 1 : i32
    scf.for %scan3A_1078 = %scan3A_667 to %scan3A_669 step %scan3A_670  : i32 {
      %mul3A_1079 = arith.constant 6 : i32
      %mul3A_1080 = arith.muli %scan3A_1078, %mul3A_1079 : i32
      %add3A_1081 = arith.constant 0 : i32
      %add3A_1082 = arith.addi %mul3A_1080, %add3A_1081 : i32
      %lt3A = arith.constant 32 : i32
      %lt3A_1083 = arith.cmpi slt, %add3A_1082, %lt3A : i32
      %convert_element_type3A = arith.extui %lt3A_1083 : i1 to i32
      %cond3A = arith.constant 0 : i32
      %cond3A_1084 = arith.cmpi ne, %convert_element_type3A, %cond3A : i32
      scf.if %cond3A_1084 {
        %dma_wait3A_1130 = arith.constant 0 : i32
        %dma_wait3A_1131 = arith.constant 0 : i32
        %dma_wait3A_1132 = arith.constant 0 : i32
        %dma_wait3A_1133 = arith.constant 0 : i32
        %dma_wait3A_1134 = tpu.memref_slice %arg14[%dma_wait3A_1131, %dma_wait3A_1132, %dma_wait3A_1133] : memref<6x128x128xf32, #tpu.memory_space<vmem>> -> memref<1x64x128xf32, #tpu.memory_space<vmem>>
        %dma_wait3A_1135 = tpu.memref_squeeze %dma_wait3A_1134 : memref<1x64x128xf32, #tpu.memory_space<vmem>> -> memref<64x128xf32, #tpu.memory_space<vmem>>
        %dma_wait3A_1136 = arith.constant 0 : i32
        %dma_wait3A_1137 = tpu.memref_slice %arg12[%dma_wait3A_1130, %dma_wait3A_1136] : memref<32x128xi32, #tpu.memory_space<vmem>> -> memref<1x64xi32, #tpu.memory_space<vmem>>
        %dma_wait3A_1138 = tpu.memref_squeeze %dma_wait3A_1137 : memref<1x64xi32, #tpu.memory_space<vmem>> -> memref<64xi32, #tpu.memory_space<vmem>>
        %dma_wait3A_1139 = arith.constant 0 : i32
        %dma_wait3A_1140 = arith.constant 0 : i32
        %dma_wait3A_1141 = tpu.memref_slice %arg2[%dma_wait3A_1139, %dma_wait3A_1140] : memref<100000x128xf32, #tpu.memory_space<hbm>> -> memref<100000x128xf32, #tpu.memory_space<hbm>>
        tpu.wait_indirect_dma semaphore(%arg15 : memref<!tpu.dma_semaphore, #tpu.memory_space<semaphore_mem>>) src(%dma_wait3A_1141 : memref<100000x128xf32, #tpu.memory_space<hbm>>) dst(%dma_wait3A_1135 : memref<64x128xf32, #tpu.memory_space<vmem>>)
        %add3A_1142 = arith.addi %mul3A_2, %add3A_1082 : i32
        %mul3A_1143 = arith.constant 128 : i32
        %mul3A_1144 = arith.muli %add3A_1142, %mul3A_1143 : i32
        %dma_start3A_1145 = arith.constant 0 : i32
        %dma_start3A_1146 = arith.constant 0 : i32
        %dma_start3A_1147 = arith.constant 0 : i32
        %dma_start3A_1148 = tpu.memref_slice %arg14[%dma_start3A_1145, %dma_start3A_1146, %dma_start3A_1147] : memref<6x128x128xf32, #tpu.memory_space<vmem>> -> memref<1x128x128xf32, #tpu.memory_space<vmem>>
        %dma_start3A_1149 = tpu.memref_squeeze %dma_start3A_1148 : memref<1x128x128xf32, #tpu.memory_space<vmem>> -> memref<128x128xf32, #tpu.memory_space<vmem>>
        %dma_start3A_1150 = arith.constant 0 : i32
        %dma_start3A_1151 = tpu.memref_slice %arg6[%mul3A_1144, %dma_start3A_1150] : memref<131072x128xf32, #tpu.memory_space<hbm>> -> memref<128x128xf32, #tpu.memory_space<hbm>>
        %dma_start3A_1152 = arith.constant 0 : i32
        %dma_start3A_1153 = tpu.memref_slice %arg6[%mul3A_1144, %dma_start3A_1152] : memref<131072x128xf32, #tpu.memory_space<hbm>> -> memref<128x128xf32, #tpu.memory_space<hbm>>
        %dma_start3A_1154 = arith.constant 0 : i32
        %dma_start3A_1155 = arith.constant 0 : i32
        %dma_start3A_1156 = tpu.memref_slice %arg14[%dma_start3A_1145, %dma_start3A_1154, %dma_start3A_1155] : memref<6x128x128xf32, #tpu.memory_space<vmem>> -> memref<1x128x128xf32, #tpu.memory_space<vmem>>
        %dma_start3A_1157 = tpu.memref_squeeze %dma_start3A_1156 : memref<1x128x128xf32, #tpu.memory_space<vmem>> -> memref<128x128xf32, #tpu.memory_space<vmem>>
        tpu.enqueue_dma source(%dma_start3A_1157 : memref<128x128xf32, #tpu.memory_space<vmem>>) target(%dma_start3A_1153 : memref<128x128xf32, #tpu.memory_space<hbm>>) target_semaphore(%arg21 : memref<!tpu.dma_semaphore, #tpu.memory_space<semaphore_mem>>)
        %add3A_1158 = arith.constant 3 : i32
        %add3A_1159 = arith.addi %add3A_1082, %add3A_1158 : i32
        %lt3A_1160 = arith.constant 32 : i32
        %lt3A_1161 = arith.cmpi slt, %add3A_1159, %lt3A_1160 : i32
        %convert_element_type3A_1162 = arith.extui %lt3A_1161 : i1 to i32
        %cond3A_1163 = arith.constant 0 : i32
        %cond3A_1164 = arith.cmpi ne, %convert_element_type3A_1162, %cond3A_1163 : i32
        scf.if %cond3A_1164 {
          %ge3A = arith.constant 6 : i32
          %ge3A_1165 = arith.cmpi sge, %add3A_1159, %ge3A : i32
          %convert_element_type3A_1166 = arith.extui %ge3A_1165 : i1 to i32
          %cond3A_1167 = arith.constant 0 : i32
          %cond3A_1168 = arith.cmpi ne, %convert_element_type3A_1166, %cond3A_1167 : i32
          scf.if %cond3A_1168 {
            %dma_wait3A_1180 = arith.constant 3 : i32
            %dma_wait3A_1181 = arith.constant 0 : i32
            %dma_wait3A_1182 = arith.constant 0 : i32
            %dma_wait3A_1183 = tpu.memref_slice %arg14[%dma_wait3A_1180, %dma_wait3A_1181, %dma_wait3A_1182] : memref<6x128x128xf32, #tpu.memory_space<vmem>> -> memref<1x128x128xf32, #tpu.memory_space<vmem>>
            %dma_wait3A_1184 = tpu.memref_squeeze %dma_wait3A_1183 : memref<1x128x128xf32, #tpu.memory_space<vmem>> -> memref<128x128xf32, #tpu.memory_space<vmem>>
            %dma_wait3A_1185 = arith.constant 0 : i32
            %dma_wait3A_1186 = arith.constant 0 : i32
            %dma_wait3A_1187 = tpu.memref_slice %arg6[%dma_wait3A_1185, %dma_wait3A_1186] : memref<131072x128xf32, #tpu.memory_space<hbm>> -> memref<128x128xf32, #tpu.memory_space<hbm>>
            %dma_wait3A_1188 = arith.constant 0 : i32
            %dma_wait3A_1189 = arith.constant 0 : i32
            %dma_wait3A_1190 = tpu.memref_slice %arg6[%dma_wait3A_1188, %dma_wait3A_1189] : memref<131072x128xf32, #tpu.memory_space<hbm>> -> memref<128x128xf32, #tpu.memory_space<hbm>>
            %dma_wait3A_1191 = arith.constant 0 : i32
            %dma_wait3A_1192 = arith.constant 0 : i32
            %dma_wait3A_1193 = tpu.memref_slice %arg14[%dma_wait3A_1180, %dma_wait3A_1191, %dma_wait3A_1192] : memref<6x128x128xf32, #tpu.memory_space<vmem>> -> memref<1x128x128xf32, #tpu.memory_space<vmem>>
            %dma_wait3A_1194 = tpu.memref_squeeze %dma_wait3A_1193 : memref<1x128x128xf32, #tpu.memory_space<vmem>> -> memref<128x128xf32, #tpu.memory_space<vmem>>
            tpu.wait_dma2 semaphore(%arg24 : memref<!tpu.dma_semaphore, #tpu.memory_space<semaphore_mem>>) src(%dma_wait3A_1194 : memref<128x128xf32, #tpu.memory_space<vmem>>) dst(%dma_wait3A_1190 : memref<128x128xf32, #tpu.memory_space<hbm>>)
          } else {
          }
          %dma_start3A_1169 = arith.constant 3 : i32
          %dma_start3A_1170 = arith.constant 0 : i32
          %dma_start3A_1171 = arith.constant 0 : i32
          %dma_start3A_1172 = tpu.memref_slice %arg14[%dma_start3A_1169, %dma_start3A_1170, %dma_start3A_1171] : memref<6x128x128xf32, #tpu.memory_space<vmem>> -> memref<1x64x128xf32, #tpu.memory_space<vmem>>
          %dma_start3A_1173 = tpu.memref_squeeze %dma_start3A_1172 : memref<1x64x128xf32, #tpu.memory_space<vmem>> -> memref<64x128xf32, #tpu.memory_space<vmem>>
          %dma_start3A_1174 = arith.constant 0 : i32
          %dma_start3A_1175 = tpu.memref_slice %arg12[%add3A_1159, %dma_start3A_1174] : memref<32x128xi32, #tpu.memory_space<vmem>> -> memref<1x64xi32, #tpu.memory_space<vmem>>
          %dma_start3A_1176 = tpu.memref_squeeze %dma_start3A_1175 : memref<1x64xi32, #tpu.memory_space<vmem>> -> memref<64xi32, #tpu.memory_space<vmem>>
          %dma_start3A_1177 = arith.constant 0 : i32
          %dma_start3A_1178 = arith.constant 0 : i32
          %dma_start3A_1179 = tpu.memref_slice %arg2[%dma_start3A_1177, %dma_start3A_1178] : memref<100000x128xf32, #tpu.memory_space<hbm>> -> memref<100000x128xf32, #tpu.memory_space<hbm>>
          tpu.enqueue_indirect_dma source(%dma_start3A_1179 : memref<100000x128xf32, #tpu.memory_space<hbm>>) target(%dma_start3A_1173 : memref<64x128xf32, #tpu.memory_space<vmem>>) offsets(%dma_start3A_1176 : memref<64xi32, #tpu.memory_space<vmem>>) semaphore(%arg18 : memref<!tpu.dma_semaphore, #tpu.memory_space<semaphore_mem>>)
        } else {
        }
      } else {
      }
      %mul3A_1085 = arith.constant 6 : i32
      %mul3A_1086 = arith.muli %scan3A_1078, %mul3A_1085 : i32
      %add3A_1087 = arith.constant 1 : i32
      %add3A_1088 = arith.addi %mul3A_1086, %add3A_1087 : i32
      %lt3A_1089 = arith.constant 32 : i32
      %lt3A_1090 = arith.cmpi slt, %add3A_1088, %lt3A_1089 : i32
      %convert_element_type3A_1091 = arith.extui %lt3A_1090 : i1 to i32
      %cond3A_1092 = arith.constant 0 : i32
      %cond3A_1093 = arith.cmpi ne, %convert_element_type3A_1091, %cond3A_1092 : i32
      scf.if %cond3A_1093 {
        %dma_wait3A_1130 = arith.constant 0 : i32
        %dma_wait3A_1131 = arith.constant 1 : i32
        %dma_wait3A_1132 = arith.constant 0 : i32
        %dma_wait3A_1133 = arith.constant 0 : i32
        %dma_wait3A_1134 = tpu.memref_slice %arg14[%dma_wait3A_1131, %dma_wait3A_1132, %dma_wait3A_1133] : memref<6x128x128xf32, #tpu.memory_space<vmem>> -> memref<1x64x128xf32, #tpu.memory_space<vmem>>
        %dma_wait3A_1135 = tpu.memref_squeeze %dma_wait3A_1134 : memref<1x64x128xf32, #tpu.memory_space<vmem>> -> memref<64x128xf32, #tpu.memory_space<vmem>>
        %dma_wait3A_1136 = arith.constant 0 : i32
        %dma_wait3A_1137 = tpu.memref_slice %arg12[%dma_wait3A_1130, %dma_wait3A_1136] : memref<32x128xi32, #tpu.memory_space<vmem>> -> memref<1x64xi32, #tpu.memory_space<vmem>>
        %dma_wait3A_1138 = tpu.memref_squeeze %dma_wait3A_1137 : memref<1x64xi32, #tpu.memory_space<vmem>> -> memref<64xi32, #tpu.memory_space<vmem>>
        %dma_wait3A_1139 = arith.constant 0 : i32
        %dma_wait3A_1140 = arith.constant 0 : i32
        %dma_wait3A_1141 = tpu.memref_slice %arg2[%dma_wait3A_1139, %dma_wait3A_1140] : memref<100000x128xf32, #tpu.memory_space<hbm>> -> memref<100000x128xf32, #tpu.memory_space<hbm>>
        tpu.wait_indirect_dma semaphore(%arg16 : memref<!tpu.dma_semaphore, #tpu.memory_space<semaphore_mem>>) src(%dma_wait3A_1141 : memref<100000x128xf32, #tpu.memory_space<hbm>>) dst(%dma_wait3A_1135 : memref<64x128xf32, #tpu.memory_space<vmem>>)
        %add3A_1142 = arith.addi %mul3A_2, %add3A_1088 : i32
        %mul3A_1143 = arith.constant 128 : i32
        %mul3A_1144 = arith.muli %add3A_1142, %mul3A_1143 : i32
        %dma_start3A_1145 = arith.constant 1 : i32
        %dma_start3A_1146 = arith.constant 0 : i32
        %dma_start3A_1147 = arith.constant 0 : i32
        %dma_start3A_1148 = tpu.memref_slice %arg14[%dma_start3A_1145, %dma_start3A_1146, %dma_start3A_1147] : memref<6x128x128xf32, #tpu.memory_space<vmem>> -> memref<1x128x128xf32, #tpu.memory_space<vmem>>
        %dma_start3A_1149 = tpu.memref_squeeze %dma_start3A_1148 : memref<1x128x128xf32, #tpu.memory_space<vmem>> -> memref<128x128xf32, #tpu.memory_space<vmem>>
        %dma_start3A_1150 = arith.constant 0 : i32
        %dma_start3A_1151 = tpu.memref_slice %arg6[%mul3A_1144, %dma_start3A_1150] : memref<131072x128xf32, #tpu.memory_space<hbm>> -> memref<128x128xf32, #tpu.memory_space<hbm>>
        %dma_start3A_1152 = arith.constant 0 : i32
        %dma_start3A_1153 = tpu.memref_slice %arg6[%mul3A_1144, %dma_start3A_1152] : memref<131072x128xf32, #tpu.memory_space<hbm>> -> memref<128x128xf32, #tpu.memory_space<hbm>>
        %dma_start3A_1154 = arith.constant 0 : i32
        %dma_start3A_1155 = arith.constant 0 : i32
        %dma_start3A_1156 = tpu.memref_slice %arg14[%dma_start3A_1145, %dma_start3A_1154, %dma_start3A_1155] : memref<6x128x128xf32, #tpu.memory_space<vmem>> -> memref<1x128x128xf32, #tpu.memory_space<vmem>>
        %dma_start3A_1157 = tpu.memref_squeeze %dma_start3A_1156 : memref<1x128x128xf32, #tpu.memory_space<vmem>> -> memref<128x128xf32, #tpu.memory_space<vmem>>
        tpu.enqueue_dma source(%dma_start3A_1157 : memref<128x128xf32, #tpu.memory_space<vmem>>) target(%dma_start3A_1153 : memref<128x128xf32, #tpu.memory_space<hbm>>) target_semaphore(%arg22 : memref<!tpu.dma_semaphore, #tpu.memory_space<semaphore_mem>>)
        %add3A_1158 = arith.constant 3 : i32
        %add3A_1159 = arith.addi %add3A_1088, %add3A_1158 : i32
        %lt3A_1160 = arith.constant 32 : i32
        %lt3A_1161 = arith.cmpi slt, %add3A_1159, %lt3A_1160 : i32
        %convert_element_type3A_1162 = arith.extui %lt3A_1161 : i1 to i32
        %cond3A_1163 = arith.constant 0 : i32
        %cond3A_1164 = arith.cmpi ne, %convert_element_type3A_1162, %cond3A_1163 : i32
        scf.if %cond3A_1164 {
          %ge3A = arith.constant 6 : i32
          %ge3A_1165 = arith.cmpi sge, %add3A_1159, %ge3A : i32
          %convert_element_type3A_1166 = arith.extui %ge3A_1165 : i1 to i32
          %cond3A_1167 = arith.constant 0 : i32
          %cond3A_1168 = arith.cmpi ne, %convert_element_type3A_1166, %cond3A_1167 : i32
          scf.if %cond3A_1168 {
            %dma_wait3A_1180 = arith.constant 4 : i32
            %dma_wait3A_1181 = arith.constant 0 : i32
            %dma_wait3A_1182 = arith.constant 0 : i32
            %dma_wait3A_1183 = tpu.memref_slice %arg14[%dma_wait3A_1180, %dma_wait3A_1181, %dma_wait3A_1182] : memref<6x128x128xf32, #tpu.memory_space<vmem>> -> memref<1x128x128xf32, #tpu.memory_space<vmem>>
            %dma_wait3A_1184 = tpu.memref_squeeze %dma_wait3A_1183 : memref<1x128x128xf32, #tpu.memory_space<vmem>> -> memref<128x128xf32, #tpu.memory_space<vmem>>
            %dma_wait3A_1185 = arith.constant 0 : i32
            %dma_wait3A_1186 = arith.constant 0 : i32
            %dma_wait3A_1187 = tpu.memref_slice %arg6[%dma_wait3A_1185, %dma_wait3A_1186] : memref<131072x128xf32, #tpu.memory_space<hbm>> -> memref<128x128xf32, #tpu.memory_space<hbm>>
            %dma_wait3A_1188 = arith.constant 0 : i32
            %dma_wait3A_1189 = arith.constant 0 : i32
            %dma_wait3A_1190 = tpu.memref_slice %arg6[%dma_wait3A_1188, %dma_wait3A_1189] : memref<131072x128xf32, #tpu.memory_space<hbm>> -> memref<128x128xf32, #tpu.memory_space<hbm>>
            %dma_wait3A_1191 = arith.constant 0 : i32
            %dma_wait3A_1192 = arith.constant 0 : i32
            %dma_wait3A_1193 = tpu.memref_slice %arg14[%dma_wait3A_1180, %dma_wait3A_1191, %dma_wait3A_1192] : memref<6x128x128xf32, #tpu.memory_space<vmem>> -> memref<1x128x128xf32, #tpu.memory_space<vmem>>
            %dma_wait3A_1194 = tpu.memref_squeeze %dma_wait3A_1193 : memref<1x128x128xf32, #tpu.memory_space<vmem>> -> memref<128x128xf32, #tpu.memory_space<vmem>>
            tpu.wait_dma2 semaphore(%arg25 : memref<!tpu.dma_semaphore, #tpu.memory_space<semaphore_mem>>) src(%dma_wait3A_1194 : memref<128x128xf32, #tpu.memory_space<vmem>>) dst(%dma_wait3A_1190 : memref<128x128xf32, #tpu.memory_space<hbm>>)
          } else {
          }
          %dma_start3A_1169 = arith.constant 4 : i32
          %dma_start3A_1170 = arith.constant 0 : i32
          %dma_start3A_1171 = arith.constant 0 : i32
          %dma_start3A_1172 = tpu.memref_slice %arg14[%dma_start3A_1169, %dma_start3A_1170, %dma_start3A_1171] : memref<6x128x128xf32, #tpu.memory_space<vmem>> -> memref<1x64x128xf32, #tpu.memory_space<vmem>>
          %dma_start3A_1173 = tpu.memref_squeeze %dma_start3A_1172 : memref<1x64x128xf32, #tpu.memory_space<vmem>> -> memref<64x128xf32, #tpu.memory_space<vmem>>
          %dma_start3A_1174 = arith.constant 0 : i32
          %dma_start3A_1175 = tpu.memref_slice %arg12[%add3A_1159, %dma_start3A_1174] : memref<32x128xi32, #tpu.memory_space<vmem>> -> memref<1x64xi32, #tpu.memory_space<vmem>>
          %dma_start3A_1176 = tpu.memref_squeeze %dma_start3A_1175 : memref<1x64xi32, #tpu.memory_space<vmem>> -> memref<64xi32, #tpu.memory_space<vmem>>
          %dma_start3A_1177 = arith.constant 0 : i32
          %dma_start3A_1178 = arith.constant 0 : i32
          %dma_start3A_1179 = tpu.memref_slice %arg2[%dma_start3A_1177, %dma_start3A_1178] : memref<100000x128xf32, #tpu.memory_space<hbm>> -> memref<100000x128xf32, #tpu.memory_space<hbm>>
          tpu.enqueue_indirect_dma source(%dma_start3A_1179 : memref<100000x128xf32, #tpu.memory_space<hbm>>) target(%dma_start3A_1173 : memref<64x128xf32, #tpu.memory_space<vmem>>) offsets(%dma_start3A_1176 : memref<64xi32, #tpu.memory_space<vmem>>) semaphore(%arg19 : memref<!tpu.dma_semaphore, #tpu.memory_space<semaphore_mem>>)
        } else {
        }
      } else {
      }
      %mul3A_1094 = arith.constant 6 : i32
      %mul3A_1095 = arith.muli %scan3A_1078, %mul3A_1094 : i32
      %add3A_1096 = arith.constant 2 : i32
      %add3A_1097 = arith.addi %mul3A_1095, %add3A_1096 : i32
      %lt3A_1098 = arith.constant 32 : i32
      %lt3A_1099 = arith.cmpi slt, %add3A_1097, %lt3A_1098 : i32
      %convert_element_type3A_1100 = arith.extui %lt3A_1099 : i1 to i32
      %cond3A_1101 = arith.constant 0 : i32
      %cond3A_1102 = arith.cmpi ne, %convert_element_type3A_1100, %cond3A_1101 : i32
      scf.if %cond3A_1102 {
        %dma_wait3A_1130 = arith.constant 0 : i32
        %dma_wait3A_1131 = arith.constant 2 : i32
        %dma_wait3A_1132 = arith.constant 0 : i32
        %dma_wait3A_1133 = arith.constant 0 : i32
        %dma_wait3A_1134 = tpu.memref_slice %arg14[%dma_wait3A_1131, %dma_wait3A_1132, %dma_wait3A_1133] : memref<6x128x128xf32, #tpu.memory_space<vmem>> -> memref<1x64x128xf32, #tpu.memory_space<vmem>>
        %dma_wait3A_1135 = tpu.memref_squeeze %dma_wait3A_1134 : memref<1x64x128xf32, #tpu.memory_space<vmem>> -> memref<64x128xf32, #tpu.memory_space<vmem>>
        %dma_wait3A_1136 = arith.constant 0 : i32
        %dma_wait3A_1137 = tpu.memref_slice %arg12[%dma_wait3A_1130, %dma_wait3A_1136] : memref<32x128xi32, #tpu.memory_space<vmem>> -> memref<1x64xi32, #tpu.memory_space<vmem>>
        %dma_wait3A_1138 = tpu.memref_squeeze %dma_wait3A_1137 : memref<1x64xi32, #tpu.memory_space<vmem>> -> memref<64xi32, #tpu.memory_space<vmem>>
        %dma_wait3A_1139 = arith.constant 0 : i32
        %dma_wait3A_1140 = arith.constant 0 : i32
        %dma_wait3A_1141 = tpu.memref_slice %arg2[%dma_wait3A_1139, %dma_wait3A_1140] : memref<100000x128xf32, #tpu.memory_space<hbm>> -> memref<100000x128xf32, #tpu.memory_space<hbm>>
        tpu.wait_indirect_dma semaphore(%arg17 : memref<!tpu.dma_semaphore, #tpu.memory_space<semaphore_mem>>) src(%dma_wait3A_1141 : memref<100000x128xf32, #tpu.memory_space<hbm>>) dst(%dma_wait3A_1135 : memref<64x128xf32, #tpu.memory_space<vmem>>)
        %add3A_1142 = arith.addi %mul3A_2, %add3A_1097 : i32
        %mul3A_1143 = arith.constant 128 : i32
        %mul3A_1144 = arith.muli %add3A_1142, %mul3A_1143 : i32
        %dma_start3A_1145 = arith.constant 2 : i32
        %dma_start3A_1146 = arith.constant 0 : i32
        %dma_start3A_1147 = arith.constant 0 : i32
        %dma_start3A_1148 = tpu.memref_slice %arg14[%dma_start3A_1145, %dma_start3A_1146, %dma_start3A_1147] : memref<6x128x128xf32, #tpu.memory_space<vmem>> -> memref<1x128x128xf32, #tpu.memory_space<vmem>>
        %dma_start3A_1149 = tpu.memref_squeeze %dma_start3A_1148 : memref<1x128x128xf32, #tpu.memory_space<vmem>> -> memref<128x128xf32, #tpu.memory_space<vmem>>
        %dma_start3A_1150 = arith.constant 0 : i32
        %dma_start3A_1151 = tpu.memref_slice %arg6[%mul3A_1144, %dma_start3A_1150] : memref<131072x128xf32, #tpu.memory_space<hbm>> -> memref<128x128xf32, #tpu.memory_space<hbm>>
        %dma_start3A_1152 = arith.constant 0 : i32
        %dma_start3A_1153 = tpu.memref_slice %arg6[%mul3A_1144, %dma_start3A_1152] : memref<131072x128xf32, #tpu.memory_space<hbm>> -> memref<128x128xf32, #tpu.memory_space<hbm>>
        %dma_start3A_1154 = arith.constant 0 : i32
        %dma_start3A_1155 = arith.constant 0 : i32
        %dma_start3A_1156 = tpu.memref_slice %arg14[%dma_start3A_1145, %dma_start3A_1154, %dma_start3A_1155] : memref<6x128x128xf32, #tpu.memory_space<vmem>> -> memref<1x128x128xf32, #tpu.memory_space<vmem>>
        %dma_start3A_1157 = tpu.memref_squeeze %dma_start3A_1156 : memref<1x128x128xf32, #tpu.memory_space<vmem>> -> memref<128x128xf32, #tpu.memory_space<vmem>>
        tpu.enqueue_dma source(%dma_start3A_1157 : memref<128x128xf32, #tpu.memory_space<vmem>>) target(%dma_start3A_1153 : memref<128x128xf32, #tpu.memory_space<hbm>>) target_semaphore(%arg23 : memref<!tpu.dma_semaphore, #tpu.memory_space<semaphore_mem>>)
        %add3A_1158 = arith.constant 3 : i32
        %add3A_1159 = arith.addi %add3A_1097, %add3A_1158 : i32
        %lt3A_1160 = arith.constant 32 : i32
        %lt3A_1161 = arith.cmpi slt, %add3A_1159, %lt3A_1160 : i32
        %convert_element_type3A_1162 = arith.extui %lt3A_1161 : i1 to i32
        %cond3A_1163 = arith.constant 0 : i32
        %cond3A_1164 = arith.cmpi ne, %convert_element_type3A_1162, %cond3A_1163 : i32
        scf.if %cond3A_1164 {
          %ge3A = arith.constant 6 : i32
          %ge3A_1165 = arith.cmpi sge, %add3A_1159, %ge3A : i32
          %convert_element_type3A_1166 = arith.extui %ge3A_1165 : i1 to i32
          %cond3A_1167 = arith.constant 0 : i32
          %cond3A_1168 = arith.cmpi ne, %convert_element_type3A_1166, %cond3A_1167 : i32
          scf.if %cond3A_1168 {
            %dma_wait3A_1180 = arith.constant 5 : i32
            %dma_wait3A_1181 = arith.constant 0 : i32
            %dma_wait3A_1182 = arith.constant 0 : i32
            %dma_wait3A_1183 = tpu.memref_slice %arg14[%dma_wait3A_1180, %dma_wait3A_1181, %dma_wait3A_1182] : memref<6x128x128xf32, #tpu.memory_space<vmem>> -> memref<1x128x128xf32, #tpu.memory_space<vmem>>
            %dma_wait3A_1184 = tpu.memref_squeeze %dma_wait3A_1183 : memref<1x128x128xf32, #tpu.memory_space<vmem>> -> memref<128x128xf32, #tpu.memory_space<vmem>>
            %dma_wait3A_1185 = arith.constant 0 : i32
            %dma_wait3A_1186 = arith.constant 0 : i32
            %dma_wait3A_1187 = tpu.memref_slice %arg6[%dma_wait3A_1185, %dma_wait3A_1186] : memref<131072x128xf32, #tpu.memory_space<hbm>> -> memref<128x128xf32, #tpu.memory_space<hbm>>
            %dma_wait3A_1188 = arith.constant 0 : i32
            %dma_wait3A_1189 = arith.constant 0 : i32
            %dma_wait3A_1190 = tpu.memref_slice %arg6[%dma_wait3A_1188, %dma_wait3A_1189] : memref<131072x128xf32, #tpu.memory_space<hbm>> -> memref<128x128xf32, #tpu.memory_space<hbm>>
            %dma_wait3A_1191 = arith.constant 0 : i32
            %dma_wait3A_1192 = arith.constant 0 : i32
            %dma_wait3A_1193 = tpu.memref_slice %arg14[%dma_wait3A_1180, %dma_wait3A_1191, %dma_wait3A_1192] : memref<6x128x128xf32, #tpu.memory_space<vmem>> -> memref<1x128x128xf32, #tpu.memory_space<vmem>>
            %dma_wait3A_1194 = tpu.memref_squeeze %dma_wait3A_1193 : memref<1x128x128xf32, #tpu.memory_space<vmem>> -> memref<128x128xf32, #tpu.memory_space<vmem>>
            tpu.wait_dma2 semaphore(%arg26 : memref<!tpu.dma_semaphore, #tpu.memory_space<semaphore_mem>>) src(%dma_wait3A_1194 : memref<128x128xf32, #tpu.memory_space<vmem>>) dst(%dma_wait3A_1190 : memref<128x128xf32, #tpu.memory_space<hbm>>)
          } else {
          }
          %dma_start3A_1169 = arith.constant 5 : i32
          %dma_start3A_1170 = arith.constant 0 : i32
          %dma_start3A_1171 = arith.constant 0 : i32
          %dma_start3A_1172 = tpu.memref_slice %arg14[%dma_start3A_1169, %dma_start3A_1170, %dma_start3A_1171] : memref<6x128x128xf32, #tpu.memory_space<vmem>> -> memref<1x64x128xf32, #tpu.memory_space<vmem>>
          %dma_start3A_1173 = tpu.memref_squeeze %dma_start3A_1172 : memref<1x64x128xf32, #tpu.memory_space<vmem>> -> memref<64x128xf32, #tpu.memory_space<vmem>>
          %dma_start3A_1174 = arith.constant 0 : i32
          %dma_start3A_1175 = tpu.memref_slice %arg12[%add3A_1159, %dma_start3A_1174] : memref<32x128xi32, #tpu.memory_space<vmem>> -> memref<1x64xi32, #tpu.memory_space<vmem>>
          %dma_start3A_1176 = tpu.memref_squeeze %dma_start3A_1175 : memref<1x64xi32, #tpu.memory_space<vmem>> -> memref<64xi32, #tpu.memory_space<vmem>>
          %dma_start3A_1177 = arith.constant 0 : i32
          %dma_start3A_1178 = arith.constant 0 : i32
          %dma_start3A_1179 = tpu.memref_slice %arg2[%dma_start3A_1177, %dma_start3A_1178] : memref<100000x128xf32, #tpu.memory_space<hbm>> -> memref<100000x128xf32, #tpu.memory_space<hbm>>
          tpu.enqueue_indirect_dma source(%dma_start3A_1179 : memref<100000x128xf32, #tpu.memory_space<hbm>>) target(%dma_start3A_1173 : memref<64x128xf32, #tpu.memory_space<vmem>>) offsets(%dma_start3A_1176 : memref<64xi32, #tpu.memory_space<vmem>>) semaphore(%arg20 : memref<!tpu.dma_semaphore, #tpu.memory_space<semaphore_mem>>)
        } else {
        }
      } else {
      }
      %mul3A_1103 = arith.constant 6 : i32
      %mul3A_1104 = arith.muli %scan3A_1078, %mul3A_1103 : i32
      %add3A_1105 = arith.constant 3 : i32
      %add3A_1106 = arith.addi %mul3A_1104, %add3A_1105 : i32
      %lt3A_1107 = arith.constant 32 : i32
      %lt3A_1108 = arith.cmpi slt, %add3A_1106, %lt3A_1107 : i32
      %convert_element_type3A_1109 = arith.extui %lt3A_1108 : i1 to i32
      %cond3A_1110 = arith.constant 0 : i32
      %cond3A_1111 = arith.cmpi ne, %convert_element_type3A_1109, %cond3A_1110 : i32
      scf.if %cond3A_1111 {
        %dma_wait3A_1130 = arith.constant 0 : i32
        %dma_wait3A_1131 = arith.constant 3 : i32
        %dma_wait3A_1132 = arith.constant 0 : i32
        %dma_wait3A_1133 = arith.constant 0 : i32
        %dma_wait3A_1134 = tpu.memref_slice %arg14[%dma_wait3A_1131, %dma_wait3A_1132, %dma_wait3A_1133] : memref<6x128x128xf32, #tpu.memory_space<vmem>> -> memref<1x64x128xf32, #tpu.memory_space<vmem>>
        %dma_wait3A_1135 = tpu.memref_squeeze %dma_wait3A_1134 : memref<1x64x128xf32, #tpu.memory_space<vmem>> -> memref<64x128xf32, #tpu.memory_space<vmem>>
        %dma_wait3A_1136 = arith.constant 0 : i32
        %dma_wait3A_1137 = tpu.memref_slice %arg12[%dma_wait3A_1130, %dma_wait3A_1136] : memref<32x128xi32, #tpu.memory_space<vmem>> -> memref<1x64xi32, #tpu.memory_space<vmem>>
        %dma_wait3A_1138 = tpu.memref_squeeze %dma_wait3A_1137 : memref<1x64xi32, #tpu.memory_space<vmem>> -> memref<64xi32, #tpu.memory_space<vmem>>
        %dma_wait3A_1139 = arith.constant 0 : i32
        %dma_wait3A_1140 = arith.constant 0 : i32
        %dma_wait3A_1141 = tpu.memref_slice %arg2[%dma_wait3A_1139, %dma_wait3A_1140] : memref<100000x128xf32, #tpu.memory_space<hbm>> -> memref<100000x128xf32, #tpu.memory_space<hbm>>
        tpu.wait_indirect_dma semaphore(%arg18 : memref<!tpu.dma_semaphore, #tpu.memory_space<semaphore_mem>>) src(%dma_wait3A_1141 : memref<100000x128xf32, #tpu.memory_space<hbm>>) dst(%dma_wait3A_1135 : memref<64x128xf32, #tpu.memory_space<vmem>>)
        %add3A_1142 = arith.addi %mul3A_2, %add3A_1106 : i32
        %mul3A_1143 = arith.constant 128 : i32
        %mul3A_1144 = arith.muli %add3A_1142, %mul3A_1143 : i32
        %dma_start3A_1145 = arith.constant 3 : i32
        %dma_start3A_1146 = arith.constant 0 : i32
        %dma_start3A_1147 = arith.constant 0 : i32
        %dma_start3A_1148 = tpu.memref_slice %arg14[%dma_start3A_1145, %dma_start3A_1146, %dma_start3A_1147] : memref<6x128x128xf32, #tpu.memory_space<vmem>> -> memref<1x128x128xf32, #tpu.memory_space<vmem>>
        %dma_start3A_1149 = tpu.memref_squeeze %dma_start3A_1148 : memref<1x128x128xf32, #tpu.memory_space<vmem>> -> memref<128x128xf32, #tpu.memory_space<vmem>>
        %dma_start3A_1150 = arith.constant 0 : i32
        %dma_start3A_1151 = tpu.memref_slice %arg6[%mul3A_1144, %dma_start3A_1150] : memref<131072x128xf32, #tpu.memory_space<hbm>> -> memref<128x128xf32, #tpu.memory_space<hbm>>
        %dma_start3A_1152 = arith.constant 0 : i32
        %dma_start3A_1153 = tpu.memref_slice %arg6[%mul3A_1144, %dma_start3A_1152] : memref<131072x128xf32, #tpu.memory_space<hbm>> -> memref<128x128xf32, #tpu.memory_space<hbm>>
        %dma_start3A_1154 = arith.constant 0 : i32
        %dma_start3A_1155 = arith.constant 0 : i32
        %dma_start3A_1156 = tpu.memref_slice %arg14[%dma_start3A_1145, %dma_start3A_1154, %dma_start3A_1155] : memref<6x128x128xf32, #tpu.memory_space<vmem>> -> memref<1x128x128xf32, #tpu.memory_space<vmem>>
        %dma_start3A_1157 = tpu.memref_squeeze %dma_start3A_1156 : memref<1x128x128xf32, #tpu.memory_space<vmem>> -> memref<128x128xf32, #tpu.memory_space<vmem>>
        tpu.enqueue_dma source(%dma_start3A_1157 : memref<128x128xf32, #tpu.memory_space<vmem>>) target(%dma_start3A_1153 : memref<128x128xf32, #tpu.memory_space<hbm>>) target_semaphore(%arg24 : memref<!tpu.dma_semaphore, #tpu.memory_space<semaphore_mem>>)
        %add3A_1158 = arith.constant 3 : i32
        %add3A_1159 = arith.addi %add3A_1106, %add3A_1158 : i32
        %lt3A_1160 = arith.constant 32 : i32
        %lt3A_1161 = arith.cmpi slt, %add3A_1159, %lt3A_1160 : i32
        %convert_element_type3A_1162 = arith.extui %lt3A_1161 : i1 to i32
        %cond3A_1163 = arith.constant 0 : i32
        %cond3A_1164 = arith.cmpi ne, %convert_element_type3A_1162, %cond3A_1163 : i32
        scf.if %cond3A_1164 {
          %ge3A = arith.constant 6 : i32
          %ge3A_1165 = arith.cmpi sge, %add3A_1159, %ge3A : i32
          %convert_element_type3A_1166 = arith.extui %ge3A_1165 : i1 to i32
          %cond3A_1167 = arith.constant 0 : i32
          %cond3A_1168 = arith.cmpi ne, %convert_element_type3A_1166, %cond3A_1167 : i32
          scf.if %cond3A_1168 {
            %dma_wait3A_1180 = arith.constant 0 : i32
            %dma_wait3A_1181 = arith.constant 0 : i32
            %dma_wait3A_1182 = arith.constant 0 : i32
            %dma_wait3A_1183 = tpu.memref_slice %arg14[%dma_wait3A_1180, %dma_wait3A_1181, %dma_wait3A_1182] : memref<6x128x128xf32, #tpu.memory_space<vmem>> -> memref<1x128x128xf32, #tpu.memory_space<vmem>>
            %dma_wait3A_1184 = tpu.memref_squeeze %dma_wait3A_1183 : memref<1x128x128xf32, #tpu.memory_space<vmem>> -> memref<128x128xf32, #tpu.memory_space<vmem>>
            %dma_wait3A_1185 = arith.constant 0 : i32
            %dma_wait3A_1186 = arith.constant 0 : i32
            %dma_wait3A_1187 = tpu.memref_slice %arg6[%dma_wait3A_1185, %dma_wait3A_1186] : memref<131072x128xf32, #tpu.memory_space<hbm>> -> memref<128x128xf32, #tpu.memory_space<hbm>>
            %dma_wait3A_1188 = arith.constant 0 : i32
            %dma_wait3A_1189 = arith.constant 0 : i32
            %dma_wait3A_1190 = tpu.memref_slice %arg6[%dma_wait3A_1188, %dma_wait3A_1189] : memref<131072x128xf32, #tpu.memory_space<hbm>> -> memref<128x128xf32, #tpu.memory_space<hbm>>
            %dma_wait3A_1191 = arith.constant 0 : i32
            %dma_wait3A_1192 = arith.constant 0 : i32
            %dma_wait3A_1193 = tpu.memref_slice %arg14[%dma_wait3A_1180, %dma_wait3A_1191, %dma_wait3A_1192] : memref<6x128x128xf32, #tpu.memory_space<vmem>> -> memref<1x128x128xf32, #tpu.memory_space<vmem>>
            %dma_wait3A_1194 = tpu.memref_squeeze %dma_wait3A_1193 : memref<1x128x128xf32, #tpu.memory_space<vmem>> -> memref<128x128xf32, #tpu.memory_space<vmem>>
            tpu.wait_dma2 semaphore(%arg21 : memref<!tpu.dma_semaphore, #tpu.memory_space<semaphore_mem>>) src(%dma_wait3A_1194 : memref<128x128xf32, #tpu.memory_space<vmem>>) dst(%dma_wait3A_1190 : memref<128x128xf32, #tpu.memory_space<hbm>>)
          } else {
          }
          %dma_start3A_1169 = arith.constant 0 : i32
          %dma_start3A_1170 = arith.constant 0 : i32
          %dma_start3A_1171 = arith.constant 0 : i32
          %dma_start3A_1172 = tpu.memref_slice %arg14[%dma_start3A_1169, %dma_start3A_1170, %dma_start3A_1171] : memref<6x128x128xf32, #tpu.memory_space<vmem>> -> memref<1x64x128xf32, #tpu.memory_space<vmem>>
          %dma_start3A_1173 = tpu.memref_squeeze %dma_start3A_1172 : memref<1x64x128xf32, #tpu.memory_space<vmem>> -> memref<64x128xf32, #tpu.memory_space<vmem>>
          %dma_start3A_1174 = arith.constant 0 : i32
          %dma_start3A_1175 = tpu.memref_slice %arg12[%add3A_1159, %dma_start3A_1174] : memref<32x128xi32, #tpu.memory_space<vmem>> -> memref<1x64xi32, #tpu.memory_space<vmem>>
          %dma_start3A_1176 = tpu.memref_squeeze %dma_start3A_1175 : memref<1x64xi32, #tpu.memory_space<vmem>> -> memref<64xi32, #tpu.memory_space<vmem>>
          %dma_start3A_1177 = arith.constant 0 : i32
          %dma_start3A_1178 = arith.constant 0 : i32
          %dma_start3A_1179 = tpu.memref_slice %arg2[%dma_start3A_1177, %dma_start3A_1178] : memref<100000x128xf32, #tpu.memory_space<hbm>> -> memref<100000x128xf32, #tpu.memory_space<hbm>>
          tpu.enqueue_indirect_dma source(%dma_start3A_1179 : memref<100000x128xf32, #tpu.memory_space<hbm>>) target(%dma_start3A_1173 : memref<64x128xf32, #tpu.memory_space<vmem>>) offsets(%dma_start3A_1176 : memref<64xi32, #tpu.memory_space<vmem>>) semaphore(%arg15 : memref<!tpu.dma_semaphore, #tpu.memory_space<semaphore_mem>>)
        } else {
        }
      } else {
      }
      %mul3A_1112 = arith.constant 6 : i32
      %mul3A_1113 = arith.muli %scan3A_1078, %mul3A_1112 : i32
      %add3A_1114 = arith.constant 4 : i32
      %add3A_1115 = arith.addi %mul3A_1113, %add3A_1114 : i32
      %lt3A_1116 = arith.constant 32 : i32
      %lt3A_1117 = arith.cmpi slt, %add3A_1115, %lt3A_1116 : i32
      %convert_element_type3A_1118 = arith.extui %lt3A_1117 : i1 to i32
      %cond3A_1119 = arith.constant 0 : i32
      %cond3A_1120 = arith.cmpi ne, %convert_element_type3A_1118, %cond3A_1119 : i32
      scf.if %cond3A_1120 {
        %dma_wait3A_1130 = arith.constant 0 : i32
        %dma_wait3A_1131 = arith.constant 4 : i32
        %dma_wait3A_1132 = arith.constant 0 : i32
        %dma_wait3A_1133 = arith.constant 0 : i32
        %dma_wait3A_1134 = tpu.memref_slice %arg14[%dma_wait3A_1131, %dma_wait3A_1132, %dma_wait3A_1133] : memref<6x128x128xf32, #tpu.memory_space<vmem>> -> memref<1x64x128xf32, #tpu.memory_space<vmem>>
        %dma_wait3A_1135 = tpu.memref_squeeze %dma_wait3A_1134 : memref<1x64x128xf32, #tpu.memory_space<vmem>> -> memref<64x128xf32, #tpu.memory_space<vmem>>
        %dma_wait3A_1136 = arith.constant 0 : i32
        %dma_wait3A_1137 = tpu.memref_slice %arg12[%dma_wait3A_1130, %dma_wait3A_1136] : memref<32x128xi32, #tpu.memory_space<vmem>> -> memref<1x64xi32, #tpu.memory_space<vmem>>
        %dma_wait3A_1138 = tpu.memref_squeeze %dma_wait3A_1137 : memref<1x64xi32, #tpu.memory_space<vmem>> -> memref<64xi32, #tpu.memory_space<vmem>>
        %dma_wait3A_1139 = arith.constant 0 : i32
        %dma_wait3A_1140 = arith.constant 0 : i32
        %dma_wait3A_1141 = tpu.memref_slice %arg2[%dma_wait3A_1139, %dma_wait3A_1140] : memref<100000x128xf32, #tpu.memory_space<hbm>> -> memref<100000x128xf32, #tpu.memory_space<hbm>>
        tpu.wait_indirect_dma semaphore(%arg19 : memref<!tpu.dma_semaphore, #tpu.memory_space<semaphore_mem>>) src(%dma_wait3A_1141 : memref<100000x128xf32, #tpu.memory_space<hbm>>) dst(%dma_wait3A_1135 : memref<64x128xf32, #tpu.memory_space<vmem>>)
        %add3A_1142 = arith.addi %mul3A_2, %add3A_1115 : i32
        %mul3A_1143 = arith.constant 128 : i32
        %mul3A_1144 = arith.muli %add3A_1142, %mul3A_1143 : i32
        %dma_start3A_1145 = arith.constant 4 : i32
        %dma_start3A_1146 = arith.constant 0 : i32
        %dma_start3A_1147 = arith.constant 0 : i32
        %dma_start3A_1148 = tpu.memref_slice %arg14[%dma_start3A_1145, %dma_start3A_1146, %dma_start3A_1147] : memref<6x128x128xf32, #tpu.memory_space<vmem>> -> memref<1x128x128xf32, #tpu.memory_space<vmem>>
        %dma_start3A_1149 = tpu.memref_squeeze %dma_start3A_1148 : memref<1x128x128xf32, #tpu.memory_space<vmem>> -> memref<128x128xf32, #tpu.memory_space<vmem>>
        %dma_start3A_1150 = arith.constant 0 : i32
        %dma_start3A_1151 = tpu.memref_slice %arg6[%mul3A_1144, %dma_start3A_1150] : memref<131072x128xf32, #tpu.memory_space<hbm>> -> memref<128x128xf32, #tpu.memory_space<hbm>>
        %dma_start3A_1152 = arith.constant 0 : i32
        %dma_start3A_1153 = tpu.memref_slice %arg6[%mul3A_1144, %dma_start3A_1152] : memref<131072x128xf32, #tpu.memory_space<hbm>> -> memref<128x128xf32, #tpu.memory_space<hbm>>
        %dma_start3A_1154 = arith.constant 0 : i32
        %dma_start3A_1155 = arith.constant 0 : i32
        %dma_start3A_1156 = tpu.memref_slice %arg14[%dma_start3A_1145, %dma_start3A_1154, %dma_start3A_1155] : memref<6x128x128xf32, #tpu.memory_space<vmem>> -> memref<1x128x128xf32, #tpu.memory_space<vmem>>
        %dma_start3A_1157 = tpu.memref_squeeze %dma_start3A_1156 : memref<1x128x128xf32, #tpu.memory_space<vmem>> -> memref<128x128xf32, #tpu.memory_space<vmem>>
        tpu.enqueue_dma source(%dma_start3A_1157 : memref<128x128xf32, #tpu.memory_space<vmem>>) target(%dma_start3A_1153 : memref<128x128xf32, #tpu.memory_space<hbm>>) target_semaphore(%arg25 : memref<!tpu.dma_semaphore, #tpu.memory_space<semaphore_mem>>)
        %add3A_1158 = arith.constant 3 : i32
        %add3A_1159 = arith.addi %add3A_1115, %add3A_1158 : i32
        %lt3A_1160 = arith.constant 32 : i32
        %lt3A_1161 = arith.cmpi slt, %add3A_1159, %lt3A_1160 : i32
        %convert_element_type3A_1162 = arith.extui %lt3A_1161 : i1 to i32
        %cond3A_1163 = arith.constant 0 : i32
        %cond3A_1164 = arith.cmpi ne, %convert_element_type3A_1162, %cond3A_1163 : i32
        scf.if %cond3A_1164 {
          %ge3A = arith.constant 6 : i32
          %ge3A_1165 = arith.cmpi sge, %add3A_1159, %ge3A : i32
          %convert_element_type3A_1166 = arith.extui %ge3A_1165 : i1 to i32
          %cond3A_1167 = arith.constant 0 : i32
          %cond3A_1168 = arith.cmpi ne, %convert_element_type3A_1166, %cond3A_1167 : i32
          scf.if %cond3A_1168 {
            %dma_wait3A_1180 = arith.constant 1 : i32
            %dma_wait3A_1181 = arith.constant 0 : i32
            %dma_wait3A_1182 = arith.constant 0 : i32
            %dma_wait3A_1183 = tpu.memref_slice %arg14[%dma_wait3A_1180, %dma_wait3A_1181, %dma_wait3A_1182] : memref<6x128x128xf32, #tpu.memory_space<vmem>> -> memref<1x128x128xf32, #tpu.memory_space<vmem>>
            %dma_wait3A_1184 = tpu.memref_squeeze %dma_wait3A_1183 : memref<1x128x128xf32, #tpu.memory_space<vmem>> -> memref<128x128xf32, #tpu.memory_space<vmem>>
            %dma_wait3A_1185 = arith.constant 0 : i32
            %dma_wait3A_1186 = arith.constant 0 : i32
            %dma_wait3A_1187 = tpu.memref_slice %arg6[%dma_wait3A_1185, %dma_wait3A_1186] : memref<131072x128xf32, #tpu.memory_space<hbm>> -> memref<128x128xf32, #tpu.memory_space<hbm>>
            %dma_wait3A_1188 = arith.constant 0 : i32
            %dma_wait3A_1189 = arith.constant 0 : i32
            %dma_wait3A_1190 = tpu.memref_slice %arg6[%dma_wait3A_1188, %dma_wait3A_1189] : memref<131072x128xf32, #tpu.memory_space<hbm>> -> memref<128x128xf32, #tpu.memory_space<hbm>>
            %dma_wait3A_1191 = arith.constant 0 : i32
            %dma_wait3A_1192 = arith.constant 0 : i32
            %dma_wait3A_1193 = tpu.memref_slice %arg14[%dma_wait3A_1180, %dma_wait3A_1191, %dma_wait3A_1192] : memref<6x128x128xf32, #tpu.memory_space<vmem>> -> memref<1x128x128xf32, #tpu.memory_space<vmem>>
            %dma_wait3A_1194 = tpu.memref_squeeze %dma_wait3A_1193 : memref<1x128x128xf32, #tpu.memory_space<vmem>> -> memref<128x128xf32, #tpu.memory_space<vmem>>
            tpu.wait_dma2 semaphore(%arg22 : memref<!tpu.dma_semaphore, #tpu.memory_space<semaphore_mem>>) src(%dma_wait3A_1194 : memref<128x128xf32, #tpu.memory_space<vmem>>) dst(%dma_wait3A_1190 : memref<128x128xf32, #tpu.memory_space<hbm>>)
          } else {
          }
          %dma_start3A_1169 = arith.constant 1 : i32
          %dma_start3A_1170 = arith.constant 0 : i32
          %dma_start3A_1171 = arith.constant 0 : i32
          %dma_start3A_1172 = tpu.memref_slice %arg14[%dma_start3A_1169, %dma_start3A_1170, %dma_start3A_1171] : memref<6x128x128xf32, #tpu.memory_space<vmem>> -> memref<1x64x128xf32, #tpu.memory_space<vmem>>
          %dma_start3A_1173 = tpu.memref_squeeze %dma_start3A_1172 : memref<1x64x128xf32, #tpu.memory_space<vmem>> -> memref<64x128xf32, #tpu.memory_space<vmem>>
          %dma_start3A_1174 = arith.constant 0 : i32
          %dma_start3A_1175 = tpu.memref_slice %arg12[%add3A_1159, %dma_start3A_1174] : memref<32x128xi32, #tpu.memory_space<vmem>> -> memref<1x64xi32, #tpu.memory_space<vmem>>
          %dma_start3A_1176 = tpu.memref_squeeze %dma_start3A_1175 : memref<1x64xi32, #tpu.memory_space<vmem>> -> memref<64xi32, #tpu.memory_space<vmem>>
          %dma_start3A_1177 = arith.constant 0 : i32
          %dma_start3A_1178 = arith.constant 0 : i32
          %dma_start3A_1179 = tpu.memref_slice %arg2[%dma_start3A_1177, %dma_start3A_1178] : memref<100000x128xf32, #tpu.memory_space<hbm>> -> memref<100000x128xf32, #tpu.memory_space<hbm>>
          tpu.enqueue_indirect_dma source(%dma_start3A_1179 : memref<100000x128xf32, #tpu.memory_space<hbm>>) target(%dma_start3A_1173 : memref<64x128xf32, #tpu.memory_space<vmem>>) offsets(%dma_start3A_1176 : memref<64xi32, #tpu.memory_space<vmem>>) semaphore(%arg16 : memref<!tpu.dma_semaphore, #tpu.memory_space<semaphore_mem>>)
        } else {
        }
      } else {
      }
      %mul3A_1121 = arith.constant 6 : i32
      %mul3A_1122 = arith.muli %scan3A_1078, %mul3A_1121 : i32
      %add3A_1123 = arith.constant 5 : i32
      %add3A_1124 = arith.addi %mul3A_1122, %add3A_1123 : i32
      %lt3A_1125 = arith.constant 32 : i32
      %lt3A_1126 = arith.cmpi slt, %add3A_1124, %lt3A_1125 : i32
      %convert_element_type3A_1127 = arith.extui %lt3A_1126 : i1 to i32
      %cond3A_1128 = arith.constant 0 : i32
      %cond3A_1129 = arith.cmpi ne, %convert_element_type3A_1127, %cond3A_1128 : i32
      scf.if %cond3A_1129 {
        %dma_wait3A_1130 = arith.constant 0 : i32
        %dma_wait3A_1131 = arith.constant 5 : i32
        %dma_wait3A_1132 = arith.constant 0 : i32
        %dma_wait3A_1133 = arith.constant 0 : i32
        %dma_wait3A_1134 = tpu.memref_slice %arg14[%dma_wait3A_1131, %dma_wait3A_1132, %dma_wait3A_1133] : memref<6x128x128xf32, #tpu.memory_space<vmem>> -> memref<1x64x128xf32, #tpu.memory_space<vmem>>
        %dma_wait3A_1135 = tpu.memref_squeeze %dma_wait3A_1134 : memref<1x64x128xf32, #tpu.memory_space<vmem>> -> memref<64x128xf32, #tpu.memory_space<vmem>>
        %dma_wait3A_1136 = arith.constant 0 : i32
        %dma_wait3A_1137 = tpu.memref_slice %arg12[%dma_wait3A_1130, %dma_wait3A_1136] : memref<32x128xi32, #tpu.memory_space<vmem>> -> memref<1x64xi32, #tpu.memory_space<vmem>>
        %dma_wait3A_1138 = tpu.memref_squeeze %dma_wait3A_1137 : memref<1x64xi32, #tpu.memory_space<vmem>> -> memref<64xi32, #tpu.memory_space<vmem>>
        %dma_wait3A_1139 = arith.constant 0 : i32
        %dma_wait3A_1140 = arith.constant 0 : i32
        %dma_wait3A_1141 = tpu.memref_slice %arg2[%dma_wait3A_1139, %dma_wait3A_1140] : memref<100000x128xf32, #tpu.memory_space<hbm>> -> memref<100000x128xf32, #tpu.memory_space<hbm>>
        tpu.wait_indirect_dma semaphore(%arg20 : memref<!tpu.dma_semaphore, #tpu.memory_space<semaphore_mem>>) src(%dma_wait3A_1141 : memref<100000x128xf32, #tpu.memory_space<hbm>>) dst(%dma_wait3A_1135 : memref<64x128xf32, #tpu.memory_space<vmem>>)
        %add3A_1142 = arith.addi %mul3A_2, %add3A_1124 : i32
        %mul3A_1143 = arith.constant 128 : i32
        %mul3A_1144 = arith.muli %add3A_1142, %mul3A_1143 : i32
        %dma_start3A_1145 = arith.constant 5 : i32
        %dma_start3A_1146 = arith.constant 0 : i32
        %dma_start3A_1147 = arith.constant 0 : i32
        %dma_start3A_1148 = tpu.memref_slice %arg14[%dma_start3A_1145, %dma_start3A_1146, %dma_start3A_1147] : memref<6x128x128xf32, #tpu.memory_space<vmem>> -> memref<1x128x128xf32, #tpu.memory_space<vmem>>
        %dma_start3A_1149 = tpu.memref_squeeze %dma_start3A_1148 : memref<1x128x128xf32, #tpu.memory_space<vmem>> -> memref<128x128xf32, #tpu.memory_space<vmem>>
        %dma_start3A_1150 = arith.constant 0 : i32
        %dma_start3A_1151 = tpu.memref_slice %arg6[%mul3A_1144, %dma_start3A_1150] : memref<131072x128xf32, #tpu.memory_space<hbm>> -> memref<128x128xf32, #tpu.memory_space<hbm>>
        %dma_start3A_1152 = arith.constant 0 : i32
        %dma_start3A_1153 = tpu.memref_slice %arg6[%mul3A_1144, %dma_start3A_1152] : memref<131072x128xf32, #tpu.memory_space<hbm>> -> memref<128x128xf32, #tpu.memory_space<hbm>>
        %dma_start3A_1154 = arith.constant 0 : i32
        %dma_start3A_1155 = arith.constant 0 : i32
        %dma_start3A_1156 = tpu.memref_slice %arg14[%dma_start3A_1145, %dma_start3A_1154, %dma_start3A_1155] : memref<6x128x128xf32, #tpu.memory_space<vmem>> -> memref<1x128x128xf32, #tpu.memory_space<vmem>>
        %dma_start3A_1157 = tpu.memref_squeeze %dma_start3A_1156 : memref<1x128x128xf32, #tpu.memory_space<vmem>> -> memref<128x128xf32, #tpu.memory_space<vmem>>
        tpu.enqueue_dma source(%dma_start3A_1157 : memref<128x128xf32, #tpu.memory_space<vmem>>) target(%dma_start3A_1153 : memref<128x128xf32, #tpu.memory_space<hbm>>) target_semaphore(%arg26 : memref<!tpu.dma_semaphore, #tpu.memory_space<semaphore_mem>>)
        %add3A_1158 = arith.constant 3 : i32
        %add3A_1159 = arith.addi %add3A_1124, %add3A_1158 : i32
        %lt3A_1160 = arith.constant 32 : i32
        %lt3A_1161 = arith.cmpi slt, %add3A_1159, %lt3A_1160 : i32
        %convert_element_type3A_1162 = arith.extui %lt3A_1161 : i1 to i32
        %cond3A_1163 = arith.constant 0 : i32
        %cond3A_1164 = arith.cmpi ne, %convert_element_type3A_1162, %cond3A_1163 : i32
        scf.if %cond3A_1164 {
          %ge3A = arith.constant 6 : i32
          %ge3A_1165 = arith.cmpi sge, %add3A_1159, %ge3A : i32
          %convert_element_type3A_1166 = arith.extui %ge3A_1165 : i1 to i32
          %cond3A_1167 = arith.constant 0 : i32
          %cond3A_1168 = arith.cmpi ne, %convert_element_type3A_1166, %cond3A_1167 : i32
          scf.if %cond3A_1168 {
            %dma_wait3A_1180 = arith.constant 2 : i32
            %dma_wait3A_1181 = arith.constant 0 : i32
            %dma_wait3A_1182 = arith.constant 0 : i32
            %dma_wait3A_1183 = tpu.memref_slice %arg14[%dma_wait3A_1180, %dma_wait3A_1181, %dma_wait3A_1182] : memref<6x128x128xf32, #tpu.memory_space<vmem>> -> memref<1x128x128xf32, #tpu.memory_space<vmem>>
            %dma_wait3A_1184 = tpu.memref_squeeze %dma_wait3A_1183 : memref<1x128x128xf32, #tpu.memory_space<vmem>> -> memref<128x128xf32, #tpu.memory_space<vmem>>
            %dma_wait3A_1185 = arith.constant 0 : i32
            %dma_wait3A_1186 = arith.constant 0 : i32
            %dma_wait3A_1187 = tpu.memref_slice %arg6[%dma_wait3A_1185, %dma_wait3A_1186] : memref<131072x128xf32, #tpu.memory_space<hbm>> -> memref<128x128xf32, #tpu.memory_space<hbm>>
            %dma_wait3A_1188 = arith.constant 0 : i32
            %dma_wait3A_1189 = arith.constant 0 : i32
            %dma_wait3A_1190 = tpu.memref_slice %arg6[%dma_wait3A_1188, %dma_wait3A_1189] : memref<131072x128xf32, #tpu.memory_space<hbm>> -> memref<128x128xf32, #tpu.memory_space<hbm>>
            %dma_wait3A_1191 = arith.constant 0 : i32
            %dma_wait3A_1192 = arith.constant 0 : i32
            %dma_wait3A_1193 = tpu.memref_slice %arg14[%dma_wait3A_1180, %dma_wait3A_1191, %dma_wait3A_1192] : memref<6x128x128xf32, #tpu.memory_space<vmem>> -> memref<1x128x128xf32, #tpu.memory_space<vmem>>
            %dma_wait3A_1194 = tpu.memref_squeeze %dma_wait3A_1193 : memref<1x128x128xf32, #tpu.memory_space<vmem>> -> memref<128x128xf32, #tpu.memory_space<vmem>>
            tpu.wait_dma2 semaphore(%arg23 : memref<!tpu.dma_semaphore, #tpu.memory_space<semaphore_mem>>) src(%dma_wait3A_1194 : memref<128x128xf32, #tpu.memory_space<vmem>>) dst(%dma_wait3A_1190 : memref<128x128xf32, #tpu.memory_space<hbm>>)
          } else {
          }
          %dma_start3A_1169 = arith.constant 2 : i32
          %dma_start3A_1170 = arith.constant 0 : i32
          %dma_start3A_1171 = arith.constant 0 : i32
          %dma_start3A_1172 = tpu.memref_slice %arg14[%dma_start3A_1169, %dma_start3A_1170, %dma_start3A_1171] : memref<6x128x128xf32, #tpu.memory_space<vmem>> -> memref<1x64x128xf32, #tpu.memory_space<vmem>>
          %dma_start3A_1173 = tpu.memref_squeeze %dma_start3A_1172 : memref<1x64x128xf32, #tpu.memory_space<vmem>> -> memref<64x128xf32, #tpu.memory_space<vmem>>
          %dma_start3A_1174 = arith.constant 0 : i32
          %dma_start3A_1175 = tpu.memref_slice %arg12[%add3A_1159, %dma_start3A_1174] : memref<32x128xi32, #tpu.memory_space<vmem>> -> memref<1x64xi32, #tpu.memory_space<vmem>>
          %dma_start3A_1176 = tpu.memref_squeeze %dma_start3A_1175 : memref<1x64xi32, #tpu.memory_space<vmem>> -> memref<64xi32, #tpu.memory_space<vmem>>
          %dma_start3A_1177 = arith.constant 0 : i32
          %dma_start3A_1178 = arith.constant 0 : i32
          %dma_start3A_1179 = tpu.memref_slice %arg2[%dma_start3A_1177, %dma_start3A_1178] : memref<100000x128xf32, #tpu.memory_space<hbm>> -> memref<100000x128xf32, #tpu.memory_space<hbm>>
          tpu.enqueue_indirect_dma source(%dma_start3A_1179 : memref<100000x128xf32, #tpu.memory_space<hbm>>) target(%dma_start3A_1173 : memref<64x128xf32, #tpu.memory_space<vmem>>) offsets(%dma_start3A_1176 : memref<64xi32, #tpu.memory_space<vmem>>) semaphore(%arg17 : memref<!tpu.dma_semaphore, #tpu.memory_space<semaphore_mem>>)
        } else {
        }
      } else {
      }
    }
    %scan3A_671 = arith.constant 6 : i32
    %dma_wait3A_672 = arith.constant 0 : i32
    %dma_wait3A_673 = arith.constant 0 : i32
    %dma_wait3A_674 = arith.constant 0 : i32
    %dma_wait3A_675 = tpu.memref_slice %arg14[%dma_wait3A_672, %dma_wait3A_673, %dma_wait3A_674] : memref<6x128x128xf32, #tpu.memory_space<vmem>> -> memref<1x128x128xf32, #tpu.memory_space<vmem>>
    %dma_wait3A_676 = tpu.memref_squeeze %dma_wait3A_675 : memref<1x128x128xf32, #tpu.memory_space<vmem>> -> memref<128x128xf32, #tpu.memory_space<vmem>>
    %dma_wait3A_677 = arith.constant 0 : i32
    %dma_wait3A_678 = arith.constant 0 : i32
    %dma_wait3A_679 = tpu.memref_slice %arg6[%dma_wait3A_677, %dma_wait3A_678] : memref<131072x128xf32, #tpu.memory_space<hbm>> -> memref<128x128xf32, #tpu.memory_space<hbm>>
    %dma_wait3A_680 = arith.constant 0 : i32
    %dma_wait3A_681 = arith.constant 0 : i32
    %dma_wait3A_682 = tpu.memref_slice %arg6[%dma_wait3A_680, %dma_wait3A_681] : memref<131072x128xf32, #tpu.memory_space<hbm>> -> memref<128x128xf32, #tpu.memory_space<hbm>>
    %dma_wait3A_683 = arith.constant 0 : i32
    %dma_wait3A_684 = arith.constant 0 : i32
    %dma_wait3A_685 = tpu.memref_slice %arg14[%dma_wait3A_672, %dma_wait3A_683, %dma_wait3A_684] : memref<6x128x128xf32, #tpu.memory_space<vmem>> -> memref<1x128x128xf32, #tpu.memory_space<vmem>>
    %dma_wait3A_686 = tpu.memref_squeeze %dma_wait3A_685 : memref<1x128x128xf32, #tpu.memory_space<vmem>> -> memref<128x128xf32, #tpu.memory_space<vmem>>
    tpu.wait_dma2 semaphore(%arg21 : memref<!tpu.dma_semaphore, #tpu.memory_space<semaphore_mem>>) src(%dma_wait3A_686 : memref<128x128xf32, #tpu.memory_space<vmem>>) dst(%dma_wait3A_682 : memref<128x128xf32, #tpu.memory_space<hbm>>)
    %dma_wait3A_687 = arith.constant 1 : i32
    %dma_wait3A_688 = arith.constant 0 : i32
    %dma_wait3A_689 = arith.constant 0 : i32
    %dma_wait3A_690 = tpu.memref_slice %arg14[%dma_wait3A_687, %dma_wait3A_688, %dma_wait3A_689] : memref<6x128x128xf32, #tpu.memory_space<vmem>> -> memref<1x128x128xf32, #tpu.memory_space<vmem>>
    %dma_wait3A_691 = tpu.memref_squeeze %dma_wait3A_690 : memref<1x128x128xf32, #tpu.memory_space<vmem>> -> memref<128x128xf32, #tpu.memory_space<vmem>>
    %dma_wait3A_692 = arith.constant 0 : i32
    %dma_wait3A_693 = arith.constant 0 : i32
    %dma_wait3A_694 = tpu.memref_slice %arg6[%dma_wait3A_692, %dma_wait3A_693] : memref<131072x128xf32, #tpu.memory_space<hbm>> -> memref<128x128xf32, #tpu.memory_space<hbm>>
    %dma_wait3A_695 = arith.constant 0 : i32
    %dma_wait3A_696 = arith.constant 0 : i32
    %dma_wait3A_697 = tpu.memref_slice %arg6[%dma_wait3A_695, %dma_wait3A_696] : memref<131072x128xf32, #tpu.memory_space<hbm>> -> memref<128x128xf32, #tpu.memory_space<hbm>>
    %dma_wait3A_698 = arith.constant 0 : i32
    %dma_wait3A_699 = arith.constant 0 : i32
    %dma_wait3A_700 = tpu.memref_slice %arg14[%dma_wait3A_687, %dma_wait3A_698, %dma_wait3A_699] : memref<6x128x128xf32, #tpu.memory_space<vmem>> -> memref<1x128x128xf32, #tpu.memory_space<vmem>>
    %dma_wait3A_701 = tpu.memref_squeeze %dma_wait3A_700 : memref<1x128x128xf32, #tpu.memory_space<vmem>> -> memref<128x128xf32, #tpu.memory_space<vmem>>
    tpu.wait_dma2 semaphore(%arg22 : memref<!tpu.dma_semaphore, #tpu.memory_space<semaphore_mem>>) src(%dma_wait3A_701 : memref<128x128xf32, #tpu.memory_space<vmem>>) dst(%dma_wait3A_697 : memref<128x128xf32, #tpu.memory_space<hbm>>)
    %dma_wait3A_702 = arith.constant 2 : i32
    %dma_wait3A_703 = arith.constant 0 : i32
    %dma_wait3A_704 = arith.constant 0 : i32
    %dma_wait3A_705 = tpu.memref_slice %arg14[%dma_wait3A_702, %dma_wait3A_703, %dma_wait3A_704] : memref<6x128x128xf32, #tpu.memory_space<vmem>> -> memref<1x128x128xf32, #tpu.memory_space<vmem>>
    %dma_wait3A_706 = tpu.memref_squeeze %dma_wait3A_705 : memref<1x128x128xf32, #tpu.memory_space<vmem>> -> memref<128x128xf32, #tpu.memory_space<vmem>>
    %dma_wait3A_707 = arith.constant 0 : i32
    %dma_wait3A_708 = arith.constant 0 : i32
    %dma_wait3A_709 = tpu.memref_slice %arg6[%dma_wait3A_707, %dma_wait3A_708] : memref<131072x128xf32, #tpu.memory_space<hbm>> -> memref<128x128xf32, #tpu.memory_space<hbm>>
    %dma_wait3A_710 = arith.constant 0 : i32
    %dma_wait3A_711 = arith.constant 0 : i32
    %dma_wait3A_712 = tpu.memref_slice %arg6[%dma_wait3A_710, %dma_wait3A_711] : memref<131072x128xf32, #tpu.memory_space<hbm>> -> memref<128x128xf32, #tpu.memory_space<hbm>>
    %dma_wait3A_713 = arith.constant 0 : i32
    %dma_wait3A_714 = arith.constant 0 : i32
    %dma_wait3A_715 = tpu.memref_slice %arg14[%dma_wait3A_702, %dma_wait3A_713, %dma_wait3A_714] : memref<6x128x128xf32, #tpu.memory_space<vmem>> -> memref<1x128x128xf32, #tpu.memory_space<vmem>>
    %dma_wait3A_716 = tpu.memref_squeeze %dma_wait3A_715 : memref<1x128x128xf32, #tpu.memory_space<vmem>> -> memref<128x128xf32, #tpu.memory_space<vmem>>
    tpu.wait_dma2 semaphore(%arg23 : memref<!tpu.dma_semaphore, #tpu.memory_space<semaphore_mem>>) src(%dma_wait3A_716 : memref<128x128xf32, #tpu.memory_space<vmem>>) dst(%dma_wait3A_712 : memref<128x128xf32, #tpu.memory_space<hbm>>)
    %dma_wait3A_717 = arith.constant 3 : i32
    %dma_wait3A_718 = arith.constant 0 : i32
    %dma_wait3A_719 = arith.constant 0 : i32
    %dma_wait3A_720 = tpu.memref_slice %arg14[%dma_wait3A_717, %dma_wait3A_718, %dma_wait3A_719] : memref<6x128x128xf32, #tpu.memory_space<vmem>> -> memref<1x128x128xf32, #tpu.memory_space<vmem>>
    %dma_wait3A_721 = tpu.memref_squeeze %dma_wait3A_720 : memref<1x128x128xf32, #tpu.memory_space<vmem>> -> memref<128x128xf32, #tpu.memory_space<vmem>>
    %dma_wait3A_722 = arith.constant 0 : i32
    %dma_wait3A_723 = arith.constant 0 : i32
    %dma_wait3A_724 = tpu.memref_slice %arg6[%dma_wait3A_722, %dma_wait3A_723] : memref<131072x128xf32, #tpu.memory_space<hbm>> -> memref<128x128xf32, #tpu.memory_space<hbm>>
    %dma_wait3A_725 = arith.constant 0 : i32
    %dma_wait3A_726 = arith.constant 0 : i32
    %dma_wait3A_727 = tpu.memref_slice %arg6[%dma_wait3A_725, %dma_wait3A_726] : memref<131072x128xf32, #tpu.memory_space<hbm>> -> memref<128x128xf32, #tpu.memory_space<hbm>>
    %dma_wait3A_728 = arith.constant 0 : i32
    %dma_wait3A_729 = arith.constant 0 : i32
    %dma_wait3A_730 = tpu.memref_slice %arg14[%dma_wait3A_717, %dma_wait3A_728, %dma_wait3A_729] : memref<6x128x128xf32, #tpu.memory_space<vmem>> -> memref<1x128x128xf32, #tpu.memory_space<vmem>>
    %dma_wait3A_731 = tpu.memref_squeeze %dma_wait3A_730 : memref<1x128x128xf32, #tpu.memory_space<vmem>> -> memref<128x128xf32, #tpu.memory_space<vmem>>
    tpu.wait_dma2 semaphore(%arg24 : memref<!tpu.dma_semaphore, #tpu.memory_space<semaphore_mem>>) src(%dma_wait3A_731 : memref<128x128xf32, #tpu.memory_space<vmem>>) dst(%dma_wait3A_727 : memref<128x128xf32, #tpu.memory_space<hbm>>)
    %dma_wait3A_732 = arith.constant 4 : i32
    %dma_wait3A_733 = arith.constant 0 : i32
    %dma_wait3A_734 = arith.constant 0 : i32
    %dma_wait3A_735 = tpu.memref_slice %arg14[%dma_wait3A_732, %dma_wait3A_733, %dma_wait3A_734] : memref<6x128x128xf32, #tpu.memory_space<vmem>> -> memref<1x128x128xf32, #tpu.memory_space<vmem>>
    %dma_wait3A_736 = tpu.memref_squeeze %dma_wait3A_735 : memref<1x128x128xf32, #tpu.memory_space<vmem>> -> memref<128x128xf32, #tpu.memory_space<vmem>>
    %dma_wait3A_737 = arith.constant 0 : i32
    %dma_wait3A_738 = arith.constant 0 : i32
    %dma_wait3A_739 = tpu.memref_slice %arg6[%dma_wait3A_737, %dma_wait3A_738] : memref<131072x128xf32, #tpu.memory_space<hbm>> -> memref<128x128xf32, #tpu.memory_space<hbm>>
    %dma_wait3A_740 = arith.constant 0 : i32
    %dma_wait3A_741 = arith.constant 0 : i32
    %dma_wait3A_742 = tpu.memref_slice %arg6[%dma_wait3A_740, %dma_wait3A_741] : memref<131072x128xf32, #tpu.memory_space<hbm>> -> memref<128x128xf32, #tpu.memory_space<hbm>>
    %dma_wait3A_743 = arith.constant 0 : i32
    %dma_wait3A_744 = arith.constant 0 : i32
    %dma_wait3A_745 = tpu.memref_slice %arg14[%dma_wait3A_732, %dma_wait3A_743, %dma_wait3A_744] : memref<6x128x128xf32, #tpu.memory_space<vmem>> -> memref<1x128x128xf32, #tpu.memory_space<vmem>>
    %dma_wait3A_746 = tpu.memref_squeeze %dma_wait3A_745 : memref<1x128x128xf32, #tpu.memory_space<vmem>> -> memref<128x128xf32, #tpu.memory_space<vmem>>
    tpu.wait_dma2 semaphore(%arg25 : memref<!tpu.dma_semaphore, #tpu.memory_space<semaphore_mem>>) src(%dma_wait3A_746 : memref<128x128xf32, #tpu.memory_space<vmem>>) dst(%dma_wait3A_742 : memref<128x128xf32, #tpu.memory_space<hbm>>)
    %dma_wait3A_747 = arith.constant 5 : i32
    %dma_wait3A_748 = arith.constant 0 : i32
    %dma_wait3A_749 = arith.constant 0 : i32
    %dma_wait3A_750 = tpu.memref_slice %arg14[%dma_wait3A_747, %dma_wait3A_748, %dma_wait3A_749] : memref<6x128x128xf32, #tpu.memory_space<vmem>> -> memref<1x128x128xf32, #tpu.memory_space<vmem>>
    %dma_wait3A_751 = tpu.memref_squeeze %dma_wait3A_750 : memref<1x128x128xf32, #tpu.memory_space<vmem>> -> memref<128x128xf32, #tpu.memory_space<vmem>>
    %dma_wait3A_752 = arith.constant 0 : i32
    %dma_wait3A_753 = arith.constant 0 : i32
    %dma_wait3A_754 = tpu.memref_slice %arg6[%dma_wait3A_752, %dma_wait3A_753] : memref<131072x128xf32, #tpu.memory_space<hbm>> -> memref<128x128xf32, #tpu.memory_space<hbm>>
    %dma_wait3A_755 = arith.constant 0 : i32
    %dma_wait3A_756 = arith.constant 0 : i32
    %dma_wait3A_757 = tpu.memref_slice %arg6[%dma_wait3A_755, %dma_wait3A_756] : memref<131072x128xf32, #tpu.memory_space<hbm>> -> memref<128x128xf32, #tpu.memory_space<hbm>>
    %dma_wait3A_758 = arith.constant 0 : i32
    %dma_wait3A_759 = arith.constant 0 : i32
    %dma_wait3A_760 = tpu.memref_slice %arg14[%dma_wait3A_747, %dma_wait3A_758, %dma_wait3A_759] : memref<6x128x128xf32, #tpu.memory_space<vmem>> -> memref<1x128x128xf32, #tpu.memory_space<vmem>>
    %dma_wait3A_761 = tpu.memref_squeeze %dma_wait3A_760 : memref<1x128x128xf32, #tpu.memory_space<vmem>> -> memref<128x128xf32, #tpu.memory_space<vmem>>
    tpu.wait_dma2 semaphore(%arg26 : memref<!tpu.dma_semaphore, #tpu.memory_space<semaphore_mem>>) src(%dma_wait3A_761 : memref<128x128xf32, #tpu.memory_space<vmem>>) dst(%dma_wait3A_757 : memref<128x128xf32, #tpu.memory_space<hbm>>)
    "tpu.region"() ({
      %run_scoped3A_1078 = tpu.sem_alloc : memref<!tpu.dma_semaphore, #tpu.memory_space<semaphore_mem>>
      %dma_start3A_1079 = arith.constant 0 : i32
      %dma_start3A_1080 = arith.constant 0 : i32
      %dma_start3A_1081 = tpu.memref_slice %arg12[%dma_start3A_1079, %dma_start3A_1080] : memref<32x128xi32, #tpu.memory_space<vmem>> -> memref<32x128xi32, #tpu.memory_space<vmem>>
      %dma_start3A_1082 = arith.constant 0 : i32
      %dma_start3A_1083 = tpu.memref_slice %arg4[%mul3A_2, %dma_start3A_1082] : memref<1024x128xi32, #tpu.memory_space<hbm>> -> memref<32x128xi32, #tpu.memory_space<hbm>>
      %dma_start3A_1084 = arith.constant 0 : i32
      %dma_start3A_1085 = arith.constant 0 : i32
      %dma_start3A_1086 = tpu.memref_slice %arg12[%dma_start3A_1084, %dma_start3A_1085] : memref<32x128xi32, #tpu.memory_space<vmem>> -> memref<32x128xi32, #tpu.memory_space<vmem>>
      %dma_start3A_1087 = arith.constant 0 : i32
      %dma_start3A_1088 = tpu.memref_slice %arg4[%mul3A_2, %dma_start3A_1087] : memref<1024x128xi32, #tpu.memory_space<hbm>> -> memref<32x128xi32, #tpu.memory_space<hbm>>
      tpu.enqueue_dma source(%dma_start3A_1088 : memref<32x128xi32, #tpu.memory_space<hbm>>) target(%dma_start3A_1086 : memref<32x128xi32, #tpu.memory_space<vmem>>) target_semaphore(%run_scoped3A_1078 : memref<!tpu.dma_semaphore, #tpu.memory_space<semaphore_mem>>)
      %dma_wait3A_1089 = arith.constant 0 : i32
      %dma_wait3A_1090 = arith.constant 0 : i32
      %dma_wait3A_1091 = tpu.memref_slice %arg12[%dma_wait3A_1089, %dma_wait3A_1090] : memref<32x128xi32, #tpu.memory_space<vmem>> -> memref<32x128xi32, #tpu.memory_space<vmem>>
      %dma_wait3A_1092 = arith.constant 0 : i32
      %dma_wait3A_1093 = tpu.memref_slice %arg4[%mul3A_2, %dma_wait3A_1092] : memref<1024x128xi32, #tpu.memory_space<hbm>> -> memref<32x128xi32, #tpu.memory_space<hbm>>
      %dma_wait3A_1094 = arith.constant 0 : i32
      %dma_wait3A_1095 = arith.constant 0 : i32
      %dma_wait3A_1096 = tpu.memref_slice %arg12[%dma_wait3A_1094, %dma_wait3A_1095] : memref<32x128xi32, #tpu.memory_space<vmem>> -> memref<32x128xi32, #tpu.memory_space<vmem>>
      %dma_wait3A_1097 = arith.constant 0 : i32
      %dma_wait3A_1098 = tpu.memref_slice %arg4[%mul3A_2, %dma_wait3A_1097] : memref<1024x128xi32, #tpu.memory_space<hbm>> -> memref<32x128xi32, #tpu.memory_space<hbm>>
      tpu.wait_dma2 semaphore(%run_scoped3A_1078 : memref<!tpu.dma_semaphore, #tpu.memory_space<semaphore_mem>>) src(%dma_wait3A_1098 : memref<32x128xi32, #tpu.memory_space<hbm>>) dst(%dma_wait3A_1096 : memref<32x128xi32, #tpu.memory_space<vmem>>)
      tpu.yield
    }) : () -> ()
    %dma_start3A_762 = arith.constant 0 : i32
    %dma_start3A_763 = arith.constant 0 : i32
    %dma_start3A_764 = arith.constant 0 : i32
    %dma_start3A_765 = arith.constant 0 : i32
    %dma_start3A_766 = tpu.memref_slice %arg14[%dma_start3A_763, %dma_start3A_764, %dma_start3A_765] : memref<6x128x128xf32, #tpu.memory_space<vmem>> -> memref<1x100x128xf32, #tpu.memory_space<vmem>>
    %dma_start3A_767 = tpu.memref_squeeze %dma_start3A_766 : memref<1x100x128xf32, #tpu.memory_space<vmem>> -> memref<100x128xf32, #tpu.memory_space<vmem>>
    %dma_start3A_768 = arith.constant 0 : i32
    %dma_start3A_769 = tpu.memref_slice %arg12[%dma_start3A_762, %dma_start3A_768] : memref<32x128xi32, #tpu.memory_space<vmem>> -> memref<1x100xi32, #tpu.memory_space<vmem>>
    %dma_start3A_770 = tpu.memref_squeeze %dma_start3A_769 : memref<1x100xi32, #tpu.memory_space<vmem>> -> memref<100xi32, #tpu.memory_space<vmem>>
    %dma_start3A_771 = arith.constant 0 : i32
    %dma_start3A_772 = arith.constant 0 : i32
    %dma_start3A_773 = tpu.memref_slice %arg2[%dma_start3A_771, %dma_start3A_772] : memref<100000x128xf32, #tpu.memory_space<hbm>> -> memref<100000x128xf32, #tpu.memory_space<hbm>>
    tpu.enqueue_indirect_dma source(%dma_start3A_773 : memref<100000x128xf32, #tpu.memory_space<hbm>>) target(%dma_start3A_767 : memref<100x128xf32, #tpu.memory_space<vmem>>) offsets(%dma_start3A_770 : memref<100xi32, #tpu.memory_space<vmem>>) semaphore(%arg15 : memref<!tpu.dma_semaphore, #tpu.memory_space<semaphore_mem>>)
    %dma_start3A_774 = arith.constant 1 : i32
    %dma_start3A_775 = arith.constant 1 : i32
    %dma_start3A_776 = arith.constant 0 : i32
    %dma_start3A_777 = arith.constant 0 : i32
    %dma_start3A_778 = tpu.memref_slice %arg14[%dma_start3A_775, %dma_start3A_776, %dma_start3A_777] : memref<6x128x128xf32, #tpu.memory_space<vmem>> -> memref<1x100x128xf32, #tpu.memory_space<vmem>>
    %dma_start3A_779 = tpu.memref_squeeze %dma_start3A_778 : memref<1x100x128xf32, #tpu.memory_space<vmem>> -> memref<100x128xf32, #tpu.memory_space<vmem>>
    %dma_start3A_780 = arith.constant 0 : i32
    %dma_start3A_781 = tpu.memref_slice %arg12[%dma_start3A_774, %dma_start3A_780] : memref<32x128xi32, #tpu.memory_space<vmem>> -> memref<1x100xi32, #tpu.memory_space<vmem>>
    %dma_start3A_782 = tpu.memref_squeeze %dma_start3A_781 : memref<1x100xi32, #tpu.memory_space<vmem>> -> memref<100xi32, #tpu.memory_space<vmem>>
    %dma_start3A_783 = arith.constant 0 : i32
    %dma_start3A_784 = arith.constant 0 : i32
    %dma_start3A_785 = tpu.memref_slice %arg2[%dma_start3A_783, %dma_start3A_784] : memref<100000x128xf32, #tpu.memory_space<hbm>> -> memref<100000x128xf32, #tpu.memory_space<hbm>>
    tpu.enqueue_indirect_dma source(%dma_start3A_785 : memref<100000x128xf32, #tpu.memory_space<hbm>>) target(%dma_start3A_779 : memref<100x128xf32, #tpu.memory_space<vmem>>) offsets(%dma_start3A_782 : memref<100xi32, #tpu.memory_space<vmem>>) semaphore(%arg16 : memref<!tpu.dma_semaphore, #tpu.memory_space<semaphore_mem>>)
    %dma_start3A_786 = arith.constant 2 : i32
    %dma_start3A_787 = arith.constant 2 : i32
    %dma_start3A_788 = arith.constant 0 : i32
    %dma_start3A_789 = arith.constant 0 : i32
    %dma_start3A_790 = tpu.memref_slice %arg14[%dma_start3A_787, %dma_start3A_788, %dma_start3A_789] : memref<6x128x128xf32, #tpu.memory_space<vmem>> -> memref<1x100x128xf32, #tpu.memory_space<vmem>>
    %dma_start3A_791 = tpu.memref_squeeze %dma_start3A_790 : memref<1x100x128xf32, #tpu.memory_space<vmem>> -> memref<100x128xf32, #tpu.memory_space<vmem>>
    %dma_start3A_792 = arith.constant 0 : i32
    %dma_start3A_793 = tpu.memref_slice %arg12[%dma_start3A_786, %dma_start3A_792] : memref<32x128xi32, #tpu.memory_space<vmem>> -> memref<1x100xi32, #tpu.memory_space<vmem>>
    %dma_start3A_794 = tpu.memref_squeeze %dma_start3A_793 : memref<1x100xi32, #tpu.memory_space<vmem>> -> memref<100xi32, #tpu.memory_space<vmem>>
    %dma_start3A_795 = arith.constant 0 : i32
    %dma_start3A_796 = arith.constant 0 : i32
    %dma_start3A_797 = tpu.memref_slice %arg2[%dma_start3A_795, %dma_start3A_796] : memref<100000x128xf32, #tpu.memory_space<hbm>> -> memref<100000x128xf32, #tpu.memory_space<hbm>>
    tpu.enqueue_indirect_dma source(%dma_start3A_797 : memref<100000x128xf32, #tpu.memory_space<hbm>>) target(%dma_start3A_791 : memref<100x128xf32, #tpu.memory_space<vmem>>) offsets(%dma_start3A_794 : memref<100xi32, #tpu.memory_space<vmem>>) semaphore(%arg17 : memref<!tpu.dma_semaphore, #tpu.memory_space<semaphore_mem>>)
    %scan3A_798 = arith.constant 0 : i32
    %scan3A_799 = arith.constant 0 : i32
    %scan3A_800 = arith.constant 32 : i32
    %scan3A_801 = arith.addi %scan3A_799, %scan3A_800 : i32
    %scan3A_802 = arith.constant 1 : i32
    scf.for %scan3A_1078 = %scan3A_799 to %scan3A_801 step %scan3A_802  : i32 {
      %get3A_1079 = arith.index_cast %scan3A_1078 : i32 to index
      %get3A_1080 = arith.constant 0 : index
      %get3A_1081 = tpu.vector_load %arg12[%get3A_1079, %get3A_1080] {strides = array<i32>} : memref<32x128xi32, #tpu.memory_space<vmem>>, vector<1x16xi32>,
      %get3A_1082 = vector.shape_cast %get3A_1081 : vector<1x16xi32> to vector<16xi32>
      %gt3A = arith.constant 1 : i32
      %gt3A_1083 = vector.broadcast %gt3A : i32 to vector<16xi32>
      %gt3A_1084 = arith.cmpi sgt, %get3A_1082, %gt3A_1083 : vector<16xi32>
      %jit3A = arith.constant 1.000000e+00 : f32
      %jit3A_1085 = arith.constant 0.000000e+00 : f32
      %broadcast_in_dim3A = vector.broadcast %jit3A : f32 to vector<16xf32>
      %broadcast_in_dim3A_1086 = vector.broadcast %jit3A_1085 : f32 to vector<16xf32>
      %select_n3A = arith.select %gt3A_1084, %broadcast_in_dim3A, %broadcast_in_dim3A_1086 : vector<16xi1>, vector<16xf32>
      %swap3A_1087 = arith.index_cast %scan3A_1078 : i32 to index
      %swap3A_1088 = arith.constant 0 : index
      %swap3A_1089 = tpu.vector_load %arg13[%swap3A_1087, %swap3A_1088] {strides = array<i32>} : memref<32x128xf32, #tpu.memory_space<vmem>>, vector<1x16xf32>,
      %swap3A_1090 = vector.shape_cast %swap3A_1089 : vector<1x16xf32> to vector<16xf32>
      %swap3A_1091 = vector.shape_cast %select_n3A : vector<16xf32> to vector<1x16xf32>
      tpu.vector_store %arg13[%swap3A_1087, %swap3A_1088], %swap3A_1091 {strides = array<i32>} : memref<32x128xf32, #tpu.memory_space<vmem>>, vector<1x16xf32>,
      %get3A_1092 = arith.index_cast %scan3A_1078 : i32 to index
      %get3A_1093 = arith.constant 16 : index
      %get3A_1094 = tpu.vector_load %arg12[%get3A_1092, %get3A_1093] {strides = array<i32>} : memref<32x128xi32, #tpu.memory_space<vmem>>, vector<1x16xi32>,
      %get3A_1095 = vector.shape_cast %get3A_1094 : vector<1x16xi32> to vector<16xi32>
      %gt3A_1096 = arith.constant 1 : i32
      %gt3A_1097 = vector.broadcast %gt3A_1096 : i32 to vector<16xi32>
      %gt3A_1098 = arith.cmpi sgt, %get3A_1095, %gt3A_1097 : vector<16xi32>
      %jit3A_1099 = arith.constant 1.000000e+00 : f32
      %jit3A_1100 = arith.constant 0.000000e+00 : f32
      %broadcast_in_dim3A_1101 = vector.broadcast %jit3A_1099 : f32 to vector<16xf32>
      %broadcast_in_dim3A_1102 = vector.broadcast %jit3A_1100 : f32 to vector<16xf32>
      %select_n3A_1103 = arith.select %gt3A_1098, %broadcast_in_dim3A_1101, %broadcast_in_dim3A_1102 : vector<16xi1>, vector<16xf32>
      %swap3A_1104 = arith.index_cast %scan3A_1078 : i32 to index
      %swap3A_1105 = arith.constant 16 : index
      %swap3A_1106 = tpu.vector_load %arg13[%swap3A_1104, %swap3A_1105] {strides = array<i32>} : memref<32x128xf32, #tpu.memory_space<vmem>>, vector<1x16xf32>,
      %swap3A_1107 = vector.shape_cast %swap3A_1106 : vector<1x16xf32> to vector<16xf32>
      %swap3A_1108 = vector.shape_cast %select_n3A_1103 : vector<16xf32> to vector<1x16xf32>
      tpu.vector_store %arg13[%swap3A_1104, %swap3A_1105], %swap3A_1108 {strides = array<i32>} : memref<32x128xf32, #tpu.memory_space<vmem>>, vector<1x16xf32>,
      %get3A_1109 = arith.index_cast %scan3A_1078 : i32 to index
      %get3A_1110 = arith.constant 32 : index
      %get3A_1111 = tpu.vector_load %arg12[%get3A_1109, %get3A_1110] {strides = array<i32>} : memref<32x128xi32, #tpu.memory_space<vmem>>, vector<1x16xi32>,
      %get3A_1112 = vector.shape_cast %get3A_1111 : vector<1x16xi32> to vector<16xi32>
      %gt3A_1113 = arith.constant 1 : i32
      %gt3A_1114 = vector.broadcast %gt3A_1113 : i32 to vector<16xi32>
      %gt3A_1115 = arith.cmpi sgt, %get3A_1112, %gt3A_1114 : vector<16xi32>
      %jit3A_1116 = arith.constant 1.000000e+00 : f32
      %jit3A_1117 = arith.constant 0.000000e+00 : f32
      %broadcast_in_dim3A_1118 = vector.broadcast %jit3A_1116 : f32 to vector<16xf32>
      %broadcast_in_dim3A_1119 = vector.broadcast %jit3A_1117 : f32 to vector<16xf32>
      %select_n3A_1120 = arith.select %gt3A_1115, %broadcast_in_dim3A_1118, %broadcast_in_dim3A_1119 : vector<16xi1>, vector<16xf32>
      %swap3A_1121 = arith.index_cast %scan3A_1078 : i32 to index
      %swap3A_1122 = arith.constant 32 : index
      %swap3A_1123 = tpu.vector_load %arg13[%swap3A_1121, %swap3A_1122] {strides = array<i32>} : memref<32x128xf32, #tpu.memory_space<vmem>>, vector<1x16xf32>,
      %swap3A_1124 = vector.shape_cast %swap3A_1123 : vector<1x16xf32> to vector<16xf32>
      %swap3A_1125 = vector.shape_cast %select_n3A_1120 : vector<16xf32> to vector<1x16xf32>
      tpu.vector_store %arg13[%swap3A_1121, %swap3A_1122], %swap3A_1125 {strides = array<i32>} : memref<32x128xf32, #tpu.memory_space<vmem>>, vector<1x16xf32>,
      %get3A_1126 = arith.index_cast %scan3A_1078 : i32 to index
      %get3A_1127 = arith.constant 48 : index
      %get3A_1128 = tpu.vector_load %arg12[%get3A_1126, %get3A_1127] {strides = array<i32>} : memref<32x128xi32, #tpu.memory_space<vmem>>, vector<1x16xi32>,
      %get3A_1129 = vector.shape_cast %get3A_1128 : vector<1x16xi32> to vector<16xi32>
      %gt3A_1130 = arith.constant 1 : i32
      %gt3A_1131 = vector.broadcast %gt3A_1130 : i32 to vector<16xi32>
      %gt3A_1132 = arith.cmpi sgt, %get3A_1129, %gt3A_1131 : vector<16xi32>
      %jit3A_1133 = arith.constant 1.000000e+00 : f32
      %jit3A_1134 = arith.constant 0.000000e+00 : f32
      %broadcast_in_dim3A_1135 = vector.broadcast %jit3A_1133 : f32 to vector<16xf32>
      %broadcast_in_dim3A_1136 = vector.broadcast %jit3A_1134 : f32 to vector<16xf32>
      %select_n3A_1137 = arith.select %gt3A_1132, %broadcast_in_dim3A_1135, %broadcast_in_dim3A_1136 : vector<16xi1>, vector<16xf32>
      %swap3A_1138 = arith.index_cast %scan3A_1078 : i32 to index
      %swap3A_1139 = arith.constant 48 : index
      %swap3A_1140 = tpu.vector_load %arg13[%swap3A_1138, %swap3A_1139] {strides = array<i32>} : memref<32x128xf32, #tpu.memory_space<vmem>>, vector<1x16xf32>,
      %swap3A_1141 = vector.shape_cast %swap3A_1140 : vector<1x16xf32> to vector<16xf32>
      %swap3A_1142 = vector.shape_cast %select_n3A_1137 : vector<16xf32> to vector<1x16xf32>
      tpu.vector_store %arg13[%swap3A_1138, %swap3A_1139], %swap3A_1142 {strides = array<i32>} : memref<32x128xf32, #tpu.memory_space<vmem>>, vector<1x16xf32>,
      %get3A_1143 = arith.index_cast %scan3A_1078 : i32 to index
      %get3A_1144 = arith.constant 64 : index
      %get3A_1145 = tpu.vector_load %arg12[%get3A_1143, %get3A_1144] {strides = array<i32>} : memref<32x128xi32, #tpu.memory_space<vmem>>, vector<1x16xi32>,
      %get3A_1146 = vector.shape_cast %get3A_1145 : vector<1x16xi32> to vector<16xi32>
      %gt3A_1147 = arith.constant 1 : i32
      %gt3A_1148 = vector.broadcast %gt3A_1147 : i32 to vector<16xi32>
      %gt3A_1149 = arith.cmpi sgt, %get3A_1146, %gt3A_1148 : vector<16xi32>
      %jit3A_1150 = arith.constant 1.000000e+00 : f32
      %jit3A_1151 = arith.constant 0.000000e+00 : f32
      %broadcast_in_dim3A_1152 = vector.broadcast %jit3A_1150 : f32 to vector<16xf32>
      %broadcast_in_dim3A_1153 = vector.broadcast %jit3A_1151 : f32 to vector<16xf32>
      %select_n3A_1154 = arith.select %gt3A_1149, %broadcast_in_dim3A_1152, %broadcast_in_dim3A_1153 : vector<16xi1>, vector<16xf32>
      %swap3A_1155 = arith.index_cast %scan3A_1078 : i32 to index
      %swap3A_1156 = arith.constant 64 : index
      %swap3A_1157 = tpu.vector_load %arg13[%swap3A_1155, %swap3A_1156] {strides = array<i32>} : memref<32x128xf32, #tpu.memory_space<vmem>>, vector<1x16xf32>,
      %swap3A_1158 = vector.shape_cast %swap3A_1157 : vector<1x16xf32> to vector<16xf32>
      %swap3A_1159 = vector.shape_cast %select_n3A_1154 : vector<16xf32> to vector<1x16xf32>
      tpu.vector_store %arg13[%swap3A_1155, %swap3A_1156], %swap3A_1159 {strides = array<i32>} : memref<32x128xf32, #tpu.memory_space<vmem>>, vector<1x16xf32>,
      %get3A_1160 = arith.index_cast %scan3A_1078 : i32 to index
      %get3A_1161 = arith.constant 80 : index
      %get3A_1162 = tpu.vector_load %arg12[%get3A_1160, %get3A_1161] {strides = array<i32>} : memref<32x128xi32, #tpu.memory_space<vmem>>, vector<1x16xi32>,
      %get3A_1163 = vector.shape_cast %get3A_1162 : vector<1x16xi32> to vector<16xi32>
      %gt3A_1164 = arith.constant 1 : i32
      %gt3A_1165 = vector.broadcast %gt3A_1164 : i32 to vector<16xi32>
      %gt3A_1166 = arith.cmpi sgt, %get3A_1163, %gt3A_1165 : vector<16xi32>
      %jit3A_1167 = arith.constant 1.000000e+00 : f32
      %jit3A_1168 = arith.constant 0.000000e+00 : f32
      %broadcast_in_dim3A_1169 = vector.broadcast %jit3A_1167 : f32 to vector<16xf32>
      %broadcast_in_dim3A_1170 = vector.broadcast %jit3A_1168 : f32 to vector<16xf32>
      %select_n3A_1171 = arith.select %gt3A_1166, %broadcast_in_dim3A_1169, %broadcast_in_dim3A_1170 : vector<16xi1>, vector<16xf32>
      %swap3A_1172 = arith.index_cast %scan3A_1078 : i32 to index
      %swap3A_1173 = arith.constant 80 : index
      %swap3A_1174 = tpu.vector_load %arg13[%swap3A_1172, %swap3A_1173] {strides = array<i32>} : memref<32x128xf32, #tpu.memory_space<vmem>>, vector<1x16xf32>,
      %swap3A_1175 = vector.shape_cast %swap3A_1174 : vector<1x16xf32> to vector<16xf32>
      %swap3A_1176 = vector.shape_cast %select_n3A_1171 : vector<16xf32> to vector<1x16xf32>
      tpu.vector_store %arg13[%swap3A_1172, %swap3A_1173], %swap3A_1176 {strides = array<i32>} : memref<32x128xf32, #tpu.memory_space<vmem>>, vector<1x16xf32>,
      %get3A_1177 = arith.index_cast %scan3A_1078 : i32 to index
      %get3A_1178 = arith.constant 96 : index
      %get3A_1179 = tpu.vector_load %arg12[%get3A_1177, %get3A_1178] {strides = array<i32>} : memref<32x128xi32, #tpu.memory_space<vmem>>, vector<1x16xi32>,
      %get3A_1180 = vector.shape_cast %get3A_1179 : vector<1x16xi32> to vector<16xi32>
      %gt3A_1181 = arith.constant 1 : i32
      %gt3A_1182 = vector.broadcast %gt3A_1181 : i32 to vector<16xi32>
      %gt3A_1183 = arith.cmpi sgt, %get3A_1180, %gt3A_1182 : vector<16xi32>
      %jit3A_1184 = arith.constant 1.000000e+00 : f32
      %jit3A_1185 = arith.constant 0.000000e+00 : f32
      %broadcast_in_dim3A_1186 = vector.broadcast %jit3A_1184 : f32 to vector<16xf32>
      %broadcast_in_dim3A_1187 = vector.broadcast %jit3A_1185 : f32 to vector<16xf32>
      %select_n3A_1188 = arith.select %gt3A_1183, %broadcast_in_dim3A_1186, %broadcast_in_dim3A_1187 : vector<16xi1>, vector<16xf32>
      %swap3A_1189 = arith.index_cast %scan3A_1078 : i32 to index
      %swap3A_1190 = arith.constant 96 : index
      %swap3A_1191 = tpu.vector_load %arg13[%swap3A_1189, %swap3A_1190] {strides = array<i32>} : memref<32x128xf32, #tpu.memory_space<vmem>>, vector<1x16xf32>,
      %swap3A_1192 = vector.shape_cast %swap3A_1191 : vector<1x16xf32> to vector<16xf32>
      %swap3A_1193 = vector.shape_cast %select_n3A_1188 : vector<16xf32> to vector<1x16xf32>
      tpu.vector_store %arg13[%swap3A_1189, %swap3A_1190], %swap3A_1193 {strides = array<i32>} : memref<32x128xf32, #tpu.memory_space<vmem>>, vector<1x16xf32>,
      %get3A_1194 = arith.index_cast %scan3A_1078 : i32 to index
      %get3A_1195 = arith.constant 112 : index
      %get3A_1196 = tpu.vector_load %arg12[%get3A_1194, %get3A_1195] {strides = array<i32>} : memref<32x128xi32, #tpu.memory_space<vmem>>, vector<1x16xi32>,
      %get3A_1197 = vector.shape_cast %get3A_1196 : vector<1x16xi32> to vector<16xi32>
      %gt3A_1198 = arith.constant 1 : i32
      %gt3A_1199 = vector.broadcast %gt3A_1198 : i32 to vector<16xi32>
      %gt3A_1200 = arith.cmpi sgt, %get3A_1197, %gt3A_1199 : vector<16xi32>
      %jit3A_1201 = arith.constant 1.000000e+00 : f32
      %jit3A_1202 = arith.constant 0.000000e+00 : f32
      %broadcast_in_dim3A_1203 = vector.broadcast %jit3A_1201 : f32 to vector<16xf32>
      %broadcast_in_dim3A_1204 = vector.broadcast %jit3A_1202 : f32 to vector<16xf32>
      %select_n3A_1205 = arith.select %gt3A_1200, %broadcast_in_dim3A_1203, %broadcast_in_dim3A_1204 : vector<16xi1>, vector<16xf32>
      %swap3A_1206 = arith.index_cast %scan3A_1078 : i32 to index
      %swap3A_1207 = arith.constant 112 : index
      %swap3A_1208 = tpu.vector_load %arg13[%swap3A_1206, %swap3A_1207] {strides = array<i32>} : memref<32x128xf32, #tpu.memory_space<vmem>>, vector<1x16xf32>,
      %swap3A_1209 = vector.shape_cast %swap3A_1208 : vector<1x16xf32> to vector<16xf32>
      %swap3A_1210 = vector.shape_cast %select_n3A_1205 : vector<16xf32> to vector<1x16xf32>
      tpu.vector_store %arg13[%swap3A_1206, %swap3A_1207], %swap3A_1210 {strides = array<i32>} : memref<32x128xf32, #tpu.memory_space<vmem>>, vector<1x16xf32>,
    }
    %scan3A_803 = arith.constant 32 : i32
    %dma_start3A_804 = arith.constant 0 : i32
    %dma_start3A_805 = arith.constant 0 : i32
    %dma_start3A_806 = tpu.memref_slice %arg13[%dma_start3A_804, %dma_start3A_805] : memref<32x128xf32, #tpu.memory_space<vmem>> -> memref<32x128xf32, #tpu.memory_space<vmem>>
    %dma_start3A_807 = arith.constant 0 : i32
    %dma_start3A_808 = tpu.memref_slice %arg10[%mul3A_2, %dma_start3A_807] : memref<1024x128xf32, #tpu.memory_space<hbm>> -> memref<32x128xf32, #tpu.memory_space<hbm>>
    %dma_start3A_809 = arith.constant 0 : i32
    %dma_start3A_810 = tpu.memref_slice %arg10[%mul3A_2, %dma_start3A_809] : memref<1024x128xf32, #tpu.memory_space<hbm>> -> memref<32x128xf32, #tpu.memory_space<hbm>>
    %dma_start3A_811 = arith.constant 0 : i32
    %dma_start3A_812 = arith.constant 0 : i32
    %dma_start3A_813 = tpu.memref_slice %arg13[%dma_start3A_811, %dma_start3A_812] : memref<32x128xf32, #tpu.memory_space<vmem>> -> memref<32x128xf32, #tpu.memory_space<vmem>>
    tpu.enqueue_dma source(%dma_start3A_813 : memref<32x128xf32, #tpu.memory_space<vmem>>) target(%dma_start3A_810 : memref<32x128xf32, #tpu.memory_space<hbm>>) target_semaphore(%arg27 : memref<!tpu.dma_semaphore, #tpu.memory_space<semaphore_mem>>)
    %dma_wait3A_814 = arith.constant 0 : i32
    %dma_wait3A_815 = arith.constant 0 : i32
    %dma_wait3A_816 = tpu.memref_slice %arg13[%dma_wait3A_814, %dma_wait3A_815] : memref<32x128xf32, #tpu.memory_space<vmem>> -> memref<32x128xf32, #tpu.memory_space<vmem>>
    %dma_wait3A_817 = arith.constant 0 : i32
    %dma_wait3A_818 = tpu.memref_slice %arg10[%mul3A_2, %dma_wait3A_817] : memref<1024x128xf32, #tpu.memory_space<hbm>> -> memref<32x128xf32, #tpu.memory_space<hbm>>
    %dma_wait3A_819 = arith.constant 0 : i32
    %dma_wait3A_820 = tpu.memref_slice %arg10[%mul3A_2, %dma_wait3A_819] : memref<1024x128xf32, #tpu.memory_space<hbm>> -> memref<32x128xf32, #tpu.memory_space<hbm>>
    %dma_wait3A_821 = arith.constant 0 : i32
    %dma_wait3A_822 = arith.constant 0 : i32
    %dma_wait3A_823 = tpu.memref_slice %arg13[%dma_wait3A_821, %dma_wait3A_822] : memref<32x128xf32, #tpu.memory_space<vmem>> -> memref<32x128xf32, #tpu.memory_space<vmem>>
    tpu.wait_dma2 semaphore(%arg27 : memref<!tpu.dma_semaphore, #tpu.memory_space<semaphore_mem>>) src(%dma_wait3A_823 : memref<32x128xf32, #tpu.memory_space<vmem>>) dst(%dma_wait3A_820 : memref<32x128xf32, #tpu.memory_space<hbm>>)
    %scan3A_824 = arith.constant 0 : i32
    %scan3A_825 = arith.constant 0 : i32
    %scan3A_826 = arith.constant 6 : i32
    %scan3A_827 = arith.addi %scan3A_825, %scan3A_826 : i32
    %scan3A_828 = arith.constant 1 : i32
    scf.for %scan3A_1078 = %scan3A_825 to %scan3A_827 step %scan3A_828  : i32 {
      %mul3A_1079 = arith.constant 6 : i32
      %mul3A_1080 = arith.muli %scan3A_1078, %mul3A_1079 : i32
      %add3A_1081 = arith.constant 0 : i32
      %add3A_1082 = arith.addi %mul3A_1080, %add3A_1081 : i32
      %lt3A = arith.constant 32 : i32
      %lt3A_1083 = arith.cmpi slt, %add3A_1082, %lt3A : i32
      %convert_element_type3A = arith.extui %lt3A_1083 : i1 to i32
      %cond3A = arith.constant 0 : i32
      %cond3A_1084 = arith.cmpi ne, %convert_element_type3A, %cond3A : i32
      scf.if %cond3A_1084 {
        %dma_wait3A_1130 = arith.constant 0 : i32
        %dma_wait3A_1131 = arith.constant 0 : i32
        %dma_wait3A_1132 = arith.constant 0 : i32
        %dma_wait3A_1133 = arith.constant 0 : i32
        %dma_wait3A_1134 = tpu.memref_slice %arg14[%dma_wait3A_1131, %dma_wait3A_1132, %dma_wait3A_1133] : memref<6x128x128xf32, #tpu.memory_space<vmem>> -> memref<1x100x128xf32, #tpu.memory_space<vmem>>
        %dma_wait3A_1135 = tpu.memref_squeeze %dma_wait3A_1134 : memref<1x100x128xf32, #tpu.memory_space<vmem>> -> memref<100x128xf32, #tpu.memory_space<vmem>>
        %dma_wait3A_1136 = arith.constant 0 : i32
        %dma_wait3A_1137 = tpu.memref_slice %arg12[%dma_wait3A_1130, %dma_wait3A_1136] : memref<32x128xi32, #tpu.memory_space<vmem>> -> memref<1x100xi32, #tpu.memory_space<vmem>>
        %dma_wait3A_1138 = tpu.memref_squeeze %dma_wait3A_1137 : memref<1x100xi32, #tpu.memory_space<vmem>> -> memref<100xi32, #tpu.memory_space<vmem>>
        %dma_wait3A_1139 = arith.constant 0 : i32
        %dma_wait3A_1140 = arith.constant 0 : i32
        %dma_wait3A_1141 = tpu.memref_slice %arg2[%dma_wait3A_1139, %dma_wait3A_1140] : memref<100000x128xf32, #tpu.memory_space<hbm>> -> memref<100000x128xf32, #tpu.memory_space<hbm>>
        tpu.wait_indirect_dma semaphore(%arg15 : memref<!tpu.dma_semaphore, #tpu.memory_space<semaphore_mem>>) src(%dma_wait3A_1141 : memref<100000x128xf32, #tpu.memory_space<hbm>>) dst(%dma_wait3A_1135 : memref<100x128xf32, #tpu.memory_space<vmem>>)
        %add3A_1142 = arith.addi %mul3A_2, %add3A_1082 : i32
        %mul3A_1143 = arith.constant 128 : i32
        %mul3A_1144 = arith.muli %add3A_1142, %mul3A_1143 : i32
        %dma_start3A_1145 = arith.constant 0 : i32
        %dma_start3A_1146 = arith.constant 0 : i32
        %dma_start3A_1147 = arith.constant 0 : i32
        %dma_start3A_1148 = tpu.memref_slice %arg14[%dma_start3A_1145, %dma_start3A_1146, %dma_start3A_1147] : memref<6x128x128xf32, #tpu.memory_space<vmem>> -> memref<1x128x128xf32, #tpu.memory_space<vmem>>
        %dma_start3A_1149 = tpu.memref_squeeze %dma_start3A_1148 : memref<1x128x128xf32, #tpu.memory_space<vmem>> -> memref<128x128xf32, #tpu.memory_space<vmem>>
        %dma_start3A_1150 = arith.constant 0 : i32
        %dma_start3A_1151 = tpu.memref_slice %arg7[%mul3A_1144, %dma_start3A_1150] : memref<131072x128xf32, #tpu.memory_space<hbm>> -> memref<128x128xf32, #tpu.memory_space<hbm>>
        %dma_start3A_1152 = arith.constant 0 : i32
        %dma_start3A_1153 = tpu.memref_slice %arg7[%mul3A_1144, %dma_start3A_1152] : memref<131072x128xf32, #tpu.memory_space<hbm>> -> memref<128x128xf32, #tpu.memory_space<hbm>>
        %dma_start3A_1154 = arith.constant 0 : i32
        %dma_start3A_1155 = arith.constant 0 : i32
        %dma_start3A_1156 = tpu.memref_slice %arg14[%dma_start3A_1145, %dma_start3A_1154, %dma_start3A_1155] : memref<6x128x128xf32, #tpu.memory_space<vmem>> -> memref<1x128x128xf32, #tpu.memory_space<vmem>>
        %dma_start3A_1157 = tpu.memref_squeeze %dma_start3A_1156 : memref<1x128x128xf32, #tpu.memory_space<vmem>> -> memref<128x128xf32, #tpu.memory_space<vmem>>
        tpu.enqueue_dma source(%dma_start3A_1157 : memref<128x128xf32, #tpu.memory_space<vmem>>) target(%dma_start3A_1153 : memref<128x128xf32, #tpu.memory_space<hbm>>) target_semaphore(%arg21 : memref<!tpu.dma_semaphore, #tpu.memory_space<semaphore_mem>>)
        %add3A_1158 = arith.constant 3 : i32
        %add3A_1159 = arith.addi %add3A_1082, %add3A_1158 : i32
        %lt3A_1160 = arith.constant 32 : i32
        %lt3A_1161 = arith.cmpi slt, %add3A_1159, %lt3A_1160 : i32
        %convert_element_type3A_1162 = arith.extui %lt3A_1161 : i1 to i32
        %cond3A_1163 = arith.constant 0 : i32
        %cond3A_1164 = arith.cmpi ne, %convert_element_type3A_1162, %cond3A_1163 : i32
        scf.if %cond3A_1164 {
          %ge3A = arith.constant 6 : i32
          %ge3A_1165 = arith.cmpi sge, %add3A_1159, %ge3A : i32
          %convert_element_type3A_1166 = arith.extui %ge3A_1165 : i1 to i32
          %cond3A_1167 = arith.constant 0 : i32
          %cond3A_1168 = arith.cmpi ne, %convert_element_type3A_1166, %cond3A_1167 : i32
          scf.if %cond3A_1168 {
            %dma_wait3A_1180 = arith.constant 3 : i32
            %dma_wait3A_1181 = arith.constant 0 : i32
            %dma_wait3A_1182 = arith.constant 0 : i32
            %dma_wait3A_1183 = tpu.memref_slice %arg14[%dma_wait3A_1180, %dma_wait3A_1181, %dma_wait3A_1182] : memref<6x128x128xf32, #tpu.memory_space<vmem>> -> memref<1x128x128xf32, #tpu.memory_space<vmem>>
            %dma_wait3A_1184 = tpu.memref_squeeze %dma_wait3A_1183 : memref<1x128x128xf32, #tpu.memory_space<vmem>> -> memref<128x128xf32, #tpu.memory_space<vmem>>
            %dma_wait3A_1185 = arith.constant 0 : i32
            %dma_wait3A_1186 = arith.constant 0 : i32
            %dma_wait3A_1187 = tpu.memref_slice %arg7[%dma_wait3A_1185, %dma_wait3A_1186] : memref<131072x128xf32, #tpu.memory_space<hbm>> -> memref<128x128xf32, #tpu.memory_space<hbm>>
            %dma_wait3A_1188 = arith.constant 0 : i32
            %dma_wait3A_1189 = arith.constant 0 : i32
            %dma_wait3A_1190 = tpu.memref_slice %arg7[%dma_wait3A_1188, %dma_wait3A_1189] : memref<131072x128xf32, #tpu.memory_space<hbm>> -> memref<128x128xf32, #tpu.memory_space<hbm>>
            %dma_wait3A_1191 = arith.constant 0 : i32
            %dma_wait3A_1192 = arith.constant 0 : i32
            %dma_wait3A_1193 = tpu.memref_slice %arg14[%dma_wait3A_1180, %dma_wait3A_1191, %dma_wait3A_1192] : memref<6x128x128xf32, #tpu.memory_space<vmem>> -> memref<1x128x128xf32, #tpu.memory_space<vmem>>
            %dma_wait3A_1194 = tpu.memref_squeeze %dma_wait3A_1193 : memref<1x128x128xf32, #tpu.memory_space<vmem>> -> memref<128x128xf32, #tpu.memory_space<vmem>>
            tpu.wait_dma2 semaphore(%arg24 : memref<!tpu.dma_semaphore, #tpu.memory_space<semaphore_mem>>) src(%dma_wait3A_1194 : memref<128x128xf32, #tpu.memory_space<vmem>>) dst(%dma_wait3A_1190 : memref<128x128xf32, #tpu.memory_space<hbm>>)
          } else {
          }
          %dma_start3A_1169 = arith.constant 3 : i32
          %dma_start3A_1170 = arith.constant 0 : i32
          %dma_start3A_1171 = arith.constant 0 : i32
          %dma_start3A_1172 = tpu.memref_slice %arg14[%dma_start3A_1169, %dma_start3A_1170, %dma_start3A_1171] : memref<6x128x128xf32, #tpu.memory_space<vmem>> -> memref<1x100x128xf32, #tpu.memory_space<vmem>>
          %dma_start3A_1173 = tpu.memref_squeeze %dma_start3A_1172 : memref<1x100x128xf32, #tpu.memory_space<vmem>> -> memref<100x128xf32, #tpu.memory_space<vmem>>
          %dma_start3A_1174 = arith.constant 0 : i32
          %dma_start3A_1175 = tpu.memref_slice %arg12[%add3A_1159, %dma_start3A_1174] : memref<32x128xi32, #tpu.memory_space<vmem>> -> memref<1x100xi32, #tpu.memory_space<vmem>>
          %dma_start3A_1176 = tpu.memref_squeeze %dma_start3A_1175 : memref<1x100xi32, #tpu.memory_space<vmem>> -> memref<100xi32, #tpu.memory_space<vmem>>
          %dma_start3A_1177 = arith.constant 0 : i32
          %dma_start3A_1178 = arith.constant 0 : i32
          %dma_start3A_1179 = tpu.memref_slice %arg2[%dma_start3A_1177, %dma_start3A_1178] : memref<100000x128xf32, #tpu.memory_space<hbm>> -> memref<100000x128xf32, #tpu.memory_space<hbm>>
          tpu.enqueue_indirect_dma source(%dma_start3A_1179 : memref<100000x128xf32, #tpu.memory_space<hbm>>) target(%dma_start3A_1173 : memref<100x128xf32, #tpu.memory_space<vmem>>) offsets(%dma_start3A_1176 : memref<100xi32, #tpu.memory_space<vmem>>) semaphore(%arg18 : memref<!tpu.dma_semaphore, #tpu.memory_space<semaphore_mem>>)
        } else {
        }
      } else {
      }
      %mul3A_1085 = arith.constant 6 : i32
      %mul3A_1086 = arith.muli %scan3A_1078, %mul3A_1085 : i32
      %add3A_1087 = arith.constant 1 : i32
      %add3A_1088 = arith.addi %mul3A_1086, %add3A_1087 : i32
      %lt3A_1089 = arith.constant 32 : i32
      %lt3A_1090 = arith.cmpi slt, %add3A_1088, %lt3A_1089 : i32
      %convert_element_type3A_1091 = arith.extui %lt3A_1090 : i1 to i32
      %cond3A_1092 = arith.constant 0 : i32
      %cond3A_1093 = arith.cmpi ne, %convert_element_type3A_1091, %cond3A_1092 : i32
      scf.if %cond3A_1093 {
        %dma_wait3A_1130 = arith.constant 0 : i32
        %dma_wait3A_1131 = arith.constant 1 : i32
        %dma_wait3A_1132 = arith.constant 0 : i32
        %dma_wait3A_1133 = arith.constant 0 : i32
        %dma_wait3A_1134 = tpu.memref_slice %arg14[%dma_wait3A_1131, %dma_wait3A_1132, %dma_wait3A_1133] : memref<6x128x128xf32, #tpu.memory_space<vmem>> -> memref<1x100x128xf32, #tpu.memory_space<vmem>>
        %dma_wait3A_1135 = tpu.memref_squeeze %dma_wait3A_1134 : memref<1x100x128xf32, #tpu.memory_space<vmem>> -> memref<100x128xf32, #tpu.memory_space<vmem>>
        %dma_wait3A_1136 = arith.constant 0 : i32
        %dma_wait3A_1137 = tpu.memref_slice %arg12[%dma_wait3A_1130, %dma_wait3A_1136] : memref<32x128xi32, #tpu.memory_space<vmem>> -> memref<1x100xi32, #tpu.memory_space<vmem>>
        %dma_wait3A_1138 = tpu.memref_squeeze %dma_wait3A_1137 : memref<1x100xi32, #tpu.memory_space<vmem>> -> memref<100xi32, #tpu.memory_space<vmem>>
        %dma_wait3A_1139 = arith.constant 0 : i32
        %dma_wait3A_1140 = arith.constant 0 : i32
        %dma_wait3A_1141 = tpu.memref_slice %arg2[%dma_wait3A_1139, %dma_wait3A_1140] : memref<100000x128xf32, #tpu.memory_space<hbm>> -> memref<100000x128xf32, #tpu.memory_space<hbm>>
        tpu.wait_indirect_dma semaphore(%arg16 : memref<!tpu.dma_semaphore, #tpu.memory_space<semaphore_mem>>) src(%dma_wait3A_1141 : memref<100000x128xf32, #tpu.memory_space<hbm>>) dst(%dma_wait3A_1135 : memref<100x128xf32, #tpu.memory_space<vmem>>)
        %add3A_1142 = arith.addi %mul3A_2, %add3A_1088 : i32
        %mul3A_1143 = arith.constant 128 : i32
        %mul3A_1144 = arith.muli %add3A_1142, %mul3A_1143 : i32
        %dma_start3A_1145 = arith.constant 1 : i32
        %dma_start3A_1146 = arith.constant 0 : i32
        %dma_start3A_1147 = arith.constant 0 : i32
        %dma_start3A_1148 = tpu.memref_slice %arg14[%dma_start3A_1145, %dma_start3A_1146, %dma_start3A_1147] : memref<6x128x128xf32, #tpu.memory_space<vmem>> -> memref<1x128x128xf32, #tpu.memory_space<vmem>>
        %dma_start3A_1149 = tpu.memref_squeeze %dma_start3A_1148 : memref<1x128x128xf32, #tpu.memory_space<vmem>> -> memref<128x128xf32, #tpu.memory_space<vmem>>
        %dma_start3A_1150 = arith.constant 0 : i32
        %dma_start3A_1151 = tpu.memref_slice %arg7[%mul3A_1144, %dma_start3A_1150] : memref<131072x128xf32, #tpu.memory_space<hbm>> -> memref<128x128xf32, #tpu.memory_space<hbm>>
        %dma_start3A_1152 = arith.constant 0 : i32
        %dma_start3A_1153 = tpu.memref_slice %arg7[%mul3A_1144, %dma_start3A_1152] : memref<131072x128xf32, #tpu.memory_space<hbm>> -> memref<128x128xf32, #tpu.memory_space<hbm>>
        %dma_start3A_1154 = arith.constant 0 : i32
        %dma_start3A_1155 = arith.constant 0 : i32
        %dma_start3A_1156 = tpu.memref_slice %arg14[%dma_start3A_1145, %dma_start3A_1154, %dma_start3A_1155] : memref<6x128x128xf32, #tpu.memory_space<vmem>> -> memref<1x128x128xf32, #tpu.memory_space<vmem>>
        %dma_start3A_1157 = tpu.memref_squeeze %dma_start3A_1156 : memref<1x128x128xf32, #tpu.memory_space<vmem>> -> memref<128x128xf32, #tpu.memory_space<vmem>>
        tpu.enqueue_dma source(%dma_start3A_1157 : memref<128x128xf32, #tpu.memory_space<vmem>>) target(%dma_start3A_1153 : memref<128x128xf32, #tpu.memory_space<hbm>>) target_semaphore(%arg22 : memref<!tpu.dma_semaphore, #tpu.memory_space<semaphore_mem>>)
        %add3A_1158 = arith.constant 3 : i32
        %add3A_1159 = arith.addi %add3A_1088, %add3A_1158 : i32
        %lt3A_1160 = arith.constant 32 : i32
        %lt3A_1161 = arith.cmpi slt, %add3A_1159, %lt3A_1160 : i32
        %convert_element_type3A_1162 = arith.extui %lt3A_1161 : i1 to i32
        %cond3A_1163 = arith.constant 0 : i32
        %cond3A_1164 = arith.cmpi ne, %convert_element_type3A_1162, %cond3A_1163 : i32
        scf.if %cond3A_1164 {
          %ge3A = arith.constant 6 : i32
          %ge3A_1165 = arith.cmpi sge, %add3A_1159, %ge3A : i32
          %convert_element_type3A_1166 = arith.extui %ge3A_1165 : i1 to i32
          %cond3A_1167 = arith.constant 0 : i32
          %cond3A_1168 = arith.cmpi ne, %convert_element_type3A_1166, %cond3A_1167 : i32
          scf.if %cond3A_1168 {
            %dma_wait3A_1180 = arith.constant 4 : i32
            %dma_wait3A_1181 = arith.constant 0 : i32
            %dma_wait3A_1182 = arith.constant 0 : i32
            %dma_wait3A_1183 = tpu.memref_slice %arg14[%dma_wait3A_1180, %dma_wait3A_1181, %dma_wait3A_1182] : memref<6x128x128xf32, #tpu.memory_space<vmem>> -> memref<1x128x128xf32, #tpu.memory_space<vmem>>
            %dma_wait3A_1184 = tpu.memref_squeeze %dma_wait3A_1183 : memref<1x128x128xf32, #tpu.memory_space<vmem>> -> memref<128x128xf32, #tpu.memory_space<vmem>>
            %dma_wait3A_1185 = arith.constant 0 : i32
            %dma_wait3A_1186 = arith.constant 0 : i32
            %dma_wait3A_1187 = tpu.memref_slice %arg7[%dma_wait3A_1185, %dma_wait3A_1186] : memref<131072x128xf32, #tpu.memory_space<hbm>> -> memref<128x128xf32, #tpu.memory_space<hbm>>
            %dma_wait3A_1188 = arith.constant 0 : i32
            %dma_wait3A_1189 = arith.constant 0 : i32
            %dma_wait3A_1190 = tpu.memref_slice %arg7[%dma_wait3A_1188, %dma_wait3A_1189] : memref<131072x128xf32, #tpu.memory_space<hbm>> -> memref<128x128xf32, #tpu.memory_space<hbm>>
            %dma_wait3A_1191 = arith.constant 0 : i32
            %dma_wait3A_1192 = arith.constant 0 : i32
            %dma_wait3A_1193 = tpu.memref_slice %arg14[%dma_wait3A_1180, %dma_wait3A_1191, %dma_wait3A_1192] : memref<6x128x128xf32, #tpu.memory_space<vmem>> -> memref<1x128x128xf32, #tpu.memory_space<vmem>>
            %dma_wait3A_1194 = tpu.memref_squeeze %dma_wait3A_1193 : memref<1x128x128xf32, #tpu.memory_space<vmem>> -> memref<128x128xf32, #tpu.memory_space<vmem>>
            tpu.wait_dma2 semaphore(%arg25 : memref<!tpu.dma_semaphore, #tpu.memory_space<semaphore_mem>>) src(%dma_wait3A_1194 : memref<128x128xf32, #tpu.memory_space<vmem>>) dst(%dma_wait3A_1190 : memref<128x128xf32, #tpu.memory_space<hbm>>)
          } else {
          }
          %dma_start3A_1169 = arith.constant 4 : i32
          %dma_start3A_1170 = arith.constant 0 : i32
          %dma_start3A_1171 = arith.constant 0 : i32
          %dma_start3A_1172 = tpu.memref_slice %arg14[%dma_start3A_1169, %dma_start3A_1170, %dma_start3A_1171] : memref<6x128x128xf32, #tpu.memory_space<vmem>> -> memref<1x100x128xf32, #tpu.memory_space<vmem>>
          %dma_start3A_1173 = tpu.memref_squeeze %dma_start3A_1172 : memref<1x100x128xf32, #tpu.memory_space<vmem>> -> memref<100x128xf32, #tpu.memory_space<vmem>>
          %dma_start3A_1174 = arith.constant 0 : i32
          %dma_start3A_1175 = tpu.memref_slice %arg12[%add3A_1159, %dma_start3A_1174] : memref<32x128xi32, #tpu.memory_space<vmem>> -> memref<1x100xi32, #tpu.memory_space<vmem>>
          %dma_start3A_1176 = tpu.memref_squeeze %dma_start3A_1175 : memref<1x100xi32, #tpu.memory_space<vmem>> -> memref<100xi32, #tpu.memory_space<vmem>>
          %dma_start3A_1177 = arith.constant 0 : i32
          %dma_start3A_1178 = arith.constant 0 : i32
          %dma_start3A_1179 = tpu.memref_slice %arg2[%dma_start3A_1177, %dma_start3A_1178] : memref<100000x128xf32, #tpu.memory_space<hbm>> -> memref<100000x128xf32, #tpu.memory_space<hbm>>
          tpu.enqueue_indirect_dma source(%dma_start3A_1179 : memref<100000x128xf32, #tpu.memory_space<hbm>>) target(%dma_start3A_1173 : memref<100x128xf32, #tpu.memory_space<vmem>>) offsets(%dma_start3A_1176 : memref<100xi32, #tpu.memory_space<vmem>>) semaphore(%arg19 : memref<!tpu.dma_semaphore, #tpu.memory_space<semaphore_mem>>)
        } else {
        }
      } else {
      }
      %mul3A_1094 = arith.constant 6 : i32
      %mul3A_1095 = arith.muli %scan3A_1078, %mul3A_1094 : i32
      %add3A_1096 = arith.constant 2 : i32
      %add3A_1097 = arith.addi %mul3A_1095, %add3A_1096 : i32
      %lt3A_1098 = arith.constant 32 : i32
      %lt3A_1099 = arith.cmpi slt, %add3A_1097, %lt3A_1098 : i32
      %convert_element_type3A_1100 = arith.extui %lt3A_1099 : i1 to i32
      %cond3A_1101 = arith.constant 0 : i32
      %cond3A_1102 = arith.cmpi ne, %convert_element_type3A_1100, %cond3A_1101 : i32
      scf.if %cond3A_1102 {
        %dma_wait3A_1130 = arith.constant 0 : i32
        %dma_wait3A_1131 = arith.constant 2 : i32
        %dma_wait3A_1132 = arith.constant 0 : i32
        %dma_wait3A_1133 = arith.constant 0 : i32
        %dma_wait3A_1134 = tpu.memref_slice %arg14[%dma_wait3A_1131, %dma_wait3A_1132, %dma_wait3A_1133] : memref<6x128x128xf32, #tpu.memory_space<vmem>> -> memref<1x100x128xf32, #tpu.memory_space<vmem>>
        %dma_wait3A_1135 = tpu.memref_squeeze %dma_wait3A_1134 : memref<1x100x128xf32, #tpu.memory_space<vmem>> -> memref<100x128xf32, #tpu.memory_space<vmem>>
        %dma_wait3A_1136 = arith.constant 0 : i32
        %dma_wait3A_1137 = tpu.memref_slice %arg12[%dma_wait3A_1130, %dma_wait3A_1136] : memref<32x128xi32, #tpu.memory_space<vmem>> -> memref<1x100xi32, #tpu.memory_space<vmem>>
        %dma_wait3A_1138 = tpu.memref_squeeze %dma_wait3A_1137 : memref<1x100xi32, #tpu.memory_space<vmem>> -> memref<100xi32, #tpu.memory_space<vmem>>
        %dma_wait3A_1139 = arith.constant 0 : i32
        %dma_wait3A_1140 = arith.constant 0 : i32
        %dma_wait3A_1141 = tpu.memref_slice %arg2[%dma_wait3A_1139, %dma_wait3A_1140] : memref<100000x128xf32, #tpu.memory_space<hbm>> -> memref<100000x128xf32, #tpu.memory_space<hbm>>
        tpu.wait_indirect_dma semaphore(%arg17 : memref<!tpu.dma_semaphore, #tpu.memory_space<semaphore_mem>>) src(%dma_wait3A_1141 : memref<100000x128xf32, #tpu.memory_space<hbm>>) dst(%dma_wait3A_1135 : memref<100x128xf32, #tpu.memory_space<vmem>>)
        %add3A_1142 = arith.addi %mul3A_2, %add3A_1097 : i32
        %mul3A_1143 = arith.constant 128 : i32
        %mul3A_1144 = arith.muli %add3A_1142, %mul3A_1143 : i32
        %dma_start3A_1145 = arith.constant 2 : i32
        %dma_start3A_1146 = arith.constant 0 : i32
        %dma_start3A_1147 = arith.constant 0 : i32
        %dma_start3A_1148 = tpu.memref_slice %arg14[%dma_start3A_1145, %dma_start3A_1146, %dma_start3A_1147] : memref<6x128x128xf32, #tpu.memory_space<vmem>> -> memref<1x128x128xf32, #tpu.memory_space<vmem>>
        %dma_start3A_1149 = tpu.memref_squeeze %dma_start3A_1148 : memref<1x128x128xf32, #tpu.memory_space<vmem>> -> memref<128x128xf32, #tpu.memory_space<vmem>>
        %dma_start3A_1150 = arith.constant 0 : i32
        %dma_start3A_1151 = tpu.memref_slice %arg7[%mul3A_1144, %dma_start3A_1150] : memref<131072x128xf32, #tpu.memory_space<hbm>> -> memref<128x128xf32, #tpu.memory_space<hbm>>
        %dma_start3A_1152 = arith.constant 0 : i32
        %dma_start3A_1153 = tpu.memref_slice %arg7[%mul3A_1144, %dma_start3A_1152] : memref<131072x128xf32, #tpu.memory_space<hbm>> -> memref<128x128xf32, #tpu.memory_space<hbm>>
        %dma_start3A_1154 = arith.constant 0 : i32
        %dma_start3A_1155 = arith.constant 0 : i32
        %dma_start3A_1156 = tpu.memref_slice %arg14[%dma_start3A_1145, %dma_start3A_1154, %dma_start3A_1155] : memref<6x128x128xf32, #tpu.memory_space<vmem>> -> memref<1x128x128xf32, #tpu.memory_space<vmem>>
        %dma_start3A_1157 = tpu.memref_squeeze %dma_start3A_1156 : memref<1x128x128xf32, #tpu.memory_space<vmem>> -> memref<128x128xf32, #tpu.memory_space<vmem>>
        tpu.enqueue_dma source(%dma_start3A_1157 : memref<128x128xf32, #tpu.memory_space<vmem>>) target(%dma_start3A_1153 : memref<128x128xf32, #tpu.memory_space<hbm>>) target_semaphore(%arg23 : memref<!tpu.dma_semaphore, #tpu.memory_space<semaphore_mem>>)
        %add3A_1158 = arith.constant 3 : i32
        %add3A_1159 = arith.addi %add3A_1097, %add3A_1158 : i32
        %lt3A_1160 = arith.constant 32 : i32
        %lt3A_1161 = arith.cmpi slt, %add3A_1159, %lt3A_1160 : i32
        %convert_element_type3A_1162 = arith.extui %lt3A_1161 : i1 to i32
        %cond3A_1163 = arith.constant 0 : i32
        %cond3A_1164 = arith.cmpi ne, %convert_element_type3A_1162, %cond3A_1163 : i32
        scf.if %cond3A_1164 {
          %ge3A = arith.constant 6 : i32
          %ge3A_1165 = arith.cmpi sge, %add3A_1159, %ge3A : i32
          %convert_element_type3A_1166 = arith.extui %ge3A_1165 : i1 to i32
          %cond3A_1167 = arith.constant 0 : i32
          %cond3A_1168 = arith.cmpi ne, %convert_element_type3A_1166, %cond3A_1167 : i32
          scf.if %cond3A_1168 {
            %dma_wait3A_1180 = arith.constant 5 : i32
            %dma_wait3A_1181 = arith.constant 0 : i32
            %dma_wait3A_1182 = arith.constant 0 : i32
            %dma_wait3A_1183 = tpu.memref_slice %arg14[%dma_wait3A_1180, %dma_wait3A_1181, %dma_wait3A_1182] : memref<6x128x128xf32, #tpu.memory_space<vmem>> -> memref<1x128x128xf32, #tpu.memory_space<vmem>>
            %dma_wait3A_1184 = tpu.memref_squeeze %dma_wait3A_1183 : memref<1x128x128xf32, #tpu.memory_space<vmem>> -> memref<128x128xf32, #tpu.memory_space<vmem>>
            %dma_wait3A_1185 = arith.constant 0 : i32
            %dma_wait3A_1186 = arith.constant 0 : i32
            %dma_wait3A_1187 = tpu.memref_slice %arg7[%dma_wait3A_1185, %dma_wait3A_1186] : memref<131072x128xf32, #tpu.memory_space<hbm>> -> memref<128x128xf32, #tpu.memory_space<hbm>>
            %dma_wait3A_1188 = arith.constant 0 : i32
            %dma_wait3A_1189 = arith.constant 0 : i32
            %dma_wait3A_1190 = tpu.memref_slice %arg7[%dma_wait3A_1188, %dma_wait3A_1189] : memref<131072x128xf32, #tpu.memory_space<hbm>> -> memref<128x128xf32, #tpu.memory_space<hbm>>
            %dma_wait3A_1191 = arith.constant 0 : i32
            %dma_wait3A_1192 = arith.constant 0 : i32
            %dma_wait3A_1193 = tpu.memref_slice %arg14[%dma_wait3A_1180, %dma_wait3A_1191, %dma_wait3A_1192] : memref<6x128x128xf32, #tpu.memory_space<vmem>> -> memref<1x128x128xf32, #tpu.memory_space<vmem>>
            %dma_wait3A_1194 = tpu.memref_squeeze %dma_wait3A_1193 : memref<1x128x128xf32, #tpu.memory_space<vmem>> -> memref<128x128xf32, #tpu.memory_space<vmem>>
            tpu.wait_dma2 semaphore(%arg26 : memref<!tpu.dma_semaphore, #tpu.memory_space<semaphore_mem>>) src(%dma_wait3A_1194 : memref<128x128xf32, #tpu.memory_space<vmem>>) dst(%dma_wait3A_1190 : memref<128x128xf32, #tpu.memory_space<hbm>>)
          } else {
          }
          %dma_start3A_1169 = arith.constant 5 : i32
          %dma_start3A_1170 = arith.constant 0 : i32
          %dma_start3A_1171 = arith.constant 0 : i32
          %dma_start3A_1172 = tpu.memref_slice %arg14[%dma_start3A_1169, %dma_start3A_1170, %dma_start3A_1171] : memref<6x128x128xf32, #tpu.memory_space<vmem>> -> memref<1x100x128xf32, #tpu.memory_space<vmem>>
          %dma_start3A_1173 = tpu.memref_squeeze %dma_start3A_1172 : memref<1x100x128xf32, #tpu.memory_space<vmem>> -> memref<100x128xf32, #tpu.memory_space<vmem>>
          %dma_start3A_1174 = arith.constant 0 : i32
          %dma_start3A_1175 = tpu.memref_slice %arg12[%add3A_1159, %dma_start3A_1174] : memref<32x128xi32, #tpu.memory_space<vmem>> -> memref<1x100xi32, #tpu.memory_space<vmem>>
          %dma_start3A_1176 = tpu.memref_squeeze %dma_start3A_1175 : memref<1x100xi32, #tpu.memory_space<vmem>> -> memref<100xi32, #tpu.memory_space<vmem>>
          %dma_start3A_1177 = arith.constant 0 : i32
          %dma_start3A_1178 = arith.constant 0 : i32
          %dma_start3A_1179 = tpu.memref_slice %arg2[%dma_start3A_1177, %dma_start3A_1178] : memref<100000x128xf32, #tpu.memory_space<hbm>> -> memref<100000x128xf32, #tpu.memory_space<hbm>>
          tpu.enqueue_indirect_dma source(%dma_start3A_1179 : memref<100000x128xf32, #tpu.memory_space<hbm>>) target(%dma_start3A_1173 : memref<100x128xf32, #tpu.memory_space<vmem>>) offsets(%dma_start3A_1176 : memref<100xi32, #tpu.memory_space<vmem>>) semaphore(%arg20 : memref<!tpu.dma_semaphore, #tpu.memory_space<semaphore_mem>>)
        } else {
        }
      } else {
      }
      %mul3A_1103 = arith.constant 6 : i32
      %mul3A_1104 = arith.muli %scan3A_1078, %mul3A_1103 : i32
      %add3A_1105 = arith.constant 3 : i32
      %add3A_1106 = arith.addi %mul3A_1104, %add3A_1105 : i32
      %lt3A_1107 = arith.constant 32 : i32
      %lt3A_1108 = arith.cmpi slt, %add3A_1106, %lt3A_1107 : i32
      %convert_element_type3A_1109 = arith.extui %lt3A_1108 : i1 to i32
      %cond3A_1110 = arith.constant 0 : i32
      %cond3A_1111 = arith.cmpi ne, %convert_element_type3A_1109, %cond3A_1110 : i32
      scf.if %cond3A_1111 {
        %dma_wait3A_1130 = arith.constant 0 : i32
        %dma_wait3A_1131 = arith.constant 3 : i32
        %dma_wait3A_1132 = arith.constant 0 : i32
        %dma_wait3A_1133 = arith.constant 0 : i32
        %dma_wait3A_1134 = tpu.memref_slice %arg14[%dma_wait3A_1131, %dma_wait3A_1132, %dma_wait3A_1133] : memref<6x128x128xf32, #tpu.memory_space<vmem>> -> memref<1x100x128xf32, #tpu.memory_space<vmem>>
        %dma_wait3A_1135 = tpu.memref_squeeze %dma_wait3A_1134 : memref<1x100x128xf32, #tpu.memory_space<vmem>> -> memref<100x128xf32, #tpu.memory_space<vmem>>
        %dma_wait3A_1136 = arith.constant 0 : i32
        %dma_wait3A_1137 = tpu.memref_slice %arg12[%dma_wait3A_1130, %dma_wait3A_1136] : memref<32x128xi32, #tpu.memory_space<vmem>> -> memref<1x100xi32, #tpu.memory_space<vmem>>
        %dma_wait3A_1138 = tpu.memref_squeeze %dma_wait3A_1137 : memref<1x100xi32, #tpu.memory_space<vmem>> -> memref<100xi32, #tpu.memory_space<vmem>>
        %dma_wait3A_1139 = arith.constant 0 : i32
        %dma_wait3A_1140 = arith.constant 0 : i32
        %dma_wait3A_1141 = tpu.memref_slice %arg2[%dma_wait3A_1139, %dma_wait3A_1140] : memref<100000x128xf32, #tpu.memory_space<hbm>> -> memref<100000x128xf32, #tpu.memory_space<hbm>>
        tpu.wait_indirect_dma semaphore(%arg18 : memref<!tpu.dma_semaphore, #tpu.memory_space<semaphore_mem>>) src(%dma_wait3A_1141 : memref<100000x128xf32, #tpu.memory_space<hbm>>) dst(%dma_wait3A_1135 : memref<100x128xf32, #tpu.memory_space<vmem>>)
        %add3A_1142 = arith.addi %mul3A_2, %add3A_1106 : i32
        %mul3A_1143 = arith.constant 128 : i32
        %mul3A_1144 = arith.muli %add3A_1142, %mul3A_1143 : i32
        %dma_start3A_1145 = arith.constant 3 : i32
        %dma_start3A_1146 = arith.constant 0 : i32
        %dma_start3A_1147 = arith.constant 0 : i32
        %dma_start3A_1148 = tpu.memref_slice %arg14[%dma_start3A_1145, %dma_start3A_1146, %dma_start3A_1147] : memref<6x128x128xf32, #tpu.memory_space<vmem>> -> memref<1x128x128xf32, #tpu.memory_space<vmem>>
        %dma_start3A_1149 = tpu.memref_squeeze %dma_start3A_1148 : memref<1x128x128xf32, #tpu.memory_space<vmem>> -> memref<128x128xf32, #tpu.memory_space<vmem>>
        %dma_start3A_1150 = arith.constant 0 : i32
        %dma_start3A_1151 = tpu.memref_slice %arg7[%mul3A_1144, %dma_start3A_1150] : memref<131072x128xf32, #tpu.memory_space<hbm>> -> memref<128x128xf32, #tpu.memory_space<hbm>>
        %dma_start3A_1152 = arith.constant 0 : i32
        %dma_start3A_1153 = tpu.memref_slice %arg7[%mul3A_1144, %dma_start3A_1152] : memref<131072x128xf32, #tpu.memory_space<hbm>> -> memref<128x128xf32, #tpu.memory_space<hbm>>
        %dma_start3A_1154 = arith.constant 0 : i32
        %dma_start3A_1155 = arith.constant 0 : i32
        %dma_start3A_1156 = tpu.memref_slice %arg14[%dma_start3A_1145, %dma_start3A_1154, %dma_start3A_1155] : memref<6x128x128xf32, #tpu.memory_space<vmem>> -> memref<1x128x128xf32, #tpu.memory_space<vmem>>
        %dma_start3A_1157 = tpu.memref_squeeze %dma_start3A_1156 : memref<1x128x128xf32, #tpu.memory_space<vmem>> -> memref<128x128xf32, #tpu.memory_space<vmem>>
        tpu.enqueue_dma source(%dma_start3A_1157 : memref<128x128xf32, #tpu.memory_space<vmem>>) target(%dma_start3A_1153 : memref<128x128xf32, #tpu.memory_space<hbm>>) target_semaphore(%arg24 : memref<!tpu.dma_semaphore, #tpu.memory_space<semaphore_mem>>)
        %add3A_1158 = arith.constant 3 : i32
        %add3A_1159 = arith.addi %add3A_1106, %add3A_1158 : i32
        %lt3A_1160 = arith.constant 32 : i32
        %lt3A_1161 = arith.cmpi slt, %add3A_1159, %lt3A_1160 : i32
        %convert_element_type3A_1162 = arith.extui %lt3A_1161 : i1 to i32
        %cond3A_1163 = arith.constant 0 : i32
        %cond3A_1164 = arith.cmpi ne, %convert_element_type3A_1162, %cond3A_1163 : i32
        scf.if %cond3A_1164 {
          %ge3A = arith.constant 6 : i32
          %ge3A_1165 = arith.cmpi sge, %add3A_1159, %ge3A : i32
          %convert_element_type3A_1166 = arith.extui %ge3A_1165 : i1 to i32
          %cond3A_1167 = arith.constant 0 : i32
          %cond3A_1168 = arith.cmpi ne, %convert_element_type3A_1166, %cond3A_1167 : i32
          scf.if %cond3A_1168 {
            %dma_wait3A_1180 = arith.constant 0 : i32
            %dma_wait3A_1181 = arith.constant 0 : i32
            %dma_wait3A_1182 = arith.constant 0 : i32
            %dma_wait3A_1183 = tpu.memref_slice %arg14[%dma_wait3A_1180, %dma_wait3A_1181, %dma_wait3A_1182] : memref<6x128x128xf32, #tpu.memory_space<vmem>> -> memref<1x128x128xf32, #tpu.memory_space<vmem>>
            %dma_wait3A_1184 = tpu.memref_squeeze %dma_wait3A_1183 : memref<1x128x128xf32, #tpu.memory_space<vmem>> -> memref<128x128xf32, #tpu.memory_space<vmem>>
            %dma_wait3A_1185 = arith.constant 0 : i32
            %dma_wait3A_1186 = arith.constant 0 : i32
            %dma_wait3A_1187 = tpu.memref_slice %arg7[%dma_wait3A_1185, %dma_wait3A_1186] : memref<131072x128xf32, #tpu.memory_space<hbm>> -> memref<128x128xf32, #tpu.memory_space<hbm>>
            %dma_wait3A_1188 = arith.constant 0 : i32
            %dma_wait3A_1189 = arith.constant 0 : i32
            %dma_wait3A_1190 = tpu.memref_slice %arg7[%dma_wait3A_1188, %dma_wait3A_1189] : memref<131072x128xf32, #tpu.memory_space<hbm>> -> memref<128x128xf32, #tpu.memory_space<hbm>>
            %dma_wait3A_1191 = arith.constant 0 : i32
            %dma_wait3A_1192 = arith.constant 0 : i32
            %dma_wait3A_1193 = tpu.memref_slice %arg14[%dma_wait3A_1180, %dma_wait3A_1191, %dma_wait3A_1192] : memref<6x128x128xf32, #tpu.memory_space<vmem>> -> memref<1x128x128xf32, #tpu.memory_space<vmem>>
            %dma_wait3A_1194 = tpu.memref_squeeze %dma_wait3A_1193 : memref<1x128x128xf32, #tpu.memory_space<vmem>> -> memref<128x128xf32, #tpu.memory_space<vmem>>
            tpu.wait_dma2 semaphore(%arg21 : memref<!tpu.dma_semaphore, #tpu.memory_space<semaphore_mem>>) src(%dma_wait3A_1194 : memref<128x128xf32, #tpu.memory_space<vmem>>) dst(%dma_wait3A_1190 : memref<128x128xf32, #tpu.memory_space<hbm>>)
          } else {
          }
          %dma_start3A_1169 = arith.constant 0 : i32
          %dma_start3A_1170 = arith.constant 0 : i32
          %dma_start3A_1171 = arith.constant 0 : i32
          %dma_start3A_1172 = tpu.memref_slice %arg14[%dma_start3A_1169, %dma_start3A_1170, %dma_start3A_1171] : memref<6x128x128xf32, #tpu.memory_space<vmem>> -> memref<1x100x128xf32, #tpu.memory_space<vmem>>
          %dma_start3A_1173 = tpu.memref_squeeze %dma_start3A_1172 : memref<1x100x128xf32, #tpu.memory_space<vmem>> -> memref<100x128xf32, #tpu.memory_space<vmem>>
          %dma_start3A_1174 = arith.constant 0 : i32
          %dma_start3A_1175 = tpu.memref_slice %arg12[%add3A_1159, %dma_start3A_1174] : memref<32x128xi32, #tpu.memory_space<vmem>> -> memref<1x100xi32, #tpu.memory_space<vmem>>
          %dma_start3A_1176 = tpu.memref_squeeze %dma_start3A_1175 : memref<1x100xi32, #tpu.memory_space<vmem>> -> memref<100xi32, #tpu.memory_space<vmem>>
          %dma_start3A_1177 = arith.constant 0 : i32
          %dma_start3A_1178 = arith.constant 0 : i32
          %dma_start3A_1179 = tpu.memref_slice %arg2[%dma_start3A_1177, %dma_start3A_1178] : memref<100000x128xf32, #tpu.memory_space<hbm>> -> memref<100000x128xf32, #tpu.memory_space<hbm>>
          tpu.enqueue_indirect_dma source(%dma_start3A_1179 : memref<100000x128xf32, #tpu.memory_space<hbm>>) target(%dma_start3A_1173 : memref<100x128xf32, #tpu.memory_space<vmem>>) offsets(%dma_start3A_1176 : memref<100xi32, #tpu.memory_space<vmem>>) semaphore(%arg15 : memref<!tpu.dma_semaphore, #tpu.memory_space<semaphore_mem>>)
        } else {
        }
      } else {
      }
      %mul3A_1112 = arith.constant 6 : i32
      %mul3A_1113 = arith.muli %scan3A_1078, %mul3A_1112 : i32
      %add3A_1114 = arith.constant 4 : i32
      %add3A_1115 = arith.addi %mul3A_1113, %add3A_1114 : i32
      %lt3A_1116 = arith.constant 32 : i32
      %lt3A_1117 = arith.cmpi slt, %add3A_1115, %lt3A_1116 : i32
      %convert_element_type3A_1118 = arith.extui %lt3A_1117 : i1 to i32
      %cond3A_1119 = arith.constant 0 : i32
      %cond3A_1120 = arith.cmpi ne, %convert_element_type3A_1118, %cond3A_1119 : i32
      scf.if %cond3A_1120 {
        %dma_wait3A_1130 = arith.constant 0 : i32
        %dma_wait3A_1131 = arith.constant 4 : i32
        %dma_wait3A_1132 = arith.constant 0 : i32
        %dma_wait3A_1133 = arith.constant 0 : i32
        %dma_wait3A_1134 = tpu.memref_slice %arg14[%dma_wait3A_1131, %dma_wait3A_1132, %dma_wait3A_1133] : memref<6x128x128xf32, #tpu.memory_space<vmem>> -> memref<1x100x128xf32, #tpu.memory_space<vmem>>
        %dma_wait3A_1135 = tpu.memref_squeeze %dma_wait3A_1134 : memref<1x100x128xf32, #tpu.memory_space<vmem>> -> memref<100x128xf32, #tpu.memory_space<vmem>>
        %dma_wait3A_1136 = arith.constant 0 : i32
        %dma_wait3A_1137 = tpu.memref_slice %arg12[%dma_wait3A_1130, %dma_wait3A_1136] : memref<32x128xi32, #tpu.memory_space<vmem>> -> memref<1x100xi32, #tpu.memory_space<vmem>>
        %dma_wait3A_1138 = tpu.memref_squeeze %dma_wait3A_1137 : memref<1x100xi32, #tpu.memory_space<vmem>> -> memref<100xi32, #tpu.memory_space<vmem>>
        %dma_wait3A_1139 = arith.constant 0 : i32
        %dma_wait3A_1140 = arith.constant 0 : i32
        %dma_wait3A_1141 = tpu.memref_slice %arg2[%dma_wait3A_1139, %dma_wait3A_1140] : memref<100000x128xf32, #tpu.memory_space<hbm>> -> memref<100000x128xf32, #tpu.memory_space<hbm>>
        tpu.wait_indirect_dma semaphore(%arg19 : memref<!tpu.dma_semaphore, #tpu.memory_space<semaphore_mem>>) src(%dma_wait3A_1141 : memref<100000x128xf32, #tpu.memory_space<hbm>>) dst(%dma_wait3A_1135 : memref<100x128xf32, #tpu.memory_space<vmem>>)
        %add3A_1142 = arith.addi %mul3A_2, %add3A_1115 : i32
        %mul3A_1143 = arith.constant 128 : i32
        %mul3A_1144 = arith.muli %add3A_1142, %mul3A_1143 : i32
        %dma_start3A_1145 = arith.constant 4 : i32
        %dma_start3A_1146 = arith.constant 0 : i32
        %dma_start3A_1147 = arith.constant 0 : i32
        %dma_start3A_1148 = tpu.memref_slice %arg14[%dma_start3A_1145, %dma_start3A_1146, %dma_start3A_1147] : memref<6x128x128xf32, #tpu.memory_space<vmem>> -> memref<1x128x128xf32, #tpu.memory_space<vmem>>
        %dma_start3A_1149 = tpu.memref_squeeze %dma_start3A_1148 : memref<1x128x128xf32, #tpu.memory_space<vmem>> -> memref<128x128xf32, #tpu.memory_space<vmem>>
        %dma_start3A_1150 = arith.constant 0 : i32
        %dma_start3A_1151 = tpu.memref_slice %arg7[%mul3A_1144, %dma_start3A_1150] : memref<131072x128xf32, #tpu.memory_space<hbm>> -> memref<128x128xf32, #tpu.memory_space<hbm>>
        %dma_start3A_1152 = arith.constant 0 : i32
        %dma_start3A_1153 = tpu.memref_slice %arg7[%mul3A_1144, %dma_start3A_1152] : memref<131072x128xf32, #tpu.memory_space<hbm>> -> memref<128x128xf32, #tpu.memory_space<hbm>>
        %dma_start3A_1154 = arith.constant 0 : i32
        %dma_start3A_1155 = arith.constant 0 : i32
        %dma_start3A_1156 = tpu.memref_slice %arg14[%dma_start3A_1145, %dma_start3A_1154, %dma_start3A_1155] : memref<6x128x128xf32, #tpu.memory_space<vmem>> -> memref<1x128x128xf32, #tpu.memory_space<vmem>>
        %dma_start3A_1157 = tpu.memref_squeeze %dma_start3A_1156 : memref<1x128x128xf32, #tpu.memory_space<vmem>> -> memref<128x128xf32, #tpu.memory_space<vmem>>
        tpu.enqueue_dma source(%dma_start3A_1157 : memref<128x128xf32, #tpu.memory_space<vmem>>) target(%dma_start3A_1153 : memref<128x128xf32, #tpu.memory_space<hbm>>) target_semaphore(%arg25 : memref<!tpu.dma_semaphore, #tpu.memory_space<semaphore_mem>>)
        %add3A_1158 = arith.constant 3 : i32
        %add3A_1159 = arith.addi %add3A_1115, %add3A_1158 : i32
        %lt3A_1160 = arith.constant 32 : i32
        %lt3A_1161 = arith.cmpi slt, %add3A_1159, %lt3A_1160 : i32
        %convert_element_type3A_1162 = arith.extui %lt3A_1161 : i1 to i32
        %cond3A_1163 = arith.constant 0 : i32
        %cond3A_1164 = arith.cmpi ne, %convert_element_type3A_1162, %cond3A_1163 : i32
        scf.if %cond3A_1164 {
          %ge3A = arith.constant 6 : i32
          %ge3A_1165 = arith.cmpi sge, %add3A_1159, %ge3A : i32
          %convert_element_type3A_1166 = arith.extui %ge3A_1165 : i1 to i32
          %cond3A_1167 = arith.constant 0 : i32
          %cond3A_1168 = arith.cmpi ne, %convert_element_type3A_1166, %cond3A_1167 : i32
          scf.if %cond3A_1168 {
            %dma_wait3A_1180 = arith.constant 1 : i32
            %dma_wait3A_1181 = arith.constant 0 : i32
            %dma_wait3A_1182 = arith.constant 0 : i32
            %dma_wait3A_1183 = tpu.memref_slice %arg14[%dma_wait3A_1180, %dma_wait3A_1181, %dma_wait3A_1182] : memref<6x128x128xf32, #tpu.memory_space<vmem>> -> memref<1x128x128xf32, #tpu.memory_space<vmem>>
            %dma_wait3A_1184 = tpu.memref_squeeze %dma_wait3A_1183 : memref<1x128x128xf32, #tpu.memory_space<vmem>> -> memref<128x128xf32, #tpu.memory_space<vmem>>
            %dma_wait3A_1185 = arith.constant 0 : i32
            %dma_wait3A_1186 = arith.constant 0 : i32
            %dma_wait3A_1187 = tpu.memref_slice %arg7[%dma_wait3A_1185, %dma_wait3A_1186] : memref<131072x128xf32, #tpu.memory_space<hbm>> -> memref<128x128xf32, #tpu.memory_space<hbm>>
            %dma_wait3A_1188 = arith.constant 0 : i32
            %dma_wait3A_1189 = arith.constant 0 : i32
            %dma_wait3A_1190 = tpu.memref_slice %arg7[%dma_wait3A_1188, %dma_wait3A_1189] : memref<131072x128xf32, #tpu.memory_space<hbm>> -> memref<128x128xf32, #tpu.memory_space<hbm>>
            %dma_wait3A_1191 = arith.constant 0 : i32
            %dma_wait3A_1192 = arith.constant 0 : i32
            %dma_wait3A_1193 = tpu.memref_slice %arg14[%dma_wait3A_1180, %dma_wait3A_1191, %dma_wait3A_1192] : memref<6x128x128xf32, #tpu.memory_space<vmem>> -> memref<1x128x128xf32, #tpu.memory_space<vmem>>
            %dma_wait3A_1194 = tpu.memref_squeeze %dma_wait3A_1193 : memref<1x128x128xf32, #tpu.memory_space<vmem>> -> memref<128x128xf32, #tpu.memory_space<vmem>>
            tpu.wait_dma2 semaphore(%arg22 : memref<!tpu.dma_semaphore, #tpu.memory_space<semaphore_mem>>) src(%dma_wait3A_1194 : memref<128x128xf32, #tpu.memory_space<vmem>>) dst(%dma_wait3A_1190 : memref<128x128xf32, #tpu.memory_space<hbm>>)
          } else {
          }
          %dma_start3A_1169 = arith.constant 1 : i32
          %dma_start3A_1170 = arith.constant 0 : i32
          %dma_start3A_1171 = arith.constant 0 : i32
          %dma_start3A_1172 = tpu.memref_slice %arg14[%dma_start3A_1169, %dma_start3A_1170, %dma_start3A_1171] : memref<6x128x128xf32, #tpu.memory_space<vmem>> -> memref<1x100x128xf32, #tpu.memory_space<vmem>>
          %dma_start3A_1173 = tpu.memref_squeeze %dma_start3A_1172 : memref<1x100x128xf32, #tpu.memory_space<vmem>> -> memref<100x128xf32, #tpu.memory_space<vmem>>
          %dma_start3A_1174 = arith.constant 0 : i32
          %dma_start3A_1175 = tpu.memref_slice %arg12[%add3A_1159, %dma_start3A_1174] : memref<32x128xi32, #tpu.memory_space<vmem>> -> memref<1x100xi32, #tpu.memory_space<vmem>>
          %dma_start3A_1176 = tpu.memref_squeeze %dma_start3A_1175 : memref<1x100xi32, #tpu.memory_space<vmem>> -> memref<100xi32, #tpu.memory_space<vmem>>
          %dma_start3A_1177 = arith.constant 0 : i32
          %dma_start3A_1178 = arith.constant 0 : i32
          %dma_start3A_1179 = tpu.memref_slice %arg2[%dma_start3A_1177, %dma_start3A_1178] : memref<100000x128xf32, #tpu.memory_space<hbm>> -> memref<100000x128xf32, #tpu.memory_space<hbm>>
          tpu.enqueue_indirect_dma source(%dma_start3A_1179 : memref<100000x128xf32, #tpu.memory_space<hbm>>) target(%dma_start3A_1173 : memref<100x128xf32, #tpu.memory_space<vmem>>) offsets(%dma_start3A_1176 : memref<100xi32, #tpu.memory_space<vmem>>) semaphore(%arg16 : memref<!tpu.dma_semaphore, #tpu.memory_space<semaphore_mem>>)
        } else {
        }
      } else {
      }
      %mul3A_1121 = arith.constant 6 : i32
      %mul3A_1122 = arith.muli %scan3A_1078, %mul3A_1121 : i32
      %add3A_1123 = arith.constant 5 : i32
      %add3A_1124 = arith.addi %mul3A_1122, %add3A_1123 : i32
      %lt3A_1125 = arith.constant 32 : i32
      %lt3A_1126 = arith.cmpi slt, %add3A_1124, %lt3A_1125 : i32
      %convert_element_type3A_1127 = arith.extui %lt3A_1126 : i1 to i32
      %cond3A_1128 = arith.constant 0 : i32
      %cond3A_1129 = arith.cmpi ne, %convert_element_type3A_1127, %cond3A_1128 : i32
      scf.if %cond3A_1129 {
        %dma_wait3A_1130 = arith.constant 0 : i32
        %dma_wait3A_1131 = arith.constant 5 : i32
        %dma_wait3A_1132 = arith.constant 0 : i32
        %dma_wait3A_1133 = arith.constant 0 : i32
        %dma_wait3A_1134 = tpu.memref_slice %arg14[%dma_wait3A_1131, %dma_wait3A_1132, %dma_wait3A_1133] : memref<6x128x128xf32, #tpu.memory_space<vmem>> -> memref<1x100x128xf32, #tpu.memory_space<vmem>>
        %dma_wait3A_1135 = tpu.memref_squeeze %dma_wait3A_1134 : memref<1x100x128xf32, #tpu.memory_space<vmem>> -> memref<100x128xf32, #tpu.memory_space<vmem>>
        %dma_wait3A_1136 = arith.constant 0 : i32
        %dma_wait3A_1137 = tpu.memref_slice %arg12[%dma_wait3A_1130, %dma_wait3A_1136] : memref<32x128xi32, #tpu.memory_space<vmem>> -> memref<1x100xi32, #tpu.memory_space<vmem>>
        %dma_wait3A_1138 = tpu.memref_squeeze %dma_wait3A_1137 : memref<1x100xi32, #tpu.memory_space<vmem>> -> memref<100xi32, #tpu.memory_space<vmem>>
        %dma_wait3A_1139 = arith.constant 0 : i32
        %dma_wait3A_1140 = arith.constant 0 : i32
        %dma_wait3A_1141 = tpu.memref_slice %arg2[%dma_wait3A_1139, %dma_wait3A_1140] : memref<100000x128xf32, #tpu.memory_space<hbm>> -> memref<100000x128xf32, #tpu.memory_space<hbm>>
        tpu.wait_indirect_dma semaphore(%arg20 : memref<!tpu.dma_semaphore, #tpu.memory_space<semaphore_mem>>) src(%dma_wait3A_1141 : memref<100000x128xf32, #tpu.memory_space<hbm>>) dst(%dma_wait3A_1135 : memref<100x128xf32, #tpu.memory_space<vmem>>)
        %add3A_1142 = arith.addi %mul3A_2, %add3A_1124 : i32
        %mul3A_1143 = arith.constant 128 : i32
        %mul3A_1144 = arith.muli %add3A_1142, %mul3A_1143 : i32
        %dma_start3A_1145 = arith.constant 5 : i32
        %dma_start3A_1146 = arith.constant 0 : i32
        %dma_start3A_1147 = arith.constant 0 : i32
        %dma_start3A_1148 = tpu.memref_slice %arg14[%dma_start3A_1145, %dma_start3A_1146, %dma_start3A_1147] : memref<6x128x128xf32, #tpu.memory_space<vmem>> -> memref<1x128x128xf32, #tpu.memory_space<vmem>>
        %dma_start3A_1149 = tpu.memref_squeeze %dma_start3A_1148 : memref<1x128x128xf32, #tpu.memory_space<vmem>> -> memref<128x128xf32, #tpu.memory_space<vmem>>
        %dma_start3A_1150 = arith.constant 0 : i32
        %dma_start3A_1151 = tpu.memref_slice %arg7[%mul3A_1144, %dma_start3A_1150] : memref<131072x128xf32, #tpu.memory_space<hbm>> -> memref<128x128xf32, #tpu.memory_space<hbm>>
        %dma_start3A_1152 = arith.constant 0 : i32
        %dma_start3A_1153 = tpu.memref_slice %arg7[%mul3A_1144, %dma_start3A_1152] : memref<131072x128xf32, #tpu.memory_space<hbm>> -> memref<128x128xf32, #tpu.memory_space<hbm>>
        %dma_start3A_1154 = arith.constant 0 : i32
        %dma_start3A_1155 = arith.constant 0 : i32
        %dma_start3A_1156 = tpu.memref_slice %arg14[%dma_start3A_1145, %dma_start3A_1154, %dma_start3A_1155] : memref<6x128x128xf32, #tpu.memory_space<vmem>> -> memref<1x128x128xf32, #tpu.memory_space<vmem>>
        %dma_start3A_1157 = tpu.memref_squeeze %dma_start3A_1156 : memref<1x128x128xf32, #tpu.memory_space<vmem>> -> memref<128x128xf32, #tpu.memory_space<vmem>>
        tpu.enqueue_dma source(%dma_start3A_1157 : memref<128x128xf32, #tpu.memory_space<vmem>>) target(%dma_start3A_1153 : memref<128x128xf32, #tpu.memory_space<hbm>>) target_semaphore(%arg26 : memref<!tpu.dma_semaphore, #tpu.memory_space<semaphore_mem>>)
        %add3A_1158 = arith.constant 3 : i32
        %add3A_1159 = arith.addi %add3A_1124, %add3A_1158 : i32
        %lt3A_1160 = arith.constant 32 : i32
        %lt3A_1161 = arith.cmpi slt, %add3A_1159, %lt3A_1160 : i32
        %convert_element_type3A_1162 = arith.extui %lt3A_1161 : i1 to i32
        %cond3A_1163 = arith.constant 0 : i32
        %cond3A_1164 = arith.cmpi ne, %convert_element_type3A_1162, %cond3A_1163 : i32
        scf.if %cond3A_1164 {
          %ge3A = arith.constant 6 : i32
          %ge3A_1165 = arith.cmpi sge, %add3A_1159, %ge3A : i32
          %convert_element_type3A_1166 = arith.extui %ge3A_1165 : i1 to i32
          %cond3A_1167 = arith.constant 0 : i32
          %cond3A_1168 = arith.cmpi ne, %convert_element_type3A_1166, %cond3A_1167 : i32
          scf.if %cond3A_1168 {
            %dma_wait3A_1180 = arith.constant 2 : i32
            %dma_wait3A_1181 = arith.constant 0 : i32
            %dma_wait3A_1182 = arith.constant 0 : i32
            %dma_wait3A_1183 = tpu.memref_slice %arg14[%dma_wait3A_1180, %dma_wait3A_1181, %dma_wait3A_1182] : memref<6x128x128xf32, #tpu.memory_space<vmem>> -> memref<1x128x128xf32, #tpu.memory_space<vmem>>
            %dma_wait3A_1184 = tpu.memref_squeeze %dma_wait3A_1183 : memref<1x128x128xf32, #tpu.memory_space<vmem>> -> memref<128x128xf32, #tpu.memory_space<vmem>>
            %dma_wait3A_1185 = arith.constant 0 : i32
            %dma_wait3A_1186 = arith.constant 0 : i32
            %dma_wait3A_1187 = tpu.memref_slice %arg7[%dma_wait3A_1185, %dma_wait3A_1186] : memref<131072x128xf32, #tpu.memory_space<hbm>> -> memref<128x128xf32, #tpu.memory_space<hbm>>
            %dma_wait3A_1188 = arith.constant 0 : i32
            %dma_wait3A_1189 = arith.constant 0 : i32
            %dma_wait3A_1190 = tpu.memref_slice %arg7[%dma_wait3A_1188, %dma_wait3A_1189] : memref<131072x128xf32, #tpu.memory_space<hbm>> -> memref<128x128xf32, #tpu.memory_space<hbm>>
            %dma_wait3A_1191 = arith.constant 0 : i32
            %dma_wait3A_1192 = arith.constant 0 : i32
            %dma_wait3A_1193 = tpu.memref_slice %arg14[%dma_wait3A_1180, %dma_wait3A_1191, %dma_wait3A_1192] : memref<6x128x128xf32, #tpu.memory_space<vmem>> -> memref<1x128x128xf32, #tpu.memory_space<vmem>>
            %dma_wait3A_1194 = tpu.memref_squeeze %dma_wait3A_1193 : memref<1x128x128xf32, #tpu.memory_space<vmem>> -> memref<128x128xf32, #tpu.memory_space<vmem>>
            tpu.wait_dma2 semaphore(%arg23 : memref<!tpu.dma_semaphore, #tpu.memory_space<semaphore_mem>>) src(%dma_wait3A_1194 : memref<128x128xf32, #tpu.memory_space<vmem>>) dst(%dma_wait3A_1190 : memref<128x128xf32, #tpu.memory_space<hbm>>)
          } else {
          }
          %dma_start3A_1169 = arith.constant 2 : i32
          %dma_start3A_1170 = arith.constant 0 : i32
          %dma_start3A_1171 = arith.constant 0 : i32
          %dma_start3A_1172 = tpu.memref_slice %arg14[%dma_start3A_1169, %dma_start3A_1170, %dma_start3A_1171] : memref<6x128x128xf32, #tpu.memory_space<vmem>> -> memref<1x100x128xf32, #tpu.memory_space<vmem>>
          %dma_start3A_1173 = tpu.memref_squeeze %dma_start3A_1172 : memref<1x100x128xf32, #tpu.memory_space<vmem>> -> memref<100x128xf32, #tpu.memory_space<vmem>>
          %dma_start3A_1174 = arith.constant 0 : i32
          %dma_start3A_1175 = tpu.memref_slice %arg12[%add3A_1159, %dma_start3A_1174] : memref<32x128xi32, #tpu.memory_space<vmem>> -> memref<1x100xi32, #tpu.memory_space<vmem>>
          %dma_start3A_1176 = tpu.memref_squeeze %dma_start3A_1175 : memref<1x100xi32, #tpu.memory_space<vmem>> -> memref<100xi32, #tpu.memory_space<vmem>>
          %dma_start3A_1177 = arith.constant 0 : i32
          %dma_start3A_1178 = arith.constant 0 : i32
          %dma_start3A_1179 = tpu.memref_slice %arg2[%dma_start3A_1177, %dma_start3A_1178] : memref<100000x128xf32, #tpu.memory_space<hbm>> -> memref<100000x128xf32, #tpu.memory_space<hbm>>
          tpu.enqueue_indirect_dma source(%dma_start3A_1179 : memref<100000x128xf32, #tpu.memory_space<hbm>>) target(%dma_start3A_1173 : memref<100x128xf32, #tpu.memory_space<vmem>>) offsets(%dma_start3A_1176 : memref<100xi32, #tpu.memory_space<vmem>>) semaphore(%arg17 : memref<!tpu.dma_semaphore, #tpu.memory_space<semaphore_mem>>)
        } else {
        }
      } else {
      }
    }
    %scan3A_829 = arith.constant 6 : i32
    %dma_wait3A_830 = arith.constant 0 : i32
    %dma_wait3A_831 = arith.constant 0 : i32
    %dma_wait3A_832 = arith.constant 0 : i32
    %dma_wait3A_833 = tpu.memref_slice %arg14[%dma_wait3A_830, %dma_wait3A_831, %dma_wait3A_832] : memref<6x128x128xf32, #tpu.memory_space<vmem>> -> memref<1x128x128xf32, #tpu.memory_space<vmem>>
    %dma_wait3A_834 = tpu.memref_squeeze %dma_wait3A_833 : memref<1x128x128xf32, #tpu.memory_space<vmem>> -> memref<128x128xf32, #tpu.memory_space<vmem>>
    %dma_wait3A_835 = arith.constant 0 : i32
    %dma_wait3A_836 = arith.constant 0 : i32
    %dma_wait3A_837 = tpu.memref_slice %arg7[%dma_wait3A_835, %dma_wait3A_836] : memref<131072x128xf32, #tpu.memory_space<hbm>> -> memref<128x128xf32, #tpu.memory_space<hbm>>
    %dma_wait3A_838 = arith.constant 0 : i32
    %dma_wait3A_839 = arith.constant 0 : i32
    %dma_wait3A_840 = tpu.memref_slice %arg7[%dma_wait3A_838, %dma_wait3A_839] : memref<131072x128xf32, #tpu.memory_space<hbm>> -> memref<128x128xf32, #tpu.memory_space<hbm>>
    %dma_wait3A_841 = arith.constant 0 : i32
    %dma_wait3A_842 = arith.constant 0 : i32
    %dma_wait3A_843 = tpu.memref_slice %arg14[%dma_wait3A_830, %dma_wait3A_841, %dma_wait3A_842] : memref<6x128x128xf32, #tpu.memory_space<vmem>> -> memref<1x128x128xf32, #tpu.memory_space<vmem>>
    %dma_wait3A_844 = tpu.memref_squeeze %dma_wait3A_843 : memref<1x128x128xf32, #tpu.memory_space<vmem>> -> memref<128x128xf32, #tpu.memory_space<vmem>>
    tpu.wait_dma2 semaphore(%arg21 : memref<!tpu.dma_semaphore, #tpu.memory_space<semaphore_mem>>) src(%dma_wait3A_844 : memref<128x128xf32, #tpu.memory_space<vmem>>) dst(%dma_wait3A_840 : memref<128x128xf32, #tpu.memory_space<hbm>>)
    %dma_wait3A_845 = arith.constant 1 : i32
    %dma_wait3A_846 = arith.constant 0 : i32
    %dma_wait3A_847 = arith.constant 0 : i32
    %dma_wait3A_848 = tpu.memref_slice %arg14[%dma_wait3A_845, %dma_wait3A_846, %dma_wait3A_847] : memref<6x128x128xf32, #tpu.memory_space<vmem>> -> memref<1x128x128xf32, #tpu.memory_space<vmem>>
    %dma_wait3A_849 = tpu.memref_squeeze %dma_wait3A_848 : memref<1x128x128xf32, #tpu.memory_space<vmem>> -> memref<128x128xf32, #tpu.memory_space<vmem>>
    %dma_wait3A_850 = arith.constant 0 : i32
    %dma_wait3A_851 = arith.constant 0 : i32
    %dma_wait3A_852 = tpu.memref_slice %arg7[%dma_wait3A_850, %dma_wait3A_851] : memref<131072x128xf32, #tpu.memory_space<hbm>> -> memref<128x128xf32, #tpu.memory_space<hbm>>
    %dma_wait3A_853 = arith.constant 0 : i32
    %dma_wait3A_854 = arith.constant 0 : i32
    %dma_wait3A_855 = tpu.memref_slice %arg7[%dma_wait3A_853, %dma_wait3A_854] : memref<131072x128xf32, #tpu.memory_space<hbm>> -> memref<128x128xf32, #tpu.memory_space<hbm>>
    %dma_wait3A_856 = arith.constant 0 : i32
    %dma_wait3A_857 = arith.constant 0 : i32
    %dma_wait3A_858 = tpu.memref_slice %arg14[%dma_wait3A_845, %dma_wait3A_856, %dma_wait3A_857] : memref<6x128x128xf32, #tpu.memory_space<vmem>> -> memref<1x128x128xf32, #tpu.memory_space<vmem>>
    %dma_wait3A_859 = tpu.memref_squeeze %dma_wait3A_858 : memref<1x128x128xf32, #tpu.memory_space<vmem>> -> memref<128x128xf32, #tpu.memory_space<vmem>>
    tpu.wait_dma2 semaphore(%arg22 : memref<!tpu.dma_semaphore, #tpu.memory_space<semaphore_mem>>) src(%dma_wait3A_859 : memref<128x128xf32, #tpu.memory_space<vmem>>) dst(%dma_wait3A_855 : memref<128x128xf32, #tpu.memory_space<hbm>>)
    %dma_wait3A_860 = arith.constant 2 : i32
    %dma_wait3A_861 = arith.constant 0 : i32
    %dma_wait3A_862 = arith.constant 0 : i32
    %dma_wait3A_863 = tpu.memref_slice %arg14[%dma_wait3A_860, %dma_wait3A_861, %dma_wait3A_862] : memref<6x128x128xf32, #tpu.memory_space<vmem>> -> memref<1x128x128xf32, #tpu.memory_space<vmem>>
    %dma_wait3A_864 = tpu.memref_squeeze %dma_wait3A_863 : memref<1x128x128xf32, #tpu.memory_space<vmem>> -> memref<128x128xf32, #tpu.memory_space<vmem>>
    %dma_wait3A_865 = arith.constant 0 : i32
    %dma_wait3A_866 = arith.constant 0 : i32
    %dma_wait3A_867 = tpu.memref_slice %arg7[%dma_wait3A_865, %dma_wait3A_866] : memref<131072x128xf32, #tpu.memory_space<hbm>> -> memref<128x128xf32, #tpu.memory_space<hbm>>
    %dma_wait3A_868 = arith.constant 0 : i32
    %dma_wait3A_869 = arith.constant 0 : i32
    %dma_wait3A_870 = tpu.memref_slice %arg7[%dma_wait3A_868, %dma_wait3A_869] : memref<131072x128xf32, #tpu.memory_space<hbm>> -> memref<128x128xf32, #tpu.memory_space<hbm>>
    %dma_wait3A_871 = arith.constant 0 : i32
    %dma_wait3A_872 = arith.constant 0 : i32
    %dma_wait3A_873 = tpu.memref_slice %arg14[%dma_wait3A_860, %dma_wait3A_871, %dma_wait3A_872] : memref<6x128x128xf32, #tpu.memory_space<vmem>> -> memref<1x128x128xf32, #tpu.memory_space<vmem>>
    %dma_wait3A_874 = tpu.memref_squeeze %dma_wait3A_873 : memref<1x128x128xf32, #tpu.memory_space<vmem>> -> memref<128x128xf32, #tpu.memory_space<vmem>>
    tpu.wait_dma2 semaphore(%arg23 : memref<!tpu.dma_semaphore, #tpu.memory_space<semaphore_mem>>) src(%dma_wait3A_874 : memref<128x128xf32, #tpu.memory_space<vmem>>) dst(%dma_wait3A_870 : memref<128x128xf32, #tpu.memory_space<hbm>>)
    %dma_wait3A_875 = arith.constant 3 : i32
    %dma_wait3A_876 = arith.constant 0 : i32
    %dma_wait3A_877 = arith.constant 0 : i32
    %dma_wait3A_878 = tpu.memref_slice %arg14[%dma_wait3A_875, %dma_wait3A_876, %dma_wait3A_877] : memref<6x128x128xf32, #tpu.memory_space<vmem>> -> memref<1x128x128xf32, #tpu.memory_space<vmem>>
    %dma_wait3A_879 = tpu.memref_squeeze %dma_wait3A_878 : memref<1x128x128xf32, #tpu.memory_space<vmem>> -> memref<128x128xf32, #tpu.memory_space<vmem>>
    %dma_wait3A_880 = arith.constant 0 : i32
    %dma_wait3A_881 = arith.constant 0 : i32
    %dma_wait3A_882 = tpu.memref_slice %arg7[%dma_wait3A_880, %dma_wait3A_881] : memref<131072x128xf32, #tpu.memory_space<hbm>> -> memref<128x128xf32, #tpu.memory_space<hbm>>
    %dma_wait3A_883 = arith.constant 0 : i32
    %dma_wait3A_884 = arith.constant 0 : i32
    %dma_wait3A_885 = tpu.memref_slice %arg7[%dma_wait3A_883, %dma_wait3A_884] : memref<131072x128xf32, #tpu.memory_space<hbm>> -> memref<128x128xf32, #tpu.memory_space<hbm>>
    %dma_wait3A_886 = arith.constant 0 : i32
    %dma_wait3A_887 = arith.constant 0 : i32
    %dma_wait3A_888 = tpu.memref_slice %arg14[%dma_wait3A_875, %dma_wait3A_886, %dma_wait3A_887] : memref<6x128x128xf32, #tpu.memory_space<vmem>> -> memref<1x128x128xf32, #tpu.memory_space<vmem>>
    %dma_wait3A_889 = tpu.memref_squeeze %dma_wait3A_888 : memref<1x128x128xf32, #tpu.memory_space<vmem>> -> memref<128x128xf32, #tpu.memory_space<vmem>>
    tpu.wait_dma2 semaphore(%arg24 : memref<!tpu.dma_semaphore, #tpu.memory_space<semaphore_mem>>) src(%dma_wait3A_889 : memref<128x128xf32, #tpu.memory_space<vmem>>) dst(%dma_wait3A_885 : memref<128x128xf32, #tpu.memory_space<hbm>>)
    %dma_wait3A_890 = arith.constant 4 : i32
    %dma_wait3A_891 = arith.constant 0 : i32
    %dma_wait3A_892 = arith.constant 0 : i32
    %dma_wait3A_893 = tpu.memref_slice %arg14[%dma_wait3A_890, %dma_wait3A_891, %dma_wait3A_892] : memref<6x128x128xf32, #tpu.memory_space<vmem>> -> memref<1x128x128xf32, #tpu.memory_space<vmem>>
    %dma_wait3A_894 = tpu.memref_squeeze %dma_wait3A_893 : memref<1x128x128xf32, #tpu.memory_space<vmem>> -> memref<128x128xf32, #tpu.memory_space<vmem>>
    %dma_wait3A_895 = arith.constant 0 : i32
    %dma_wait3A_896 = arith.constant 0 : i32
    %dma_wait3A_897 = tpu.memref_slice %arg7[%dma_wait3A_895, %dma_wait3A_896] : memref<131072x128xf32, #tpu.memory_space<hbm>> -> memref<128x128xf32, #tpu.memory_space<hbm>>
    %dma_wait3A_898 = arith.constant 0 : i32
    %dma_wait3A_899 = arith.constant 0 : i32
    %dma_wait3A_900 = tpu.memref_slice %arg7[%dma_wait3A_898, %dma_wait3A_899] : memref<131072x128xf32, #tpu.memory_space<hbm>> -> memref<128x128xf32, #tpu.memory_space<hbm>>
    %dma_wait3A_901 = arith.constant 0 : i32
    %dma_wait3A_902 = arith.constant 0 : i32
    %dma_wait3A_903 = tpu.memref_slice %arg14[%dma_wait3A_890, %dma_wait3A_901, %dma_wait3A_902] : memref<6x128x128xf32, #tpu.memory_space<vmem>> -> memref<1x128x128xf32, #tpu.memory_space<vmem>>
    %dma_wait3A_904 = tpu.memref_squeeze %dma_wait3A_903 : memref<1x128x128xf32, #tpu.memory_space<vmem>> -> memref<128x128xf32, #tpu.memory_space<vmem>>
    tpu.wait_dma2 semaphore(%arg25 : memref<!tpu.dma_semaphore, #tpu.memory_space<semaphore_mem>>) src(%dma_wait3A_904 : memref<128x128xf32, #tpu.memory_space<vmem>>) dst(%dma_wait3A_900 : memref<128x128xf32, #tpu.memory_space<hbm>>)
    %dma_wait3A_905 = arith.constant 5 : i32
    %dma_wait3A_906 = arith.constant 0 : i32
    %dma_wait3A_907 = arith.constant 0 : i32
    %dma_wait3A_908 = tpu.memref_slice %arg14[%dma_wait3A_905, %dma_wait3A_906, %dma_wait3A_907] : memref<6x128x128xf32, #tpu.memory_space<vmem>> -> memref<1x128x128xf32, #tpu.memory_space<vmem>>
    %dma_wait3A_909 = tpu.memref_squeeze %dma_wait3A_908 : memref<1x128x128xf32, #tpu.memory_space<vmem>> -> memref<128x128xf32, #tpu.memory_space<vmem>>
    %dma_wait3A_910 = arith.constant 0 : i32
    %dma_wait3A_911 = arith.constant 0 : i32
    %dma_wait3A_912 = tpu.memref_slice %arg7[%dma_wait3A_910, %dma_wait3A_911] : memref<131072x128xf32, #tpu.memory_space<hbm>> -> memref<128x128xf32, #tpu.memory_space<hbm>>
    %dma_wait3A_913 = arith.constant 0 : i32
    %dma_wait3A_914 = arith.constant 0 : i32
    %dma_wait3A_915 = tpu.memref_slice %arg7[%dma_wait3A_913, %dma_wait3A_914] : memref<131072x128xf32, #tpu.memory_space<hbm>> -> memref<128x128xf32, #tpu.memory_space<hbm>>
    %dma_wait3A_916 = arith.constant 0 : i32
    %dma_wait3A_917 = arith.constant 0 : i32
    %dma_wait3A_918 = tpu.memref_slice %arg14[%dma_wait3A_905, %dma_wait3A_916, %dma_wait3A_917] : memref<6x128x128xf32, #tpu.memory_space<vmem>> -> memref<1x128x128xf32, #tpu.memory_space<vmem>>
    %dma_wait3A_919 = tpu.memref_squeeze %dma_wait3A_918 : memref<1x128x128xf32, #tpu.memory_space<vmem>> -> memref<128x128xf32, #tpu.memory_space<vmem>>
    tpu.wait_dma2 semaphore(%arg26 : memref<!tpu.dma_semaphore, #tpu.memory_space<semaphore_mem>>) src(%dma_wait3A_919 : memref<128x128xf32, #tpu.memory_space<vmem>>) dst(%dma_wait3A_915 : memref<128x128xf32, #tpu.memory_space<hbm>>)
    "tpu.region"() ({
      %run_scoped3A_1078 = tpu.sem_alloc : memref<!tpu.dma_semaphore, #tpu.memory_space<semaphore_mem>>
      %dma_start3A_1079 = arith.constant 0 : i32
      %dma_start3A_1080 = arith.constant 0 : i32
      %dma_start3A_1081 = tpu.memref_slice %arg12[%dma_start3A_1079, %dma_start3A_1080] : memref<32x128xi32, #tpu.memory_space<vmem>> -> memref<32x128xi32, #tpu.memory_space<vmem>>
      %dma_start3A_1082 = arith.constant 0 : i32
      %dma_start3A_1083 = tpu.memref_slice %arg5[%mul3A_2, %dma_start3A_1082] : memref<1024x128xi32, #tpu.memory_space<hbm>> -> memref<32x128xi32, #tpu.memory_space<hbm>>
      %dma_start3A_1084 = arith.constant 0 : i32
      %dma_start3A_1085 = arith.constant 0 : i32
      %dma_start3A_1086 = tpu.memref_slice %arg12[%dma_start3A_1084, %dma_start3A_1085] : memref<32x128xi32, #tpu.memory_space<vmem>> -> memref<32x128xi32, #tpu.memory_space<vmem>>
      %dma_start3A_1087 = arith.constant 0 : i32
      %dma_start3A_1088 = tpu.memref_slice %arg5[%mul3A_2, %dma_start3A_1087] : memref<1024x128xi32, #tpu.memory_space<hbm>> -> memref<32x128xi32, #tpu.memory_space<hbm>>
      tpu.enqueue_dma source(%dma_start3A_1088 : memref<32x128xi32, #tpu.memory_space<hbm>>) target(%dma_start3A_1086 : memref<32x128xi32, #tpu.memory_space<vmem>>) target_semaphore(%run_scoped3A_1078 : memref<!tpu.dma_semaphore, #tpu.memory_space<semaphore_mem>>)
      %dma_wait3A_1089 = arith.constant 0 : i32
      %dma_wait3A_1090 = arith.constant 0 : i32
      %dma_wait3A_1091 = tpu.memref_slice %arg12[%dma_wait3A_1089, %dma_wait3A_1090] : memref<32x128xi32, #tpu.memory_space<vmem>> -> memref<32x128xi32, #tpu.memory_space<vmem>>
      %dma_wait3A_1092 = arith.constant 0 : i32
      %dma_wait3A_1093 = tpu.memref_slice %arg5[%mul3A_2, %dma_wait3A_1092] : memref<1024x128xi32, #tpu.memory_space<hbm>> -> memref<32x128xi32, #tpu.memory_space<hbm>>
      %dma_wait3A_1094 = arith.constant 0 : i32
      %dma_wait3A_1095 = arith.constant 0 : i32
      %dma_wait3A_1096 = tpu.memref_slice %arg12[%dma_wait3A_1094, %dma_wait3A_1095] : memref<32x128xi32, #tpu.memory_space<vmem>> -> memref<32x128xi32, #tpu.memory_space<vmem>>
      %dma_wait3A_1097 = arith.constant 0 : i32
      %dma_wait3A_1098 = tpu.memref_slice %arg5[%mul3A_2, %dma_wait3A_1097] : memref<1024x128xi32, #tpu.memory_space<hbm>> -> memref<32x128xi32, #tpu.memory_space<hbm>>
      tpu.wait_dma2 semaphore(%run_scoped3A_1078 : memref<!tpu.dma_semaphore, #tpu.memory_space<semaphore_mem>>) src(%dma_wait3A_1098 : memref<32x128xi32, #tpu.memory_space<hbm>>) dst(%dma_wait3A_1096 : memref<32x128xi32, #tpu.memory_space<vmem>>)
      tpu.yield
    }) : () -> ()
    %dma_start3A_920 = arith.constant 0 : i32
    %dma_start3A_921 = arith.constant 0 : i32
    %dma_start3A_922 = arith.constant 0 : i32
    %dma_start3A_923 = arith.constant 0 : i32
    %dma_start3A_924 = tpu.memref_slice %arg14[%dma_start3A_921, %dma_start3A_922, %dma_start3A_923] : memref<6x128x128xf32, #tpu.memory_space<vmem>> -> memref<1x100x128xf32, #tpu.memory_space<vmem>>
    %dma_start3A_925 = tpu.memref_squeeze %dma_start3A_924 : memref<1x100x128xf32, #tpu.memory_space<vmem>> -> memref<100x128xf32, #tpu.memory_space<vmem>>
    %dma_start3A_926 = arith.constant 0 : i32
    %dma_start3A_927 = tpu.memref_slice %arg12[%dma_start3A_920, %dma_start3A_926] : memref<32x128xi32, #tpu.memory_space<vmem>> -> memref<1x100xi32, #tpu.memory_space<vmem>>
    %dma_start3A_928 = tpu.memref_squeeze %dma_start3A_927 : memref<1x100xi32, #tpu.memory_space<vmem>> -> memref<100xi32, #tpu.memory_space<vmem>>
    %dma_start3A_929 = arith.constant 0 : i32
    %dma_start3A_930 = arith.constant 0 : i32
    %dma_start3A_931 = tpu.memref_slice %arg2[%dma_start3A_929, %dma_start3A_930] : memref<100000x128xf32, #tpu.memory_space<hbm>> -> memref<100000x128xf32, #tpu.memory_space<hbm>>
    tpu.enqueue_indirect_dma source(%dma_start3A_931 : memref<100000x128xf32, #tpu.memory_space<hbm>>) target(%dma_start3A_925 : memref<100x128xf32, #tpu.memory_space<vmem>>) offsets(%dma_start3A_928 : memref<100xi32, #tpu.memory_space<vmem>>) semaphore(%arg15 : memref<!tpu.dma_semaphore, #tpu.memory_space<semaphore_mem>>)
    %dma_start3A_932 = arith.constant 1 : i32
    %dma_start3A_933 = arith.constant 1 : i32
    %dma_start3A_934 = arith.constant 0 : i32
    %dma_start3A_935 = arith.constant 0 : i32
    %dma_start3A_936 = tpu.memref_slice %arg14[%dma_start3A_933, %dma_start3A_934, %dma_start3A_935] : memref<6x128x128xf32, #tpu.memory_space<vmem>> -> memref<1x100x128xf32, #tpu.memory_space<vmem>>
    %dma_start3A_937 = tpu.memref_squeeze %dma_start3A_936 : memref<1x100x128xf32, #tpu.memory_space<vmem>> -> memref<100x128xf32, #tpu.memory_space<vmem>>
    %dma_start3A_938 = arith.constant 0 : i32
    %dma_start3A_939 = tpu.memref_slice %arg12[%dma_start3A_932, %dma_start3A_938] : memref<32x128xi32, #tpu.memory_space<vmem>> -> memref<1x100xi32, #tpu.memory_space<vmem>>
    %dma_start3A_940 = tpu.memref_squeeze %dma_start3A_939 : memref<1x100xi32, #tpu.memory_space<vmem>> -> memref<100xi32, #tpu.memory_space<vmem>>
    %dma_start3A_941 = arith.constant 0 : i32
    %dma_start3A_942 = arith.constant 0 : i32
    %dma_start3A_943 = tpu.memref_slice %arg2[%dma_start3A_941, %dma_start3A_942] : memref<100000x128xf32, #tpu.memory_space<hbm>> -> memref<100000x128xf32, #tpu.memory_space<hbm>>
    tpu.enqueue_indirect_dma source(%dma_start3A_943 : memref<100000x128xf32, #tpu.memory_space<hbm>>) target(%dma_start3A_937 : memref<100x128xf32, #tpu.memory_space<vmem>>) offsets(%dma_start3A_940 : memref<100xi32, #tpu.memory_space<vmem>>) semaphore(%arg16 : memref<!tpu.dma_semaphore, #tpu.memory_space<semaphore_mem>>)
    %dma_start3A_944 = arith.constant 2 : i32
    %dma_start3A_945 = arith.constant 2 : i32
    %dma_start3A_946 = arith.constant 0 : i32
    %dma_start3A_947 = arith.constant 0 : i32
    %dma_start3A_948 = tpu.memref_slice %arg14[%dma_start3A_945, %dma_start3A_946, %dma_start3A_947] : memref<6x128x128xf32, #tpu.memory_space<vmem>> -> memref<1x100x128xf32, #tpu.memory_space<vmem>>
    %dma_start3A_949 = tpu.memref_squeeze %dma_start3A_948 : memref<1x100x128xf32, #tpu.memory_space<vmem>> -> memref<100x128xf32, #tpu.memory_space<vmem>>
    %dma_start3A_950 = arith.constant 0 : i32
    %dma_start3A_951 = tpu.memref_slice %arg12[%dma_start3A_944, %dma_start3A_950] : memref<32x128xi32, #tpu.memory_space<vmem>> -> memref<1x100xi32, #tpu.memory_space<vmem>>
    %dma_start3A_952 = tpu.memref_squeeze %dma_start3A_951 : memref<1x100xi32, #tpu.memory_space<vmem>> -> memref<100xi32, #tpu.memory_space<vmem>>
    %dma_start3A_953 = arith.constant 0 : i32
    %dma_start3A_954 = arith.constant 0 : i32
    %dma_start3A_955 = tpu.memref_slice %arg2[%dma_start3A_953, %dma_start3A_954] : memref<100000x128xf32, #tpu.memory_space<hbm>> -> memref<100000x128xf32, #tpu.memory_space<hbm>>
    tpu.enqueue_indirect_dma source(%dma_start3A_955 : memref<100000x128xf32, #tpu.memory_space<hbm>>) target(%dma_start3A_949 : memref<100x128xf32, #tpu.memory_space<vmem>>) offsets(%dma_start3A_952 : memref<100xi32, #tpu.memory_space<vmem>>) semaphore(%arg17 : memref<!tpu.dma_semaphore, #tpu.memory_space<semaphore_mem>>)
    %scan3A_956 = arith.constant 0 : i32
    %scan3A_957 = arith.constant 0 : i32
    %scan3A_958 = arith.constant 32 : i32
    %scan3A_959 = arith.addi %scan3A_957, %scan3A_958 : i32
    %scan3A_960 = arith.constant 1 : i32
    scf.for %scan3A_1078 = %scan3A_957 to %scan3A_959 step %scan3A_960  : i32 {
      %get3A_1079 = arith.index_cast %scan3A_1078 : i32 to index
      %get3A_1080 = arith.constant 0 : index
      %get3A_1081 = tpu.vector_load %arg12[%get3A_1079, %get3A_1080] {strides = array<i32>} : memref<32x128xi32, #tpu.memory_space<vmem>>, vector<1x16xi32>,
      %get3A_1082 = vector.shape_cast %get3A_1081 : vector<1x16xi32> to vector<16xi32>
      %gt3A = arith.constant 1 : i32
      %gt3A_1083 = vector.broadcast %gt3A : i32 to vector<16xi32>
      %gt3A_1084 = arith.cmpi sgt, %get3A_1082, %gt3A_1083 : vector<16xi32>
      %jit3A = arith.constant 1.000000e+00 : f32
      %jit3A_1085 = arith.constant 0.000000e+00 : f32
      %broadcast_in_dim3A = vector.broadcast %jit3A : f32 to vector<16xf32>
      %broadcast_in_dim3A_1086 = vector.broadcast %jit3A_1085 : f32 to vector<16xf32>
      %select_n3A = arith.select %gt3A_1084, %broadcast_in_dim3A, %broadcast_in_dim3A_1086 : vector<16xi1>, vector<16xf32>
      %swap3A_1087 = arith.index_cast %scan3A_1078 : i32 to index
      %swap3A_1088 = arith.constant 0 : index
      %swap3A_1089 = tpu.vector_load %arg13[%swap3A_1087, %swap3A_1088] {strides = array<i32>} : memref<32x128xf32, #tpu.memory_space<vmem>>, vector<1x16xf32>,
      %swap3A_1090 = vector.shape_cast %swap3A_1089 : vector<1x16xf32> to vector<16xf32>
      %swap3A_1091 = vector.shape_cast %select_n3A : vector<16xf32> to vector<1x16xf32>
      tpu.vector_store %arg13[%swap3A_1087, %swap3A_1088], %swap3A_1091 {strides = array<i32>} : memref<32x128xf32, #tpu.memory_space<vmem>>, vector<1x16xf32>,
      %get3A_1092 = arith.index_cast %scan3A_1078 : i32 to index
      %get3A_1093 = arith.constant 16 : index
      %get3A_1094 = tpu.vector_load %arg12[%get3A_1092, %get3A_1093] {strides = array<i32>} : memref<32x128xi32, #tpu.memory_space<vmem>>, vector<1x16xi32>,
      %get3A_1095 = vector.shape_cast %get3A_1094 : vector<1x16xi32> to vector<16xi32>
      %gt3A_1096 = arith.constant 1 : i32
      %gt3A_1097 = vector.broadcast %gt3A_1096 : i32 to vector<16xi32>
      %gt3A_1098 = arith.cmpi sgt, %get3A_1095, %gt3A_1097 : vector<16xi32>
      %jit3A_1099 = arith.constant 1.000000e+00 : f32
      %jit3A_1100 = arith.constant 0.000000e+00 : f32
      %broadcast_in_dim3A_1101 = vector.broadcast %jit3A_1099 : f32 to vector<16xf32>
      %broadcast_in_dim3A_1102 = vector.broadcast %jit3A_1100 : f32 to vector<16xf32>
      %select_n3A_1103 = arith.select %gt3A_1098, %broadcast_in_dim3A_1101, %broadcast_in_dim3A_1102 : vector<16xi1>, vector<16xf32>
      %swap3A_1104 = arith.index_cast %scan3A_1078 : i32 to index
      %swap3A_1105 = arith.constant 16 : index
      %swap3A_1106 = tpu.vector_load %arg13[%swap3A_1104, %swap3A_1105] {strides = array<i32>} : memref<32x128xf32, #tpu.memory_space<vmem>>, vector<1x16xf32>,
      %swap3A_1107 = vector.shape_cast %swap3A_1106 : vector<1x16xf32> to vector<16xf32>
      %swap3A_1108 = vector.shape_cast %select_n3A_1103 : vector<16xf32> to vector<1x16xf32>
      tpu.vector_store %arg13[%swap3A_1104, %swap3A_1105], %swap3A_1108 {strides = array<i32>} : memref<32x128xf32, #tpu.memory_space<vmem>>, vector<1x16xf32>,
      %get3A_1109 = arith.index_cast %scan3A_1078 : i32 to index
      %get3A_1110 = arith.constant 32 : index
      %get3A_1111 = tpu.vector_load %arg12[%get3A_1109, %get3A_1110] {strides = array<i32>} : memref<32x128xi32, #tpu.memory_space<vmem>>, vector<1x16xi32>,
      %get3A_1112 = vector.shape_cast %get3A_1111 : vector<1x16xi32> to vector<16xi32>
      %gt3A_1113 = arith.constant 1 : i32
      %gt3A_1114 = vector.broadcast %gt3A_1113 : i32 to vector<16xi32>
      %gt3A_1115 = arith.cmpi sgt, %get3A_1112, %gt3A_1114 : vector<16xi32>
      %jit3A_1116 = arith.constant 1.000000e+00 : f32
      %jit3A_1117 = arith.constant 0.000000e+00 : f32
      %broadcast_in_dim3A_1118 = vector.broadcast %jit3A_1116 : f32 to vector<16xf32>
      %broadcast_in_dim3A_1119 = vector.broadcast %jit3A_1117 : f32 to vector<16xf32>
      %select_n3A_1120 = arith.select %gt3A_1115, %broadcast_in_dim3A_1118, %broadcast_in_dim3A_1119 : vector<16xi1>, vector<16xf32>
      %swap3A_1121 = arith.index_cast %scan3A_1078 : i32 to index
      %swap3A_1122 = arith.constant 32 : index
      %swap3A_1123 = tpu.vector_load %arg13[%swap3A_1121, %swap3A_1122] {strides = array<i32>} : memref<32x128xf32, #tpu.memory_space<vmem>>, vector<1x16xf32>,
      %swap3A_1124 = vector.shape_cast %swap3A_1123 : vector<1x16xf32> to vector<16xf32>
      %swap3A_1125 = vector.shape_cast %select_n3A_1120 : vector<16xf32> to vector<1x16xf32>
      tpu.vector_store %arg13[%swap3A_1121, %swap3A_1122], %swap3A_1125 {strides = array<i32>} : memref<32x128xf32, #tpu.memory_space<vmem>>, vector<1x16xf32>,
      %get3A_1126 = arith.index_cast %scan3A_1078 : i32 to index
      %get3A_1127 = arith.constant 48 : index
      %get3A_1128 = tpu.vector_load %arg12[%get3A_1126, %get3A_1127] {strides = array<i32>} : memref<32x128xi32, #tpu.memory_space<vmem>>, vector<1x16xi32>,
      %get3A_1129 = vector.shape_cast %get3A_1128 : vector<1x16xi32> to vector<16xi32>
      %gt3A_1130 = arith.constant 1 : i32
      %gt3A_1131 = vector.broadcast %gt3A_1130 : i32 to vector<16xi32>
      %gt3A_1132 = arith.cmpi sgt, %get3A_1129, %gt3A_1131 : vector<16xi32>
      %jit3A_1133 = arith.constant 1.000000e+00 : f32
      %jit3A_1134 = arith.constant 0.000000e+00 : f32
      %broadcast_in_dim3A_1135 = vector.broadcast %jit3A_1133 : f32 to vector<16xf32>
      %broadcast_in_dim3A_1136 = vector.broadcast %jit3A_1134 : f32 to vector<16xf32>
      %select_n3A_1137 = arith.select %gt3A_1132, %broadcast_in_dim3A_1135, %broadcast_in_dim3A_1136 : vector<16xi1>, vector<16xf32>
      %swap3A_1138 = arith.index_cast %scan3A_1078 : i32 to index
      %swap3A_1139 = arith.constant 48 : index
      %swap3A_1140 = tpu.vector_load %arg13[%swap3A_1138, %swap3A_1139] {strides = array<i32>} : memref<32x128xf32, #tpu.memory_space<vmem>>, vector<1x16xf32>,
      %swap3A_1141 = vector.shape_cast %swap3A_1140 : vector<1x16xf32> to vector<16xf32>
      %swap3A_1142 = vector.shape_cast %select_n3A_1137 : vector<16xf32> to vector<1x16xf32>
      tpu.vector_store %arg13[%swap3A_1138, %swap3A_1139], %swap3A_1142 {strides = array<i32>} : memref<32x128xf32, #tpu.memory_space<vmem>>, vector<1x16xf32>,
      %get3A_1143 = arith.index_cast %scan3A_1078 : i32 to index
      %get3A_1144 = arith.constant 64 : index
      %get3A_1145 = tpu.vector_load %arg12[%get3A_1143, %get3A_1144] {strides = array<i32>} : memref<32x128xi32, #tpu.memory_space<vmem>>, vector<1x16xi32>,
      %get3A_1146 = vector.shape_cast %get3A_1145 : vector<1x16xi32> to vector<16xi32>
      %gt3A_1147 = arith.constant 1 : i32
      %gt3A_1148 = vector.broadcast %gt3A_1147 : i32 to vector<16xi32>
      %gt3A_1149 = arith.cmpi sgt, %get3A_1146, %gt3A_1148 : vector<16xi32>
      %jit3A_1150 = arith.constant 1.000000e+00 : f32
      %jit3A_1151 = arith.constant 0.000000e+00 : f32
      %broadcast_in_dim3A_1152 = vector.broadcast %jit3A_1150 : f32 to vector<16xf32>
      %broadcast_in_dim3A_1153 = vector.broadcast %jit3A_1151 : f32 to vector<16xf32>
      %select_n3A_1154 = arith.select %gt3A_1149, %broadcast_in_dim3A_1152, %broadcast_in_dim3A_1153 : vector<16xi1>, vector<16xf32>
      %swap3A_1155 = arith.index_cast %scan3A_1078 : i32 to index
      %swap3A_1156 = arith.constant 64 : index
      %swap3A_1157 = tpu.vector_load %arg13[%swap3A_1155, %swap3A_1156] {strides = array<i32>} : memref<32x128xf32, #tpu.memory_space<vmem>>, vector<1x16xf32>,
      %swap3A_1158 = vector.shape_cast %swap3A_1157 : vector<1x16xf32> to vector<16xf32>
      %swap3A_1159 = vector.shape_cast %select_n3A_1154 : vector<16xf32> to vector<1x16xf32>
      tpu.vector_store %arg13[%swap3A_1155, %swap3A_1156], %swap3A_1159 {strides = array<i32>} : memref<32x128xf32, #tpu.memory_space<vmem>>, vector<1x16xf32>,
      %get3A_1160 = arith.index_cast %scan3A_1078 : i32 to index
      %get3A_1161 = arith.constant 80 : index
      %get3A_1162 = tpu.vector_load %arg12[%get3A_1160, %get3A_1161] {strides = array<i32>} : memref<32x128xi32, #tpu.memory_space<vmem>>, vector<1x16xi32>,
      %get3A_1163 = vector.shape_cast %get3A_1162 : vector<1x16xi32> to vector<16xi32>
      %gt3A_1164 = arith.constant 1 : i32
      %gt3A_1165 = vector.broadcast %gt3A_1164 : i32 to vector<16xi32>
      %gt3A_1166 = arith.cmpi sgt, %get3A_1163, %gt3A_1165 : vector<16xi32>
      %jit3A_1167 = arith.constant 1.000000e+00 : f32
      %jit3A_1168 = arith.constant 0.000000e+00 : f32
      %broadcast_in_dim3A_1169 = vector.broadcast %jit3A_1167 : f32 to vector<16xf32>
      %broadcast_in_dim3A_1170 = vector.broadcast %jit3A_1168 : f32 to vector<16xf32>
      %select_n3A_1171 = arith.select %gt3A_1166, %broadcast_in_dim3A_1169, %broadcast_in_dim3A_1170 : vector<16xi1>, vector<16xf32>
      %swap3A_1172 = arith.index_cast %scan3A_1078 : i32 to index
      %swap3A_1173 = arith.constant 80 : index
      %swap3A_1174 = tpu.vector_load %arg13[%swap3A_1172, %swap3A_1173] {strides = array<i32>} : memref<32x128xf32, #tpu.memory_space<vmem>>, vector<1x16xf32>,
      %swap3A_1175 = vector.shape_cast %swap3A_1174 : vector<1x16xf32> to vector<16xf32>
      %swap3A_1176 = vector.shape_cast %select_n3A_1171 : vector<16xf32> to vector<1x16xf32>
      tpu.vector_store %arg13[%swap3A_1172, %swap3A_1173], %swap3A_1176 {strides = array<i32>} : memref<32x128xf32, #tpu.memory_space<vmem>>, vector<1x16xf32>,
      %get3A_1177 = arith.index_cast %scan3A_1078 : i32 to index
      %get3A_1178 = arith.constant 96 : index
      %get3A_1179 = tpu.vector_load %arg12[%get3A_1177, %get3A_1178] {strides = array<i32>} : memref<32x128xi32, #tpu.memory_space<vmem>>, vector<1x16xi32>,
      %get3A_1180 = vector.shape_cast %get3A_1179 : vector<1x16xi32> to vector<16xi32>
      %gt3A_1181 = arith.constant 1 : i32
      %gt3A_1182 = vector.broadcast %gt3A_1181 : i32 to vector<16xi32>
      %gt3A_1183 = arith.cmpi sgt, %get3A_1180, %gt3A_1182 : vector<16xi32>
      %jit3A_1184 = arith.constant 1.000000e+00 : f32
      %jit3A_1185 = arith.constant 0.000000e+00 : f32
      %broadcast_in_dim3A_1186 = vector.broadcast %jit3A_1184 : f32 to vector<16xf32>
      %broadcast_in_dim3A_1187 = vector.broadcast %jit3A_1185 : f32 to vector<16xf32>
      %select_n3A_1188 = arith.select %gt3A_1183, %broadcast_in_dim3A_1186, %broadcast_in_dim3A_1187 : vector<16xi1>, vector<16xf32>
      %swap3A_1189 = arith.index_cast %scan3A_1078 : i32 to index
      %swap3A_1190 = arith.constant 96 : index
      %swap3A_1191 = tpu.vector_load %arg13[%swap3A_1189, %swap3A_1190] {strides = array<i32>} : memref<32x128xf32, #tpu.memory_space<vmem>>, vector<1x16xf32>,
      %swap3A_1192 = vector.shape_cast %swap3A_1191 : vector<1x16xf32> to vector<16xf32>
      %swap3A_1193 = vector.shape_cast %select_n3A_1188 : vector<16xf32> to vector<1x16xf32>
      tpu.vector_store %arg13[%swap3A_1189, %swap3A_1190], %swap3A_1193 {strides = array<i32>} : memref<32x128xf32, #tpu.memory_space<vmem>>, vector<1x16xf32>,
      %get3A_1194 = arith.index_cast %scan3A_1078 : i32 to index
      %get3A_1195 = arith.constant 112 : index
      %get3A_1196 = tpu.vector_load %arg12[%get3A_1194, %get3A_1195] {strides = array<i32>} : memref<32x128xi32, #tpu.memory_space<vmem>>, vector<1x16xi32>,
      %get3A_1197 = vector.shape_cast %get3A_1196 : vector<1x16xi32> to vector<16xi32>
      %gt3A_1198 = arith.constant 1 : i32
      %gt3A_1199 = vector.broadcast %gt3A_1198 : i32 to vector<16xi32>
      %gt3A_1200 = arith.cmpi sgt, %get3A_1197, %gt3A_1199 : vector<16xi32>
      %jit3A_1201 = arith.constant 1.000000e+00 : f32
      %jit3A_1202 = arith.constant 0.000000e+00 : f32
      %broadcast_in_dim3A_1203 = vector.broadcast %jit3A_1201 : f32 to vector<16xf32>
      %broadcast_in_dim3A_1204 = vector.broadcast %jit3A_1202 : f32 to vector<16xf32>
      %select_n3A_1205 = arith.select %gt3A_1200, %broadcast_in_dim3A_1203, %broadcast_in_dim3A_1204 : vector<16xi1>, vector<16xf32>
      %swap3A_1206 = arith.index_cast %scan3A_1078 : i32 to index
      %swap3A_1207 = arith.constant 112 : index
      %swap3A_1208 = tpu.vector_load %arg13[%swap3A_1206, %swap3A_1207] {strides = array<i32>} : memref<32x128xf32, #tpu.memory_space<vmem>>, vector<1x16xf32>,
      %swap3A_1209 = vector.shape_cast %swap3A_1208 : vector<1x16xf32> to vector<16xf32>
      %swap3A_1210 = vector.shape_cast %select_n3A_1205 : vector<16xf32> to vector<1x16xf32>
      tpu.vector_store %arg13[%swap3A_1206, %swap3A_1207], %swap3A_1210 {strides = array<i32>} : memref<32x128xf32, #tpu.memory_space<vmem>>, vector<1x16xf32>,
    }
    %scan3A_961 = arith.constant 32 : i32
    %dma_start3A_962 = arith.constant 0 : i32
    %dma_start3A_963 = arith.constant 0 : i32
    %dma_start3A_964 = tpu.memref_slice %arg13[%dma_start3A_962, %dma_start3A_963] : memref<32x128xf32, #tpu.memory_space<vmem>> -> memref<32x128xf32, #tpu.memory_space<vmem>>
    %dma_start3A_965 = arith.constant 0 : i32
    %dma_start3A_966 = tpu.memref_slice %arg11[%mul3A_2, %dma_start3A_965] : memref<1024x128xf32, #tpu.memory_space<hbm>> -> memref<32x128xf32, #tpu.memory_space<hbm>>
    %dma_start3A_967 = arith.constant 0 : i32
    %dma_start3A_968 = tpu.memref_slice %arg11[%mul3A_2, %dma_start3A_967] : memref<1024x128xf32, #tpu.memory_space<hbm>> -> memref<32x128xf32, #tpu.memory_space<hbm>>
    %dma_start3A_969 = arith.constant 0 : i32
    %dma_start3A_970 = arith.constant 0 : i32
    %dma_start3A_971 = tpu.memref_slice %arg13[%dma_start3A_969, %dma_start3A_970] : memref<32x128xf32, #tpu.memory_space<vmem>> -> memref<32x128xf32, #tpu.memory_space<vmem>>
    tpu.enqueue_dma source(%dma_start3A_971 : memref<32x128xf32, #tpu.memory_space<vmem>>) target(%dma_start3A_968 : memref<32x128xf32, #tpu.memory_space<hbm>>) target_semaphore(%arg27 : memref<!tpu.dma_semaphore, #tpu.memory_space<semaphore_mem>>)
    %dma_wait3A_972 = arith.constant 0 : i32
    %dma_wait3A_973 = arith.constant 0 : i32
    %dma_wait3A_974 = tpu.memref_slice %arg13[%dma_wait3A_972, %dma_wait3A_973] : memref<32x128xf32, #tpu.memory_space<vmem>> -> memref<32x128xf32, #tpu.memory_space<vmem>>
    %dma_wait3A_975 = arith.constant 0 : i32
    %dma_wait3A_976 = tpu.memref_slice %arg11[%mul3A_2, %dma_wait3A_975] : memref<1024x128xf32, #tpu.memory_space<hbm>> -> memref<32x128xf32, #tpu.memory_space<hbm>>
    %dma_wait3A_977 = arith.constant 0 : i32
    %dma_wait3A_978 = tpu.memref_slice %arg11[%mul3A_2, %dma_wait3A_977] : memref<1024x128xf32, #tpu.memory_space<hbm>> -> memref<32x128xf32, #tpu.memory_space<hbm>>
    %dma_wait3A_979 = arith.constant 0 : i32
    %dma_wait3A_980 = arith.constant 0 : i32
    %dma_wait3A_981 = tpu.memref_slice %arg13[%dma_wait3A_979, %dma_wait3A_980] : memref<32x128xf32, #tpu.memory_space<vmem>> -> memref<32x128xf32, #tpu.memory_space<vmem>>
    tpu.wait_dma2 semaphore(%arg27 : memref<!tpu.dma_semaphore, #tpu.memory_space<semaphore_mem>>) src(%dma_wait3A_981 : memref<32x128xf32, #tpu.memory_space<vmem>>) dst(%dma_wait3A_978 : memref<32x128xf32, #tpu.memory_space<hbm>>)
    %scan3A_982 = arith.constant 0 : i32
    %scan3A_983 = arith.constant 0 : i32
    %scan3A_984 = arith.constant 6 : i32
    %scan3A_985 = arith.addi %scan3A_983, %scan3A_984 : i32
    %scan3A_986 = arith.constant 1 : i32
    scf.for %scan3A_1078 = %scan3A_983 to %scan3A_985 step %scan3A_986  : i32 {
      %mul3A_1079 = arith.constant 6 : i32
      %mul3A_1080 = arith.muli %scan3A_1078, %mul3A_1079 : i32
      %add3A_1081 = arith.constant 0 : i32
      %add3A_1082 = arith.addi %mul3A_1080, %add3A_1081 : i32
      %lt3A = arith.constant 32 : i32
      %lt3A_1083 = arith.cmpi slt, %add3A_1082, %lt3A : i32
      %convert_element_type3A = arith.extui %lt3A_1083 : i1 to i32
      %cond3A = arith.constant 0 : i32
      %cond3A_1084 = arith.cmpi ne, %convert_element_type3A, %cond3A : i32
      scf.if %cond3A_1084 {
        %dma_wait3A_1130 = arith.constant 0 : i32
        %dma_wait3A_1131 = arith.constant 0 : i32
        %dma_wait3A_1132 = arith.constant 0 : i32
        %dma_wait3A_1133 = arith.constant 0 : i32
        %dma_wait3A_1134 = tpu.memref_slice %arg14[%dma_wait3A_1131, %dma_wait3A_1132, %dma_wait3A_1133] : memref<6x128x128xf32, #tpu.memory_space<vmem>> -> memref<1x100x128xf32, #tpu.memory_space<vmem>>
        %dma_wait3A_1135 = tpu.memref_squeeze %dma_wait3A_1134 : memref<1x100x128xf32, #tpu.memory_space<vmem>> -> memref<100x128xf32, #tpu.memory_space<vmem>>
        %dma_wait3A_1136 = arith.constant 0 : i32
        %dma_wait3A_1137 = tpu.memref_slice %arg12[%dma_wait3A_1130, %dma_wait3A_1136] : memref<32x128xi32, #tpu.memory_space<vmem>> -> memref<1x100xi32, #tpu.memory_space<vmem>>
        %dma_wait3A_1138 = tpu.memref_squeeze %dma_wait3A_1137 : memref<1x100xi32, #tpu.memory_space<vmem>> -> memref<100xi32, #tpu.memory_space<vmem>>
        %dma_wait3A_1139 = arith.constant 0 : i32
        %dma_wait3A_1140 = arith.constant 0 : i32
        %dma_wait3A_1141 = tpu.memref_slice %arg2[%dma_wait3A_1139, %dma_wait3A_1140] : memref<100000x128xf32, #tpu.memory_space<hbm>> -> memref<100000x128xf32, #tpu.memory_space<hbm>>
        tpu.wait_indirect_dma semaphore(%arg15 : memref<!tpu.dma_semaphore, #tpu.memory_space<semaphore_mem>>) src(%dma_wait3A_1141 : memref<100000x128xf32, #tpu.memory_space<hbm>>) dst(%dma_wait3A_1135 : memref<100x128xf32, #tpu.memory_space<vmem>>)
        %add3A_1142 = arith.addi %mul3A_2, %add3A_1082 : i32
        %mul3A_1143 = arith.constant 128 : i32
        %mul3A_1144 = arith.muli %add3A_1142, %mul3A_1143 : i32
        %dma_start3A_1145 = arith.constant 0 : i32
        %dma_start3A_1146 = arith.constant 0 : i32
        %dma_start3A_1147 = arith.constant 0 : i32
        %dma_start3A_1148 = tpu.memref_slice %arg14[%dma_start3A_1145, %dma_start3A_1146, %dma_start3A_1147] : memref<6x128x128xf32, #tpu.memory_space<vmem>> -> memref<1x128x128xf32, #tpu.memory_space<vmem>>
        %dma_start3A_1149 = tpu.memref_squeeze %dma_start3A_1148 : memref<1x128x128xf32, #tpu.memory_space<vmem>> -> memref<128x128xf32, #tpu.memory_space<vmem>>
        %dma_start3A_1150 = arith.constant 0 : i32
        %dma_start3A_1151 = tpu.memref_slice %arg8[%mul3A_1144, %dma_start3A_1150] : memref<131072x128xf32, #tpu.memory_space<hbm>> -> memref<128x128xf32, #tpu.memory_space<hbm>>
        %dma_start3A_1152 = arith.constant 0 : i32
        %dma_start3A_1153 = tpu.memref_slice %arg8[%mul3A_1144, %dma_start3A_1152] : memref<131072x128xf32, #tpu.memory_space<hbm>> -> memref<128x128xf32, #tpu.memory_space<hbm>>
        %dma_start3A_1154 = arith.constant 0 : i32
        %dma_start3A_1155 = arith.constant 0 : i32
        %dma_start3A_1156 = tpu.memref_slice %arg14[%dma_start3A_1145, %dma_start3A_1154, %dma_start3A_1155] : memref<6x128x128xf32, #tpu.memory_space<vmem>> -> memref<1x128x128xf32, #tpu.memory_space<vmem>>
        %dma_start3A_1157 = tpu.memref_squeeze %dma_start3A_1156 : memref<1x128x128xf32, #tpu.memory_space<vmem>> -> memref<128x128xf32, #tpu.memory_space<vmem>>
        tpu.enqueue_dma source(%dma_start3A_1157 : memref<128x128xf32, #tpu.memory_space<vmem>>) target(%dma_start3A_1153 : memref<128x128xf32, #tpu.memory_space<hbm>>) target_semaphore(%arg21 : memref<!tpu.dma_semaphore, #tpu.memory_space<semaphore_mem>>)
        %add3A_1158 = arith.constant 3 : i32
        %add3A_1159 = arith.addi %add3A_1082, %add3A_1158 : i32
        %lt3A_1160 = arith.constant 32 : i32
        %lt3A_1161 = arith.cmpi slt, %add3A_1159, %lt3A_1160 : i32
        %convert_element_type3A_1162 = arith.extui %lt3A_1161 : i1 to i32
        %cond3A_1163 = arith.constant 0 : i32
        %cond3A_1164 = arith.cmpi ne, %convert_element_type3A_1162, %cond3A_1163 : i32
        scf.if %cond3A_1164 {
          %ge3A = arith.constant 6 : i32
          %ge3A_1165 = arith.cmpi sge, %add3A_1159, %ge3A : i32
          %convert_element_type3A_1166 = arith.extui %ge3A_1165 : i1 to i32
          %cond3A_1167 = arith.constant 0 : i32
          %cond3A_1168 = arith.cmpi ne, %convert_element_type3A_1166, %cond3A_1167 : i32
          scf.if %cond3A_1168 {
            %dma_wait3A_1180 = arith.constant 3 : i32
            %dma_wait3A_1181 = arith.constant 0 : i32
            %dma_wait3A_1182 = arith.constant 0 : i32
            %dma_wait3A_1183 = tpu.memref_slice %arg14[%dma_wait3A_1180, %dma_wait3A_1181, %dma_wait3A_1182] : memref<6x128x128xf32, #tpu.memory_space<vmem>> -> memref<1x128x128xf32, #tpu.memory_space<vmem>>
            %dma_wait3A_1184 = tpu.memref_squeeze %dma_wait3A_1183 : memref<1x128x128xf32, #tpu.memory_space<vmem>> -> memref<128x128xf32, #tpu.memory_space<vmem>>
            %dma_wait3A_1185 = arith.constant 0 : i32
            %dma_wait3A_1186 = arith.constant 0 : i32
            %dma_wait3A_1187 = tpu.memref_slice %arg8[%dma_wait3A_1185, %dma_wait3A_1186] : memref<131072x128xf32, #tpu.memory_space<hbm>> -> memref<128x128xf32, #tpu.memory_space<hbm>>
            %dma_wait3A_1188 = arith.constant 0 : i32
            %dma_wait3A_1189 = arith.constant 0 : i32
            %dma_wait3A_1190 = tpu.memref_slice %arg8[%dma_wait3A_1188, %dma_wait3A_1189] : memref<131072x128xf32, #tpu.memory_space<hbm>> -> memref<128x128xf32, #tpu.memory_space<hbm>>
            %dma_wait3A_1191 = arith.constant 0 : i32
            %dma_wait3A_1192 = arith.constant 0 : i32
            %dma_wait3A_1193 = tpu.memref_slice %arg14[%dma_wait3A_1180, %dma_wait3A_1191, %dma_wait3A_1192] : memref<6x128x128xf32, #tpu.memory_space<vmem>> -> memref<1x128x128xf32, #tpu.memory_space<vmem>>
            %dma_wait3A_1194 = tpu.memref_squeeze %dma_wait3A_1193 : memref<1x128x128xf32, #tpu.memory_space<vmem>> -> memref<128x128xf32, #tpu.memory_space<vmem>>
            tpu.wait_dma2 semaphore(%arg24 : memref<!tpu.dma_semaphore, #tpu.memory_space<semaphore_mem>>) src(%dma_wait3A_1194 : memref<128x128xf32, #tpu.memory_space<vmem>>) dst(%dma_wait3A_1190 : memref<128x128xf32, #tpu.memory_space<hbm>>)
          } else {
          }
          %dma_start3A_1169 = arith.constant 3 : i32
          %dma_start3A_1170 = arith.constant 0 : i32
          %dma_start3A_1171 = arith.constant 0 : i32
          %dma_start3A_1172 = tpu.memref_slice %arg14[%dma_start3A_1169, %dma_start3A_1170, %dma_start3A_1171] : memref<6x128x128xf32, #tpu.memory_space<vmem>> -> memref<1x100x128xf32, #tpu.memory_space<vmem>>
          %dma_start3A_1173 = tpu.memref_squeeze %dma_start3A_1172 : memref<1x100x128xf32, #tpu.memory_space<vmem>> -> memref<100x128xf32, #tpu.memory_space<vmem>>
          %dma_start3A_1174 = arith.constant 0 : i32
          %dma_start3A_1175 = tpu.memref_slice %arg12[%add3A_1159, %dma_start3A_1174] : memref<32x128xi32, #tpu.memory_space<vmem>> -> memref<1x100xi32, #tpu.memory_space<vmem>>
          %dma_start3A_1176 = tpu.memref_squeeze %dma_start3A_1175 : memref<1x100xi32, #tpu.memory_space<vmem>> -> memref<100xi32, #tpu.memory_space<vmem>>
          %dma_start3A_1177 = arith.constant 0 : i32
          %dma_start3A_1178 = arith.constant 0 : i32
          %dma_start3A_1179 = tpu.memref_slice %arg2[%dma_start3A_1177, %dma_start3A_1178] : memref<100000x128xf32, #tpu.memory_space<hbm>> -> memref<100000x128xf32, #tpu.memory_space<hbm>>
          tpu.enqueue_indirect_dma source(%dma_start3A_1179 : memref<100000x128xf32, #tpu.memory_space<hbm>>) target(%dma_start3A_1173 : memref<100x128xf32, #tpu.memory_space<vmem>>) offsets(%dma_start3A_1176 : memref<100xi32, #tpu.memory_space<vmem>>) semaphore(%arg18 : memref<!tpu.dma_semaphore, #tpu.memory_space<semaphore_mem>>)
        } else {
        }
      } else {
      }
      %mul3A_1085 = arith.constant 6 : i32
      %mul3A_1086 = arith.muli %scan3A_1078, %mul3A_1085 : i32
      %add3A_1087 = arith.constant 1 : i32
      %add3A_1088 = arith.addi %mul3A_1086, %add3A_1087 : i32
      %lt3A_1089 = arith.constant 32 : i32
      %lt3A_1090 = arith.cmpi slt, %add3A_1088, %lt3A_1089 : i32
      %convert_element_type3A_1091 = arith.extui %lt3A_1090 : i1 to i32
      %cond3A_1092 = arith.constant 0 : i32
      %cond3A_1093 = arith.cmpi ne, %convert_element_type3A_1091, %cond3A_1092 : i32
      scf.if %cond3A_1093 {
        %dma_wait3A_1130 = arith.constant 0 : i32
        %dma_wait3A_1131 = arith.constant 1 : i32
        %dma_wait3A_1132 = arith.constant 0 : i32
        %dma_wait3A_1133 = arith.constant 0 : i32
        %dma_wait3A_1134 = tpu.memref_slice %arg14[%dma_wait3A_1131, %dma_wait3A_1132, %dma_wait3A_1133] : memref<6x128x128xf32, #tpu.memory_space<vmem>> -> memref<1x100x128xf32, #tpu.memory_space<vmem>>
        %dma_wait3A_1135 = tpu.memref_squeeze %dma_wait3A_1134 : memref<1x100x128xf32, #tpu.memory_space<vmem>> -> memref<100x128xf32, #tpu.memory_space<vmem>>
        %dma_wait3A_1136 = arith.constant 0 : i32
        %dma_wait3A_1137 = tpu.memref_slice %arg12[%dma_wait3A_1130, %dma_wait3A_1136] : memref<32x128xi32, #tpu.memory_space<vmem>> -> memref<1x100xi32, #tpu.memory_space<vmem>>
        %dma_wait3A_1138 = tpu.memref_squeeze %dma_wait3A_1137 : memref<1x100xi32, #tpu.memory_space<vmem>> -> memref<100xi32, #tpu.memory_space<vmem>>
        %dma_wait3A_1139 = arith.constant 0 : i32
        %dma_wait3A_1140 = arith.constant 0 : i32
        %dma_wait3A_1141 = tpu.memref_slice %arg2[%dma_wait3A_1139, %dma_wait3A_1140] : memref<100000x128xf32, #tpu.memory_space<hbm>> -> memref<100000x128xf32, #tpu.memory_space<hbm>>
        tpu.wait_indirect_dma semaphore(%arg16 : memref<!tpu.dma_semaphore, #tpu.memory_space<semaphore_mem>>) src(%dma_wait3A_1141 : memref<100000x128xf32, #tpu.memory_space<hbm>>) dst(%dma_wait3A_1135 : memref<100x128xf32, #tpu.memory_space<vmem>>)
        %add3A_1142 = arith.addi %mul3A_2, %add3A_1088 : i32
        %mul3A_1143 = arith.constant 128 : i32
        %mul3A_1144 = arith.muli %add3A_1142, %mul3A_1143 : i32
        %dma_start3A_1145 = arith.constant 1 : i32
        %dma_start3A_1146 = arith.constant 0 : i32
        %dma_start3A_1147 = arith.constant 0 : i32
        %dma_start3A_1148 = tpu.memref_slice %arg14[%dma_start3A_1145, %dma_start3A_1146, %dma_start3A_1147] : memref<6x128x128xf32, #tpu.memory_space<vmem>> -> memref<1x128x128xf32, #tpu.memory_space<vmem>>
        %dma_start3A_1149 = tpu.memref_squeeze %dma_start3A_1148 : memref<1x128x128xf32, #tpu.memory_space<vmem>> -> memref<128x128xf32, #tpu.memory_space<vmem>>
        %dma_start3A_1150 = arith.constant 0 : i32
        %dma_start3A_1151 = tpu.memref_slice %arg8[%mul3A_1144, %dma_start3A_1150] : memref<131072x128xf32, #tpu.memory_space<hbm>> -> memref<128x128xf32, #tpu.memory_space<hbm>>
        %dma_start3A_1152 = arith.constant 0 : i32
        %dma_start3A_1153 = tpu.memref_slice %arg8[%mul3A_1144, %dma_start3A_1152] : memref<131072x128xf32, #tpu.memory_space<hbm>> -> memref<128x128xf32, #tpu.memory_space<hbm>>
        %dma_start3A_1154 = arith.constant 0 : i32
        %dma_start3A_1155 = arith.constant 0 : i32
        %dma_start3A_1156 = tpu.memref_slice %arg14[%dma_start3A_1145, %dma_start3A_1154, %dma_start3A_1155] : memref<6x128x128xf32, #tpu.memory_space<vmem>> -> memref<1x128x128xf32, #tpu.memory_space<vmem>>
        %dma_start3A_1157 = tpu.memref_squeeze %dma_start3A_1156 : memref<1x128x128xf32, #tpu.memory_space<vmem>> -> memref<128x128xf32, #tpu.memory_space<vmem>>
        tpu.enqueue_dma source(%dma_start3A_1157 : memref<128x128xf32, #tpu.memory_space<vmem>>) target(%dma_start3A_1153 : memref<128x128xf32, #tpu.memory_space<hbm>>) target_semaphore(%arg22 : memref<!tpu.dma_semaphore, #tpu.memory_space<semaphore_mem>>)
        %add3A_1158 = arith.constant 3 : i32
        %add3A_1159 = arith.addi %add3A_1088, %add3A_1158 : i32
        %lt3A_1160 = arith.constant 32 : i32
        %lt3A_1161 = arith.cmpi slt, %add3A_1159, %lt3A_1160 : i32
        %convert_element_type3A_1162 = arith.extui %lt3A_1161 : i1 to i32
        %cond3A_1163 = arith.constant 0 : i32
        %cond3A_1164 = arith.cmpi ne, %convert_element_type3A_1162, %cond3A_1163 : i32
        scf.if %cond3A_1164 {
          %ge3A = arith.constant 6 : i32
          %ge3A_1165 = arith.cmpi sge, %add3A_1159, %ge3A : i32
          %convert_element_type3A_1166 = arith.extui %ge3A_1165 : i1 to i32
          %cond3A_1167 = arith.constant 0 : i32
          %cond3A_1168 = arith.cmpi ne, %convert_element_type3A_1166, %cond3A_1167 : i32
          scf.if %cond3A_1168 {
            %dma_wait3A_1180 = arith.constant 4 : i32
            %dma_wait3A_1181 = arith.constant 0 : i32
            %dma_wait3A_1182 = arith.constant 0 : i32
            %dma_wait3A_1183 = tpu.memref_slice %arg14[%dma_wait3A_1180, %dma_wait3A_1181, %dma_wait3A_1182] : memref<6x128x128xf32, #tpu.memory_space<vmem>> -> memref<1x128x128xf32, #tpu.memory_space<vmem>>
            %dma_wait3A_1184 = tpu.memref_squeeze %dma_wait3A_1183 : memref<1x128x128xf32, #tpu.memory_space<vmem>> -> memref<128x128xf32, #tpu.memory_space<vmem>>
            %dma_wait3A_1185 = arith.constant 0 : i32
            %dma_wait3A_1186 = arith.constant 0 : i32
            %dma_wait3A_1187 = tpu.memref_slice %arg8[%dma_wait3A_1185, %dma_wait3A_1186] : memref<131072x128xf32, #tpu.memory_space<hbm>> -> memref<128x128xf32, #tpu.memory_space<hbm>>
            %dma_wait3A_1188 = arith.constant 0 : i32
            %dma_wait3A_1189 = arith.constant 0 : i32
            %dma_wait3A_1190 = tpu.memref_slice %arg8[%dma_wait3A_1188, %dma_wait3A_1189] : memref<131072x128xf32, #tpu.memory_space<hbm>> -> memref<128x128xf32, #tpu.memory_space<hbm>>
            %dma_wait3A_1191 = arith.constant 0 : i32
            %dma_wait3A_1192 = arith.constant 0 : i32
            %dma_wait3A_1193 = tpu.memref_slice %arg14[%dma_wait3A_1180, %dma_wait3A_1191, %dma_wait3A_1192] : memref<6x128x128xf32, #tpu.memory_space<vmem>> -> memref<1x128x128xf32, #tpu.memory_space<vmem>>
            %dma_wait3A_1194 = tpu.memref_squeeze %dma_wait3A_1193 : memref<1x128x128xf32, #tpu.memory_space<vmem>> -> memref<128x128xf32, #tpu.memory_space<vmem>>
            tpu.wait_dma2 semaphore(%arg25 : memref<!tpu.dma_semaphore, #tpu.memory_space<semaphore_mem>>) src(%dma_wait3A_1194 : memref<128x128xf32, #tpu.memory_space<vmem>>) dst(%dma_wait3A_1190 : memref<128x128xf32, #tpu.memory_space<hbm>>)
          } else {
          }
          %dma_start3A_1169 = arith.constant 4 : i32
          %dma_start3A_1170 = arith.constant 0 : i32
          %dma_start3A_1171 = arith.constant 0 : i32
          %dma_start3A_1172 = tpu.memref_slice %arg14[%dma_start3A_1169, %dma_start3A_1170, %dma_start3A_1171] : memref<6x128x128xf32, #tpu.memory_space<vmem>> -> memref<1x100x128xf32, #tpu.memory_space<vmem>>
          %dma_start3A_1173 = tpu.memref_squeeze %dma_start3A_1172 : memref<1x100x128xf32, #tpu.memory_space<vmem>> -> memref<100x128xf32, #tpu.memory_space<vmem>>
          %dma_start3A_1174 = arith.constant 0 : i32
          %dma_start3A_1175 = tpu.memref_slice %arg12[%add3A_1159, %dma_start3A_1174] : memref<32x128xi32, #tpu.memory_space<vmem>> -> memref<1x100xi32, #tpu.memory_space<vmem>>
          %dma_start3A_1176 = tpu.memref_squeeze %dma_start3A_1175 : memref<1x100xi32, #tpu.memory_space<vmem>> -> memref<100xi32, #tpu.memory_space<vmem>>
          %dma_start3A_1177 = arith.constant 0 : i32
          %dma_start3A_1178 = arith.constant 0 : i32
          %dma_start3A_1179 = tpu.memref_slice %arg2[%dma_start3A_1177, %dma_start3A_1178] : memref<100000x128xf32, #tpu.memory_space<hbm>> -> memref<100000x128xf32, #tpu.memory_space<hbm>>
          tpu.enqueue_indirect_dma source(%dma_start3A_1179 : memref<100000x128xf32, #tpu.memory_space<hbm>>) target(%dma_start3A_1173 : memref<100x128xf32, #tpu.memory_space<vmem>>) offsets(%dma_start3A_1176 : memref<100xi32, #tpu.memory_space<vmem>>) semaphore(%arg19 : memref<!tpu.dma_semaphore, #tpu.memory_space<semaphore_mem>>)
        } else {
        }
      } else {
      }
      %mul3A_1094 = arith.constant 6 : i32
      %mul3A_1095 = arith.muli %scan3A_1078, %mul3A_1094 : i32
      %add3A_1096 = arith.constant 2 : i32
      %add3A_1097 = arith.addi %mul3A_1095, %add3A_1096 : i32
      %lt3A_1098 = arith.constant 32 : i32
      %lt3A_1099 = arith.cmpi slt, %add3A_1097, %lt3A_1098 : i32
      %convert_element_type3A_1100 = arith.extui %lt3A_1099 : i1 to i32
      %cond3A_1101 = arith.constant 0 : i32
      %cond3A_1102 = arith.cmpi ne, %convert_element_type3A_1100, %cond3A_1101 : i32
      scf.if %cond3A_1102 {
        %dma_wait3A_1130 = arith.constant 0 : i32
        %dma_wait3A_1131 = arith.constant 2 : i32
        %dma_wait3A_1132 = arith.constant 0 : i32
        %dma_wait3A_1133 = arith.constant 0 : i32
        %dma_wait3A_1134 = tpu.memref_slice %arg14[%dma_wait3A_1131, %dma_wait3A_1132, %dma_wait3A_1133] : memref<6x128x128xf32, #tpu.memory_space<vmem>> -> memref<1x100x128xf32, #tpu.memory_space<vmem>>
        %dma_wait3A_1135 = tpu.memref_squeeze %dma_wait3A_1134 : memref<1x100x128xf32, #tpu.memory_space<vmem>> -> memref<100x128xf32, #tpu.memory_space<vmem>>
        %dma_wait3A_1136 = arith.constant 0 : i32
        %dma_wait3A_1137 = tpu.memref_slice %arg12[%dma_wait3A_1130, %dma_wait3A_1136] : memref<32x128xi32, #tpu.memory_space<vmem>> -> memref<1x100xi32, #tpu.memory_space<vmem>>
        %dma_wait3A_1138 = tpu.memref_squeeze %dma_wait3A_1137 : memref<1x100xi32, #tpu.memory_space<vmem>> -> memref<100xi32, #tpu.memory_space<vmem>>
        %dma_wait3A_1139 = arith.constant 0 : i32
        %dma_wait3A_1140 = arith.constant 0 : i32
        %dma_wait3A_1141 = tpu.memref_slice %arg2[%dma_wait3A_1139, %dma_wait3A_1140] : memref<100000x128xf32, #tpu.memory_space<hbm>> -> memref<100000x128xf32, #tpu.memory_space<hbm>>
        tpu.wait_indirect_dma semaphore(%arg17 : memref<!tpu.dma_semaphore, #tpu.memory_space<semaphore_mem>>) src(%dma_wait3A_1141 : memref<100000x128xf32, #tpu.memory_space<hbm>>) dst(%dma_wait3A_1135 : memref<100x128xf32, #tpu.memory_space<vmem>>)
        %add3A_1142 = arith.addi %mul3A_2, %add3A_1097 : i32
        %mul3A_1143 = arith.constant 128 : i32
        %mul3A_1144 = arith.muli %add3A_1142, %mul3A_1143 : i32
        %dma_start3A_1145 = arith.constant 2 : i32
        %dma_start3A_1146 = arith.constant 0 : i32
        %dma_start3A_1147 = arith.constant 0 : i32
        %dma_start3A_1148 = tpu.memref_slice %arg14[%dma_start3A_1145, %dma_start3A_1146, %dma_start3A_1147] : memref<6x128x128xf32, #tpu.memory_space<vmem>> -> memref<1x128x128xf32, #tpu.memory_space<vmem>>
        %dma_start3A_1149 = tpu.memref_squeeze %dma_start3A_1148 : memref<1x128x128xf32, #tpu.memory_space<vmem>> -> memref<128x128xf32, #tpu.memory_space<vmem>>
        %dma_start3A_1150 = arith.constant 0 : i32
        %dma_start3A_1151 = tpu.memref_slice %arg8[%mul3A_1144, %dma_start3A_1150] : memref<131072x128xf32, #tpu.memory_space<hbm>> -> memref<128x128xf32, #tpu.memory_space<hbm>>
        %dma_start3A_1152 = arith.constant 0 : i32
        %dma_start3A_1153 = tpu.memref_slice %arg8[%mul3A_1144, %dma_start3A_1152] : memref<131072x128xf32, #tpu.memory_space<hbm>> -> memref<128x128xf32, #tpu.memory_space<hbm>>
        %dma_start3A_1154 = arith.constant 0 : i32
        %dma_start3A_1155 = arith.constant 0 : i32
        %dma_start3A_1156 = tpu.memref_slice %arg14[%dma_start3A_1145, %dma_start3A_1154, %dma_start3A_1155] : memref<6x128x128xf32, #tpu.memory_space<vmem>> -> memref<1x128x128xf32, #tpu.memory_space<vmem>>
        %dma_start3A_1157 = tpu.memref_squeeze %dma_start3A_1156 : memref<1x128x128xf32, #tpu.memory_space<vmem>> -> memref<128x128xf32, #tpu.memory_space<vmem>>
        tpu.enqueue_dma source(%dma_start3A_1157 : memref<128x128xf32, #tpu.memory_space<vmem>>) target(%dma_start3A_1153 : memref<128x128xf32, #tpu.memory_space<hbm>>) target_semaphore(%arg23 : memref<!tpu.dma_semaphore, #tpu.memory_space<semaphore_mem>>)
        %add3A_1158 = arith.constant 3 : i32
        %add3A_1159 = arith.addi %add3A_1097, %add3A_1158 : i32
        %lt3A_1160 = arith.constant 32 : i32
        %lt3A_1161 = arith.cmpi slt, %add3A_1159, %lt3A_1160 : i32
        %convert_element_type3A_1162 = arith.extui %lt3A_1161 : i1 to i32
        %cond3A_1163 = arith.constant 0 : i32
        %cond3A_1164 = arith.cmpi ne, %convert_element_type3A_1162, %cond3A_1163 : i32
        scf.if %cond3A_1164 {
          %ge3A = arith.constant 6 : i32
          %ge3A_1165 = arith.cmpi sge, %add3A_1159, %ge3A : i32
          %convert_element_type3A_1166 = arith.extui %ge3A_1165 : i1 to i32
          %cond3A_1167 = arith.constant 0 : i32
          %cond3A_1168 = arith.cmpi ne, %convert_element_type3A_1166, %cond3A_1167 : i32
          scf.if %cond3A_1168 {
            %dma_wait3A_1180 = arith.constant 5 : i32
            %dma_wait3A_1181 = arith.constant 0 : i32
            %dma_wait3A_1182 = arith.constant 0 : i32
            %dma_wait3A_1183 = tpu.memref_slice %arg14[%dma_wait3A_1180, %dma_wait3A_1181, %dma_wait3A_1182] : memref<6x128x128xf32, #tpu.memory_space<vmem>> -> memref<1x128x128xf32, #tpu.memory_space<vmem>>
            %dma_wait3A_1184 = tpu.memref_squeeze %dma_wait3A_1183 : memref<1x128x128xf32, #tpu.memory_space<vmem>> -> memref<128x128xf32, #tpu.memory_space<vmem>>
            %dma_wait3A_1185 = arith.constant 0 : i32
            %dma_wait3A_1186 = arith.constant 0 : i32
            %dma_wait3A_1187 = tpu.memref_slice %arg8[%dma_wait3A_1185, %dma_wait3A_1186] : memref<131072x128xf32, #tpu.memory_space<hbm>> -> memref<128x128xf32, #tpu.memory_space<hbm>>
            %dma_wait3A_1188 = arith.constant 0 : i32
            %dma_wait3A_1189 = arith.constant 0 : i32
            %dma_wait3A_1190 = tpu.memref_slice %arg8[%dma_wait3A_1188, %dma_wait3A_1189] : memref<131072x128xf32, #tpu.memory_space<hbm>> -> memref<128x128xf32, #tpu.memory_space<hbm>>
            %dma_wait3A_1191 = arith.constant 0 : i32
            %dma_wait3A_1192 = arith.constant 0 : i32
            %dma_wait3A_1193 = tpu.memref_slice %arg14[%dma_wait3A_1180, %dma_wait3A_1191, %dma_wait3A_1192] : memref<6x128x128xf32, #tpu.memory_space<vmem>> -> memref<1x128x128xf32, #tpu.memory_space<vmem>>
            %dma_wait3A_1194 = tpu.memref_squeeze %dma_wait3A_1193 : memref<1x128x128xf32, #tpu.memory_space<vmem>> -> memref<128x128xf32, #tpu.memory_space<vmem>>
            tpu.wait_dma2 semaphore(%arg26 : memref<!tpu.dma_semaphore, #tpu.memory_space<semaphore_mem>>) src(%dma_wait3A_1194 : memref<128x128xf32, #tpu.memory_space<vmem>>) dst(%dma_wait3A_1190 : memref<128x128xf32, #tpu.memory_space<hbm>>)
          } else {
          }
          %dma_start3A_1169 = arith.constant 5 : i32
          %dma_start3A_1170 = arith.constant 0 : i32
          %dma_start3A_1171 = arith.constant 0 : i32
          %dma_start3A_1172 = tpu.memref_slice %arg14[%dma_start3A_1169, %dma_start3A_1170, %dma_start3A_1171] : memref<6x128x128xf32, #tpu.memory_space<vmem>> -> memref<1x100x128xf32, #tpu.memory_space<vmem>>
          %dma_start3A_1173 = tpu.memref_squeeze %dma_start3A_1172 : memref<1x100x128xf32, #tpu.memory_space<vmem>> -> memref<100x128xf32, #tpu.memory_space<vmem>>
          %dma_start3A_1174 = arith.constant 0 : i32
          %dma_start3A_1175 = tpu.memref_slice %arg12[%add3A_1159, %dma_start3A_1174] : memref<32x128xi32, #tpu.memory_space<vmem>> -> memref<1x100xi32, #tpu.memory_space<vmem>>
          %dma_start3A_1176 = tpu.memref_squeeze %dma_start3A_1175 : memref<1x100xi32, #tpu.memory_space<vmem>> -> memref<100xi32, #tpu.memory_space<vmem>>
          %dma_start3A_1177 = arith.constant 0 : i32
          %dma_start3A_1178 = arith.constant 0 : i32
          %dma_start3A_1179 = tpu.memref_slice %arg2[%dma_start3A_1177, %dma_start3A_1178] : memref<100000x128xf32, #tpu.memory_space<hbm>> -> memref<100000x128xf32, #tpu.memory_space<hbm>>
          tpu.enqueue_indirect_dma source(%dma_start3A_1179 : memref<100000x128xf32, #tpu.memory_space<hbm>>) target(%dma_start3A_1173 : memref<100x128xf32, #tpu.memory_space<vmem>>) offsets(%dma_start3A_1176 : memref<100xi32, #tpu.memory_space<vmem>>) semaphore(%arg20 : memref<!tpu.dma_semaphore, #tpu.memory_space<semaphore_mem>>)
        } else {
        }
      } else {
      }
      %mul3A_1103 = arith.constant 6 : i32
      %mul3A_1104 = arith.muli %scan3A_1078, %mul3A_1103 : i32
      %add3A_1105 = arith.constant 3 : i32
      %add3A_1106 = arith.addi %mul3A_1104, %add3A_1105 : i32
      %lt3A_1107 = arith.constant 32 : i32
      %lt3A_1108 = arith.cmpi slt, %add3A_1106, %lt3A_1107 : i32
      %convert_element_type3A_1109 = arith.extui %lt3A_1108 : i1 to i32
      %cond3A_1110 = arith.constant 0 : i32
      %cond3A_1111 = arith.cmpi ne, %convert_element_type3A_1109, %cond3A_1110 : i32
      scf.if %cond3A_1111 {
        %dma_wait3A_1130 = arith.constant 0 : i32
        %dma_wait3A_1131 = arith.constant 3 : i32
        %dma_wait3A_1132 = arith.constant 0 : i32
        %dma_wait3A_1133 = arith.constant 0 : i32
        %dma_wait3A_1134 = tpu.memref_slice %arg14[%dma_wait3A_1131, %dma_wait3A_1132, %dma_wait3A_1133] : memref<6x128x128xf32, #tpu.memory_space<vmem>> -> memref<1x100x128xf32, #tpu.memory_space<vmem>>
        %dma_wait3A_1135 = tpu.memref_squeeze %dma_wait3A_1134 : memref<1x100x128xf32, #tpu.memory_space<vmem>> -> memref<100x128xf32, #tpu.memory_space<vmem>>
        %dma_wait3A_1136 = arith.constant 0 : i32
        %dma_wait3A_1137 = tpu.memref_slice %arg12[%dma_wait3A_1130, %dma_wait3A_1136] : memref<32x128xi32, #tpu.memory_space<vmem>> -> memref<1x100xi32, #tpu.memory_space<vmem>>
        %dma_wait3A_1138 = tpu.memref_squeeze %dma_wait3A_1137 : memref<1x100xi32, #tpu.memory_space<vmem>> -> memref<100xi32, #tpu.memory_space<vmem>>
        %dma_wait3A_1139 = arith.constant 0 : i32
        %dma_wait3A_1140 = arith.constant 0 : i32
        %dma_wait3A_1141 = tpu.memref_slice %arg2[%dma_wait3A_1139, %dma_wait3A_1140] : memref<100000x128xf32, #tpu.memory_space<hbm>> -> memref<100000x128xf32, #tpu.memory_space<hbm>>
        tpu.wait_indirect_dma semaphore(%arg18 : memref<!tpu.dma_semaphore, #tpu.memory_space<semaphore_mem>>) src(%dma_wait3A_1141 : memref<100000x128xf32, #tpu.memory_space<hbm>>) dst(%dma_wait3A_1135 : memref<100x128xf32, #tpu.memory_space<vmem>>)
        %add3A_1142 = arith.addi %mul3A_2, %add3A_1106 : i32
        %mul3A_1143 = arith.constant 128 : i32
        %mul3A_1144 = arith.muli %add3A_1142, %mul3A_1143 : i32
        %dma_start3A_1145 = arith.constant 3 : i32
        %dma_start3A_1146 = arith.constant 0 : i32
        %dma_start3A_1147 = arith.constant 0 : i32
        %dma_start3A_1148 = tpu.memref_slice %arg14[%dma_start3A_1145, %dma_start3A_1146, %dma_start3A_1147] : memref<6x128x128xf32, #tpu.memory_space<vmem>> -> memref<1x128x128xf32, #tpu.memory_space<vmem>>
        %dma_start3A_1149 = tpu.memref_squeeze %dma_start3A_1148 : memref<1x128x128xf32, #tpu.memory_space<vmem>> -> memref<128x128xf32, #tpu.memory_space<vmem>>
        %dma_start3A_1150 = arith.constant 0 : i32
        %dma_start3A_1151 = tpu.memref_slice %arg8[%mul3A_1144, %dma_start3A_1150] : memref<131072x128xf32, #tpu.memory_space<hbm>> -> memref<128x128xf32, #tpu.memory_space<hbm>>
        %dma_start3A_1152 = arith.constant 0 : i32
        %dma_start3A_1153 = tpu.memref_slice %arg8[%mul3A_1144, %dma_start3A_1152] : memref<131072x128xf32, #tpu.memory_space<hbm>> -> memref<128x128xf32, #tpu.memory_space<hbm>>
        %dma_start3A_1154 = arith.constant 0 : i32
        %dma_start3A_1155 = arith.constant 0 : i32
        %dma_start3A_1156 = tpu.memref_slice %arg14[%dma_start3A_1145, %dma_start3A_1154, %dma_start3A_1155] : memref<6x128x128xf32, #tpu.memory_space<vmem>> -> memref<1x128x128xf32, #tpu.memory_space<vmem>>
        %dma_start3A_1157 = tpu.memref_squeeze %dma_start3A_1156 : memref<1x128x128xf32, #tpu.memory_space<vmem>> -> memref<128x128xf32, #tpu.memory_space<vmem>>
        tpu.enqueue_dma source(%dma_start3A_1157 : memref<128x128xf32, #tpu.memory_space<vmem>>) target(%dma_start3A_1153 : memref<128x128xf32, #tpu.memory_space<hbm>>) target_semaphore(%arg24 : memref<!tpu.dma_semaphore, #tpu.memory_space<semaphore_mem>>)
        %add3A_1158 = arith.constant 3 : i32
        %add3A_1159 = arith.addi %add3A_1106, %add3A_1158 : i32
        %lt3A_1160 = arith.constant 32 : i32
        %lt3A_1161 = arith.cmpi slt, %add3A_1159, %lt3A_1160 : i32
        %convert_element_type3A_1162 = arith.extui %lt3A_1161 : i1 to i32
        %cond3A_1163 = arith.constant 0 : i32
        %cond3A_1164 = arith.cmpi ne, %convert_element_type3A_1162, %cond3A_1163 : i32
        scf.if %cond3A_1164 {
          %ge3A = arith.constant 6 : i32
          %ge3A_1165 = arith.cmpi sge, %add3A_1159, %ge3A : i32
          %convert_element_type3A_1166 = arith.extui %ge3A_1165 : i1 to i32
          %cond3A_1167 = arith.constant 0 : i32
          %cond3A_1168 = arith.cmpi ne, %convert_element_type3A_1166, %cond3A_1167 : i32
          scf.if %cond3A_1168 {
            %dma_wait3A_1180 = arith.constant 0 : i32
            %dma_wait3A_1181 = arith.constant 0 : i32
            %dma_wait3A_1182 = arith.constant 0 : i32
            %dma_wait3A_1183 = tpu.memref_slice %arg14[%dma_wait3A_1180, %dma_wait3A_1181, %dma_wait3A_1182] : memref<6x128x128xf32, #tpu.memory_space<vmem>> -> memref<1x128x128xf32, #tpu.memory_space<vmem>>
            %dma_wait3A_1184 = tpu.memref_squeeze %dma_wait3A_1183 : memref<1x128x128xf32, #tpu.memory_space<vmem>> -> memref<128x128xf32, #tpu.memory_space<vmem>>
            %dma_wait3A_1185 = arith.constant 0 : i32
            %dma_wait3A_1186 = arith.constant 0 : i32
            %dma_wait3A_1187 = tpu.memref_slice %arg8[%dma_wait3A_1185, %dma_wait3A_1186] : memref<131072x128xf32, #tpu.memory_space<hbm>> -> memref<128x128xf32, #tpu.memory_space<hbm>>
            %dma_wait3A_1188 = arith.constant 0 : i32
            %dma_wait3A_1189 = arith.constant 0 : i32
            %dma_wait3A_1190 = tpu.memref_slice %arg8[%dma_wait3A_1188, %dma_wait3A_1189] : memref<131072x128xf32, #tpu.memory_space<hbm>> -> memref<128x128xf32, #tpu.memory_space<hbm>>
            %dma_wait3A_1191 = arith.constant 0 : i32
            %dma_wait3A_1192 = arith.constant 0 : i32
            %dma_wait3A_1193 = tpu.memref_slice %arg14[%dma_wait3A_1180, %dma_wait3A_1191, %dma_wait3A_1192] : memref<6x128x128xf32, #tpu.memory_space<vmem>> -> memref<1x128x128xf32, #tpu.memory_space<vmem>>
            %dma_wait3A_1194 = tpu.memref_squeeze %dma_wait3A_1193 : memref<1x128x128xf32, #tpu.memory_space<vmem>> -> memref<128x128xf32, #tpu.memory_space<vmem>>
            tpu.wait_dma2 semaphore(%arg21 : memref<!tpu.dma_semaphore, #tpu.memory_space<semaphore_mem>>) src(%dma_wait3A_1194 : memref<128x128xf32, #tpu.memory_space<vmem>>) dst(%dma_wait3A_1190 : memref<128x128xf32, #tpu.memory_space<hbm>>)
          } else {
          }
          %dma_start3A_1169 = arith.constant 0 : i32
          %dma_start3A_1170 = arith.constant 0 : i32
          %dma_start3A_1171 = arith.constant 0 : i32
          %dma_start3A_1172 = tpu.memref_slice %arg14[%dma_start3A_1169, %dma_start3A_1170, %dma_start3A_1171] : memref<6x128x128xf32, #tpu.memory_space<vmem>> -> memref<1x100x128xf32, #tpu.memory_space<vmem>>
          %dma_start3A_1173 = tpu.memref_squeeze %dma_start3A_1172 : memref<1x100x128xf32, #tpu.memory_space<vmem>> -> memref<100x128xf32, #tpu.memory_space<vmem>>
          %dma_start3A_1174 = arith.constant 0 : i32
          %dma_start3A_1175 = tpu.memref_slice %arg12[%add3A_1159, %dma_start3A_1174] : memref<32x128xi32, #tpu.memory_space<vmem>> -> memref<1x100xi32, #tpu.memory_space<vmem>>
          %dma_start3A_1176 = tpu.memref_squeeze %dma_start3A_1175 : memref<1x100xi32, #tpu.memory_space<vmem>> -> memref<100xi32, #tpu.memory_space<vmem>>
          %dma_start3A_1177 = arith.constant 0 : i32
          %dma_start3A_1178 = arith.constant 0 : i32
          %dma_start3A_1179 = tpu.memref_slice %arg2[%dma_start3A_1177, %dma_start3A_1178] : memref<100000x128xf32, #tpu.memory_space<hbm>> -> memref<100000x128xf32, #tpu.memory_space<hbm>>
          tpu.enqueue_indirect_dma source(%dma_start3A_1179 : memref<100000x128xf32, #tpu.memory_space<hbm>>) target(%dma_start3A_1173 : memref<100x128xf32, #tpu.memory_space<vmem>>) offsets(%dma_start3A_1176 : memref<100xi32, #tpu.memory_space<vmem>>) semaphore(%arg15 : memref<!tpu.dma_semaphore, #tpu.memory_space<semaphore_mem>>)
        } else {
        }
      } else {
      }
      %mul3A_1112 = arith.constant 6 : i32
      %mul3A_1113 = arith.muli %scan3A_1078, %mul3A_1112 : i32
      %add3A_1114 = arith.constant 4 : i32
      %add3A_1115 = arith.addi %mul3A_1113, %add3A_1114 : i32
      %lt3A_1116 = arith.constant 32 : i32
      %lt3A_1117 = arith.cmpi slt, %add3A_1115, %lt3A_1116 : i32
      %convert_element_type3A_1118 = arith.extui %lt3A_1117 : i1 to i32
      %cond3A_1119 = arith.constant 0 : i32
      %cond3A_1120 = arith.cmpi ne, %convert_element_type3A_1118, %cond3A_1119 : i32
      scf.if %cond3A_1120 {
        %dma_wait3A_1130 = arith.constant 0 : i32
        %dma_wait3A_1131 = arith.constant 4 : i32
        %dma_wait3A_1132 = arith.constant 0 : i32
        %dma_wait3A_1133 = arith.constant 0 : i32
        %dma_wait3A_1134 = tpu.memref_slice %arg14[%dma_wait3A_1131, %dma_wait3A_1132, %dma_wait3A_1133] : memref<6x128x128xf32, #tpu.memory_space<vmem>> -> memref<1x100x128xf32, #tpu.memory_space<vmem>>
        %dma_wait3A_1135 = tpu.memref_squeeze %dma_wait3A_1134 : memref<1x100x128xf32, #tpu.memory_space<vmem>> -> memref<100x128xf32, #tpu.memory_space<vmem>>
        %dma_wait3A_1136 = arith.constant 0 : i32
        %dma_wait3A_1137 = tpu.memref_slice %arg12[%dma_wait3A_1130, %dma_wait3A_1136] : memref<32x128xi32, #tpu.memory_space<vmem>> -> memref<1x100xi32, #tpu.memory_space<vmem>>
        %dma_wait3A_1138 = tpu.memref_squeeze %dma_wait3A_1137 : memref<1x100xi32, #tpu.memory_space<vmem>> -> memref<100xi32, #tpu.memory_space<vmem>>
        %dma_wait3A_1139 = arith.constant 0 : i32
        %dma_wait3A_1140 = arith.constant 0 : i32
        %dma_wait3A_1141 = tpu.memref_slice %arg2[%dma_wait3A_1139, %dma_wait3A_1140] : memref<100000x128xf32, #tpu.memory_space<hbm>> -> memref<100000x128xf32, #tpu.memory_space<hbm>>
        tpu.wait_indirect_dma semaphore(%arg19 : memref<!tpu.dma_semaphore, #tpu.memory_space<semaphore_mem>>) src(%dma_wait3A_1141 : memref<100000x128xf32, #tpu.memory_space<hbm>>) dst(%dma_wait3A_1135 : memref<100x128xf32, #tpu.memory_space<vmem>>)
        %add3A_1142 = arith.addi %mul3A_2, %add3A_1115 : i32
        %mul3A_1143 = arith.constant 128 : i32
        %mul3A_1144 = arith.muli %add3A_1142, %mul3A_1143 : i32
        %dma_start3A_1145 = arith.constant 4 : i32
        %dma_start3A_1146 = arith.constant 0 : i32
        %dma_start3A_1147 = arith.constant 0 : i32
        %dma_start3A_1148 = tpu.memref_slice %arg14[%dma_start3A_1145, %dma_start3A_1146, %dma_start3A_1147] : memref<6x128x128xf32, #tpu.memory_space<vmem>> -> memref<1x128x128xf32, #tpu.memory_space<vmem>>
        %dma_start3A_1149 = tpu.memref_squeeze %dma_start3A_1148 : memref<1x128x128xf32, #tpu.memory_space<vmem>> -> memref<128x128xf32, #tpu.memory_space<vmem>>
        %dma_start3A_1150 = arith.constant 0 : i32
        %dma_start3A_1151 = tpu.memref_slice %arg8[%mul3A_1144, %dma_start3A_1150] : memref<131072x128xf32, #tpu.memory_space<hbm>> -> memref<128x128xf32, #tpu.memory_space<hbm>>
        %dma_start3A_1152 = arith.constant 0 : i32
        %dma_start3A_1153 = tpu.memref_slice %arg8[%mul3A_1144, %dma_start3A_1152] : memref<131072x128xf32, #tpu.memory_space<hbm>> -> memref<128x128xf32, #tpu.memory_space<hbm>>
        %dma_start3A_1154 = arith.constant 0 : i32
        %dma_start3A_1155 = arith.constant 0 : i32
        %dma_start3A_1156 = tpu.memref_slice %arg14[%dma_start3A_1145, %dma_start3A_1154, %dma_start3A_1155] : memref<6x128x128xf32, #tpu.memory_space<vmem>> -> memref<1x128x128xf32, #tpu.memory_space<vmem>>
        %dma_start3A_1157 = tpu.memref_squeeze %dma_start3A_1156 : memref<1x128x128xf32, #tpu.memory_space<vmem>> -> memref<128x128xf32, #tpu.memory_space<vmem>>
        tpu.enqueue_dma source(%dma_start3A_1157 : memref<128x128xf32, #tpu.memory_space<vmem>>) target(%dma_start3A_1153 : memref<128x128xf32, #tpu.memory_space<hbm>>) target_semaphore(%arg25 : memref<!tpu.dma_semaphore, #tpu.memory_space<semaphore_mem>>)
        %add3A_1158 = arith.constant 3 : i32
        %add3A_1159 = arith.addi %add3A_1115, %add3A_1158 : i32
        %lt3A_1160 = arith.constant 32 : i32
        %lt3A_1161 = arith.cmpi slt, %add3A_1159, %lt3A_1160 : i32
        %convert_element_type3A_1162 = arith.extui %lt3A_1161 : i1 to i32
        %cond3A_1163 = arith.constant 0 : i32
        %cond3A_1164 = arith.cmpi ne, %convert_element_type3A_1162, %cond3A_1163 : i32
        scf.if %cond3A_1164 {
          %ge3A = arith.constant 6 : i32
          %ge3A_1165 = arith.cmpi sge, %add3A_1159, %ge3A : i32
          %convert_element_type3A_1166 = arith.extui %ge3A_1165 : i1 to i32
          %cond3A_1167 = arith.constant 0 : i32
          %cond3A_1168 = arith.cmpi ne, %convert_element_type3A_1166, %cond3A_1167 : i32
          scf.if %cond3A_1168 {
            %dma_wait3A_1180 = arith.constant 1 : i32
            %dma_wait3A_1181 = arith.constant 0 : i32
            %dma_wait3A_1182 = arith.constant 0 : i32
            %dma_wait3A_1183 = tpu.memref_slice %arg14[%dma_wait3A_1180, %dma_wait3A_1181, %dma_wait3A_1182] : memref<6x128x128xf32, #tpu.memory_space<vmem>> -> memref<1x128x128xf32, #tpu.memory_space<vmem>>
            %dma_wait3A_1184 = tpu.memref_squeeze %dma_wait3A_1183 : memref<1x128x128xf32, #tpu.memory_space<vmem>> -> memref<128x128xf32, #tpu.memory_space<vmem>>
            %dma_wait3A_1185 = arith.constant 0 : i32
            %dma_wait3A_1186 = arith.constant 0 : i32
            %dma_wait3A_1187 = tpu.memref_slice %arg8[%dma_wait3A_1185, %dma_wait3A_1186] : memref<131072x128xf32, #tpu.memory_space<hbm>> -> memref<128x128xf32, #tpu.memory_space<hbm>>
            %dma_wait3A_1188 = arith.constant 0 : i32
            %dma_wait3A_1189 = arith.constant 0 : i32
            %dma_wait3A_1190 = tpu.memref_slice %arg8[%dma_wait3A_1188, %dma_wait3A_1189] : memref<131072x128xf32, #tpu.memory_space<hbm>> -> memref<128x128xf32, #tpu.memory_space<hbm>>
            %dma_wait3A_1191 = arith.constant 0 : i32
            %dma_wait3A_1192 = arith.constant 0 : i32
            %dma_wait3A_1193 = tpu.memref_slice %arg14[%dma_wait3A_1180, %dma_wait3A_1191, %dma_wait3A_1192] : memref<6x128x128xf32, #tpu.memory_space<vmem>> -> memref<1x128x128xf32, #tpu.memory_space<vmem>>
            %dma_wait3A_1194 = tpu.memref_squeeze %dma_wait3A_1193 : memref<1x128x128xf32, #tpu.memory_space<vmem>> -> memref<128x128xf32, #tpu.memory_space<vmem>>
            tpu.wait_dma2 semaphore(%arg22 : memref<!tpu.dma_semaphore, #tpu.memory_space<semaphore_mem>>) src(%dma_wait3A_1194 : memref<128x128xf32, #tpu.memory_space<vmem>>) dst(%dma_wait3A_1190 : memref<128x128xf32, #tpu.memory_space<hbm>>)
          } else {
          }
          %dma_start3A_1169 = arith.constant 1 : i32
          %dma_start3A_1170 = arith.constant 0 : i32
          %dma_start3A_1171 = arith.constant 0 : i32
          %dma_start3A_1172 = tpu.memref_slice %arg14[%dma_start3A_1169, %dma_start3A_1170, %dma_start3A_1171] : memref<6x128x128xf32, #tpu.memory_space<vmem>> -> memref<1x100x128xf32, #tpu.memory_space<vmem>>
          %dma_start3A_1173 = tpu.memref_squeeze %dma_start3A_1172 : memref<1x100x128xf32, #tpu.memory_space<vmem>> -> memref<100x128xf32, #tpu.memory_space<vmem>>
          %dma_start3A_1174 = arith.constant 0 : i32
          %dma_start3A_1175 = tpu.memref_slice %arg12[%add3A_1159, %dma_start3A_1174] : memref<32x128xi32, #tpu.memory_space<vmem>> -> memref<1x100xi32, #tpu.memory_space<vmem>>
          %dma_start3A_1176 = tpu.memref_squeeze %dma_start3A_1175 : memref<1x100xi32, #tpu.memory_space<vmem>> -> memref<100xi32, #tpu.memory_space<vmem>>
          %dma_start3A_1177 = arith.constant 0 : i32
          %dma_start3A_1178 = arith.constant 0 : i32
          %dma_start3A_1179 = tpu.memref_slice %arg2[%dma_start3A_1177, %dma_start3A_1178] : memref<100000x128xf32, #tpu.memory_space<hbm>> -> memref<100000x128xf32, #tpu.memory_space<hbm>>
          tpu.enqueue_indirect_dma source(%dma_start3A_1179 : memref<100000x128xf32, #tpu.memory_space<hbm>>) target(%dma_start3A_1173 : memref<100x128xf32, #tpu.memory_space<vmem>>) offsets(%dma_start3A_1176 : memref<100xi32, #tpu.memory_space<vmem>>) semaphore(%arg16 : memref<!tpu.dma_semaphore, #tpu.memory_space<semaphore_mem>>)
        } else {
        }
      } else {
      }
      %mul3A_1121 = arith.constant 6 : i32
      %mul3A_1122 = arith.muli %scan3A_1078, %mul3A_1121 : i32
      %add3A_1123 = arith.constant 5 : i32
      %add3A_1124 = arith.addi %mul3A_1122, %add3A_1123 : i32
      %lt3A_1125 = arith.constant 32 : i32
      %lt3A_1126 = arith.cmpi slt, %add3A_1124, %lt3A_1125 : i32
      %convert_element_type3A_1127 = arith.extui %lt3A_1126 : i1 to i32
      %cond3A_1128 = arith.constant 0 : i32
      %cond3A_1129 = arith.cmpi ne, %convert_element_type3A_1127, %cond3A_1128 : i32
      scf.if %cond3A_1129 {
        %dma_wait3A_1130 = arith.constant 0 : i32
        %dma_wait3A_1131 = arith.constant 5 : i32
        %dma_wait3A_1132 = arith.constant 0 : i32
        %dma_wait3A_1133 = arith.constant 0 : i32
        %dma_wait3A_1134 = tpu.memref_slice %arg14[%dma_wait3A_1131, %dma_wait3A_1132, %dma_wait3A_1133] : memref<6x128x128xf32, #tpu.memory_space<vmem>> -> memref<1x100x128xf32, #tpu.memory_space<vmem>>
        %dma_wait3A_1135 = tpu.memref_squeeze %dma_wait3A_1134 : memref<1x100x128xf32, #tpu.memory_space<vmem>> -> memref<100x128xf32, #tpu.memory_space<vmem>>
        %dma_wait3A_1136 = arith.constant 0 : i32
        %dma_wait3A_1137 = tpu.memref_slice %arg12[%dma_wait3A_1130, %dma_wait3A_1136] : memref<32x128xi32, #tpu.memory_space<vmem>> -> memref<1x100xi32, #tpu.memory_space<vmem>>
        %dma_wait3A_1138 = tpu.memref_squeeze %dma_wait3A_1137 : memref<1x100xi32, #tpu.memory_space<vmem>> -> memref<100xi32, #tpu.memory_space<vmem>>
        %dma_wait3A_1139 = arith.constant 0 : i32
        %dma_wait3A_1140 = arith.constant 0 : i32
        %dma_wait3A_1141 = tpu.memref_slice %arg2[%dma_wait3A_1139, %dma_wait3A_1140] : memref<100000x128xf32, #tpu.memory_space<hbm>> -> memref<100000x128xf32, #tpu.memory_space<hbm>>
        tpu.wait_indirect_dma semaphore(%arg20 : memref<!tpu.dma_semaphore, #tpu.memory_space<semaphore_mem>>) src(%dma_wait3A_1141 : memref<100000x128xf32, #tpu.memory_space<hbm>>) dst(%dma_wait3A_1135 : memref<100x128xf32, #tpu.memory_space<vmem>>)
        %add3A_1142 = arith.addi %mul3A_2, %add3A_1124 : i32
        %mul3A_1143 = arith.constant 128 : i32
        %mul3A_1144 = arith.muli %add3A_1142, %mul3A_1143 : i32
        %dma_start3A_1145 = arith.constant 5 : i32
        %dma_start3A_1146 = arith.constant 0 : i32
        %dma_start3A_1147 = arith.constant 0 : i32
        %dma_start3A_1148 = tpu.memref_slice %arg14[%dma_start3A_1145, %dma_start3A_1146, %dma_start3A_1147] : memref<6x128x128xf32, #tpu.memory_space<vmem>> -> memref<1x128x128xf32, #tpu.memory_space<vmem>>
        %dma_start3A_1149 = tpu.memref_squeeze %dma_start3A_1148 : memref<1x128x128xf32, #tpu.memory_space<vmem>> -> memref<128x128xf32, #tpu.memory_space<vmem>>
        %dma_start3A_1150 = arith.constant 0 : i32
        %dma_start3A_1151 = tpu.memref_slice %arg8[%mul3A_1144, %dma_start3A_1150] : memref<131072x128xf32, #tpu.memory_space<hbm>> -> memref<128x128xf32, #tpu.memory_space<hbm>>
        %dma_start3A_1152 = arith.constant 0 : i32
        %dma_start3A_1153 = tpu.memref_slice %arg8[%mul3A_1144, %dma_start3A_1152] : memref<131072x128xf32, #tpu.memory_space<hbm>> -> memref<128x128xf32, #tpu.memory_space<hbm>>
        %dma_start3A_1154 = arith.constant 0 : i32
        %dma_start3A_1155 = arith.constant 0 : i32
        %dma_start3A_1156 = tpu.memref_slice %arg14[%dma_start3A_1145, %dma_start3A_1154, %dma_start3A_1155] : memref<6x128x128xf32, #tpu.memory_space<vmem>> -> memref<1x128x128xf32, #tpu.memory_space<vmem>>
        %dma_start3A_1157 = tpu.memref_squeeze %dma_start3A_1156 : memref<1x128x128xf32, #tpu.memory_space<vmem>> -> memref<128x128xf32, #tpu.memory_space<vmem>>
        tpu.enqueue_dma source(%dma_start3A_1157 : memref<128x128xf32, #tpu.memory_space<vmem>>) target(%dma_start3A_1153 : memref<128x128xf32, #tpu.memory_space<hbm>>) target_semaphore(%arg26 : memref<!tpu.dma_semaphore, #tpu.memory_space<semaphore_mem>>)
        %add3A_1158 = arith.constant 3 : i32
        %add3A_1159 = arith.addi %add3A_1124, %add3A_1158 : i32
        %lt3A_1160 = arith.constant 32 : i32
        %lt3A_1161 = arith.cmpi slt, %add3A_1159, %lt3A_1160 : i32
        %convert_element_type3A_1162 = arith.extui %lt3A_1161 : i1 to i32
        %cond3A_1163 = arith.constant 0 : i32
        %cond3A_1164 = arith.cmpi ne, %convert_element_type3A_1162, %cond3A_1163 : i32
        scf.if %cond3A_1164 {
          %ge3A = arith.constant 6 : i32
          %ge3A_1165 = arith.cmpi sge, %add3A_1159, %ge3A : i32
          %convert_element_type3A_1166 = arith.extui %ge3A_1165 : i1 to i32
          %cond3A_1167 = arith.constant 0 : i32
          %cond3A_1168 = arith.cmpi ne, %convert_element_type3A_1166, %cond3A_1167 : i32
          scf.if %cond3A_1168 {
            %dma_wait3A_1180 = arith.constant 2 : i32
            %dma_wait3A_1181 = arith.constant 0 : i32
            %dma_wait3A_1182 = arith.constant 0 : i32
            %dma_wait3A_1183 = tpu.memref_slice %arg14[%dma_wait3A_1180, %dma_wait3A_1181, %dma_wait3A_1182] : memref<6x128x128xf32, #tpu.memory_space<vmem>> -> memref<1x128x128xf32, #tpu.memory_space<vmem>>
            %dma_wait3A_1184 = tpu.memref_squeeze %dma_wait3A_1183 : memref<1x128x128xf32, #tpu.memory_space<vmem>> -> memref<128x128xf32, #tpu.memory_space<vmem>>
            %dma_wait3A_1185 = arith.constant 0 : i32
            %dma_wait3A_1186 = arith.constant 0 : i32
            %dma_wait3A_1187 = tpu.memref_slice %arg8[%dma_wait3A_1185, %dma_wait3A_1186] : memref<131072x128xf32, #tpu.memory_space<hbm>> -> memref<128x128xf32, #tpu.memory_space<hbm>>
            %dma_wait3A_1188 = arith.constant 0 : i32
            %dma_wait3A_1189 = arith.constant 0 : i32
            %dma_wait3A_1190 = tpu.memref_slice %arg8[%dma_wait3A_1188, %dma_wait3A_1189] : memref<131072x128xf32, #tpu.memory_space<hbm>> -> memref<128x128xf32, #tpu.memory_space<hbm>>
            %dma_wait3A_1191 = arith.constant 0 : i32
            %dma_wait3A_1192 = arith.constant 0 : i32
            %dma_wait3A_1193 = tpu.memref_slice %arg14[%dma_wait3A_1180, %dma_wait3A_1191, %dma_wait3A_1192] : memref<6x128x128xf32, #tpu.memory_space<vmem>> -> memref<1x128x128xf32, #tpu.memory_space<vmem>>
            %dma_wait3A_1194 = tpu.memref_squeeze %dma_wait3A_1193 : memref<1x128x128xf32, #tpu.memory_space<vmem>> -> memref<128x128xf32, #tpu.memory_space<vmem>>
            tpu.wait_dma2 semaphore(%arg23 : memref<!tpu.dma_semaphore, #tpu.memory_space<semaphore_mem>>) src(%dma_wait3A_1194 : memref<128x128xf32, #tpu.memory_space<vmem>>) dst(%dma_wait3A_1190 : memref<128x128xf32, #tpu.memory_space<hbm>>)
          } else {
          }
          %dma_start3A_1169 = arith.constant 2 : i32
          %dma_start3A_1170 = arith.constant 0 : i32
          %dma_start3A_1171 = arith.constant 0 : i32
          %dma_start3A_1172 = tpu.memref_slice %arg14[%dma_start3A_1169, %dma_start3A_1170, %dma_start3A_1171] : memref<6x128x128xf32, #tpu.memory_space<vmem>> -> memref<1x100x128xf32, #tpu.memory_space<vmem>>
          %dma_start3A_1173 = tpu.memref_squeeze %dma_start3A_1172 : memref<1x100x128xf32, #tpu.memory_space<vmem>> -> memref<100x128xf32, #tpu.memory_space<vmem>>
          %dma_start3A_1174 = arith.constant 0 : i32
          %dma_start3A_1175 = tpu.memref_slice %arg12[%add3A_1159, %dma_start3A_1174] : memref<32x128xi32, #tpu.memory_space<vmem>> -> memref<1x100xi32, #tpu.memory_space<vmem>>
          %dma_start3A_1176 = tpu.memref_squeeze %dma_start3A_1175 : memref<1x100xi32, #tpu.memory_space<vmem>> -> memref<100xi32, #tpu.memory_space<vmem>>
          %dma_start3A_1177 = arith.constant 0 : i32
          %dma_start3A_1178 = arith.constant 0 : i32
          %dma_start3A_1179 = tpu.memref_slice %arg2[%dma_start3A_1177, %dma_start3A_1178] : memref<100000x128xf32, #tpu.memory_space<hbm>> -> memref<100000x128xf32, #tpu.memory_space<hbm>>
          tpu.enqueue_indirect_dma source(%dma_start3A_1179 : memref<100000x128xf32, #tpu.memory_space<hbm>>) target(%dma_start3A_1173 : memref<100x128xf32, #tpu.memory_space<vmem>>) offsets(%dma_start3A_1176 : memref<100xi32, #tpu.memory_space<vmem>>) semaphore(%arg17 : memref<!tpu.dma_semaphore, #tpu.memory_space<semaphore_mem>>)
        } else {
        }
      } else {
      }
    }
    %scan3A_987 = arith.constant 6 : i32
    %dma_wait3A_988 = arith.constant 0 : i32
    %dma_wait3A_989 = arith.constant 0 : i32
    %dma_wait3A_990 = arith.constant 0 : i32
    %dma_wait3A_991 = tpu.memref_slice %arg14[%dma_wait3A_988, %dma_wait3A_989, %dma_wait3A_990] : memref<6x128x128xf32, #tpu.memory_space<vmem>> -> memref<1x128x128xf32, #tpu.memory_space<vmem>>
    %dma_wait3A_992 = tpu.memref_squeeze %dma_wait3A_991 : memref<1x128x128xf32, #tpu.memory_space<vmem>> -> memref<128x128xf32, #tpu.memory_space<vmem>>
    %dma_wait3A_993 = arith.constant 0 : i32
    %dma_wait3A_994 = arith.constant 0 : i32
    %dma_wait3A_995 = tpu.memref_slice %arg8[%dma_wait3A_993, %dma_wait3A_994] : memref<131072x128xf32, #tpu.memory_space<hbm>> -> memref<128x128xf32, #tpu.memory_space<hbm>>
    %dma_wait3A_996 = arith.constant 0 : i32
    %dma_wait3A_997 = arith.constant 0 : i32
    %dma_wait3A_998 = tpu.memref_slice %arg8[%dma_wait3A_996, %dma_wait3A_997] : memref<131072x128xf32, #tpu.memory_space<hbm>> -> memref<128x128xf32, #tpu.memory_space<hbm>>
    %dma_wait3A_999 = arith.constant 0 : i32
    %dma_wait3A_1000 = arith.constant 0 : i32
    %dma_wait3A_1001 = tpu.memref_slice %arg14[%dma_wait3A_988, %dma_wait3A_999, %dma_wait3A_1000] : memref<6x128x128xf32, #tpu.memory_space<vmem>> -> memref<1x128x128xf32, #tpu.memory_space<vmem>>
    %dma_wait3A_1002 = tpu.memref_squeeze %dma_wait3A_1001 : memref<1x128x128xf32, #tpu.memory_space<vmem>> -> memref<128x128xf32, #tpu.memory_space<vmem>>
    tpu.wait_dma2 semaphore(%arg21 : memref<!tpu.dma_semaphore, #tpu.memory_space<semaphore_mem>>) src(%dma_wait3A_1002 : memref<128x128xf32, #tpu.memory_space<vmem>>) dst(%dma_wait3A_998 : memref<128x128xf32, #tpu.memory_space<hbm>>)
    %dma_wait3A_1003 = arith.constant 1 : i32
    %dma_wait3A_1004 = arith.constant 0 : i32
    %dma_wait3A_1005 = arith.constant 0 : i32
    %dma_wait3A_1006 = tpu.memref_slice %arg14[%dma_wait3A_1003, %dma_wait3A_1004, %dma_wait3A_1005] : memref<6x128x128xf32, #tpu.memory_space<vmem>> -> memref<1x128x128xf32, #tpu.memory_space<vmem>>
    %dma_wait3A_1007 = tpu.memref_squeeze %dma_wait3A_1006 : memref<1x128x128xf32, #tpu.memory_space<vmem>> -> memref<128x128xf32, #tpu.memory_space<vmem>>
    %dma_wait3A_1008 = arith.constant 0 : i32
    %dma_wait3A_1009 = arith.constant 0 : i32
    %dma_wait3A_1010 = tpu.memref_slice %arg8[%dma_wait3A_1008, %dma_wait3A_1009] : memref<131072x128xf32, #tpu.memory_space<hbm>> -> memref<128x128xf32, #tpu.memory_space<hbm>>
    %dma_wait3A_1011 = arith.constant 0 : i32
    %dma_wait3A_1012 = arith.constant 0 : i32
    %dma_wait3A_1013 = tpu.memref_slice %arg8[%dma_wait3A_1011, %dma_wait3A_1012] : memref<131072x128xf32, #tpu.memory_space<hbm>> -> memref<128x128xf32, #tpu.memory_space<hbm>>
    %dma_wait3A_1014 = arith.constant 0 : i32
    %dma_wait3A_1015 = arith.constant 0 : i32
    %dma_wait3A_1016 = tpu.memref_slice %arg14[%dma_wait3A_1003, %dma_wait3A_1014, %dma_wait3A_1015] : memref<6x128x128xf32, #tpu.memory_space<vmem>> -> memref<1x128x128xf32, #tpu.memory_space<vmem>>
    %dma_wait3A_1017 = tpu.memref_squeeze %dma_wait3A_1016 : memref<1x128x128xf32, #tpu.memory_space<vmem>> -> memref<128x128xf32, #tpu.memory_space<vmem>>
    tpu.wait_dma2 semaphore(%arg22 : memref<!tpu.dma_semaphore, #tpu.memory_space<semaphore_mem>>) src(%dma_wait3A_1017 : memref<128x128xf32, #tpu.memory_space<vmem>>) dst(%dma_wait3A_1013 : memref<128x128xf32, #tpu.memory_space<hbm>>)
    %dma_wait3A_1018 = arith.constant 2 : i32
    %dma_wait3A_1019 = arith.constant 0 : i32
    %dma_wait3A_1020 = arith.constant 0 : i32
    %dma_wait3A_1021 = tpu.memref_slice %arg14[%dma_wait3A_1018, %dma_wait3A_1019, %dma_wait3A_1020] : memref<6x128x128xf32, #tpu.memory_space<vmem>> -> memref<1x128x128xf32, #tpu.memory_space<vmem>>
    %dma_wait3A_1022 = tpu.memref_squeeze %dma_wait3A_1021 : memref<1x128x128xf32, #tpu.memory_space<vmem>> -> memref<128x128xf32, #tpu.memory_space<vmem>>
    %dma_wait3A_1023 = arith.constant 0 : i32
    %dma_wait3A_1024 = arith.constant 0 : i32
    %dma_wait3A_1025 = tpu.memref_slice %arg8[%dma_wait3A_1023, %dma_wait3A_1024] : memref<131072x128xf32, #tpu.memory_space<hbm>> -> memref<128x128xf32, #tpu.memory_space<hbm>>
    %dma_wait3A_1026 = arith.constant 0 : i32
    %dma_wait3A_1027 = arith.constant 0 : i32
    %dma_wait3A_1028 = tpu.memref_slice %arg8[%dma_wait3A_1026, %dma_wait3A_1027] : memref<131072x128xf32, #tpu.memory_space<hbm>> -> memref<128x128xf32, #tpu.memory_space<hbm>>
    %dma_wait3A_1029 = arith.constant 0 : i32
    %dma_wait3A_1030 = arith.constant 0 : i32
    %dma_wait3A_1031 = tpu.memref_slice %arg14[%dma_wait3A_1018, %dma_wait3A_1029, %dma_wait3A_1030] : memref<6x128x128xf32, #tpu.memory_space<vmem>> -> memref<1x128x128xf32, #tpu.memory_space<vmem>>
    %dma_wait3A_1032 = tpu.memref_squeeze %dma_wait3A_1031 : memref<1x128x128xf32, #tpu.memory_space<vmem>> -> memref<128x128xf32, #tpu.memory_space<vmem>>
    tpu.wait_dma2 semaphore(%arg23 : memref<!tpu.dma_semaphore, #tpu.memory_space<semaphore_mem>>) src(%dma_wait3A_1032 : memref<128x128xf32, #tpu.memory_space<vmem>>) dst(%dma_wait3A_1028 : memref<128x128xf32, #tpu.memory_space<hbm>>)
    %dma_wait3A_1033 = arith.constant 3 : i32
    %dma_wait3A_1034 = arith.constant 0 : i32
    %dma_wait3A_1035 = arith.constant 0 : i32
    %dma_wait3A_1036 = tpu.memref_slice %arg14[%dma_wait3A_1033, %dma_wait3A_1034, %dma_wait3A_1035] : memref<6x128x128xf32, #tpu.memory_space<vmem>> -> memref<1x128x128xf32, #tpu.memory_space<vmem>>
    %dma_wait3A_1037 = tpu.memref_squeeze %dma_wait3A_1036 : memref<1x128x128xf32, #tpu.memory_space<vmem>> -> memref<128x128xf32, #tpu.memory_space<vmem>>
    %dma_wait3A_1038 = arith.constant 0 : i32
    %dma_wait3A_1039 = arith.constant 0 : i32
    %dma_wait3A_1040 = tpu.memref_slice %arg8[%dma_wait3A_1038, %dma_wait3A_1039] : memref<131072x128xf32, #tpu.memory_space<hbm>> -> memref<128x128xf32, #tpu.memory_space<hbm>>
    %dma_wait3A_1041 = arith.constant 0 : i32
    %dma_wait3A_1042 = arith.constant 0 : i32
    %dma_wait3A_1043 = tpu.memref_slice %arg8[%dma_wait3A_1041, %dma_wait3A_1042] : memref<131072x128xf32, #tpu.memory_space<hbm>> -> memref<128x128xf32, #tpu.memory_space<hbm>>
    %dma_wait3A_1044 = arith.constant 0 : i32
    %dma_wait3A_1045 = arith.constant 0 : i32
    %dma_wait3A_1046 = tpu.memref_slice %arg14[%dma_wait3A_1033, %dma_wait3A_1044, %dma_wait3A_1045] : memref<6x128x128xf32, #tpu.memory_space<vmem>> -> memref<1x128x128xf32, #tpu.memory_space<vmem>>
    %dma_wait3A_1047 = tpu.memref_squeeze %dma_wait3A_1046 : memref<1x128x128xf32, #tpu.memory_space<vmem>> -> memref<128x128xf32, #tpu.memory_space<vmem>>
    tpu.wait_dma2 semaphore(%arg24 : memref<!tpu.dma_semaphore, #tpu.memory_space<semaphore_mem>>) src(%dma_wait3A_1047 : memref<128x128xf32, #tpu.memory_space<vmem>>) dst(%dma_wait3A_1043 : memref<128x128xf32, #tpu.memory_space<hbm>>)
    %dma_wait3A_1048 = arith.constant 4 : i32
    %dma_wait3A_1049 = arith.constant 0 : i32
    %dma_wait3A_1050 = arith.constant 0 : i32
    %dma_wait3A_1051 = tpu.memref_slice %arg14[%dma_wait3A_1048, %dma_wait3A_1049, %dma_wait3A_1050] : memref<6x128x128xf32, #tpu.memory_space<vmem>> -> memref<1x128x128xf32, #tpu.memory_space<vmem>>
    %dma_wait3A_1052 = tpu.memref_squeeze %dma_wait3A_1051 : memref<1x128x128xf32, #tpu.memory_space<vmem>> -> memref<128x128xf32, #tpu.memory_space<vmem>>
    %dma_wait3A_1053 = arith.constant 0 : i32
    %dma_wait3A_1054 = arith.constant 0 : i32
    %dma_wait3A_1055 = tpu.memref_slice %arg8[%dma_wait3A_1053, %dma_wait3A_1054] : memref<131072x128xf32, #tpu.memory_space<hbm>> -> memref<128x128xf32, #tpu.memory_space<hbm>>
    %dma_wait3A_1056 = arith.constant 0 : i32
    %dma_wait3A_1057 = arith.constant 0 : i32
    %dma_wait3A_1058 = tpu.memref_slice %arg8[%dma_wait3A_1056, %dma_wait3A_1057] : memref<131072x128xf32, #tpu.memory_space<hbm>> -> memref<128x128xf32, #tpu.memory_space<hbm>>
    %dma_wait3A_1059 = arith.constant 0 : i32
    %dma_wait3A_1060 = arith.constant 0 : i32
    %dma_wait3A_1061 = tpu.memref_slice %arg14[%dma_wait3A_1048, %dma_wait3A_1059, %dma_wait3A_1060] : memref<6x128x128xf32, #tpu.memory_space<vmem>> -> memref<1x128x128xf32, #tpu.memory_space<vmem>>
    %dma_wait3A_1062 = tpu.memref_squeeze %dma_wait3A_1061 : memref<1x128x128xf32, #tpu.memory_space<vmem>> -> memref<128x128xf32, #tpu.memory_space<vmem>>
    tpu.wait_dma2 semaphore(%arg25 : memref<!tpu.dma_semaphore, #tpu.memory_space<semaphore_mem>>) src(%dma_wait3A_1062 : memref<128x128xf32, #tpu.memory_space<vmem>>) dst(%dma_wait3A_1058 : memref<128x128xf32, #tpu.memory_space<hbm>>)
    %dma_wait3A_1063 = arith.constant 5 : i32
    %dma_wait3A_1064 = arith.constant 0 : i32
    %dma_wait3A_1065 = arith.constant 0 : i32
    %dma_wait3A_1066 = tpu.memref_slice %arg14[%dma_wait3A_1063, %dma_wait3A_1064, %dma_wait3A_1065] : memref<6x128x128xf32, #tpu.memory_space<vmem>> -> memref<1x128x128xf32, #tpu.memory_space<vmem>>
    %dma_wait3A_1067 = tpu.memref_squeeze %dma_wait3A_1066 : memref<1x128x128xf32, #tpu.memory_space<vmem>> -> memref<128x128xf32, #tpu.memory_space<vmem>>
    %dma_wait3A_1068 = arith.constant 0 : i32
    %dma_wait3A_1069 = arith.constant 0 : i32
    %dma_wait3A_1070 = tpu.memref_slice %arg8[%dma_wait3A_1068, %dma_wait3A_1069] : memref<131072x128xf32, #tpu.memory_space<hbm>> -> memref<128x128xf32, #tpu.memory_space<hbm>>
    %dma_wait3A_1071 = arith.constant 0 : i32
    %dma_wait3A_1072 = arith.constant 0 : i32
    %dma_wait3A_1073 = tpu.memref_slice %arg8[%dma_wait3A_1071, %dma_wait3A_1072] : memref<131072x128xf32, #tpu.memory_space<hbm>> -> memref<128x128xf32, #tpu.memory_space<hbm>>
    %dma_wait3A_1074 = arith.constant 0 : i32
    %dma_wait3A_1075 = arith.constant 0 : i32
    %dma_wait3A_1076 = tpu.memref_slice %arg14[%dma_wait3A_1063, %dma_wait3A_1074, %dma_wait3A_1075] : memref<6x128x128xf32, #tpu.memory_space<vmem>> -> memref<1x128x128xf32, #tpu.memory_space<vmem>>
    %dma_wait3A_1077 = tpu.memref_squeeze %dma_wait3A_1076 : memref<1x128x128xf32, #tpu.memory_space<vmem>> -> memref<128x128xf32, #tpu.memory_space<vmem>>
    tpu.wait_dma2 semaphore(%arg26 : memref<!tpu.dma_semaphore, #tpu.memory_space<semaphore_mem>>) src(%dma_wait3A_1077 : memref<128x128xf32, #tpu.memory_space<vmem>>) dst(%dma_wait3A_1073 : memref<128x128xf32, #tpu.memory_space<hbm>>)
    return
  }
}

</mosaic_0001>

<sc_bundles>
// kernel: kernel.3.cloned.1.call-start
scs
__scs_entry_jumppad:
0x0: {  	(pc) =	sbr.rel $0x88, $3  }
0x1: {  	(tag) =	ssettag $0x0;
	lr =	simm.s32 $0x1  }
0x2: {  	[smem:$0x3F9D] =	sst lr;
	_ =	strace $0xD0000000  }
0x3: {  	_ = 	snop  }
0x4: {  	_ = 	snop  }
0x5: {  	_ = 	snop  }
0x6: {  	_ = 	snop  }
0x7: {  	_ = 	snop  }
__scs_overlays_trampoline_lowered:
0x8: {  	[smem:$0x3FAC] =	sst s0  }
0x9: {  	[smem:$0x3FAD] =	sst s1  }
0xa: {  	[smem:$0x3FAE] =	sst s2  }
0xb: {  	[smem:$0x3FAF] =	sst s3  }
0xc: {  	[smem:$0x3FB0] =	sst s4  }
0xd: {  	[smem:$0x3FB1] =	sst s5  }
0xe: {  	[smem:$0x3FB2] =	sst s6  }
0xf: {  	[smem:$0x3FB3] =	sst s7  }
0x10: {  	[smem:$0x3FB4] =	sst s8  }
0x11: {  	[smem:$0x3FB5] =	sst s9;
	s0 =	simm.s32 @!p0 $0x0  }
0x12: {  	s1 =	sld [smem:$0x3F9B];
	s0 =	simm.s32 @p0 $0x1  }
0x13: {  	[smem:$0x3FB6] =	sst s0;
	s0 =	simm.s32 @!p1 $0x0  }
0x14: {  	s2 =	sld [smem:$0x3F9A];
	s0 =	simm.s32 @p1 $0x1  }
0x15: {  	[smem:$0x3FB7] =	sst s0;
	s0 =	simm.s32 @!p2 $0x0  }
0x16: {  	s3 =	sld [smem:$0x3FDB];
	s0 =	simm.s32 @p2 $0x1  }
0x17: {  	s4 =	simm.s32 $0x1BF5;
	[smem:$0x3FB9] =	sst s0  }
0x18: {  	s0 =	sld [smem:$0x3F9C];
	_ =	swait.ge [sflag:s4], $0x0  }
0x19: {  	s7 =	sld [smem:$0x3F9D]  }
0x1a: {  	s8 =	sadd.s32 $0xFFFFE003, lr  }
0x1b: {  	s9 =	sadd.s32 $0xFFFFFEF7, lr;
	s5 =	simm.s32 $0xFFFFFFFF;
	p2 =	slt.u32 s8, $0xFFFFF086  }
0x1c: {  	p1 =	slt.u32 s9, $0xF7A;
	s5 =	simm.s32 @!p2 $0x0  }
0x1d: {  	s5 =	simm.s32 @p1 $0x1;
	p0 =	seq.s32 s7, s2  }
0x1e: {  	s7 =	smul.u32 @!p0 $0xF7A, s2;
	p2 =	seq.s32 @!p0 s5, $0x0  }
0x1f: {  	s9 =	smul.u32 $0xF7A, s1;
	s8 =	simm.s32 @!p0 $0x1BF5;
	p2 =	por !p2, p0  }
0x20: {  	[sflag:s8] =	ssyncset.s32 @!p0 $0xFFFFF086;
	s6 =	sadd.s32 @!p0 s3, s7;
	s7 =	simm.s32 @!p0 $0x108  }
0x21: {  	s3 =	sadd.s32 s3, s9;
	s6 =	sadd.s32 @!p0 $0x88, s6;
	s7 =	simm.s32 @p2 $0x1082  }
0x22: {  	[simem:s7], [sflag:s8] =	dma.local @!p0 [hbm:s6], $0xF7A  }
0x23: {  	s9 =	sor.u32 $0xD0000000, s2;
	s6 =	simm.s32 $0x108;
	_ =	swait.ge @!p0 [sflag:s8], $0x0  }
0x24: {  	s3 =	sadd.s32 $0x88, s3;
	s6 =	simm.s32 @!p1 $0x1082;
	[sflag:s4] =	ssyncset.s32 $0xFFFFF086  }
0x25: {  	[simem:s6], [sflag:s4] =	dma.local [hbm:s3], $0xF7A  }
0x26: {  	[smem:$0x3F9D] =	sst s1;
	(tag) =	ssettag s2;
	_ =	strace s9  }
0x27: {  	s1 =	sld [smem:$0x3FAD]  }
0x28: {  	s2 =	sld [smem:$0x3FAE]  }
0x29: {  	s4 =	sld [smem:$0x3FB0]  }
0x2a: {  	p0 =	seq.s32 s5, $0x0;
	s5 =	sld [smem:$0x3FB1]  }
0x2b: {  	s6 =	sld [smem:$0x3FB2]  }
0x2c: {  	s7 =	sld [smem:$0x3FB3]  }
0x2d: {  	s3 =	simm.s32 $0x108;
	s8 =	sld [smem:$0x3FB4]  }
0x2e: {  	s3 =	simm.s32 @!p0 $0x1082;
	s9 =	sld [smem:$0x3FB5]  }
0x2f: {  	lr =	sadd.s32 s0, s3;
	s0 =	sld [smem:$0x3FAC]  }
0x30: {  	s3 =	sld [smem:$0x3FAF]  }
0x31: {  	[smem:$0x3FB8] =	sst s10  }
0x32: {  	s10 =	sld [smem:$0x3FB6];
	_ =	sdelay $0x3  }
0x33: {  	p0 =	seq.s32 s10, $0x1;
	s10 =	sld [smem:$0x3FB8];
	_ =	sdelay $0x3  }
0x34: {  	[smem:$0x3FB8] =	sst s10  }
0x35: {  	s10 =	sld [smem:$0x3FB7];
	_ =	sdelay $0x3  }
0x36: {  	p1 =	seq.s32 s10, $0x1;
	s10 =	sld [smem:$0x3FB8];
	_ =	sdelay $0x3  }
0x37: {  	[smem:$0x3FB8] =	sst s10  }
0x38: {  	s10 =	sld [smem:$0x3FB9]  }
0x39: {  	_ = 	snop;
	(pc) =	sbr.ind lr, $3  }
0x3a: {  	_ = 	snop  }
0x3b: {  	_ = 	snop  }
0x3c: {  	p2 =	seq.s32 s10, $0x1;
	s10 =	sld [smem:$0x3FB8]  }
0x3d: {  	_ =	shalt  }
0x3e: {  	_ =	shalt  }
0x3f: {  	_ =	shalt  }
0x40: {  	_ =	shalt  }
0x41: {  	_ =	shalt  }
0x42: {  	_ =	shalt  }
0x43: {  	_ =	shalt  }
0x44: {  	_ =	shalt  }
0x45: {  	_ =	shalt  }
0x46: {  	_ =	shalt  }
0x47: {  	_ =	shalt  }
0x48: {  	_ =	shalt  }
0x49: {  	_ =	shalt  }
0x4a: {  	_ =	shalt  }
0x4b: {  	_ =	shalt  }
0x4c: {  	_ =	shalt  }
0x4d: {  	_ =	shalt  }
0x4e: {  	_ =	shalt  }
0x4f: {  	_ =	shalt  }
0x50: {  	_ =	shalt  }
0x51: {  	_ =	shalt  }
0x52: {  	_ =	shalt  }
0x53: {  	_ =	shalt  }
0x54: {  	_ =	shalt  }
0x55: {  	_ =	shalt  }
0x56: {  	_ =	shalt  }
0x57: {  	_ =	shalt  }
0x58: {  	_ =	shalt  }
0x59: {  	_ =	shalt  }
0x5a: {  	_ =	shalt  }
0x5b: {  	_ =	shalt  }
0x5c: {  	_ =	shalt  }
0x5d: {  	_ =	shalt  }
0x5e: {  	_ =	shalt  }
0x5f: {  	_ =	shalt  }
0x60: {  	_ =	shalt  }
0x61: {  	_ =	shalt  }
0x62: {  	_ =	shalt  }
0x63: {  	_ =	shalt  }
0x64: {  	_ =	shalt  }
0x65: {  	_ =	shalt  }
0x66: {  	_ =	shalt  }
0x67: {  	_ =	shalt  }
0x68: {  	_ =	shalt  }
0x69: {  	_ =	shalt  }
0x6a: {  	_ =	shalt  }
0x6b: {  	_ =	shalt  }
0x6c: {  	_ =	shalt  }
0x6d: {  	_ =	shalt  }
0x6e: {  	_ =	shalt  }
0x6f: {  	_ =	shalt  }
0x70: {  	_ =	shalt  }
0x71: {  	_ =	shalt  }
0x72: {  	_ =	shalt  }
0x73: {  	_ =	shalt  }
0x74: {  	_ =	shalt  }
0x75: {  	_ =	shalt  }
0x76: {  	_ =	shalt  }
0x77: {  	_ =	shalt  }
0x78: {  	_ =	shalt  }
0x79: {  	_ =	shalt  }
0x7a: {  	_ =	shalt  }
0x7b: {  	_ =	shalt  }
0x7c: {  	_ =	shalt  }
0x7d: {  	_ =	shalt  }
0x7e: {  	_ =	shalt  }
0x7f: {  	_ =	shalt  }
0x80: {  	_ =	shalt  }
0x81: {  	_ =	shalt  }
0x82: {  	_ =	shalt  }
0x83: {  	_ =	shalt  }
0x84: {  	_ =	shalt  }
0x85: {  	_ =	shalt  }
0x86: {  	_ =	shalt  }
0x87: {  	_ =	shalt  }
.Lfunc_end0:
.L_simem_size_0:
called_computation_lowered:
.L_overlay_start_0:
0x88: {  	s2 =	sld [smem:$0x3FD9]  }
0x89: {  	s3 =	sld [smem:$0x3FFE];
	_ =	sdelay $0x1  }
0x8a: {  	s1 =	srdreg.scid  }
0x8b: {  	s0 =	sand.u32 $0x1, s1  }
0x8c: {  	s14 =	sshll.u32 s0, $0xA;
	s2 =	sadd.s32 s3, s2  }
0x8d: {  	s2 =	sadd.s32 s2, s14  }
0x8e: {  	[smem:$0x3FC4] =	sst s2  }
0x8f: {  	_ = 	snop  }
0x90: {  	s2 =	sld [smem:$0x3FD0];
	_ =	sdelay $0x2  }
0x91: {  	s4 =	simm.s32 $0xA;
	s5 =	simm.s32 $0x10;
	s15 =	sld [smem:$0x3FC6]  }
0x92: {  	[smem:s5], [sflag:s4] =	dma.local [hbm:s2], $0x1  }
0x93: {  	_ =	swait.eq [sflag:s4], $0x1  }
0x94: {  	s16 =	sld [smem:$0x10]  }
0x95: {  	s17 =	sld [smem:$0x11]  }
0x96: {  	s6 =	sld [smem:$0x12]  }
0x97: {  	s7 =	sld [smem:$0x13];
	[sflag:s4] =	ssyncset.done $0x0  }
0x98: {  	s8 =	sld [smem:$0x14];
	[sflag:s4] =	ssyncadd.s32 $0xFFFFFFFF  }
0x99: {  	s18 =	sld [smem:$0x15];
	(tm) =	ssettm $0x1  }
0x9a: {  	s9 =	sld [smem:$0x3FFB];
	_ =	sdelay $0x3  }
0x9b: {  	_ =	strace s9  }
0x9c: {  	s9 =	sld [smem:$0x3FFC];
	_ =	sdelay $0x3  }
0x9d: {  	_ =	strace s9  }
0x9e: {  	s9 =	sld [smem:$0x3FFD];
	_ =	sdelay $0x3  }
0x9f: {  	_ =	strace s9  }
0xa0: {  	_ =	strace $0x8FFFFFFF  }
0xa1: {  	s19 =	sld [smem:$0x3FDB];
	_ =	sdelay $0x1  }
0xa2: {  	s10 =	simm.s32 $_scs_section_size  }
0xa3: {  	s11 =	simm.s32 $_size__tile_overlayer_lowered;
	s12 =	simm.s32 $_tile_overlayer_lowered  }
0xa4: {  	s22 =	simm.s32 $0x1BFF;
	s21 =	sshll.u32 s12, $0x1;
	s9 =	sadd.s32 s10, s19  }
0xa5: {  	s13 =	simm.s32 $0x0;
	s20 =	sshll.u32 s11, $0x1;
	s11 =	sadd.s32 s21, s9  }
0xa6: {  	[timem:s13], [sflag:s22] =	dma.local [hbm:s11], s20  }
0xa7: {  	_ =	swait.ge [sflag:s22], s20  }
0xa8: {  	s10 =	ssub.s32 $0x0, s20;
	[sflag:s22] =	ssyncset.done $0x0  }
0xa9: {  	[sflag:s22] =	ssyncadd.s32 s10;
	_ =	sdelay $0x1  }
0xaa: {  	s23 =	simm.s32 $0x1B8B  }
0xab: {  	_ =	swait.ge [sflag:s23], $0x1  }
0xac: {  	[sflag:s23] =	ssyncset.done $0x0  }
0xad: {  	s25 =	simm.s32 $0x1B8E;
	s24 =	sld [smem:$0x3FFE];
	[sflag:s23] =	ssyncadd.s32 $0xFFFFFFFF  }
0xae: {  	s26 =	simm.s32 $execute0_lowered;
	[smem:$0x3FD2] =	sst s25  }
0xaf: {  	s11 =	sshll.u32 s26, $0x1;
	_ =	strace $0x80000046;
	[dreg:$0x1] =	wrdreg $0xFFFFFFFF  }
0xb0: {  	s28 =	simm.s32 $_size_execute0_lowered;
	s9 =	sadd.s32 s9, s11;
	[dreg:$0x0] =	wrdreg $0x0  }
0xb1: {  	s11 =	sshll.u32 s28, $0x1;
	[dreg:$0x2] =	wrdreg s9  }
0xb2: {  	[dreg:$0x3] =	wrdreg s11  }
0xb3: {  	[dreg:$0x4] =	wrdreg $0xC0  }
0xb4: {  	_ =	task [dreg:s13], $0x5FFFF  }
0xb5: {  	[dreg:$0x1] =	wrdreg $0xFFFFFFFF  }
0xb6: {  	[dreg:$0x0] =	wrdreg $0x60  }
0xb7: {  	[dreg:$0x2] =	wrdreg s15  }
0xb8: {  	[dreg:$0x3] =	wrdreg s24  }
0xb9: {  	[dreg:$0x4] =	wrdreg s16  }
0xba: {  	[dreg:$0x5] =	wrdreg s17  }
0xbb: {  	[dreg:$0x6] =	wrdreg s6  }
0xbc: {  	[dreg:$0x7] =	wrdreg s7  }
0xbd: {  	[dreg:$0x8] =	wrdreg s8  }
0xbe: {  	[dreg:$0x9] =	wrdreg s18  }
0xbf: {  	[dreg:$0xa] =	wrdreg $0x9  }
0xc0: {  	_ =	task.clear_ibuf [dreg:s13], $0xBFFFF;
	_ =	strace $0x90000046  }
0xc1: {  	s29 =	simm.s32 $0x9;
	_ =	strace $0x80000048  }
0xc2: {  	_ =	swait.ge [sflag:s29], $0x1  }
0xc3: {  	[sflag:s29] =	ssyncadd.s32 $0xFFFFFFFF  }
0xc4: {  	_ =	strace $0x90000048  }
0xc5: {  	_ =	sfence  }
0xc6: {  	s30 =	sld [smem:$0x0];
	_ =	sdelay $0x2  }
0xc7: {  	s31 =	sshll.u32 s1, $0xD;
	s1 =	sshrl.u32 s1, $0x2  }
0xc8: {  	s3 =	sand.u32 $0x4000, s31;
	s1 =	sadd.s32 s1, s30  }
0xc9: {  	s0 =	sor.u32 s3, s0;
	s1 =	sshll.u32 s1, $0x11  }
0xca: {  	s0 =	sor.u32 s1, s0  }
0xcb: {  	s0 =	sadd.s32 $0x8F2B, s0  }
0xcc: {  	[sflag:s0] =	ssyncadd.remote.s32 $0x1  }
0xcd: {  	_ =	sfence.sel $0xFFFF  }
0xce: {  	[dreg:$0x0] =	wrdreg $0xFFFFFFFF;
	(pc) =	sbr.abs _section_cstart, $3  }
0xcf: {  	[dreg:$0x1] =	wrdreg $0xFFFFFFFF  }
0xd0: {  	_ =	task.clear_ibuf [dreg:s13], $0x2FFFF;
	_ =	strace $0x9FFFFFFF  }
0xd1: {  	(tm) =	ssettm $0x7FFFFFFF  }
tec
execute0_lowered:
.L_overlay_start_1:
0x0: {  	(tag) =	ssettag $0x1  }
0x1: {  	s0 =	rddreg [dreg:$0x0]  }
0x2: {  	s1 =	rddreg [dreg:$0x1]  }
0x3: {  	s2 =	rddreg [dreg:$0x2]  }
0x4: {  	s4 =	rddreg [dreg:$0x3]  }
0x5: {  	s5 =	rddreg [dreg:$0x4]  }
0x6: {  	s6 =	rddreg [dreg:$0x5]  }
0x7: {  	s7 =	rddreg [dreg:$0x6]  }
0x8: {  	s8 =	rddreg [dreg:$0x7]  }
0x9: {  	s9 =	srdreg.scid;
	s3 =	simm.s32 $0x0;
	s13 =	stileid.u32  }
0xa: {  	s15 =	simm.s32 $0xE;
	s16 =	simm.s32 $0x40;
	s17 =	simm.s32 $0x2000  }
0xb: {  	s28 =	simm.s32 $0x12000;
	s29 =	simm.s32 $0x3;
	s30 =	simm.s32 $0x16000  }
0xc: {  	s31 =	simm.s32 $0x4;
	s14 =	simm.s32 $0x8;
	s9 =	sand.u32 $0x1, s9  }
0xd: {  	s10 =	sshll.u32 s13, $0xA;
	[smem:$0x7FF] =	sst s3;
	s23 =	sshll.u32 s13, $0x11  }
0xe: {  	s11 =	sshll.u32 s9, $0x9;
	s12 =	ssub.s32 $0x2, s9;
	_ =	strace $0x80000047  }
0xf: {  	s2 =	sadd.s32 s23, s2;
	s26 =	sshll.u32 s9, $0x10;
	s4 =	sadd.s32 s23, s4  }
0x10: {  	s9 =	simm.s32 $0x64;
	s10 =	sor.u32 s11, s10;
	s19 =	sshrl.u32 s12, $0x1  }
0x11: {  	s1 =	sadd.s32 s10, s1;
	s11 =	ssub.s32 s12, s19;
	s6 =	sadd.s32 s6, s10  }
0x12: {  	s22 =	sadd.s32 s7, s10;
	s24 =	sadd.s32 s8, s10;
	s12 =	sadd.s32 s26, s4  }
0x13: {  	s19 =	simm.s32 $0x6000;
	s4 =	simm.s32 $0x6;
	[dreg:$0xa] =	wrdreg s6  }
0x14: {  	s7 =	simm.s32 $0xB;
	s8 =	simm.s32 $0xC;
	[dreg:$0xc] =	wrdreg s22  }
0x15: {  	s10 =	simm.s32 $0x0;
	s20 =	sadd.s32 $0x800, s1;
	[dreg:$0xe] =	wrdreg s24  }
0x16: {  	s21 =	sadd.s32 $0x4800, s1;
	s1 =	sadd.s32 $0x8800, s1;
	[dreg:$0x9] =	wrdreg s20  }
.Ltmp0:
0x17: {  	s25 =	smax.u32 s11, $0x1;
	[dreg:$0xb] =	wrdreg s21;
	(pc) =	sbr.rel .LBB2_1-.Ltmp0, $4  }
0x18: {  	s11 =	sadd.s32 s26, s2;
	s24 =	simm.s32 $0x1;
	[dreg:$0xd] =	wrdreg s1  }
0x19: {  	s2 =	simm.s32 $0x5;
	s6 =	simm.s32 $0xA;
	[dreg:$0xf] =	wrdreg s25  }
0x1a: {  	s1 =	sadd.s32 s23, s5;
	s21 =	simm.s32 $0xA000;
	s25 =	simm.s32 $0xE000  }
0x1b: {  	v0 =	vimm.f32 $0.0e+00;
	s13 =	sadd.s32 s26, s1;
	s26 =	simm.s32 $0x2;
	s1 =	simm.s32 $0x7  }
.LBB2_36:
0x1c: {  	_ =	swait.ge [sflag:s1], $0x4000  }
0x1d: {  	[sflag:s1] =	ssyncset.done $0x0  }
0x1e: {  	[sflag:s1] =	ssyncadd.s32 $0xFFFFC000  }
0x1f: {  	_ =	swait.ge [sflag:s14], $0x4000  }
0x20: {  	[sflag:s14] =	ssyncset.done $0x0  }
0x21: {  	s5 =	simm.s32 $0x9;
	[sflag:s14] =	ssyncadd.s32 $0xFFFFC000  }
0x22: {  	_ =	swait.ge [sflag:s5], $0x4000  }
0x23: {  	[sflag:s5] =	ssyncset.done $0x0  }
0x24: {  	[sflag:s5] =	ssyncadd.s32 $0xFFFFC000  }
0x25: {  	_ =	swait.ge [sflag:s6], $0x4000  }
0x26: {  	[sflag:s6] =	ssyncset.done $0x0  }
0x27: {  	[sflag:s6] =	ssyncadd.s32 $0xFFFFC000  }
0x28: {  	_ =	swait.ge [sflag:s7], $0x4000  }
0x29: {  	[sflag:s7] =	ssyncset.done $0x0  }
0x2a: {  	[sflag:s7] =	ssyncadd.s32 $0xFFFFC000  }
0x2b: {  	_ =	swait.ge [sflag:s8], $0x4000  }
0x2c: {  	s10 =	sadd.s32 $0x1, s10;
	s23 =	rddreg [dreg:$0xf]  }
0x2d: {  	p0 =	sne.s32 s10, s23  }
.Ltmp1:
0x2e: {  	_ = 	snop;
	(pc) =	sbr.rel @!p0 .LBB2_37-.Ltmp1, $3  }
0x2f: {  	_ =	sdelay $0x1  }
0x30: {  	[sflag:s8] =	ssyncset.done $0x0  }
0x31: {  	[sflag:s8] =	ssyncadd.s32 $0xFFFFC000  }
.LBB2_1:
0x32: {  	s5 =	simm.s32 $0x5F80  }
0x33: {  	[tilespmem:s5], [sflag:$0xE] =	stream.linear.gather [hbm4b:s0+s3], $0x80, $0x38;
	[tilespmem:$0x1A000] =	vst v63  }
0x34: {  	_ =	swait.ge [sflag:s15], $0x80  }
0x35: {  	[sflag:s15] =	ssyncset.done $0x0  }
0x36: {  	s20 =	rddreg [dreg:$0x9];
	[sflag:s15] =	ssyncadd.s32 $0xFFFFFF80  }
0x37: {  	[tilespmem:s3], [sflag:$0xE] =	stream.linear.gather [hbm4b:s20+s3], $0x1000, $0x38;
	[tilespmem:$0x1A000] =	vst v63  }
0x38: {  	_ =	swait.ge [sflag:s15], $0x1000  }
0x39: {  	[sflag:s15] =	ssyncset.done $0x0  }
0x3a: {  	[sflag:s15] =	ssyncadd.s32 $0xFFFFF000  }
0x3b: {  	[tilespmem:s17], [sflag:$0x1] =	stream.indirect.gather [hbm4b:s0+s16], $0x80, s3, s16, $0xb8;
	[tilespmem:$0x1A000] =	vst v63  }
0x3c: {  	s22 =	simm.s32 $0x80  }
0x3d: {  	[tilespmem:s19], [sflag:$0x2] =	stream.indirect.gather [hbm4b:s0+s16], $0x80, s22, s16, $0xb8;
	[tilespmem:$0x1A000] =	vst v63  }
0x3e: {  	s23 =	simm.s32 $0x100  }
0x3f: {  	[tilespmem:s21], [sflag:$0x3] =	stream.indirect.gather [hbm4b:s0+s16], $0x80, s23, s16, $0xb8;
	[tilespmem:$0x1A000] =	vst v63  }
0x40: {  	s18 =	simm.s32 $0x200;
	s20 =	simm.s32 $0x0;
	v1 =	vld [tilespmem:$0x5F80]  }
.LBB2_2:
0x41: {  	p0 =	sne.s32 s18, $0x7C00;
	_ =	sdelay $0x2  }
0x42: {  	s22 =	sshra.s32 s20, $0x2;
	s20 =	smov.u32 s18  }
0x43: {  	[tilespmem:s22+$0x4000] =	vst v1  }
0x44: {  	v2 =	vld [tilespmem:$0x5F90];
	_ =	sdelay $0x4  }
0x45: {  	[tilespmem:s22+$0x4010] =	vst v2  }
0x46: {  	v3 =	vld [tilespmem:$0x5FA0];
	_ =	sdelay $0x4  }
0x47: {  	[tilespmem:s22+$0x4020] =	vst v3  }
0x48: {  	v4 =	vld [tilespmem:$0x5FB0];
	_ =	sdelay $0x4  }
0x49: {  	[tilespmem:s22+$0x4030] =	vst v4  }
0x4a: {  	v5 =	vld [tilespmem:$0x5FC0];
	_ =	sdelay $0x4  }
0x4b: {  	[tilespmem:s22+$0x4040] =	vst v5  }
0x4c: {  	v6 =	vld [tilespmem:$0x5FD0];
	_ =	sdelay $0x4  }
0x4d: {  	[tilespmem:s22+$0x4050] =	vst v6  }
0x4e: {  	v7 =	vld [tilespmem:$0x5FE0];
	_ =	sdelay $0x4  }
0x4f: {  	[tilespmem:s22+$0x4060] =	vst v7  }
0x50: {  	v8 =	vld [tilespmem:$0x5FF0];
	[tilespmem:s22+$0x8000] =	vst v1  }
0x51: {  	[tilespmem:s22+$0x8010] =	vst v2  }
0x52: {  	[tilespmem:s22+$0x8020] =	vst v3  }
0x53: {  	[tilespmem:s22+$0x8030] =	vst v4  }
0x54: {  	[tilespmem:s22+$0x8040] =	vst v5  }
0x55: {  	[tilespmem:s22+$0x4070] =	vst v8  }
0x56: {  	[tilespmem:s22+$0x8050] =	vst v6  }
0x57: {  	[tilespmem:s22+$0x8060] =	vst v7  }
0x58: {  	[tilespmem:s22+$0x8070] =	vst v8  }
0x59: {  	[tilespmem:s22+$0xC000] =	vst v1  }
0x5a: {  	[tilespmem:s22+$0xC010] =	vst v2  }
0x5b: {  	[tilespmem:s22+$0xC020] =	vst v3  }
0x5c: {  	[tilespmem:s22+$0xC030] =	vst v4  }
0x5d: {  	[tilespmem:s22+$0xC040] =	vst v5  }
0x5e: {  	[tilespmem:s22+$0xC050] =	vst v6  }
0x5f: {  	[tilespmem:s22+$0xC060] =	vst v7  }
0x60: {  	[tilespmem:s22+$0xC070] =	vst v8  }
0x61: {  	[tilespmem:s22+$0x10000] =	vst v1  }
0x62: {  	[tilespmem:s22+$0x10010] =	vst v2  }
0x63: {  	[tilespmem:s22+$0x10020] =	vst v3  }
0x64: {  	[tilespmem:s22+$0x10030] =	vst v4  }
0x65: {  	[tilespmem:s22+$0x10040] =	vst v5  }
0x66: {  	[tilespmem:s22+$0x10050] =	vst v6  }
0x67: {  	[tilespmem:s22+$0x10060] =	vst v7  }
0x68: {  	[tilespmem:s22+$0x10070] =	vst v8  }
0x69: {  	[tilespmem:s22+$0x14000] =	vst v1  }
0x6a: {  	[tilespmem:s22+$0x14010] =	vst v2  }
0x6b: {  	[tilespmem:s22+$0x14020] =	vst v3  }
0x6c: {  	[tilespmem:s22+$0x14030] =	vst v4  }
0x6d: {  	[tilespmem:s22+$0x14040] =	vst v5  }
0x6e: {  	[tilespmem:s22+$0x14050] =	vst v6  }
0x6f: {  	[tilespmem:s22+$0x14060] =	vst v7  }
0x70: {  	[tilespmem:s22+$0x14070] =	vst v8  }
0x71: {  	[tilespmem:s22+$0x18000] =	vst v1  }
0x72: {  	[tilespmem:s22+$0x18010] =	vst v2  }
0x73: {  	[tilespmem:s22+$0x18020] =	vst v3  }
0x74: {  	[tilespmem:s22+$0x18030] =	vst v4  }
.Ltmp2:
0x75: {  	[tilespmem:s22+$0x18040] =	vst v5;
	(pc) =	sbr.rel @p0 .LBB2_2-.Ltmp2, $4  }
0x76: {  	[tilespmem:s22+$0x18050] =	vst v6  }
0x77: {  	[tilespmem:s22+$0x18060] =	vst v7  }
0x78: {  	[tilespmem:s22+$0x18070] =	vst v8  }
0x79: {  	s18 =	sadd.s32 $0x200, s18;
	v1 =	vld [tilespmem:$0x5F80]  }
0x7a: {  	_ =	sdelay $0x2  }
0x7b: {  	s18 =	sshra.s32 s20, $0x2  }
0x7c: {  	[tilespmem:s18+$0x4000] =	vst v1  }
0x7d: {  	v2 =	vld [tilespmem:$0x5F90];
	_ =	sdelay $0x4  }
0x7e: {  	[tilespmem:s18+$0x4010] =	vst v2  }
0x7f: {  	v3 =	vld [tilespmem:$0x5FA0];
	_ =	sdelay $0x4  }
0x80: {  	[tilespmem:s18+$0x4020] =	vst v3  }
0x81: {  	v4 =	vld [tilespmem:$0x5FB0];
	_ =	sdelay $0x4  }
0x82: {  	[tilespmem:s18+$0x4030] =	vst v4  }
0x83: {  	v5 =	vld [tilespmem:$0x5FC0];
	_ =	sdelay $0x4  }
0x84: {  	[tilespmem:s18+$0x4040] =	vst v5  }
0x85: {  	v6 =	vld [tilespmem:$0x5FD0];
	_ =	sdelay $0x4  }
0x86: {  	[tilespmem:s18+$0x4050] =	vst v6  }
0x87: {  	v7 =	vld [tilespmem:$0x5FE0];
	_ =	sdelay $0x4  }
0x88: {  	[tilespmem:s18+$0x4060] =	vst v7  }
0x89: {  	v8 =	vld [tilespmem:$0x5FF0];
	[tilespmem:s18+$0x8000] =	vst v1  }
0x8a: {  	[tilespmem:s18+$0x8010] =	vst v2  }
0x8b: {  	[tilespmem:s18+$0x8020] =	vst v3  }
0x8c: {  	[tilespmem:s18+$0x8030] =	vst v4  }
0x8d: {  	[tilespmem:s18+$0x8040] =	vst v5  }
0x8e: {  	[tilespmem:s18+$0x8050] =	vst v6  }
0x8f: {  	[tilespmem:s18+$0x8060] =	vst v7  }
0x90: {  	[tilespmem:s18+$0xC000] =	vst v1  }
0x91: {  	[tilespmem:s18+$0xC010] =	vst v2  }
0x92: {  	[tilespmem:s18+$0xC020] =	vst v3  }
0x93: {  	[tilespmem:s18+$0xC030] =	vst v4  }
0x94: {  	[tilespmem:s18+$0xC040] =	vst v5  }
0x95: {  	[tilespmem:s18+$0xC050] =	vst v6  }
0x96: {  	[tilespmem:s18+$0xC060] =	vst v7  }
0x97: {  	[tilespmem:s18+$0x10000] =	vst v1  }
0x98: {  	[tilespmem:s18+$0x10010] =	vst v2  }
0x99: {  	[tilespmem:s18+$0x10020] =	vst v3  }
0x9a: {  	[tilespmem:s18+$0x10030] =	vst v4  }
0x9b: {  	[tilespmem:s18+$0x10040] =	vst v5  }
0x9c: {  	[tilespmem:s18+$0x10050] =	vst v6  }
0x9d: {  	[tilespmem:s18+$0x10060] =	vst v7  }
0x9e: {  	[tilespmem:s18+$0x14000] =	vst v1  }
0x9f: {  	[tilespmem:s18+$0x14010] =	vst v2  }
0xa0: {  	[tilespmem:s18+$0x14020] =	vst v3  }
0xa1: {  	[tilespmem:s18+$0x14030] =	vst v4  }
0xa2: {  	[tilespmem:s18+$0x14040] =	vst v5  }
0xa3: {  	[tilespmem:s18+$0x14050] =	vst v6  }
0xa4: {  	[tilespmem:s18+$0x14060] =	vst v7  }
0xa5: {  	[tilespmem:s18+$0x18000] =	vst v1  }
0xa6: {  	[tilespmem:s18+$0x18010] =	vst v2  }
0xa7: {  	[tilespmem:s18+$0x18020] =	vst v3  }
0xa8: {  	[tilespmem:s18+$0x18030] =	vst v4  }
0xa9: {  	[tilespmem:s18+$0x18040] =	vst v5  }
0xaa: {  	[tilespmem:s18+$0x18050] =	vst v6  }
0xab: {  	[tilespmem:s18+$0x18060] =	vst v7  }
0xac: {  	[tilespmem:s18+$0x4070] =	vst v8  }
0xad: {  	[tilespmem:s18+$0x8070] =	vst v8  }
0xae: {  	[tilespmem:s18+$0xC070] =	vst v8  }
0xaf: {  	[tilespmem:s18+$0x10070] =	vst v8  }
0xb0: {  	[tilespmem:s18+$0x14070] =	vst v8  }
0xb1: {  	[tilespmem:s18+$0x18070] =	vst v8  }
0xb2: {  	[tilespmem:$0x9F80] =	vst v1  }
0xb3: {  	[tilespmem:$0x9F90] =	vst v2  }
0xb4: {  	[tilespmem:$0x9FA0] =	vst v3  }
0xb5: {  	[tilespmem:$0x9FB0] =	vst v4  }
0xb6: {  	[tilespmem:$0x9FC0] =	vst v5  }
0xb7: {  	[tilespmem:$0x9FD0] =	vst v6  }
0xb8: {  	[tilespmem:$0x9FE0] =	vst v7  }
0xb9: {  	[tilespmem:$0x9FF0] =	vst v8  }
0xba: {  	[tilespmem:$0xDF80] =	vst v1  }
0xbb: {  	[tilespmem:$0xDF90] =	vst v2  }
0xbc: {  	[tilespmem:$0xDFA0] =	vst v3  }
0xbd: {  	[tilespmem:$0xDFB0] =	vst v4  }
0xbe: {  	[tilespmem:$0xDFC0] =	vst v5  }
0xbf: {  	[tilespmem:$0xDFD0] =	vst v6  }
0xc0: {  	[tilespmem:$0xDFE0] =	vst v7  }
0xc1: {  	[tilespmem:$0xDFF0] =	vst v8  }
0xc2: {  	[tilespmem:$0x11F80] =	vst v1  }
0xc3: {  	[tilespmem:$0x11F90] =	vst v2  }
0xc4: {  	[tilespmem:$0x11FA0] =	vst v3  }
0xc5: {  	[tilespmem:$0x11FB0] =	vst v4  }
0xc6: {  	[tilespmem:$0x11FC0] =	vst v5  }
0xc7: {  	[tilespmem:$0x11FD0] =	vst v6  }
0xc8: {  	[tilespmem:$0x11FE0] =	vst v7  }
0xc9: {  	[tilespmem:$0x11FF0] =	vst v8  }
0xca: {  	[tilespmem:$0x15F80] =	vst v1  }
0xcb: {  	[tilespmem:$0x15F90] =	vst v2  }
0xcc: {  	[tilespmem:$0x15FA0] =	vst v3  }
0xcd: {  	[tilespmem:$0x15FB0] =	vst v4  }
0xce: {  	[tilespmem:$0x15FC0] =	vst v5  }
0xcf: {  	[tilespmem:$0x15FD0] =	vst v6  }
0xd0: {  	[tilespmem:$0x15FE0] =	vst v7  }
0xd1: {  	[tilespmem:$0x15FF0] =	vst v8  }
0xd2: {  	[tilespmem:$0x19F80] =	vst v1  }
0xd3: {  	[tilespmem:$0x19F90] =	vst v2  }
0xd4: {  	[tilespmem:$0x19FA0] =	vst v3  }
0xd5: {  	[tilespmem:$0x19FB0] =	vst v4  }
0xd6: {  	[tilespmem:$0x19FC0] =	vst v5  }
0xd7: {  	[tilespmem:$0x19FD0] =	vst v6  }
0xd8: {  	[tilespmem:$0x19FE0] =	vst v7  }
0xd9: {  	s20 =	simm.s32 $0x0;
	[tilespmem:$0x19FF0] =	vst v8  }
0xda: {  	v1 =	vld [tilespmem:s20+$0x70]  }
0xdb: {  	v3 =	vld [tilespmem:s20+$0x0]  }
0xdc: {  	v7 =	vld [tilespmem:s20+$0x10]  }
0xdd: {  	v5 =	vld [tilespmem:s20+$0x20]  }
0xde: {  	v4 =	vld [tilespmem:s20+$0x30]  }
0xdf: {  	v2 =	vld [tilespmem:s20+$0x40];
	vm0 =	vgt.s32 v1, $0x1  }
0xe0: {  	v1 =	vld [tilespmem:s20+$0x50];
	vm1 =	vgt.s32 v3, $0x1;
	v8 =	vsel vm0, $0x3F800000, v0  }
0xe1: {  	s22 =	simm.s32 $0x400;
	s18 =	simm.s32 $0x80;
	v3 =	vld [tilespmem:s20+$0x60];
	v6 =	vsel vm1, $0x3F800000, v0;
	vm0 =	vgt.s32 v7, $0x1;
	[tilespmem:s20+$0x1070] =	vst v8  }
.LBB2_4:
0xe2: {  	p0 =	sne.s32 s22, $0x3E00;
	v7 =	vld [tilespmem:s18+$0x70];
	[tilespmem:s20+$0x1000] =	vst v6;
	v6 =	vsel vm0, $0x3F800000, v0;
	vm0 =	vgt.s32 v5, $0x1  }
0xe3: {  	v8 =	vld [tilespmem:s18+$0x0];
	[tilespmem:s20+$0x1010] =	vst v6;
	v5 =	vsel vm0, $0x3F800000, v0;
	vm0 =	vgt.s32 v4, $0x1  }
0xe4: {  	v9 =	vld [tilespmem:s18+$0x10];
	[tilespmem:s20+$0x1020] =	vst v5;
	v4 =	vsel vm0, $0x3F800000, v0;
	vm0 =	vgt.s32 v2, $0x1  }
.Ltmp3:
0xe5: {  	v5 =	vld [tilespmem:s18+$0x20];
	[tilespmem:s20+$0x1030] =	vst v4;
	v2 =	vsel vm0, $0x3F800000, v0;
	vm0 =	vgt.s32 v1, $0x1;
	(pc) =	sbr.rel @p0 .LBB2_4-.Ltmp3, $4  }
0xe6: {  	v4 =	vld [tilespmem:s18+$0x30];
	[tilespmem:s20+$0x1040] =	vst v2;
	v1 =	vsel vm0, $0x3F800000, v0;
	vm0 =	vgt.s32 v3, $0x1  }
0xe7: {  	v2 =	vld [tilespmem:s18+$0x40];
	vm1 =	vgt.s32 v7, $0x1;
	[tilespmem:s20+$0x1050] =	vst v1;
	v3 =	vsel vm0, $0x3F800000, v0  }
0xe8: {  	vm0 =	vgt.s32 v8, $0x1;
	v1 =	vld [tilespmem:s18+$0x50];
	v7 =	vsel vm1, $0x3F800000, v0;
	[tilespmem:s20+$0x1060] =	vst v3;
	s20 =	smov.u32 s18  }
0xe9: {  	s18 =	sshra.s32 s22, $0x2;
	s22 =	sadd.s32 $0x200, s22;
	v6 =	vsel vm0, $0x3F800000, v0;
	vm0 =	vgt.s32 v9, $0x1;
	v3 =	vld [tilespmem:s20+$0x60];
	[tilespmem:s20+$0x1070] =	vst v7  }
0xea: {  	v7 =	vld [tilespmem:s18+$0x70];
	[tilespmem:s20+$0x1000] =	vst v6;
	v61 =	vsel vm0, $0x3F800000, v0;
	vm4 =	vgt.s32 v5, $0x1  }
0xeb: {  	v8 =	vld [tilespmem:s18+$0x0];
	[tilespmem:s20+$0x1010] =	vst v61;
	v5 =	vsel vm4, $0x3F800000, v0;
	vm5 =	vgt.s32 v4, $0x1  }
0xec: {  	v6 =	vld [tilespmem:s18+$0x10];
	[tilespmem:s20+$0x1020] =	vst v5;
	v4 =	vsel vm5, $0x3F800000, v0;
	vm6 =	vgt.s32 v2, $0x1  }
0xed: {  	v5 =	vld [tilespmem:s18+$0x20];
	[tilespmem:s20+$0x1030] =	vst v4;
	v2 =	vsel vm6, $0x3F800000, v0;
	vm7 =	vgt.s32 v1, $0x1  }
0xee: {  	v4 =	vld [tilespmem:s18+$0x30];
	[tilespmem:s20+$0x1040] =	vst v2;
	v1 =	vsel vm7, $0x3F800000, v0;
	vm8 =	vgt.s32 v3, $0x1  }
0xef: {  	v2 =	vld [tilespmem:s18+$0x40];
	[tilespmem:s20+$0x1050] =	vst v1;
	v1 =	vsel vm8, $0x3F800000, v0;
	vm9 =	vgt.s32 v7, $0x1  }
0xf0: {  	v3 =	vld [tilespmem:s18+$0x50];
	[tilespmem:s20+$0x1060] =	vst v1;
	vm1 =	vgt.s32 v8, $0x1;
	v1 =	vsel vm9, $0x3F800000, v0  }
0xf1: {  	v62 =	vld [tilespmem:s18+$0x60];
	vm10 =	vgt.s32 v6, $0x1;
	v63 =	vsel vm1, $0x3F800000, v0;
	[tilespmem:s18+$0x1070] =	vst v1  }
0xf2: {  	[tilespmem:s18+$0x1000] =	vst v63;
	v1 =	vsel vm10, $0x3F800000, v0;
	vm11 =	vgt.s32 v5, $0x1  }
0xf3: {  	[tilespmem:s18+$0x1010] =	vst v1;
	v1 =	vsel vm11, $0x3F800000, v0;
	vm12 =	vgt.s32 v4, $0x1  }
0xf4: {  	[tilespmem:s18+$0x1020] =	vst v1;
	v1 =	vsel vm12, $0x3F800000, v0;
	vm13 =	vgt.s32 v2, $0x1  }
0xf5: {  	[tilespmem:s18+$0x1030] =	vst v1;
	v1 =	vsel vm13, $0x3F800000, v0;
	vm14 =	vgt.s32 v3, $0x1  }
0xf6: {  	[tilespmem:s18+$0x1040] =	vst v1;
	v1 =	vsel vm14, $0x3F800000, v0;
	vm15 =	vgt.s32 v62, $0x1  }
0xf7: {  	s5 =	rddreg [dreg:$0xa];
	s22 =	simm.s32 $0x1000;
	[tilespmem:s18+$0x1050] =	vst v1;
	v1 =	vsel vm15, $0x3F800000, v0  }
.Ltmp4:
0xf8: {  	s23 =	simm.s32 $0xD;
	[tilespmem:s18+$0x1060] =	vst v1;
	s18 =	simm.s32 $0x0;
	(pc) =	sbr.rel .LBB2_6-.Ltmp4, $4  }
0xf9: {  	[hbm4b:s5+s18] =	stream.linear.scatter [tilespmem:s22], [sflag:$0xD], $0x1000, $0x38;
	[tilespmem:$0x1A000] =	vst v63  }
0xfa: {  	_ =	swait.ge [sflag:s23], $0x1000  }
0xfb: {  	[sflag:s23] =	ssyncset.done $0x0  }
0xfc: {  	s20 =	simm.s32 $0x400;
	s22 =	simm.s32 $0x0;
	[sflag:s23] =	ssyncadd.s32 $0xFFFFF000  }
.LBB2_13:
0xfd: {  	s5 =	sadd.s32 $0xFFFFFE00, s20  }
0xfe: {  	[tilespmem:s28], [sflag:$0x5] =	stream.indirect.gather [hbm4b:s0+s16], $0x80, s5, s16, $0xb8;
	[tilespmem:$0x1A000] =	vst v63  }
0xff: {  	_ =	swait.ge [sflag:s29], $0x2000  }
0x100: {  	[sflag:s29] =	ssyncset.done $0x0  }
0x101: {  	p0 =	seq.s32 s18, $0x0;
	s5 =	sadd.s32 $0x1000, s23;
	[sflag:s29] =	ssyncadd.s32 $0xFFFFE000  }
0x102: {  	[hbm4b:s5+s3] =	stream.linear.scatter [tilespmem:s21], [sflag:$0x9], $0x4000, $0x38;
	[tilespmem:$0x1A000] =	vst v63  }
0x103: {  	s5 =	simm.s32 @!p0 $0xC  }
0x104: {  	_ =	swait.ge @!p0 [sflag:s5], $0x4000  }
0x105: {  	[sflag:s5] =	ssyncset.done @!p0 $0x0  }
0x106: {  	[sflag:s5] =	ssyncadd.s32 @!p0 $0xFFFFC000;
	s5 =	sadd.s32 $0xFFFFFE80, s20  }
0x107: {  	[tilespmem:s30], [sflag:$0x6] =	stream.indirect.gather [hbm4b:s0+s16], $0x80, s5, s16, $0xb8;
	[tilespmem:$0x1A000] =	vst v63  }
0x108: {  	_ =	swait.ge [sflag:s31], $0x2000  }
0x109: {  	[sflag:s31] =	ssyncset.done $0x0  }
0x10a: {  	s5 =	sadd.s32 $0x1800, s23;
	[sflag:s31] =	ssyncadd.s32 $0xFFFFE000  }
0x10b: {  	[hbm4b:s5+s3] =	stream.linear.scatter [tilespmem:s25], [sflag:$0xA], $0x4000, $0x38;
	[tilespmem:$0x1A000] =	vst v63  }
0x10c: {  	_ =	swait.ge [sflag:s1], $0x4000  }
0x10d: {  	[sflag:s1] =	ssyncset.done $0x0  }
0x10e: {  	s5 =	sadd.s32 $0xFFFFFF00, s20;
	[sflag:s1] =	ssyncadd.s32 $0xFFFFC000  }
0x10f: {  	[tilespmem:s17], [sflag:$0x1] =	stream.indirect.gather [hbm4b:s0+s16], $0x80, s5, s16, $0xb8;
	[tilespmem:$0x1A000] =	vst v63  }
0x110: {  	_ =	swait.ge [sflag:s2], $0x2000  }
0x111: {  	[sflag:s2] =	ssyncset.done $0x0  }
0x112: {  	s5 =	sadd.s32 $0x2000, s23;
	[sflag:s2] =	ssyncadd.s32 $0xFFFFE000  }
0x113: {  	[hbm4b:s5+s3] =	stream.linear.scatter [tilespmem:s28], [sflag:$0xB], $0x4000, $0x38;
	[tilespmem:$0x1A000] =	vst v63  }
0x114: {  	_ =	swait.ge [sflag:s14], $0x4000  }
0x115: {  	[sflag:s14] =	ssyncset.done $0x0  }
0x116: {  	s5 =	sadd.s32 $0xFFFFFF80, s20;
	[sflag:s14] =	ssyncadd.s32 $0xFFFFC000  }
0x117: {  	[tilespmem:s19], [sflag:$0x2] =	stream.indirect.gather [hbm4b:s0+s16], $0x80, s5, s16, $0xb8;
	[tilespmem:$0x1A000] =	vst v63  }
0x118: {  	_ =	swait.ge [sflag:s4], $0x2000  }
0x119: {  	p0 =	sgt.u32 s22, $0x3;
	[sflag:s4] =	ssyncset.done $0x0  }
0x11a: {  	s23 =	sadd.s32 $0x2800, s23;
	s5 =	simm.s32 @!p0 $0x9;
	[sflag:s4] =	ssyncadd.s32 $0xFFFFE000  }
0x11b: {  	[hbm4b:s23+s3] =	stream.linear.scatter [tilespmem:s30], [sflag:$0xC], $0x4000, $0x38;
	[tilespmem:$0x1A000] =	vst v63  }
0x11c: {  	_ =	swait.ge @!p0 [sflag:s5], $0x4000  }
0x11d: {  	s18 =	sadd.s32 $0x3000, s18;
	[sflag:s5] =	ssyncset.done @!p0 $0x0  }
0x11e: {  	s23 =	simm.s32 @!p0 $0xA000;
	[sflag:s5] =	ssyncadd.s32 @!p0 $0xFFFFC000;
	s5 =	simm.s32 @!p0 $0x40  }
0x11f: {  	[tilespmem:s23], [sflag:$0x3] =	stream.indirect.gather @!p0 [hbm4b:s0+s5], $0x80, s20, s5, $0xb8;
	[tilespmem:$0x1A000] =	vst v63  }
0x120: {  	p0 =	sne.s32 s18, $0x12000  }
.Ltmp5:
0x121: {  	_ = 	snop;
	(pc) =	sbr.rel @!p0 .LBB2_14-.Ltmp5, $2  }
0x122: {  	_ =	sdelay $0x2  }
0x123: {  	s22 =	sadd.s32 $0x1, s22;
	s20 =	sadd.s32 $0x300, s20  }
.LBB2_6:
0x124: {  	p0 =	seq.s32 s22, $0x0  }
.Ltmp6:
0x125: {  	_ = 	snop;
	(pc) =	sbr.rel @p0 .LBB2_9-.Ltmp6, $4  }
0x126: {  	_ =	swait.ge [sflag:s24], $0x2000  }
0x127: {  	[sflag:s24] =	ssyncset.done $0x0  }
0x128: {  	s23 =	sadd.s32 s18, s11;
	[sflag:s24] =	ssyncadd.s32 $0xFFFFE000  }
0x129: {  	[hbm4b:s23+s3] =	stream.linear.scatter [tilespmem:s17], [sflag:$0x7], $0x4000, $0x38;
	[tilespmem:$0x1A000] =	vst v63  }
0x12a: {  	p1 =	seq.s32 s22, $0x5  }
.Ltmp7:
0x12b: {  	_ = 	snop;
	(pc) =	sbr.rel @p1 .LBB2_10-.Ltmp7, $1  }
0x12c: {  	_ =	sdelay $0x3  }
0x12d: {  	_ =	swait.ge [sflag:s6], $0x4000  }
0x12e: {  	[sflag:s6] =	ssyncset.done $0x0  }
0x12f: {  	[sflag:s6] =	ssyncadd.s32 $0xFFFFC000  }
.LBB2_9:
0x130: {  	s5 =	sadd.s32 $0xFFFFFD80, s20  }
0x131: {  	[tilespmem:s25], [sflag:$0x4] =	stream.indirect.gather [hbm4b:s0+s16], $0x80, s5, s16, $0xb8;
	[tilespmem:$0x1A000] =	vst v63  }
.LBB2_10:
.Ltmp8:
0x132: {  	(pc) =	sbr.rel @p0 .LBB2_13-.Ltmp8, $4  }
0x133: {  	_ =	swait.ge [sflag:s26], $0x2000  }
0x134: {  	[sflag:s26] =	ssyncset.done $0x0  }
0x135: {  	s5 =	sadd.s32 $0x800, s23;
	[sflag:s26] =	ssyncadd.s32 $0xFFFFE000  }
0x136: {  	[hbm4b:s5+s3] =	stream.linear.scatter [tilespmem:s19], [sflag:$0x8], $0x4000, $0x38;
	[tilespmem:$0x1A000] =	vst v63  }
0x137: {  	p0 =	seq.s32 s22, $0x5  }
.Ltmp9:
0x138: {  	_ = 	snop;
	(pc) =	sbr.rel @p0 .LBB2_14-.Ltmp9, $1  }
0x139: {  	_ =	sdelay $0x3  }
.Ltmp10:
0x13a: {  	(pc) =	sbr.rel .LBB2_13-.Ltmp10, $4  }
0x13b: {  	_ = 	snop  }
0x13c: {  	_ =	swait.ge [sflag:s7], $0x4000  }
0x13d: {  	[sflag:s7] =	ssyncset.done $0x0  }
0x13e: {  	[sflag:s7] =	ssyncadd.s32 $0xFFFFC000  }
.LBB2_14:
0x13f: {  	_ =	swait.ge [sflag:s1], $0x4000  }
0x140: {  	[sflag:s1] =	ssyncset.done $0x0  }
0x141: {  	[sflag:s1] =	ssyncadd.s32 $0xFFFFC000  }
0x142: {  	_ =	swait.ge [sflag:s14], $0x4000  }
0x143: {  	[sflag:s14] =	ssyncset.done $0x0  }
0x144: {  	s5 =	simm.s32 $0x9;
	[sflag:s14] =	ssyncadd.s32 $0xFFFFC000  }
0x145: {  	_ =	swait.ge [sflag:s5], $0x4000  }
0x146: {  	[sflag:s5] =	ssyncset.done $0x0  }
0x147: {  	[sflag:s5] =	ssyncadd.s32 $0xFFFFC000  }
0x148: {  	_ =	swait.ge [sflag:s6], $0x4000  }
0x149: {  	[sflag:s6] =	ssyncset.done $0x0  }
0x14a: {  	[sflag:s6] =	ssyncadd.s32 $0xFFFFC000  }
0x14b: {  	_ =	swait.ge [sflag:s7], $0x4000  }
0x14c: {  	[sflag:s7] =	ssyncset.done $0x0  }
0x14d: {  	[sflag:s7] =	ssyncadd.s32 $0xFFFFC000  }
0x14e: {  	_ =	swait.ge [sflag:s8], $0x4000  }
0x14f: {  	[sflag:s8] =	ssyncset.done $0x0  }
0x150: {  	s20 =	simm.s32 $0x0;
	s18 =	rddreg [dreg:$0xb];
	[sflag:s8] =	ssyncadd.s32 $0xFFFFC000  }
0x151: {  	[tilespmem:s20], [sflag:$0xE] =	stream.linear.gather [hbm4b:s18+s20], $0x1000, $0x38;
	[tilespmem:$0x1A000] =	vst v63  }
0x152: {  	_ =	swait.ge [sflag:s15], $0x1000  }
0x153: {  	[sflag:s15] =	ssyncset.done $0x0  }
0x154: {  	[sflag:s15] =	ssyncadd.s32 $0xFFFFF000  }
0x155: {  	[tilespmem:s17], [sflag:$0x1] =	stream.indirect.gather [hbm4b:s0+s9], $0x80, s20, s9, $0xb8;
	[tilespmem:$0x1A000] =	vst v63  }
0x156: {  	s22 =	simm.s32 $0x80  }
0x157: {  	[tilespmem:s19], [sflag:$0x2] =	stream.indirect.gather [hbm4b:s0+s9], $0x80, s22, s9, $0xb8;
	[tilespmem:$0x1A000] =	vst v63  }
0x158: {  	s23 =	simm.s32 $0x100;
	s20 =	simm.s32 $0x0  }
0x159: {  	[tilespmem:s21], [sflag:$0x3] =	stream.indirect.gather [hbm4b:s0+s9], $0x80, s23, s9, $0xb8;
	[tilespmem:$0x1A000] =	vst v63  }
0x15a: {  	v1 =	vld [tilespmem:s20+$0x70]  }
0x15b: {  	v3 =	vld [tilespmem:s20+$0x0]  }
0x15c: {  	v6 =	vld [tilespmem:s20+$0x10]  }
0x15d: {  	v5 =	vld [tilespmem:s20+$0x20]  }
0x15e: {  	v4 =	vld [tilespmem:s20+$0x30]  }
0x15f: {  	v2 =	vld [tilespmem:s20+$0x40];
	vm0 =	vgt.s32 v1, $0x1  }
0x160: {  	v1 =	vld [tilespmem:s20+$0x50];
	vm1 =	vgt.s32 v3, $0x1;
	v7 =	vsel vm0, $0x3F800000, v0  }
0x161: {  	s18 =	simm.s32 $0x80;
	s22 =	simm.s32 $0x400;
	v3 =	vld [tilespmem:s20+$0x60];
	vm0 =	vgt.s32 v6, $0x1;
	v6 =	vsel vm1, $0x3F800000, v0;
	[tilespmem:s20+$0x1070] =	vst v7  }
.LBB2_15:
0x162: {  	p0 =	sne.s32 s22, $0x3E00;
	v7 =	vld [tilespmem:s18+$0x70];
	[tilespmem:s20+$0x1000] =	vst v6;
	v6 =	vsel vm0, $0x3F800000, v0;
	vm0 =	vgt.s32 v5, $0x1  }
0x163: {  	v8 =	vld [tilespmem:s18+$0x0];
	[tilespmem:s20+$0x1010] =	vst v6;
	v5 =	vsel vm0, $0x3F800000, v0;
	vm0 =	vgt.s32 v4, $0x1  }
0x164: {  	v9 =	vld [tilespmem:s18+$0x10];
	[tilespmem:s20+$0x1020] =	vst v5;
	v4 =	vsel vm0, $0x3F800000, v0;
	vm0 =	vgt.s32 v2, $0x1  }
.Ltmp11:
0x165: {  	v5 =	vld [tilespmem:s18+$0x20];
	[tilespmem:s20+$0x1030] =	vst v4;
	v2 =	vsel vm0, $0x3F800000, v0;
	vm0 =	vgt.s32 v1, $0x1;
	(pc) =	sbr.rel @p0 .LBB2_15-.Ltmp11, $4  }
0x166: {  	v4 =	vld [tilespmem:s18+$0x30];
	[tilespmem:s20+$0x1040] =	vst v2;
	v1 =	vsel vm0, $0x3F800000, v0;
	vm0 =	vgt.s32 v3, $0x1  }
0x167: {  	v2 =	vld [tilespmem:s18+$0x40];
	vm1 =	vgt.s32 v7, $0x1;
	[tilespmem:s20+$0x1050] =	vst v1;
	v3 =	vsel vm0, $0x3F800000, v0  }
0x168: {  	vm0 =	vgt.s32 v8, $0x1;
	v1 =	vld [tilespmem:s18+$0x50];
	v7 =	vsel vm1, $0x3F800000, v0;
	[tilespmem:s20+$0x1060] =	vst v3;
	s20 =	smov.u32 s18  }
0x169: {  	s18 =	sshra.s32 s22, $0x2;
	s22 =	sadd.s32 $0x200, s22;
	v6 =	vsel vm0, $0x3F800000, v0;
	vm0 =	vgt.s32 v9, $0x1;
	v3 =	vld [tilespmem:s20+$0x60];
	[tilespmem:s20+$0x1070] =	vst v7  }
0x16a: {  	v7 =	vld [tilespmem:s18+$0x70];
	[tilespmem:s20+$0x1000] =	vst v6;
	v61 =	vsel vm0, $0x3F800000, v0;
	vm4 =	vgt.s32 v5, $0x1  }
0x16b: {  	v8 =	vld [tilespmem:s18+$0x0];
	[tilespmem:s20+$0x1010] =	vst v61;
	v5 =	vsel vm4, $0x3F800000, v0;
	vm5 =	vgt.s32 v4, $0x1  }
0x16c: {  	v6 =	vld [tilespmem:s18+$0x10];
	[tilespmem:s20+$0x1020] =	vst v5;
	v4 =	vsel vm5, $0x3F800000, v0;
	vm6 =	vgt.s32 v2, $0x1  }
0x16d: {  	v5 =	vld [tilespmem:s18+$0x20];
	[tilespmem:s20+$0x1030] =	vst v4;
	v2 =	vsel vm6, $0x3F800000, v0;
	vm7 =	vgt.s32 v1, $0x1  }
0x16e: {  	v4 =	vld [tilespmem:s18+$0x30];
	[tilespmem:s20+$0x1040] =	vst v2;
	v1 =	vsel vm7, $0x3F800000, v0;
	vm8 =	vgt.s32 v3, $0x1  }
0x16f: {  	v2 =	vld [tilespmem:s18+$0x40];
	[tilespmem:s20+$0x1050] =	vst v1;
	v1 =	vsel vm8, $0x3F800000, v0;
	vm9 =	vgt.s32 v7, $0x1  }
0x170: {  	v3 =	vld [tilespmem:s18+$0x50];
	[tilespmem:s20+$0x1060] =	vst v1;
	vm1 =	vgt.s32 v8, $0x1;
	v1 =	vsel vm9, $0x3F800000, v0  }
0x171: {  	v62 =	vld [tilespmem:s18+$0x60];
	vm10 =	vgt.s32 v6, $0x1;
	v63 =	vsel vm1, $0x3F800000, v0;
	[tilespmem:s18+$0x1070] =	vst v1  }
0x172: {  	[tilespmem:s18+$0x1000] =	vst v63;
	v1 =	vsel vm10, $0x3F800000, v0;
	vm11 =	vgt.s32 v5, $0x1  }
0x173: {  	[tilespmem:s18+$0x1010] =	vst v1;
	v1 =	vsel vm11, $0x3F800000, v0;
	vm12 =	vgt.s32 v4, $0x1  }
0x174: {  	[tilespmem:s18+$0x1020] =	vst v1;
	v1 =	vsel vm12, $0x3F800000, v0;
	vm13 =	vgt.s32 v2, $0x1  }
0x175: {  	[tilespmem:s18+$0x1030] =	vst v1;
	v1 =	vsel vm13, $0x3F800000, v0;
	vm14 =	vgt.s32 v3, $0x1  }
0x176: {  	[tilespmem:s18+$0x1040] =	vst v1;
	v1 =	vsel vm14, $0x3F800000, v0;
	vm15 =	vgt.s32 v62, $0x1  }
0x177: {  	s5 =	rddreg [dreg:$0xc];
	s22 =	simm.s32 $0x1000;
	[tilespmem:s18+$0x1050] =	vst v1;
	v1 =	vsel vm15, $0x3F800000, v0  }
.Ltmp12:
0x178: {  	s23 =	simm.s32 $0xD;
	[tilespmem:s18+$0x1060] =	vst v1;
	s18 =	simm.s32 $0x0;
	(pc) =	sbr.rel .LBB2_17-.Ltmp12, $4  }
0x179: {  	[hbm4b:s5+s18] =	stream.linear.scatter [tilespmem:s22], [sflag:$0xD], $0x1000, $0x38;
	[tilespmem:$0x1A000] =	vst v63  }
0x17a: {  	_ =	swait.ge [sflag:s23], $0x1000  }
0x17b: {  	[sflag:s23] =	ssyncset.done $0x0  }
0x17c: {  	s20 =	simm.s32 $0x400;
	s22 =	simm.s32 $0x0;
	[sflag:s23] =	ssyncadd.s32 $0xFFFFF000  }
.LBB2_24:
0x17d: {  	s5 =	sadd.s32 $0xFFFFFE00, s20  }
0x17e: {  	[tilespmem:s28], [sflag:$0x5] =	stream.indirect.gather [hbm4b:s0+s9], $0x80, s5, s9, $0xb8;
	[tilespmem:$0x1A000] =	vst v63  }
0x17f: {  	_ =	swait.ge [sflag:s29], $0x3200  }
0x180: {  	[sflag:s29] =	ssyncset.done $0x0  }
0x181: {  	p0 =	seq.s32 s18, $0x0;
	s5 =	sadd.s32 $0x1000, s23;
	[sflag:s29] =	ssyncadd.s32 $0xFFFFCE00  }
0x182: {  	[hbm4b:s5+s3] =	stream.linear.scatter [tilespmem:s21], [sflag:$0x9], $0x4000, $0x38;
	[tilespmem:$0x1A000] =	vst v63  }
0x183: {  	s5 =	simm.s32 @!p0 $0xC  }
0x184: {  	_ =	swait.ge @!p0 [sflag:s5], $0x4000  }
0x185: {  	[sflag:s5] =	ssyncset.done @!p0 $0x0  }
0x186: {  	[sflag:s5] =	ssyncadd.s32 @!p0 $0xFFFFC000;
	s5 =	sadd.s32 $0xFFFFFE80, s20  }
0x187: {  	[tilespmem:s30], [sflag:$0x6] =	stream.indirect.gather [hbm4b:s0+s9], $0x80, s5, s9, $0xb8;
	[tilespmem:$0x1A000] =	vst v63  }
0x188: {  	_ =	swait.ge [sflag:s31], $0x3200  }
0x189: {  	[sflag:s31] =	ssyncset.done $0x0  }
0x18a: {  	s5 =	sadd.s32 $0x1800, s23;
	[sflag:s31] =	ssyncadd.s32 $0xFFFFCE00  }
0x18b: {  	[hbm4b:s5+s3] =	stream.linear.scatter [tilespmem:s25], [sflag:$0xA], $0x4000, $0x38;
	[tilespmem:$0x1A000] =	vst v63  }
0x18c: {  	_ =	swait.ge [sflag:s1], $0x4000  }
0x18d: {  	[sflag:s1] =	ssyncset.done $0x0  }
0x18e: {  	s5 =	sadd.s32 $0xFFFFFF00, s20;
	[sflag:s1] =	ssyncadd.s32 $0xFFFFC000  }
0x18f: {  	[tilespmem:s17], [sflag:$0x1] =	stream.indirect.gather [hbm4b:s0+s9], $0x80, s5, s9, $0xb8;
	[tilespmem:$0x1A000] =	vst v63  }
0x190: {  	_ =	swait.ge [sflag:s2], $0x3200  }
0x191: {  	[sflag:s2] =	ssyncset.done $0x0  }
0x192: {  	s5 =	sadd.s32 $0x2000, s23;
	[sflag:s2] =	ssyncadd.s32 $0xFFFFCE00  }
0x193: {  	[hbm4b:s5+s3] =	stream.linear.scatter [tilespmem:s28], [sflag:$0xB], $0x4000, $0x38;
	[tilespmem:$0x1A000] =	vst v63  }
0x194: {  	_ =	swait.ge [sflag:s14], $0x4000  }
0x195: {  	[sflag:s14] =	ssyncset.done $0x0  }
0x196: {  	s5 =	sadd.s32 $0xFFFFFF80, s20;
	[sflag:s14] =	ssyncadd.s32 $0xFFFFC000  }
0x197: {  	[tilespmem:s19], [sflag:$0x2] =	stream.indirect.gather [hbm4b:s0+s9], $0x80, s5, s9, $0xb8;
	[tilespmem:$0x1A000] =	vst v63  }
0x198: {  	_ =	swait.ge [sflag:s4], $0x3200  }
0x199: {  	p0 =	sgt.u32 s22, $0x3;
	[sflag:s4] =	ssyncset.done $0x0  }
0x19a: {  	s23 =	sadd.s32 $0x2800, s23;
	s5 =	simm.s32 @!p0 $0x9;
	[sflag:s4] =	ssyncadd.s32 $0xFFFFCE00  }
0x19b: {  	[hbm4b:s23+s3] =	stream.linear.scatter [tilespmem:s30], [sflag:$0xC], $0x4000, $0x38;
	[tilespmem:$0x1A000] =	vst v63  }
0x19c: {  	_ =	swait.ge @!p0 [sflag:s5], $0x4000  }
0x19d: {  	s18 =	sadd.s32 $0x3000, s18;
	[sflag:s5] =	ssyncset.done @!p0 $0x0  }
0x19e: {  	s23 =	simm.s32 @!p0 $0xA000;
	[sflag:s5] =	ssyncadd.s32 @!p0 $0xFFFFC000;
	s5 =	simm.s32 @!p0 $0x64  }
0x19f: {  	[tilespmem:s23], [sflag:$0x3] =	stream.indirect.gather @!p0 [hbm4b:s0+s5], $0x80, s20, s5, $0xb8;
	[tilespmem:$0x1A000] =	vst v63  }
0x1a0: {  	p0 =	sne.s32 s18, $0x12000  }
.Ltmp13:
0x1a1: {  	_ = 	snop;
	(pc) =	sbr.rel @!p0 .LBB2_25-.Ltmp13, $2  }
0x1a2: {  	_ =	sdelay $0x2  }
0x1a3: {  	s22 =	sadd.s32 $0x1, s22;
	s20 =	sadd.s32 $0x300, s20  }
.LBB2_17:
0x1a4: {  	p0 =	seq.s32 s22, $0x0  }
.Ltmp14:
0x1a5: {  	_ = 	snop;
	(pc) =	sbr.rel @p0 .LBB2_20-.Ltmp14, $4  }
0x1a6: {  	_ =	swait.ge [sflag:s24], $0x3200  }
0x1a7: {  	[sflag:s24] =	ssyncset.done $0x0  }
0x1a8: {  	s23 =	sadd.s32 s18, s12;
	[sflag:s24] =	ssyncadd.s32 $0xFFFFCE00  }
0x1a9: {  	[hbm4b:s23+s3] =	stream.linear.scatter [tilespmem:s17], [sflag:$0x7], $0x4000, $0x38;
	[tilespmem:$0x1A000] =	vst v63  }
0x1aa: {  	p1 =	seq.s32 s22, $0x5  }
.Ltmp15:
0x1ab: {  	_ = 	snop;
	(pc) =	sbr.rel @p1 .LBB2_21-.Ltmp15, $1  }
0x1ac: {  	_ =	sdelay $0x3  }
0x1ad: {  	_ =	swait.ge [sflag:s6], $0x4000  }
0x1ae: {  	[sflag:s6] =	ssyncset.done $0x0  }
0x1af: {  	[sflag:s6] =	ssyncadd.s32 $0xFFFFC000  }
.LBB2_20:
0x1b0: {  	s5 =	sadd.s32 $0xFFFFFD80, s20  }
0x1b1: {  	[tilespmem:s25], [sflag:$0x4] =	stream.indirect.gather [hbm4b:s0+s9], $0x80, s5, s9, $0xb8;
	[tilespmem:$0x1A000] =	vst v63  }
.LBB2_21:
.Ltmp16:
0x1b2: {  	(pc) =	sbr.rel @p0 .LBB2_24-.Ltmp16, $4  }
0x1b3: {  	_ =	swait.ge [sflag:s26], $0x3200  }
0x1b4: {  	[sflag:s26] =	ssyncset.done $0x0  }
0x1b5: {  	s5 =	sadd.s32 $0x800, s23;
	[sflag:s26] =	ssyncadd.s32 $0xFFFFCE00  }
0x1b6: {  	[hbm4b:s5+s3] =	stream.linear.scatter [tilespmem:s19], [sflag:$0x8], $0x4000, $0x38;
	[tilespmem:$0x1A000] =	vst v63  }
0x1b7: {  	p0 =	seq.s32 s22, $0x5  }
.Ltmp17:
0x1b8: {  	_ = 	snop;
	(pc) =	sbr.rel @p0 .LBB2_25-.Ltmp17, $1  }
0x1b9: {  	_ =	sdelay $0x3  }
.Ltmp18:
0x1ba: {  	(pc) =	sbr.rel .LBB2_24-.Ltmp18, $4  }
0x1bb: {  	_ = 	snop  }
0x1bc: {  	_ =	swait.ge [sflag:s7], $0x4000  }
0x1bd: {  	[sflag:s7] =	ssyncset.done $0x0  }
0x1be: {  	[sflag:s7] =	ssyncadd.s32 $0xFFFFC000  }
.LBB2_25:
0x1bf: {  	_ =	swait.ge [sflag:s1], $0x4000  }
0x1c0: {  	[sflag:s1] =	ssyncset.done $0x0  }
0x1c1: {  	[sflag:s1] =	ssyncadd.s32 $0xFFFFC000  }
0x1c2: {  	_ =	swait.ge [sflag:s14], $0x4000  }
0x1c3: {  	[sflag:s14] =	ssyncset.done $0x0  }
0x1c4: {  	s5 =	simm.s32 $0x9;
	[sflag:s14] =	ssyncadd.s32 $0xFFFFC000  }
0x1c5: {  	_ =	swait.ge [sflag:s5], $0x4000  }
0x1c6: {  	[sflag:s5] =	ssyncset.done $0x0  }
0x1c7: {  	[sflag:s5] =	ssyncadd.s32 $0xFFFFC000  }
0x1c8: {  	_ =	swait.ge [sflag:s6], $0x4000  }
0x1c9: {  	[sflag:s6] =	ssyncset.done $0x0  }
0x1ca: {  	[sflag:s6] =	ssyncadd.s32 $0xFFFFC000  }
0x1cb: {  	_ =	swait.ge [sflag:s7], $0x4000  }
0x1cc: {  	[sflag:s7] =	ssyncset.done $0x0  }
0x1cd: {  	[sflag:s7] =	ssyncadd.s32 $0xFFFFC000  }
0x1ce: {  	_ =	swait.ge [sflag:s8], $0x4000  }
0x1cf: {  	[sflag:s8] =	ssyncset.done $0x0  }
0x1d0: {  	s20 =	simm.s32 $0x0;
	s18 =	rddreg [dreg:$0xd];
	[sflag:s8] =	ssyncadd.s32 $0xFFFFC000  }
0x1d1: {  	[tilespmem:s20], [sflag:$0xE] =	stream.linear.gather [hbm4b:s18+s20], $0x1000, $0x38;
	[tilespmem:$0x1A000] =	vst v63  }
0x1d2: {  	_ =	swait.ge [sflag:s15], $0x1000  }
0x1d3: {  	[sflag:s15] =	ssyncset.done $0x0  }
0x1d4: {  	[sflag:s15] =	ssyncadd.s32 $0xFFFFF000  }
0x1d5: {  	[tilespmem:s17], [sflag:$0x1] =	stream.indirect.gather [hbm4b:s0+s9], $0x80, s20, s9, $0xb8;
	[tilespmem:$0x1A000] =	vst v63  }
0x1d6: {  	s22 =	simm.s32 $0x80  }
0x1d7: {  	[tilespmem:s19], [sflag:$0x2] =	stream.indirect.gather [hbm4b:s0+s9], $0x80, s22, s9, $0xb8;
	[tilespmem:$0x1A000] =	vst v63  }
0x1d8: {  	s23 =	simm.s32 $0x100;
	s20 =	simm.s32 $0x0  }
0x1d9: {  	[tilespmem:s21], [sflag:$0x3] =	stream.indirect.gather [hbm4b:s0+s9], $0x80, s23, s9, $0xb8;
	[tilespmem:$0x1A000] =	vst v63  }
0x1da: {  	v1 =	vld [tilespmem:s20+$0x70]  }
0x1db: {  	v3 =	vld [tilespmem:s20+$0x0]  }
0x1dc: {  	v6 =	vld [tilespmem:s20+$0x10]  }
0x1dd: {  	v5 =	vld [tilespmem:s20+$0x20]  }
0x1de: {  	v4 =	vld [tilespmem:s20+$0x30]  }
0x1df: {  	v2 =	vld [tilespmem:s20+$0x40];
	vm0 =	vgt.s32 v1, $0x1  }
0x1e0: {  	v1 =	vld [tilespmem:s20+$0x50];
	vm1 =	vgt.s32 v3, $0x1;
	v7 =	vsel vm0, $0x3F800000, v0  }
0x1e1: {  	s18 =	simm.s32 $0x80;
	s22 =	simm.s32 $0x400;
	v3 =	vld [tilespmem:s20+$0x60];
	vm0 =	vgt.s32 v6, $0x1;
	v6 =	vsel vm1, $0x3F800000, v0;
	[tilespmem:s20+$0x1070] =	vst v7  }
.LBB2_26:
0x1e2: {  	p0 =	sne.s32 s22, $0x3E00;
	v7 =	vld [tilespmem:s18+$0x70];
	[tilespmem:s20+$0x1000] =	vst v6;
	v6 =	vsel vm0, $0x3F800000, v0;
	vm0 =	vgt.s32 v5, $0x1  }
0x1e3: {  	v8 =	vld [tilespmem:s18+$0x0];
	[tilespmem:s20+$0x1010] =	vst v6;
	v5 =	vsel vm0, $0x3F800000, v0;
	vm0 =	vgt.s32 v4, $0x1  }
0x1e4: {  	v9 =	vld [tilespmem:s18+$0x10];
	[tilespmem:s20+$0x1020] =	vst v5;
	v4 =	vsel vm0, $0x3F800000, v0;
	vm0 =	vgt.s32 v2, $0x1  }
.Ltmp19:
0x1e5: {  	v5 =	vld [tilespmem:s18+$0x20];
	[tilespmem:s20+$0x1030] =	vst v4;
	v2 =	vsel vm0, $0x3F800000, v0;
	vm0 =	vgt.s32 v1, $0x1;
	(pc) =	sbr.rel @p0 .LBB2_26-.Ltmp19, $4  }
0x1e6: {  	v4 =	vld [tilespmem:s18+$0x30];
	[tilespmem:s20+$0x1040] =	vst v2;
	v1 =	vsel vm0, $0x3F800000, v0;
	vm0 =	vgt.s32 v3, $0x1  }
0x1e7: {  	v2 =	vld [tilespmem:s18+$0x40];
	vm1 =	vgt.s32 v7, $0x1;
	[tilespmem:s20+$0x1050] =	vst v1;
	v3 =	vsel vm0, $0x3F800000, v0  }
0x1e8: {  	vm0 =	vgt.s32 v8, $0x1;
	v1 =	vld [tilespmem:s18+$0x50];
	v7 =	vsel vm1, $0x3F800000, v0;
	[tilespmem:s20+$0x1060] =	vst v3;
	s20 =	smov.u32 s18  }
0x1e9: {  	s18 =	sshra.s32 s22, $0x2;
	s22 =	sadd.s32 $0x200, s22;
	v6 =	vsel vm0, $0x3F800000, v0;
	vm0 =	vgt.s32 v9, $0x1;
	v3 =	vld [tilespmem:s20+$0x60];
	[tilespmem:s20+$0x1070] =	vst v7  }
0x1ea: {  	v7 =	vld [tilespmem:s18+$0x70];
	[tilespmem:s20+$0x1000] =	vst v6;
	v61 =	vsel vm0, $0x3F800000, v0;
	vm4 =	vgt.s32 v5, $0x1  }
0x1eb: {  	v8 =	vld [tilespmem:s18+$0x0];
	[tilespmem:s20+$0x1010] =	vst v61;
	v5 =	vsel vm4, $0x3F800000, v0;
	vm5 =	vgt.s32 v4, $0x1  }
0x1ec: {  	v6 =	vld [tilespmem:s18+$0x10];
	[tilespmem:s20+$0x1020] =	vst v5;
	v4 =	vsel vm5, $0x3F800000, v0;
	vm6 =	vgt.s32 v2, $0x1  }
0x1ed: {  	v5 =	vld [tilespmem:s18+$0x20];
	[tilespmem:s20+$0x1030] =	vst v4;
	v2 =	vsel vm6, $0x3F800000, v0;
	vm7 =	vgt.s32 v1, $0x1  }
0x1ee: {  	v4 =	vld [tilespmem:s18+$0x30];
	[tilespmem:s20+$0x1040] =	vst v2;
	v1 =	vsel vm7, $0x3F800000, v0;
	vm8 =	vgt.s32 v3, $0x1  }
0x1ef: {  	v2 =	vld [tilespmem:s18+$0x40];
	[tilespmem:s20+$0x1050] =	vst v1;
	v1 =	vsel vm8, $0x3F800000, v0;
	vm9 =	vgt.s32 v7, $0x1  }
0x1f0: {  	v3 =	vld [tilespmem:s18+$0x50];
	[tilespmem:s20+$0x1060] =	vst v1;
	vm1 =	vgt.s32 v8, $0x1;
	v1 =	vsel vm9, $0x3F800000, v0  }
0x1f1: {  	v62 =	vld [tilespmem:s18+$0x60];
	vm10 =	vgt.s32 v6, $0x1;
	v63 =	vsel vm1, $0x3F800000, v0;
	[tilespmem:s18+$0x1070] =	vst v1  }
0x1f2: {  	[tilespmem:s18+$0x1000] =	vst v63;
	v1 =	vsel vm10, $0x3F800000, v0;
	vm11 =	vgt.s32 v5, $0x1  }
0x1f3: {  	[tilespmem:s18+$0x1010] =	vst v1;
	v1 =	vsel vm11, $0x3F800000, v0;
	vm12 =	vgt.s32 v4, $0x1  }
0x1f4: {  	[tilespmem:s18+$0x1020] =	vst v1;
	v1 =	vsel vm12, $0x3F800000, v0;
	vm13 =	vgt.s32 v2, $0x1  }
0x1f5: {  	[tilespmem:s18+$0x1030] =	vst v1;
	v1 =	vsel vm13, $0x3F800000, v0;
	vm14 =	vgt.s32 v3, $0x1  }
0x1f6: {  	[tilespmem:s18+$0x1040] =	vst v1;
	v1 =	vsel vm14, $0x3F800000, v0;
	vm15 =	vgt.s32 v62, $0x1  }
0x1f7: {  	s5 =	rddreg [dreg:$0xe];
	s22 =	simm.s32 $0x1000;
	[tilespmem:s18+$0x1050] =	vst v1;
	v1 =	vsel vm15, $0x3F800000, v0  }
.Ltmp20:
0x1f8: {  	s23 =	simm.s32 $0xD;
	[tilespmem:s18+$0x1060] =	vst v1;
	s18 =	simm.s32 $0x0;
	(pc) =	sbr.rel .LBB2_28-.Ltmp20, $4  }
0x1f9: {  	[hbm4b:s5+s18] =	stream.linear.scatter [tilespmem:s22], [sflag:$0xD], $0x1000, $0x38;
	[tilespmem:$0x1A000] =	vst v63  }
0x1fa: {  	_ =	swait.ge [sflag:s23], $0x1000  }
0x1fb: {  	[sflag:s23] =	ssyncset.done $0x0  }
0x1fc: {  	s20 =	simm.s32 $0x400;
	s22 =	simm.s32 $0x0;
	[sflag:s23] =	ssyncadd.s32 $0xFFFFF000  }
.LBB2_35:
0x1fd: {  	s5 =	sadd.s32 $0xFFFFFE00, s20  }
0x1fe: {  	[tilespmem:s28], [sflag:$0x5] =	stream.indirect.gather [hbm4b:s0+s9], $0x80, s5, s9, $0xb8;
	[tilespmem:$0x1A000] =	vst v63  }
0x1ff: {  	_ =	swait.ge [sflag:s29], $0x3200  }
0x200: {  	[sflag:s29] =	ssyncset.done $0x0  }
0x201: {  	p0 =	seq.s32 s18, $0x0;
	s5 =	sadd.s32 $0x1000, s23;
	[sflag:s29] =	ssyncadd.s32 $0xFFFFCE00  }
0x202: {  	[hbm4b:s5+s3] =	stream.linear.scatter [tilespmem:s21], [sflag:$0x9], $0x4000, $0x38;
	[tilespmem:$0x1A000] =	vst v63  }
0x203: {  	s5 =	simm.s32 @!p0 $0xC  }
0x204: {  	_ =	swait.ge @!p0 [sflag:s5], $0x4000  }
0x205: {  	[sflag:s5] =	ssyncset.done @!p0 $0x0  }
0x206: {  	[sflag:s5] =	ssyncadd.s32 @!p0 $0xFFFFC000;
	s5 =	sadd.s32 $0xFFFFFE80, s20  }
0x207: {  	[tilespmem:s30], [sflag:$0x6] =	stream.indirect.gather [hbm4b:s0+s9], $0x80, s5, s9, $0xb8;
	[tilespmem:$0x1A000] =	vst v63  }
0x208: {  	_ =	swait.ge [sflag:s31], $0x3200  }
0x209: {  	[sflag:s31] =	ssyncset.done $0x0  }
0x20a: {  	s5 =	sadd.s32 $0x1800, s23;
	[sflag:s31] =	ssyncadd.s32 $0xFFFFCE00  }
0x20b: {  	[hbm4b:s5+s3] =	stream.linear.scatter [tilespmem:s25], [sflag:$0xA], $0x4000, $0x38;
	[tilespmem:$0x1A000] =	vst v63  }
0x20c: {  	_ =	swait.ge [sflag:s1], $0x4000  }
0x20d: {  	[sflag:s1] =	ssyncset.done $0x0  }
0x20e: {  	s5 =	sadd.s32 $0xFFFFFF00, s20;
	[sflag:s1] =	ssyncadd.s32 $0xFFFFC000  }
0x20f: {  	[tilespmem:s17], [sflag:$0x1] =	stream.indirect.gather [hbm4b:s0+s9], $0x80, s5, s9, $0xb8;
	[tilespmem:$0x1A000] =	vst v63  }
0x210: {  	_ =	swait.ge [sflag:s2], $0x3200  }
0x211: {  	[sflag:s2] =	ssyncset.done $0x0  }
0x212: {  	s5 =	sadd.s32 $0x2000, s23;
	[sflag:s2] =	ssyncadd.s32 $0xFFFFCE00  }
0x213: {  	[hbm4b:s5+s3] =	stream.linear.scatter [tilespmem:s28], [sflag:$0xB], $0x4000, $0x38;
	[tilespmem:$0x1A000] =	vst v63  }
0x214: {  	_ =	swait.ge [sflag:s14], $0x4000  }
0x215: {  	[sflag:s14] =	ssyncset.done $0x0  }
0x216: {  	s5 =	sadd.s32 $0xFFFFFF80, s20;
	[sflag:s14] =	ssyncadd.s32 $0xFFFFC000  }
0x217: {  	[tilespmem:s19], [sflag:$0x2] =	stream.indirect.gather [hbm4b:s0+s9], $0x80, s5, s9, $0xb8;
	[tilespmem:$0x1A000] =	vst v63  }
0x218: {  	_ =	swait.ge [sflag:s4], $0x3200  }
0x219: {  	p0 =	sgt.u32 s22, $0x3;
	[sflag:s4] =	ssyncset.done $0x0  }
0x21a: {  	s23 =	sadd.s32 $0x2800, s23;
	s5 =	simm.s32 @!p0 $0x9;
	[sflag:s4] =	ssyncadd.s32 $0xFFFFCE00  }
0x21b: {  	[hbm4b:s23+s3] =	stream.linear.scatter [tilespmem:s30], [sflag:$0xC], $0x4000, $0x38;
	[tilespmem:$0x1A000] =	vst v63  }
0x21c: {  	_ =	swait.ge @!p0 [sflag:s5], $0x4000  }
0x21d: {  	s18 =	sadd.s32 $0x3000, s18;
	[sflag:s5] =	ssyncset.done @!p0 $0x0  }
0x21e: {  	s23 =	simm.s32 @!p0 $0xA000;
	[sflag:s5] =	ssyncadd.s32 @!p0 $0xFFFFC000;
	s5 =	simm.s32 @!p0 $0x64  }
0x21f: {  	[tilespmem:s23], [sflag:$0x3] =	stream.indirect.gather @!p0 [hbm4b:s0+s5], $0x80, s20, s5, $0xb8;
	[tilespmem:$0x1A000] =	vst v63  }
0x220: {  	p0 =	sne.s32 s18, $0x12000  }
.Ltmp21:
0x221: {  	_ = 	snop;
	(pc) =	sbr.rel @!p0 .LBB2_36-.Ltmp21, $2  }
0x222: {  	_ =	sdelay $0x2  }
0x223: {  	s22 =	sadd.s32 $0x1, s22;
	s20 =	sadd.s32 $0x300, s20  }
.LBB2_28:
0x224: {  	p0 =	seq.s32 s22, $0x0  }
.Ltmp22:
0x225: {  	_ = 	snop;
	(pc) =	sbr.rel @p0 .LBB2_31-.Ltmp22, $4  }
0x226: {  	_ =	swait.ge [sflag:s24], $0x3200  }
0x227: {  	[sflag:s24] =	ssyncset.done $0x0  }
0x228: {  	s23 =	sadd.s32 s18, s13;
	[sflag:s24] =	ssyncadd.s32 $0xFFFFCE00  }
0x229: {  	[hbm4b:s23+s3] =	stream.linear.scatter [tilespmem:s17], [sflag:$0x7], $0x4000, $0x38;
	[tilespmem:$0x1A000] =	vst v63  }
0x22a: {  	p1 =	seq.s32 s22, $0x5  }
.Ltmp23:
0x22b: {  	_ = 	snop;
	(pc) =	sbr.rel @p1 .LBB2_32-.Ltmp23, $1  }
0x22c: {  	_ =	sdelay $0x3  }
0x22d: {  	_ =	swait.ge [sflag:s6], $0x4000  }
0x22e: {  	[sflag:s6] =	ssyncset.done $0x0  }
0x22f: {  	[sflag:s6] =	ssyncadd.s32 $0xFFFFC000  }
.LBB2_31:
0x230: {  	s5 =	sadd.s32 $0xFFFFFD80, s20  }
0x231: {  	[tilespmem:s25], [sflag:$0x4] =	stream.indirect.gather [hbm4b:s0+s9], $0x80, s5, s9, $0xb8;
	[tilespmem:$0x1A000] =	vst v63  }
.LBB2_32:
.Ltmp24:
0x232: {  	(pc) =	sbr.rel @p0 .LBB2_35-.Ltmp24, $4  }
0x233: {  	_ =	swait.ge [sflag:s26], $0x3200  }
0x234: {  	[sflag:s26] =	ssyncset.done $0x0  }
0x235: {  	s5 =	sadd.s32 $0x800, s23;
	[sflag:s26] =	ssyncadd.s32 $0xFFFFCE00  }
0x236: {  	[hbm4b:s5+s3] =	stream.linear.scatter [tilespmem:s19], [sflag:$0x8], $0x4000, $0x38;
	[tilespmem:$0x1A000] =	vst v63  }
0x237: {  	p0 =	seq.s32 s22, $0x5  }
.Ltmp25:
0x238: {  	_ = 	snop;
	(pc) =	sbr.rel @p0 .LBB2_36-.Ltmp25, $1  }
0x239: {  	_ =	sdelay $0x3  }
.Ltmp26:
0x23a: {  	(pc) =	sbr.rel .LBB2_35-.Ltmp26, $4  }
0x23b: {  	_ = 	snop  }
0x23c: {  	_ =	swait.ge [sflag:s7], $0x4000  }
0x23d: {  	[sflag:s7] =	ssyncset.done $0x0  }
0x23e: {  	[sflag:s7] =	ssyncadd.s32 $0xFFFFC000  }
.LBB2_37:
0x23f: {  	_ =	sfence.sel $0x180000  }
0x240: {  	[bflag:$0x0] =	sbarrier.arrive $0xFFFF  }
0x241: {  	_ =	strace $0x90000047  }
0x242: {  	s0 =	stileid.u32;
	[bflag:$0x2] =	sbarrier.arrive $0xFFFF  }
0x243: {  	p0 =	sne.s32 s0, $0x0;
	s0 =	rddreg [dreg:$0x8]  }
0x244: {  	s0 =	sadd.s32 @!p0 $0x100000, s0  }
0x245: {  	[sflag:s0] =	ssyncadd.tile.s32 @!p0 $0x1;
	_ =	shalt  }
.Lfunc_end2:
_tile_overlayer_lowered:
.L_overlay_start_2:
0x246: {  	(tag) =	ssettag $0x2  }
0x247: {  	s0 =	rddreg [dreg:$0x0];
	s2 =	stileid.u32  }
0x248: {  	s1 =	rddreg [dreg:$0x1];
	p0 =	sne.s32 s2, $0x0  }
0x249: {  	s3 =	rddreg [dreg:$0x2];
	[bflag:$0x3] =	sbarrier.arrive $0xFFFF;
	s2 =	simm.s32 @!p0 $0x1C0E  }
0x24a: {  	[timem:s3], [sflag:s2] =	dma.local @!p0 [hbm:s0], s1  }
0x24b: {  	s0 =	simm.s32 @!p0 $0xE  }
0x24c: {  	_ =	swait.ge @!p0 [sflag:s0], s1  }
0x24d: {  	s1 =	ssub.s32 @!p0 $0x0, s1;
	[sflag:s0] =	ssyncset.done @!p0 $0x0  }
0x24e: {  	[sflag:s0] =	ssyncadd.s32 @!p0 s1  }
0x24f: {  	[bflag:$0x3] =	sbarrier.arrive $0xFFFF  }
0x250: {  	_ =	shalt  }

</sc_bundles>
